<compile_context>
chip_gen: v7x
topology: tpu7x:2x2x1
jax: 0.10.2.dev20260603
libtpu: 0.0.44.dev20260713+nightly
codegen_flags: <defaults>
</compile_context>

<pallas_src>
import functools

import jax
import jax.numpy as jnp
from jax import lax
from jax.experimental import pallas as pl
from jax.experimental.pallas import tpu as pltpu
from jax.experimental.pallas import tpu_sc as plsc

B = 4096
L = 200
DIM = 32
V = 1000000

_info = plsc.get_sparse_core_info()
_NC, _NS = _info.num_cores, _info.num_subcores
NW = _NC * _NS
BPW = B // NW
CTX_PER_W = B // NW
BBS = BPW + 1


def _iota16():
  return jax.lax.broadcasted_iota(jnp.int32, (16,), 0)


def _context(qid, ctxT):
  mesh = plsc.VectorSubcoreMesh(core_axis_name="c", subcore_axis_name="s")

  @functools.partial(
      pl.kernel,
      mesh=mesh,
      out_type=jax.ShapeDtypeStruct((DIM, B), jnp.float32),
      scratch_types=[
          pltpu.VMEM((CTX_PER_W,), jnp.int32),
          pltpu.VMEM((2, DIM, 128), jnp.float32),
          pltpu.VMEM((DIM, CTX_PER_W), jnp.float32),
          pltpu.SemaphoreType.DMA((2,)),
      ],
      compiler_params=pltpu.CompilerParams(needs_layout_passes=False),
  )
  def k(qid_hbm, ctxT_hbm, ctxT_out, cidx_v, tbuf, crows, sem):
    wid = lax.axis_index("s") * _NC + lax.axis_index("c")
    pltpu.sync_copy(qid_hbm.at[wid], cidx_v)

    def fetch(q, b):
      rt = lax.shift_right_logical(q, 7)
      for cc in range(DIM // 8):
        pltpu.async_copy(
            ctxT_hbm.at[pl.ds(cc * 8, 8), pl.ds(rt * 128, 128)],
            tbuf.at[b, pl.ds(cc * 8, 8)], sem.at[b])

    def drain(q, b):
      rt = lax.shift_right_logical(q, 7)
      for cc in range(DIM // 8):
        pltpu.make_async_copy(
            ctxT_hbm.at[pl.ds(cc * 8, 8), pl.ds(rt * 128, 128)],
            tbuf.at[b, pl.ds(cc * 8, 8)], sem.at[b]).wait()

    def extract(q, b, i):
      col = lax.bitwise_and(q, jnp.int32(127))
      colv = jnp.full((16,), 0, jnp.int32) + col
      iv = jnp.full((16,), 0, jnp.int32) + i
      for h in range(2):
        rows = _iota16() + h * 16
        vals = plsc.load_gather(tbuf.at[b], [rows, colv])
        plsc.store_scatter(crows, [rows, iv], vals)

    def grp(g, carry):
      vec = cidx_v[pl.ds(g * 16, 16)]
      for i in range(16):
        q = vec[i]
        b = i % 2
        fetch(q, b)
        drain(q, b)
        extract(q, b, g * 16 + i)
      return carry
    lax.fori_loop(0, CTX_PER_W // 16, grp, 0)

    pltpu.sync_copy(crows, ctxT_out.at[:, pl.ds(wid * CTX_PER_W, CTX_PER_W)])

  return k(qid, ctxT)


def _gather(did4, ex_tab):
  mesh = plsc.VectorSubcoreMesh(core_axis_name="c", subcore_axis_name="s")

  @functools.partial(
      pl.kernel,
      mesh=mesh,
      out_type=jax.ShapeDtypeStruct((L, DIM, B), jnp.float32),
      scratch_types=[
          pltpu.VMEM((L // 8, 1, 8, BPW), jnp.int32),
          pltpu.VMEM((2, BPW, DIM), jnp.float32),
          pltpu.VMEM((2, DIM, BBS), jnp.float32),
          pltpu.SemaphoreType.DMA((2,)),
      ],
      compiler_params=pltpu.CompilerParams(
          use_tc_tiling_on_sc=False, needs_layout_passes=False),
  )
  def k(did4_hbm, ex_hbm, exT_out, idx_v, grows, bbufs, gsem):
    wid = lax.axis_index("s") * _NC + lax.axis_index("c")
    b0 = wid * BPW

    pltpu.sync_copy(did4_hbm.at[:, pl.ds(wid, 1)], idx_v)

    def start_gather(l, b):
      pltpu.async_copy(ex_hbm.at[idx_v.at[l // 8, 0, l % 8]],
                       grows.at[b], gsem.at[b])

    def wait_gather(l, b):
      pltpu.make_async_copy(ex_hbm.at[idx_v.at[l // 8, 0, l % 8]],
                            grows.at[b], gsem.at[b]).wait()

    def transpose(b):
      def rows4(i, carry):
        for u in range(4):
          r = i * 4 + u
          rv = jnp.full((16,), 0, jnp.int32) + r
          for h in range(2):
            rows = _iota16() + h * 16
            vals = grows[b, r, pl.ds(h * 16, 16)]
            plsc.store_scatter(bbufs.at[b], [rows, rv], vals)
        return carry
      lax.fori_loop(0, BPW // 4, rows4, 0)

    def write(l, b):
      pltpu.sync_copy(bbufs.at[b, :, pl.ds(0, BPW)],
                      exT_out.at[l, :, pl.ds(b0, BPW)])

    start_gather(0, 0)
    def group(g, carry):
      for s in range(2):
        l = g * 2 + s
        @pl.when(l + 1 < L)
        def _():
          start_gather(l + 1, 1 - s)
        wait_gather(l, s)
        transpose(s)
        write(l, s)
      return carry
    lax.fori_loop(0, L // 2, group, 0)

  return k(did4, ex_tab)


def kernel(query_id, doc_id, context_table, example_table):
  qid = query_id.astype(jnp.int32).reshape(NW, CTX_PER_W)
  did4 = (doc_id.astype(jnp.int32).T
          .reshape(L // 8, 8, NW, BPW).transpose(0, 2, 1, 3))
  ctxT_out = _context(qid, context_table.T)
  exT_out = _gather(did4, example_table)
  return (ctxT_out.T, jnp.transpose(exT_out, (2, 0, 1)))

# --- scband reference (transcript-rebuilt; emitter-appended) ---
"""Pipeline reference for scband-encode-listwise-features-44839458570337 (READ-ONLY COPY).

The authoritative reference and input builder live on the scoring server;
editing this copy changes nothing except your own understanding.
"""

import jax, jax.numpy as jnp
import numpy as np

VOCAB = 1000000
DIM = 32
B = 4096
L = 200


def setup_inputs(seed: int = 0) -> dict:
    key = jax.random.key(seed)
    k1, k2, k3, k4 = jax.random.split(key, 4)
    query_id = jax.random.randint(k1, (B,), 0, VOCAB, dtype=jnp.int64 if jax.config.jax_enable_x64 else jnp.int32)
    doc_id = jax.random.randint(k2, (B, L), 0, VOCAB, dtype=jnp.int64 if jax.config.jax_enable_x64 else jnp.int32)
    context_table = jax.random.normal(k3, (VOCAB, DIM), dtype=jnp.float32) * 0.05
    example_table = jax.random.normal(k4, (VOCAB, DIM), dtype=jnp.float32) * 0.05
    return {
        "query_id": query_id,
        "doc_id": doc_id,
        "context_table": context_table,
        "example_table": example_table,
    }


def reference(query_id, doc_id, context_table, example_table):
    # Context features: 2D ids [B] -> dense 2D [B, dim] via embedding lookup
    # (DenseFeatures over an embedding_column with a single id per row).
    context_emb = jnp.take(context_table, query_id, axis=0)

    # Example features: 3D ids [B, L] are reshaped to [B*L] (as in
    # reshape_first_ndims), looked up densely, then reshaped back to
    # [B, L, dim] -- exactly the call() flow of EncodeListwiseFeatures.
    b, l = doc_id.shape
    flat_ids = doc_id.reshape(b * l)
    example_emb_flat = jnp.take(example_table, flat_ids, axis=0)
    example_emb = example_emb_flat.reshape(b, l, example_table.shape[1])

    # Layer returns (context_features_dict, example_features_dict); here we
    # return the corresponding dense tensors as a tuple.
    return (context_emb, example_emb)

if __name__ == "__main__":
    import jax
    _d = setup_inputs()
    print(jax.jit(kernel)(*tuple(_d.values())))

</pallas_src>

<mosaic_0001>
#map = affine_map<(d0, d1) -> (0, 0)>
module attributes {stable_mosaic.version = 14 : i64} {
  func.func @k(%arg0: i32, %arg1: i32, %arg2: memref<32x128xi32, #tpu.memory_space<hbm>>, %arg3: memref<32x1000000xf32, #tpu.memory_space<hbm>>, %arg4: memref<32x4096xf32, #tpu.memory_space<hbm>>, %arg5: memref<128xi32, #tpu.memory_space<vmem>>, %arg6: memref<2x32x128xf32, #tpu.memory_space<vmem>>, %arg7: memref<32x128xf32, #tpu.memory_space<vmem>>, %arg8: memref<2x!tpu.dma_semaphore, #tpu.memory_space<semaphore_mem>>) attributes {dimension_semantics = [#tpu.dimension_semantics<core_parallel>, #tpu.dimension_semantics<subcore_parallel>], iteration_bounds = array<i64: 2, 16>, scalar_prefetch = 0 : i64, scratch_operands = 4 : i64, tpu.core_type = #tpu.core_type<sc_vector_subcore>, window_params = [{transform_indices = #map}, {transform_indices = #map}, {transform_indices = #map}]} {
    %mul3A = arith.constant 2 : i32
    %mul3A_0 = arith.muli %arg1, %mul3A : i32
    %add3A = arith.addi %mul3A_0, %arg0 : i32
    "tpu.region"() ({
      %run_scoped3A = tpu.sem_alloc : memref<!tpu.dma_semaphore, #tpu.memory_space<semaphore_mem>>
      %dma_start3A = arith.constant 0 : i32
      %dma_start3A_8 = tpu.memref_slice %arg2[%add3A, %dma_start3A] : memref<32x128xi32, #tpu.memory_space<hbm>> -> memref<1x128xi32, #tpu.memory_space<hbm>>
      %dma_start3A_9 = tpu.memref_squeeze %dma_start3A_8 : memref<1x128xi32, #tpu.memory_space<hbm>> -> memref<128xi32, #tpu.memory_space<hbm>>
      %dma_start3A_10 = arith.constant 0 : i32
      %dma_start3A_11 = tpu.memref_slice %arg2[%add3A, %dma_start3A_10] : memref<32x128xi32, #tpu.memory_space<hbm>> -> memref<1x128xi32, #tpu.memory_space<hbm>>
      %dma_start3A_12 = tpu.memref_squeeze %dma_start3A_11 : memref<1x128xi32, #tpu.memory_space<hbm>> -> memref<128xi32, #tpu.memory_space<hbm>>
      tpu.enqueue_dma source(%dma_start3A_12 : memref<128xi32, #tpu.memory_space<hbm>>) target(%arg5 : memref<128xi32, #tpu.memory_space<vmem>>) target_semaphore(%run_scoped3A : memref<!tpu.dma_semaphore, #tpu.memory_space<semaphore_mem>>)
      %dma_wait3A = arith.constant 0 : i32
      %dma_wait3A_13 = tpu.memref_slice %arg2[%add3A, %dma_wait3A] : memref<32x128xi32, #tpu.memory_space<hbm>> -> memref<1x128xi32, #tpu.memory_space<hbm>>
      %dma_wait3A_14 = tpu.memref_squeeze %dma_wait3A_13 : memref<1x128xi32, #tpu.memory_space<hbm>> -> memref<128xi32, #tpu.memory_space<hbm>>
      %dma_wait3A_15 = arith.constant 0 : i32
      %dma_wait3A_16 = tpu.memref_slice %arg2[%add3A, %dma_wait3A_15] : memref<32x128xi32, #tpu.memory_space<hbm>> -> memref<1x128xi32, #tpu.memory_space<hbm>>
      %dma_wait3A_17 = tpu.memref_squeeze %dma_wait3A_16 : memref<1x128xi32, #tpu.memory_space<hbm>> -> memref<128xi32, #tpu.memory_space<hbm>>
      tpu.wait_dma2 semaphore(%run_scoped3A : memref<!tpu.dma_semaphore, #tpu.memory_space<semaphore_mem>>) src(%dma_wait3A_17 : memref<128xi32, #tpu.memory_space<hbm>>) dst(%arg5 : memref<128xi32, #tpu.memory_space<vmem>>)
      tpu.yield
    }) : () -> ()
    %scan3A = arith.constant 0 : i32
    %scan3A_1 = arith.constant 0 : i32
    %scan3A_2 = arith.constant 8 : i32
    %scan3A_3 = arith.addi %scan3A_1, %scan3A_2 : i32
    %scan3A_4 = arith.constant 1 : i32
    scf.for %scan3A_8 = %scan3A_1 to %scan3A_3 step %scan3A_4  : i32 {
      %mul3A_9 = arith.constant 16 : i32
      %mul3A_10 = arith.muli %scan3A_8, %mul3A_9 : i32
      %get3A = arith.index_cast %mul3A_10 : i32 to index
      %get3A_11 = tpu.vector_load %arg5[%get3A] {strides = array<i32>} : memref<128xi32, #tpu.memory_space<vmem>>, vector<16xi32>,
      %slice3A = vector.extract_strided_slice %get3A_11 {offsets = [0], sizes = [1], strides = [1]} : vector<16xi32> to vector<1xi32>
      %squeeze3A = vector.extract %slice3A[0] : i32 from vector<1xi32>
      %shift_right_logical3A = arith.constant 7 : i32
      %shift_right_logical3A_12 = arith.shrui %squeeze3A, %shift_right_logical3A : i32
      %mul3A_13 = arith.constant 128 : i32
      %mul3A_14 = arith.muli %shift_right_logical3A_12, %mul3A_13 : i32
      %dma_start3A = arith.constant 0 : i32
      %dma_start3A_15 = arith.constant 0 : i32
      %dma_start3A_16 = arith.constant 0 : i32
      %dma_start3A_17 = arith.constant 0 : i32
      %dma_start3A_18 = tpu.memref_slice %arg6[%dma_start3A, %dma_start3A_16, %dma_start3A_17] : memref<2x32x128xf32, #tpu.memory_space<vmem>> -> memref<1x8x128xf32, #tpu.memory_space<vmem>>
      %dma_start3A_19 = tpu.memref_squeeze %dma_start3A_18 : memref<1x8x128xf32, #tpu.memory_space<vmem>> -> memref<8x128xf32, #tpu.memory_space<vmem>>
      %dma_start3A_20 = arith.constant 0 : i32
      %dma_start3A_21 = tpu.memref_slice %arg3[%dma_start3A_20, %mul3A_14] : memref<32x1000000xf32, #tpu.memory_space<hbm>> -> memref<8x128xf32, #tpu.memory_space<hbm>>
      %dma_start3A_22 = tpu.memref_slice %arg8[%dma_start3A_15] : memref<2x!tpu.dma_semaphore, #tpu.memory_space<semaphore_mem>> -> memref<1x!tpu.dma_semaphore, #tpu.memory_space<semaphore_mem>>
      %dma_start3A_23 = tpu.memref_squeeze %dma_start3A_22 : memref<1x!tpu.dma_semaphore, #tpu.memory_space<semaphore_mem>> -> memref<!tpu.dma_semaphore, #tpu.memory_space<semaphore_mem>>
      %dma_start3A_24 = arith.constant 0 : i32
      %dma_start3A_25 = arith.constant 0 : i32
      %dma_start3A_26 = tpu.memref_slice %arg6[%dma_start3A, %dma_start3A_24, %dma_start3A_25] : memref<2x32x128xf32, #tpu.memory_space<vmem>> -> memref<1x8x128xf32, #tpu.memory_space<vmem>>
      %dma_start3A_27 = tpu.memref_squeeze %dma_start3A_26 : memref<1x8x128xf32, #tpu.memory_space<vmem>> -> memref<8x128xf32, #tpu.memory_space<vmem>>
      %dma_start3A_28 = arith.constant 0 : i32
      %dma_start3A_29 = tpu.memref_slice %arg3[%dma_start3A_28, %mul3A_14] : memref<32x1000000xf32, #tpu.memory_space<hbm>> -> memref<8x128xf32, #tpu.memory_space<hbm>>
      tpu.enqueue_dma source(%dma_start3A_29 : memref<8x128xf32, #tpu.memory_space<hbm>>) target(%dma_start3A_27 : memref<8x128xf32, #tpu.memory_space<vmem>>) target_semaphore(%dma_start3A_23 : memref<!tpu.dma_semaphore, #tpu.memory_space<semaphore_mem>>)
      %mul3A_30 = arith.constant 128 : i32
      %mul3A_31 = arith.muli %shift_right_logical3A_12, %mul3A_30 : i32
      %dma_start3A_32 = arith.constant 0 : i32
      %dma_start3A_33 = arith.constant 0 : i32
      %dma_start3A_34 = arith.constant 8 : i32
      %dma_start3A_35 = arith.constant 0 : i32
      %dma_start3A_36 = tpu.memref_slice %arg6[%dma_start3A_32, %dma_start3A_34, %dma_start3A_35] : memref<2x32x128xf32, #tpu.memory_space<vmem>> -> memref<1x8x128xf32, #tpu.memory_space<vmem>>
      %dma_start3A_37 = tpu.memref_squeeze %dma_start3A_36 : memref<1x8x128xf32, #tpu.memory_space<vmem>> -> memref<8x128xf32, #tpu.memory_space<vmem>>
      %dma_start3A_38 = arith.constant 8 : i32
      %dma_start3A_39 = tpu.memref_slice %arg3[%dma_start3A_38, %mul3A_31] : memref<32x1000000xf32, #tpu.memory_space<hbm>> -> memref<8x128xf32, #tpu.memory_space<hbm>>
      %dma_start3A_40 = tpu.memref_slice %arg8[%dma_start3A_33] : memref<2x!tpu.dma_semaphore, #tpu.memory_space<semaphore_mem>> -> memref<1x!tpu.dma_semaphore, #tpu.memory_space<semaphore_mem>>
      %dma_start3A_41 = tpu.memref_squeeze %dma_start3A_40 : memref<1x!tpu.dma_semaphore, #tpu.memory_space<semaphore_mem>> -> memref<!tpu.dma_semaphore, #tpu.memory_space<semaphore_mem>>
      %dma_start3A_42 = arith.constant 8 : i32
      %dma_start3A_43 = arith.constant 0 : i32
      %dma_start3A_44 = tpu.memref_slice %arg6[%dma_start3A_32, %dma_start3A_42, %dma_start3A_43] : memref<2x32x128xf32, #tpu.memory_space<vmem>> -> memref<1x8x128xf32, #tpu.memory_space<vmem>>
      %dma_start3A_45 = tpu.memref_squeeze %dma_start3A_44 : memref<1x8x128xf32, #tpu.memory_space<vmem>> -> memref<8x128xf32, #tpu.memory_space<vmem>>
      %dma_start3A_46 = arith.constant 8 : i32
      %dma_start3A_47 = tpu.memref_slice %arg3[%dma_start3A_46, %mul3A_31] : memref<32x1000000xf32, #tpu.memory_space<hbm>> -> memref<8x128xf32, #tpu.memory_space<hbm>>
      tpu.enqueue_dma source(%dma_start3A_47 : memref<8x128xf32, #tpu.memory_space<hbm>>) target(%dma_start3A_45 : memref<8x128xf32, #tpu.memory_space<vmem>>) target_semaphore(%dma_start3A_41 : memref<!tpu.dma_semaphore, #tpu.memory_space<semaphore_mem>>)
      %mul3A_48 = arith.constant 128 : i32
      %mul3A_49 = arith.muli %shift_right_logical3A_12, %mul3A_48 : i32
      %dma_start3A_50 = arith.constant 0 : i32
      %dma_start3A_51 = arith.constant 0 : i32
      %dma_start3A_52 = arith.constant 16 : i32
      %dma_start3A_53 = arith.constant 0 : i32
      %dma_start3A_54 = tpu.memref_slice %arg6[%dma_start3A_50, %dma_start3A_52, %dma_start3A_53] : memref<2x32x128xf32, #tpu.memory_space<vmem>> -> memref<1x8x128xf32, #tpu.memory_space<vmem>>
      %dma_start3A_55 = tpu.memref_squeeze %dma_start3A_54 : memref<1x8x128xf32, #tpu.memory_space<vmem>> -> memref<8x128xf32, #tpu.memory_space<vmem>>
      %dma_start3A_56 = arith.constant 16 : i32
      %dma_start3A_57 = tpu.memref_slice %arg3[%dma_start3A_56, %mul3A_49] : memref<32x1000000xf32, #tpu.memory_space<hbm>> -> memref<8x128xf32, #tpu.memory_space<hbm>>
      %dma_start3A_58 = tpu.memref_slice %arg8[%dma_start3A_51] : memref<2x!tpu.dma_semaphore, #tpu.memory_space<semaphore_mem>> -> memref<1x!tpu.dma_semaphore, #tpu.memory_space<semaphore_mem>>
      %dma_start3A_59 = tpu.memref_squeeze %dma_start3A_58 : memref<1x!tpu.dma_semaphore, #tpu.memory_space<semaphore_mem>> -> memref<!tpu.dma_semaphore, #tpu.memory_space<semaphore_mem>>
      %dma_start3A_60 = arith.constant 16 : i32
      %dma_start3A_61 = arith.constant 0 : i32
      %dma_start3A_62 = tpu.memref_slice %arg6[%dma_start3A_50, %dma_start3A_60, %dma_start3A_61] : memref<2x32x128xf32, #tpu.memory_space<vmem>> -> memref<1x8x128xf32, #tpu.memory_space<vmem>>
      %dma_start3A_63 = tpu.memref_squeeze %dma_start3A_62 : memref<1x8x128xf32, #tpu.memory_space<vmem>> -> memref<8x128xf32, #tpu.memory_space<vmem>>
      %dma_start3A_64 = arith.constant 16 : i32
      %dma_start3A_65 = tpu.memref_slice %arg3[%dma_start3A_64, %mul3A_49] : memref<32x1000000xf32, #tpu.memory_space<hbm>> -> memref<8x128xf32, #tpu.memory_space<hbm>>
      tpu.enqueue_dma source(%dma_start3A_65 : memref<8x128xf32, #tpu.memory_space<hbm>>) target(%dma_start3A_63 : memref<8x128xf32, #tpu.memory_space<vmem>>) target_semaphore(%dma_start3A_59 : memref<!tpu.dma_semaphore, #tpu.memory_space<semaphore_mem>>)
      %mul3A_66 = arith.constant 128 : i32
      %mul3A_67 = arith.muli %shift_right_logical3A_12, %mul3A_66 : i32
      %dma_start3A_68 = arith.constant 0 : i32
      %dma_start3A_69 = arith.constant 0 : i32
      %dma_start3A_70 = arith.constant 24 : i32
      %dma_start3A_71 = arith.constant 0 : i32
      %dma_start3A_72 = tpu.memref_slice %arg6[%dma_start3A_68, %dma_start3A_70, %dma_start3A_71] : memref<2x32x128xf32, #tpu.memory_space<vmem>> -> memref<1x8x128xf32, #tpu.memory_space<vmem>>
      %dma_start3A_73 = tpu.memref_squeeze %dma_start3A_72 : memref<1x8x128xf32, #tpu.memory_space<vmem>> -> memref<8x128xf32, #tpu.memory_space<vmem>>
      %dma_start3A_74 = arith.constant 24 : i32
      %dma_start3A_75 = tpu.memref_slice %arg3[%dma_start3A_74, %mul3A_67] : memref<32x1000000xf32, #tpu.memory_space<hbm>> -> memref<8x128xf32, #tpu.memory_space<hbm>>
      %dma_start3A_76 = tpu.memref_slice %arg8[%dma_start3A_69] : memref<2x!tpu.dma_semaphore, #tpu.memory_space<semaphore_mem>> -> memref<1x!tpu.dma_semaphore, #tpu.memory_space<semaphore_mem>>
      %dma_start3A_77 = tpu.memref_squeeze %dma_start3A_76 : memref<1x!tpu.dma_semaphore, #tpu.memory_space<semaphore_mem>> -> memref<!tpu.dma_semaphore, #tpu.memory_space<semaphore_mem>>
      %dma_start3A_78 = arith.constant 24 : i32
      %dma_start3A_79 = arith.constant 0 : i32
      %dma_start3A_80 = tpu.memref_slice %arg6[%dma_start3A_68, %dma_start3A_78, %dma_start3A_79] : memref<2x32x128xf32, #tpu.memory_space<vmem>> -> memref<1x8x128xf32, #tpu.memory_space<vmem>>
      %dma_start3A_81 = tpu.memref_squeeze %dma_start3A_80 : memref<1x8x128xf32, #tpu.memory_space<vmem>> -> memref<8x128xf32, #tpu.memory_space<vmem>>
      %dma_start3A_82 = arith.constant 24 : i32
      %dma_start3A_83 = tpu.memref_slice %arg3[%dma_start3A_82, %mul3A_67] : memref<32x1000000xf32, #tpu.memory_space<hbm>> -> memref<8x128xf32, #tpu.memory_space<hbm>>
      tpu.enqueue_dma source(%dma_start3A_83 : memref<8x128xf32, #tpu.memory_space<hbm>>) target(%dma_start3A_81 : memref<8x128xf32, #tpu.memory_space<vmem>>) target_semaphore(%dma_start3A_77 : memref<!tpu.dma_semaphore, #tpu.memory_space<semaphore_mem>>)
      %shift_right_logical3A_84 = arith.constant 7 : i32
      %shift_right_logical3A_85 = arith.shrui %squeeze3A, %shift_right_logical3A_84 : i32
      %mul3A_86 = arith.constant 128 : i32
      %mul3A_87 = arith.muli %shift_right_logical3A_85, %mul3A_86 : i32
      %dma_wait3A = arith.constant 0 : i32
      %dma_wait3A_88 = arith.constant 0 : i32
      %dma_wait3A_89 = arith.constant 0 : i32
      %dma_wait3A_90 = arith.constant 0 : i32
      %dma_wait3A_91 = tpu.memref_slice %arg6[%dma_wait3A, %dma_wait3A_89, %dma_wait3A_90] : memref<2x32x128xf32, #tpu.memory_space<vmem>> -> memref<1x8x128xf32, #tpu.memory_space<vmem>>
      %dma_wait3A_92 = tpu.memref_squeeze %dma_wait3A_91 : memref<1x8x128xf32, #tpu.memory_space<vmem>> -> memref<8x128xf32, #tpu.memory_space<vmem>>
      %dma_wait3A_93 = arith.constant 0 : i32
      %dma_wait3A_94 = tpu.memref_slice %arg3[%dma_wait3A_93, %mul3A_87] : memref<32x1000000xf32, #tpu.memory_space<hbm>> -> memref<8x128xf32, #tpu.memory_space<hbm>>
      %dma_wait3A_95 = tpu.memref_slice %arg8[%dma_wait3A_88] : memref<2x!tpu.dma_semaphore, #tpu.memory_space<semaphore_mem>> -> memref<1x!tpu.dma_semaphore, #tpu.memory_space<semaphore_mem>>
      %dma_wait3A_96 = tpu.memref_squeeze %dma_wait3A_95 : memref<1x!tpu.dma_semaphore, #tpu.memory_space<semaphore_mem>> -> memref<!tpu.dma_semaphore, #tpu.memory_space<semaphore_mem>>
      %dma_wait3A_97 = arith.constant 0 : i32
      %dma_wait3A_98 = arith.constant 0 : i32
      %dma_wait3A_99 = tpu.memref_slice %arg6[%dma_wait3A, %dma_wait3A_97, %dma_wait3A_98] : memref<2x32x128xf32, #tpu.memory_space<vmem>> -> memref<1x8x128xf32, #tpu.memory_space<vmem>>
      %dma_wait3A_100 = tpu.memref_squeeze %dma_wait3A_99 : memref<1x8x128xf32, #tpu.memory_space<vmem>> -> memref<8x128xf32, #tpu.memory_space<vmem>>
      %dma_wait3A_101 = arith.constant 0 : i32
      %dma_wait3A_102 = tpu.memref_slice %arg3[%dma_wait3A_101, %mul3A_87] : memref<32x1000000xf32, #tpu.memory_space<hbm>> -> memref<8x128xf32, #tpu.memory_space<hbm>>
      tpu.wait_dma2 semaphore(%dma_wait3A_96 : memref<!tpu.dma_semaphore, #tpu.memory_space<semaphore_mem>>) src(%dma_wait3A_102 : memref<8x128xf32, #tpu.memory_space<hbm>>) dst(%dma_wait3A_100 : memref<8x128xf32, #tpu.memory_space<vmem>>)
      %mul3A_103 = arith.constant 128 : i32
      %mul3A_104 = arith.muli %shift_right_logical3A_85, %mul3A_103 : i32
      %dma_wait3A_105 = arith.constant 0 : i32
      %dma_wait3A_106 = arith.constant 0 : i32
      %dma_wait3A_107 = arith.constant 8 : i32
      %dma_wait3A_108 = arith.constant 0 : i32
      %dma_wait3A_109 = tpu.memref_slice %arg6[%dma_wait3A_105, %dma_wait3A_107, %dma_wait3A_108] : memref<2x32x128xf32, #tpu.memory_space<vmem>> -> memref<1x8x128xf32, #tpu.memory_space<vmem>>
      %dma_wait3A_110 = tpu.memref_squeeze %dma_wait3A_109 : memref<1x8x128xf32, #tpu.memory_space<vmem>> -> memref<8x128xf32, #tpu.memory_space<vmem>>
      %dma_wait3A_111 = arith.constant 8 : i32
      %dma_wait3A_112 = tpu.memref_slice %arg3[%dma_wait3A_111, %mul3A_104] : memref<32x1000000xf32, #tpu.memory_space<hbm>> -> memref<8x128xf32, #tpu.memory_space<hbm>>
      %dma_wait3A_113 = tpu.memref_slice %arg8[%dma_wait3A_106] : memref<2x!tpu.dma_semaphore, #tpu.memory_space<semaphore_mem>> -> memref<1x!tpu.dma_semaphore, #tpu.memory_space<semaphore_mem>>
      %dma_wait3A_114 = tpu.memref_squeeze %dma_wait3A_113 : memref<1x!tpu.dma_semaphore, #tpu.memory_space<semaphore_mem>> -> memref<!tpu.dma_semaphore, #tpu.memory_space<semaphore_mem>>
      %dma_wait3A_115 = arith.constant 8 : i32
      %dma_wait3A_116 = arith.constant 0 : i32
      %dma_wait3A_117 = tpu.memref_slice %arg6[%dma_wait3A_105, %dma_wait3A_115, %dma_wait3A_116] : memref<2x32x128xf32, #tpu.memory_space<vmem>> -> memref<1x8x128xf32, #tpu.memory_space<vmem>>
      %dma_wait3A_118 = tpu.memref_squeeze %dma_wait3A_117 : memref<1x8x128xf32, #tpu.memory_space<vmem>> -> memref<8x128xf32, #tpu.memory_space<vmem>>
      %dma_wait3A_119 = arith.constant 8 : i32
      %dma_wait3A_120 = tpu.memref_slice %arg3[%dma_wait3A_119, %mul3A_104] : memref<32x1000000xf32, #tpu.memory_space<hbm>> -> memref<8x128xf32, #tpu.memory_space<hbm>>
      tpu.wait_dma2 semaphore(%dma_wait3A_114 : memref<!tpu.dma_semaphore, #tpu.memory_space<semaphore_mem>>) src(%dma_wait3A_120 : memref<8x128xf32, #tpu.memory_space<hbm>>) dst(%dma_wait3A_118 : memref<8x128xf32, #tpu.memory_space<vmem>>)
      %mul3A_121 = arith.constant 128 : i32
      %mul3A_122 = arith.muli %shift_right_logical3A_85, %mul3A_121 : i32
      %dma_wait3A_123 = arith.constant 0 : i32
      %dma_wait3A_124 = arith.constant 0 : i32
      %dma_wait3A_125 = arith.constant 16 : i32
      %dma_wait3A_126 = arith.constant 0 : i32
      %dma_wait3A_127 = tpu.memref_slice %arg6[%dma_wait3A_123, %dma_wait3A_125, %dma_wait3A_126] : memref<2x32x128xf32, #tpu.memory_space<vmem>> -> memref<1x8x128xf32, #tpu.memory_space<vmem>>
      %dma_wait3A_128 = tpu.memref_squeeze %dma_wait3A_127 : memref<1x8x128xf32, #tpu.memory_space<vmem>> -> memref<8x128xf32, #tpu.memory_space<vmem>>
      %dma_wait3A_129 = arith.constant 16 : i32
      %dma_wait3A_130 = tpu.memref_slice %arg3[%dma_wait3A_129, %mul3A_122] : memref<32x1000000xf32, #tpu.memory_space<hbm>> -> memref<8x128xf32, #tpu.memory_space<hbm>>
      %dma_wait3A_131 = tpu.memref_slice %arg8[%dma_wait3A_124] : memref<2x!tpu.dma_semaphore, #tpu.memory_space<semaphore_mem>> -> memref<1x!tpu.dma_semaphore, #tpu.memory_space<semaphore_mem>>
      %dma_wait3A_132 = tpu.memref_squeeze %dma_wait3A_131 : memref<1x!tpu.dma_semaphore, #tpu.memory_space<semaphore_mem>> -> memref<!tpu.dma_semaphore, #tpu.memory_space<semaphore_mem>>
      %dma_wait3A_133 = arith.constant 16 : i32
      %dma_wait3A_134 = arith.constant 0 : i32
      %dma_wait3A_135 = tpu.memref_slice %arg6[%dma_wait3A_123, %dma_wait3A_133, %dma_wait3A_134] : memref<2x32x128xf32, #tpu.memory_space<vmem>> -> memref<1x8x128xf32, #tpu.memory_space<vmem>>
      %dma_wait3A_136 = tpu.memref_squeeze %dma_wait3A_135 : memref<1x8x128xf32, #tpu.memory_space<vmem>> -> memref<8x128xf32, #tpu.memory_space<vmem>>
      %dma_wait3A_137 = arith.constant 16 : i32
      %dma_wait3A_138 = tpu.memref_slice %arg3[%dma_wait3A_137, %mul3A_122] : memref<32x1000000xf32, #tpu.memory_space<hbm>> -> memref<8x128xf32, #tpu.memory_space<hbm>>
      tpu.wait_dma2 semaphore(%dma_wait3A_132 : memref<!tpu.dma_semaphore, #tpu.memory_space<semaphore_mem>>) src(%dma_wait3A_138 : memref<8x128xf32, #tpu.memory_space<hbm>>) dst(%dma_wait3A_136 : memref<8x128xf32, #tpu.memory_space<vmem>>)
      %mul3A_139 = arith.constant 128 : i32
      %mul3A_140 = arith.muli %shift_right_logical3A_85, %mul3A_139 : i32
      %dma_wait3A_141 = arith.constant 0 : i32
      %dma_wait3A_142 = arith.constant 0 : i32
      %dma_wait3A_143 = arith.constant 24 : i32
      %dma_wait3A_144 = arith.constant 0 : i32
      %dma_wait3A_145 = tpu.memref_slice %arg6[%dma_wait3A_141, %dma_wait3A_143, %dma_wait3A_144] : memref<2x32x128xf32, #tpu.memory_space<vmem>> -> memref<1x8x128xf32, #tpu.memory_space<vmem>>
      %dma_wait3A_146 = tpu.memref_squeeze %dma_wait3A_145 : memref<1x8x128xf32, #tpu.memory_space<vmem>> -> memref<8x128xf32, #tpu.memory_space<vmem>>
      %dma_wait3A_147 = arith.constant 24 : i32
      %dma_wait3A_148 = tpu.memref_slice %arg3[%dma_wait3A_147, %mul3A_140] : memref<32x1000000xf32, #tpu.memory_space<hbm>> -> memref<8x128xf32, #tpu.memory_space<hbm>>
      %dma_wait3A_149 = tpu.memref_slice %arg8[%dma_wait3A_142] : memref<2x!tpu.dma_semaphore, #tpu.memory_space<semaphore_mem>> -> memref<1x!tpu.dma_semaphore, #tpu.memory_space<semaphore_mem>>
      %dma_wait3A_150 = tpu.memref_squeeze %dma_wait3A_149 : memref<1x!tpu.dma_semaphore, #tpu.memory_space<semaphore_mem>> -> memref<!tpu.dma_semaphore, #tpu.memory_space<semaphore_mem>>
      %dma_wait3A_151 = arith.constant 24 : i32
      %dma_wait3A_152 = arith.constant 0 : i32
      %dma_wait3A_153 = tpu.memref_slice %arg6[%dma_wait3A_141, %dma_wait3A_151, %dma_wait3A_152] : memref<2x32x128xf32, #tpu.memory_space<vmem>> -> memref<1x8x128xf32, #tpu.memory_space<vmem>>
      %dma_wait3A_154 = tpu.memref_squeeze %dma_wait3A_153 : memref<1x8x128xf32, #tpu.memory_space<vmem>> -> memref<8x128xf32, #tpu.memory_space<vmem>>
      %dma_wait3A_155 = arith.constant 24 : i32
      %dma_wait3A_156 = tpu.memref_slice %arg3[%dma_wait3A_155, %mul3A_140] : memref<32x1000000xf32, #tpu.memory_space<hbm>> -> memref<8x128xf32, #tpu.memory_space<hbm>>
      tpu.wait_dma2 semaphore(%dma_wait3A_150 : memref<!tpu.dma_semaphore, #tpu.memory_space<semaphore_mem>>) src(%dma_wait3A_156 : memref<8x128xf32, #tpu.memory_space<hbm>>) dst(%dma_wait3A_154 : memref<8x128xf32, #tpu.memory_space<vmem>>)
      %mul3A_157 = arith.constant 16 : i32
      %mul3A_158 = arith.muli %scan3A_8, %mul3A_157 : i32
      %add3A_159 = arith.constant 0 : i32
      %add3A_160 = arith.addi %mul3A_158, %add3A_159 : i32
      %and3A = arith.constant 127 : i32
      %and3A_161 = arith.andi %squeeze3A, %and3A : i32
      %broadcast_in_dim3A = arith.constant 0 : i32
      %broadcast_in_dim3A_162 = vector.broadcast %broadcast_in_dim3A : i32 to vector<16xi32>
      %add3A_163 = vector.broadcast %and3A_161 : i32 to vector<16xi32>
      %add3A_164 = arith.addi %broadcast_in_dim3A_162, %add3A_163 : vector<16xi32>
      %broadcast_in_dim3A_165 = arith.constant 0 : i32
      %broadcast_in_dim3A_166 = vector.broadcast %broadcast_in_dim3A_165 : i32 to vector<16xi32>
      %add3A_167 = vector.broadcast %add3A_160 : i32 to vector<16xi32>
      %add3A_168 = arith.addi %broadcast_in_dim3A_166, %add3A_167 : vector<16xi32>
      %iota3A = tpu.iota {dimensions = array<i32: 0>} : vector<16xi32>
      %add3A_169 = arith.constant 0 : i32
      %add3A_170 = vector.broadcast %add3A_169 : i32 to vector<16xi32>
      %add3A_171 = arith.addi %iota3A, %add3A_170 : vector<16xi32>
      %gather3A = arith.constant 0 : i32
      %gather3A_172 = arith.constant 0 : i32
      %gather3A_173 = arith.constant 0 : i32
      %gather3A_174 = tpu.memref_slice %arg6[%gather3A, %gather3A_172, %gather3A_173] : memref<2x32x128xf32, #tpu.memory_space<vmem>> -> memref<1x32x128xf32, #tpu.memory_space<vmem>>
      %gather3A_175 = tpu.memref_squeeze %gather3A_174 : memref<1x32x128xf32, #tpu.memory_space<vmem>> -> memref<32x128xf32, #tpu.memory_space<vmem>>
      %gather3A_176 = tpu.vector_load_idx %gather3A_175[%add3A_171, %add3A_164] : memref<32x128xf32, #tpu.memory_space<vmem>>[vector<16xi32>, vector<16xi32>], vector<16xf32>,
      tpu.vector_store_idx %arg7[%add3A_171, %add3A_168], %gather3A_176 : memref<32x128xf32, #tpu.memory_space<vmem>>[vector<16xi32>, vector<16xi32>], vector<16xf32>,
      %iota3A_177 = tpu.iota {dimensions = array<i32: 0>} : vector<16xi32>
      %add3A_178 = arith.constant 16 : i32
      %add3A_179 = vector.broadcast %add3A_178 : i32 to vector<16xi32>
      %add3A_180 = arith.addi %iota3A_177, %add3A_179 : vector<16xi32>
      %gather3A_181 = arith.constant 0 : i32
      %gather3A_182 = arith.constant 0 : i32
      %gather3A_183 = arith.constant 0 : i32
      %gather3A_184 = tpu.memref_slice %arg6[%gather3A_181, %gather3A_182, %gather3A_183] : memref<2x32x128xf32, #tpu.memory_space<vmem>> -> memref<1x32x128xf32, #tpu.memory_space<vmem>>
      %gather3A_185 = tpu.memref_squeeze %gather3A_184 : memref<1x32x128xf32, #tpu.memory_space<vmem>> -> memref<32x128xf32, #tpu.memory_space<vmem>>
      %gather3A_186 = tpu.vector_load_idx %gather3A_185[%add3A_180, %add3A_164] : memref<32x128xf32, #tpu.memory_space<vmem>>[vector<16xi32>, vector<16xi32>], vector<16xf32>,
      tpu.vector_store_idx %arg7[%add3A_180, %add3A_168], %gather3A_186 : memref<32x128xf32, #tpu.memory_space<vmem>>[vector<16xi32>, vector<16xi32>], vector<16xf32>,
      %slice3A_187 = vector.extract_strided_slice %get3A_11 {offsets = [1], sizes = [1], strides = [1]} : vector<16xi32> to vector<1xi32>
      %squeeze3A_188 = vector.extract %slice3A_187[0] : i32 from vector<1xi32>
      %shift_right_logical3A_189 = arith.constant 7 : i32
      %shift_right_logical3A_190 = arith.shrui %squeeze3A_188, %shift_right_logical3A_189 : i32
      %mul3A_191 = arith.constant 128 : i32
      %mul3A_192 = arith.muli %shift_right_logical3A_190, %mul3A_191 : i32
      %dma_start3A_193 = arith.constant 1 : i32
      %dma_start3A_194 = arith.constant 1 : i32
      %dma_start3A_195 = arith.constant 0 : i32
      %dma_start3A_196 = arith.constant 0 : i32
      %dma_start3A_197 = tpu.memref_slice %arg6[%dma_start3A_193, %dma_start3A_195, %dma_start3A_196] : memref<2x32x128xf32, #tpu.memory_space<vmem>> -> memref<1x8x128xf32, #tpu.memory_space<vmem>>
      %dma_start3A_198 = tpu.memref_squeeze %dma_start3A_197 : memref<1x8x128xf32, #tpu.memory_space<vmem>> -> memref<8x128xf32, #tpu.memory_space<vmem>>
      %dma_start3A_199 = arith.constant 0 : i32
      %dma_start3A_200 = tpu.memref_slice %arg3[%dma_start3A_199, %mul3A_192] : memref<32x1000000xf32, #tpu.memory_space<hbm>> -> memref<8x128xf32, #tpu.memory_space<hbm>>
      %dma_start3A_201 = tpu.memref_slice %arg8[%dma_start3A_194] : memref<2x!tpu.dma_semaphore, #tpu.memory_space<semaphore_mem>> -> memref<1x!tpu.dma_semaphore, #tpu.memory_space<semaphore_mem>>
      %dma_start3A_202 = tpu.memref_squeeze %dma_start3A_201 : memref<1x!tpu.dma_semaphore, #tpu.memory_space<semaphore_mem>> -> memref<!tpu.dma_semaphore, #tpu.memory_space<semaphore_mem>>
      %dma_start3A_203 = arith.constant 0 : i32
      %dma_start3A_204 = arith.constant 0 : i32
      %dma_start3A_205 = tpu.memref_slice %arg6[%dma_start3A_193, %dma_start3A_203, %dma_start3A_204] : memref<2x32x128xf32, #tpu.memory_space<vmem>> -> memref<1x8x128xf32, #tpu.memory_space<vmem>>
      %dma_start3A_206 = tpu.memref_squeeze %dma_start3A_205 : memref<1x8x128xf32, #tpu.memory_space<vmem>> -> memref<8x128xf32, #tpu.memory_space<vmem>>
      %dma_start3A_207 = arith.constant 0 : i32
      %dma_start3A_208 = tpu.memref_slice %arg3[%dma_start3A_207, %mul3A_192] : memref<32x1000000xf32, #tpu.memory_space<hbm>> -> memref<8x128xf32, #tpu.memory_space<hbm>>
      tpu.enqueue_dma source(%dma_start3A_208 : memref<8x128xf32, #tpu.memory_space<hbm>>) target(%dma_start3A_206 : memref<8x128xf32, #tpu.memory_space<vmem>>) target_semaphore(%dma_start3A_202 : memref<!tpu.dma_semaphore, #tpu.memory_space<semaphore_mem>>)
      %mul3A_209 = arith.constant 128 : i32
      %mul3A_210 = arith.muli %shift_right_logical3A_190, %mul3A_209 : i32
      %dma_start3A_211 = arith.constant 1 : i32
      %dma_start3A_212 = arith.constant 1 : i32
      %dma_start3A_213 = arith.constant 8 : i32
      %dma_start3A_214 = arith.constant 0 : i32
      %dma_start3A_215 = tpu.memref_slice %arg6[%dma_start3A_211, %dma_start3A_213, %dma_start3A_214] : memref<2x32x128xf32, #tpu.memory_space<vmem>> -> memref<1x8x128xf32, #tpu.memory_space<vmem>>
      %dma_start3A_216 = tpu.memref_squeeze %dma_start3A_215 : memref<1x8x128xf32, #tpu.memory_space<vmem>> -> memref<8x128xf32, #tpu.memory_space<vmem>>
      %dma_start3A_217 = arith.constant 8 : i32
      %dma_start3A_218 = tpu.memref_slice %arg3[%dma_start3A_217, %mul3A_210] : memref<32x1000000xf32, #tpu.memory_space<hbm>> -> memref<8x128xf32, #tpu.memory_space<hbm>>
      %dma_start3A_219 = tpu.memref_slice %arg8[%dma_start3A_212] : memref<2x!tpu.dma_semaphore, #tpu.memory_space<semaphore_mem>> -> memref<1x!tpu.dma_semaphore, #tpu.memory_space<semaphore_mem>>
      %dma_start3A_220 = tpu.memref_squeeze %dma_start3A_219 : memref<1x!tpu.dma_semaphore, #tpu.memory_space<semaphore_mem>> -> memref<!tpu.dma_semaphore, #tpu.memory_space<semaphore_mem>>
      %dma_start3A_221 = arith.constant 8 : i32
      %dma_start3A_222 = arith.constant 0 : i32
      %dma_start3A_223 = tpu.memref_slice %arg6[%dma_start3A_211, %dma_start3A_221, %dma_start3A_222] : memref<2x32x128xf32, #tpu.memory_space<vmem>> -> memref<1x8x128xf32, #tpu.memory_space<vmem>>
      %dma_start3A_224 = tpu.memref_squeeze %dma_start3A_223 : memref<1x8x128xf32, #tpu.memory_space<vmem>> -> memref<8x128xf32, #tpu.memory_space<vmem>>
      %dma_start3A_225 = arith.constant 8 : i32
      %dma_start3A_226 = tpu.memref_slice %arg3[%dma_start3A_225, %mul3A_210] : memref<32x1000000xf32, #tpu.memory_space<hbm>> -> memref<8x128xf32, #tpu.memory_space<hbm>>
      tpu.enqueue_dma source(%dma_start3A_226 : memref<8x128xf32, #tpu.memory_space<hbm>>) target(%dma_start3A_224 : memref<8x128xf32, #tpu.memory_space<vmem>>) target_semaphore(%dma_start3A_220 : memref<!tpu.dma_semaphore, #tpu.memory_space<semaphore_mem>>)
      %mul3A_227 = arith.constant 128 : i32
      %mul3A_228 = arith.muli %shift_right_logical3A_190, %mul3A_227 : i32
      %dma_start3A_229 = arith.constant 1 : i32
      %dma_start3A_230 = arith.constant 1 : i32
      %dma_start3A_231 = arith.constant 16 : i32
      %dma_start3A_232 = arith.constant 0 : i32
      %dma_start3A_233 = tpu.memref_slice %arg6[%dma_start3A_229, %dma_start3A_231, %dma_start3A_232] : memref<2x32x128xf32, #tpu.memory_space<vmem>> -> memref<1x8x128xf32, #tpu.memory_space<vmem>>
      %dma_start3A_234 = tpu.memref_squeeze %dma_start3A_233 : memref<1x8x128xf32, #tpu.memory_space<vmem>> -> memref<8x128xf32, #tpu.memory_space<vmem>>
      %dma_start3A_235 = arith.constant 16 : i32
      %dma_start3A_236 = tpu.memref_slice %arg3[%dma_start3A_235, %mul3A_228] : memref<32x1000000xf32, #tpu.memory_space<hbm>> -> memref<8x128xf32, #tpu.memory_space<hbm>>
      %dma_start3A_237 = tpu.memref_slice %arg8[%dma_start3A_230] : memref<2x!tpu.dma_semaphore, #tpu.memory_space<semaphore_mem>> -> memref<1x!tpu.dma_semaphore, #tpu.memory_space<semaphore_mem>>
      %dma_start3A_238 = tpu.memref_squeeze %dma_start3A_237 : memref<1x!tpu.dma_semaphore, #tpu.memory_space<semaphore_mem>> -> memref<!tpu.dma_semaphore, #tpu.memory_space<semaphore_mem>>
      %dma_start3A_239 = arith.constant 16 : i32
      %dma_start3A_240 = arith.constant 0 : i32
      %dma_start3A_241 = tpu.memref_slice %arg6[%dma_start3A_229, %dma_start3A_239, %dma_start3A_240] : memref<2x32x128xf32, #tpu.memory_space<vmem>> -> memref<1x8x128xf32, #tpu.memory_space<vmem>>
      %dma_start3A_242 = tpu.memref_squeeze %dma_start3A_241 : memref<1x8x128xf32, #tpu.memory_space<vmem>> -> memref<8x128xf32, #tpu.memory_space<vmem>>
      %dma_start3A_243 = arith.constant 16 : i32
      %dma_start3A_244 = tpu.memref_slice %arg3[%dma_start3A_243, %mul3A_228] : memref<32x1000000xf32, #tpu.memory_space<hbm>> -> memref<8x128xf32, #tpu.memory_space<hbm>>
      tpu.enqueue_dma source(%dma_start3A_244 : memref<8x128xf32, #tpu.memory_space<hbm>>) target(%dma_start3A_242 : memref<8x128xf32, #tpu.memory_space<vmem>>) target_semaphore(%dma_start3A_238 : memref<!tpu.dma_semaphore, #tpu.memory_space<semaphore_mem>>)
      %mul3A_245 = arith.constant 128 : i32
      %mul3A_246 = arith.muli %shift_right_logical3A_190, %mul3A_245 : i32
      %dma_start3A_247 = arith.constant 1 : i32
      %dma_start3A_248 = arith.constant 1 : i32
      %dma_start3A_249 = arith.constant 24 : i32
      %dma_start3A_250 = arith.constant 0 : i32
      %dma_start3A_251 = tpu.memref_slice %arg6[%dma_start3A_247, %dma_start3A_249, %dma_start3A_250] : memref<2x32x128xf32, #tpu.memory_space<vmem>> -> memref<1x8x128xf32, #tpu.memory_space<vmem>>
      %dma_start3A_252 = tpu.memref_squeeze %dma_start3A_251 : memref<1x8x128xf32, #tpu.memory_space<vmem>> -> memref<8x128xf32, #tpu.memory_space<vmem>>
      %dma_start3A_253 = arith.constant 24 : i32
      %dma_start3A_254 = tpu.memref_slice %arg3[%dma_start3A_253, %mul3A_246] : memref<32x1000000xf32, #tpu.memory_space<hbm>> -> memref<8x128xf32, #tpu.memory_space<hbm>>
      %dma_start3A_255 = tpu.memref_slice %arg8[%dma_start3A_248] : memref<2x!tpu.dma_semaphore, #tpu.memory_space<semaphore_mem>> -> memref<1x!tpu.dma_semaphore, #tpu.memory_space<semaphore_mem>>
      %dma_start3A_256 = tpu.memref_squeeze %dma_start3A_255 : memref<1x!tpu.dma_semaphore, #tpu.memory_space<semaphore_mem>> -> memref<!tpu.dma_semaphore, #tpu.memory_space<semaphore_mem>>
      %dma_start3A_257 = arith.constant 24 : i32
      %dma_start3A_258 = arith.constant 0 : i32
      %dma_start3A_259 = tpu.memref_slice %arg6[%dma_start3A_247, %dma_start3A_257, %dma_start3A_258] : memref<2x32x128xf32, #tpu.memory_space<vmem>> -> memref<1x8x128xf32, #tpu.memory_space<vmem>>
      %dma_start3A_260 = tpu.memref_squeeze %dma_start3A_259 : memref<1x8x128xf32, #tpu.memory_space<vmem>> -> memref<8x128xf32, #tpu.memory_space<vmem>>
      %dma_start3A_261 = arith.constant 24 : i32
      %dma_start3A_262 = tpu.memref_slice %arg3[%dma_start3A_261, %mul3A_246] : memref<32x1000000xf32, #tpu.memory_space<hbm>> -> memref<8x128xf32, #tpu.memory_space<hbm>>
      tpu.enqueue_dma source(%dma_start3A_262 : memref<8x128xf32, #tpu.memory_space<hbm>>) target(%dma_start3A_260 : memref<8x128xf32, #tpu.memory_space<vmem>>) target_semaphore(%dma_start3A_256 : memref<!tpu.dma_semaphore, #tpu.memory_space<semaphore_mem>>)
      %shift_right_logical3A_263 = arith.constant 7 : i32
      %shift_right_logical3A_264 = arith.shrui %squeeze3A_188, %shift_right_logical3A_263 : i32
      %mul3A_265 = arith.constant 128 : i32
      %mul3A_266 = arith.muli %shift_right_logical3A_264, %mul3A_265 : i32
      %dma_wait3A_267 = arith.constant 1 : i32
      %dma_wait3A_268 = arith.constant 1 : i32
      %dma_wait3A_269 = arith.constant 0 : i32
      %dma_wait3A_270 = arith.constant 0 : i32
      %dma_wait3A_271 = tpu.memref_slice %arg6[%dma_wait3A_267, %dma_wait3A_269, %dma_wait3A_270] : memref<2x32x128xf32, #tpu.memory_space<vmem>> -> memref<1x8x128xf32, #tpu.memory_space<vmem>>
      %dma_wait3A_272 = tpu.memref_squeeze %dma_wait3A_271 : memref<1x8x128xf32, #tpu.memory_space<vmem>> -> memref<8x128xf32, #tpu.memory_space<vmem>>
      %dma_wait3A_273 = arith.constant 0 : i32
      %dma_wait3A_274 = tpu.memref_slice %arg3[%dma_wait3A_273, %mul3A_266] : memref<32x1000000xf32, #tpu.memory_space<hbm>> -> memref<8x128xf32, #tpu.memory_space<hbm>>
      %dma_wait3A_275 = tpu.memref_slice %arg8[%dma_wait3A_268] : memref<2x!tpu.dma_semaphore, #tpu.memory_space<semaphore_mem>> -> memref<1x!tpu.dma_semaphore, #tpu.memory_space<semaphore_mem>>
      %dma_wait3A_276 = tpu.memref_squeeze %dma_wait3A_275 : memref<1x!tpu.dma_semaphore, #tpu.memory_space<semaphore_mem>> -> memref<!tpu.dma_semaphore, #tpu.memory_space<semaphore_mem>>
      %dma_wait3A_277 = arith.constant 0 : i32
      %dma_wait3A_278 = arith.constant 0 : i32
      %dma_wait3A_279 = tpu.memref_slice %arg6[%dma_wait3A_267, %dma_wait3A_277, %dma_wait3A_278] : memref<2x32x128xf32, #tpu.memory_space<vmem>> -> memref<1x8x128xf32, #tpu.memory_space<vmem>>
      %dma_wait3A_280 = tpu.memref_squeeze %dma_wait3A_279 : memref<1x8x128xf32, #tpu.memory_space<vmem>> -> memref<8x128xf32, #tpu.memory_space<vmem>>
      %dma_wait3A_281 = arith.constant 0 : i32
      %dma_wait3A_282 = tpu.memref_slice %arg3[%dma_wait3A_281, %mul3A_266] : memref<32x1000000xf32, #tpu.memory_space<hbm>> -> memref<8x128xf32, #tpu.memory_space<hbm>>
      tpu.wait_dma2 semaphore(%dma_wait3A_276 : memref<!tpu.dma_semaphore, #tpu.memory_space<semaphore_mem>>) src(%dma_wait3A_282 : memref<8x128xf32, #tpu.memory_space<hbm>>) dst(%dma_wait3A_280 : memref<8x128xf32, #tpu.memory_space<vmem>>)
      %mul3A_283 = arith.constant 128 : i32
      %mul3A_284 = arith.muli %shift_right_logical3A_264, %mul3A_283 : i32
      %dma_wait3A_285 = arith.constant 1 : i32
      %dma_wait3A_286 = arith.constant 1 : i32
      %dma_wait3A_287 = arith.constant 8 : i32
      %dma_wait3A_288 = arith.constant 0 : i32
      %dma_wait3A_289 = tpu.memref_slice %arg6[%dma_wait3A_285, %dma_wait3A_287, %dma_wait3A_288] : memref<2x32x128xf32, #tpu.memory_space<vmem>> -> memref<1x8x128xf32, #tpu.memory_space<vmem>>
      %dma_wait3A_290 = tpu.memref_squeeze %dma_wait3A_289 : memref<1x8x128xf32, #tpu.memory_space<vmem>> -> memref<8x128xf32, #tpu.memory_space<vmem>>
      %dma_wait3A_291 = arith.constant 8 : i32
      %dma_wait3A_292 = tpu.memref_slice %arg3[%dma_wait3A_291, %mul3A_284] : memref<32x1000000xf32, #tpu.memory_space<hbm>> -> memref<8x128xf32, #tpu.memory_space<hbm>>
      %dma_wait3A_293 = tpu.memref_slice %arg8[%dma_wait3A_286] : memref<2x!tpu.dma_semaphore, #tpu.memory_space<semaphore_mem>> -> memref<1x!tpu.dma_semaphore, #tpu.memory_space<semaphore_mem>>
      %dma_wait3A_294 = tpu.memref_squeeze %dma_wait3A_293 : memref<1x!tpu.dma_semaphore, #tpu.memory_space<semaphore_mem>> -> memref<!tpu.dma_semaphore, #tpu.memory_space<semaphore_mem>>
      %dma_wait3A_295 = arith.constant 8 : i32
      %dma_wait3A_296 = arith.constant 0 : i32
      %dma_wait3A_297 = tpu.memref_slice %arg6[%dma_wait3A_285, %dma_wait3A_295, %dma_wait3A_296] : memref<2x32x128xf32, #tpu.memory_space<vmem>> -> memref<1x8x128xf32, #tpu.memory_space<vmem>>
      %dma_wait3A_298 = tpu.memref_squeeze %dma_wait3A_297 : memref<1x8x128xf32, #tpu.memory_space<vmem>> -> memref<8x128xf32, #tpu.memory_space<vmem>>
      %dma_wait3A_299 = arith.constant 8 : i32
      %dma_wait3A_300 = tpu.memref_slice %arg3[%dma_wait3A_299, %mul3A_284] : memref<32x1000000xf32, #tpu.memory_space<hbm>> -> memref<8x128xf32, #tpu.memory_space<hbm>>
      tpu.wait_dma2 semaphore(%dma_wait3A_294 : memref<!tpu.dma_semaphore, #tpu.memory_space<semaphore_mem>>) src(%dma_wait3A_300 : memref<8x128xf32, #tpu.memory_space<hbm>>) dst(%dma_wait3A_298 : memref<8x128xf32, #tpu.memory_space<vmem>>)
      %mul3A_301 = arith.constant 128 : i32
      %mul3A_302 = arith.muli %shift_right_logical3A_264, %mul3A_301 : i32
      %dma_wait3A_303 = arith.constant 1 : i32
      %dma_wait3A_304 = arith.constant 1 : i32
      %dma_wait3A_305 = arith.constant 16 : i32
      %dma_wait3A_306 = arith.constant 0 : i32
      %dma_wait3A_307 = tpu.memref_slice %arg6[%dma_wait3A_303, %dma_wait3A_305, %dma_wait3A_306] : memref<2x32x128xf32, #tpu.memory_space<vmem>> -> memref<1x8x128xf32, #tpu.memory_space<vmem>>
      %dma_wait3A_308 = tpu.memref_squeeze %dma_wait3A_307 : memref<1x8x128xf32, #tpu.memory_space<vmem>> -> memref<8x128xf32, #tpu.memory_space<vmem>>
      %dma_wait3A_309 = arith.constant 16 : i32
      %dma_wait3A_310 = tpu.memref_slice %arg3[%dma_wait3A_309, %mul3A_302] : memref<32x1000000xf32, #tpu.memory_space<hbm>> -> memref<8x128xf32, #tpu.memory_space<hbm>>
      %dma_wait3A_311 = tpu.memref_slice %arg8[%dma_wait3A_304] : memref<2x!tpu.dma_semaphore, #tpu.memory_space<semaphore_mem>> -> memref<1x!tpu.dma_semaphore, #tpu.memory_space<semaphore_mem>>
      %dma_wait3A_312 = tpu.memref_squeeze %dma_wait3A_311 : memref<1x!tpu.dma_semaphore, #tpu.memory_space<semaphore_mem>> -> memref<!tpu.dma_semaphore, #tpu.memory_space<semaphore_mem>>
      %dma_wait3A_313 = arith.constant 16 : i32
      %dma_wait3A_314 = arith.constant 0 : i32
      %dma_wait3A_315 = tpu.memref_slice %arg6[%dma_wait3A_303, %dma_wait3A_313, %dma_wait3A_314] : memref<2x32x128xf32, #tpu.memory_space<vmem>> -> memref<1x8x128xf32, #tpu.memory_space<vmem>>
      %dma_wait3A_316 = tpu.memref_squeeze %dma_wait3A_315 : memref<1x8x128xf32, #tpu.memory_space<vmem>> -> memref<8x128xf32, #tpu.memory_space<vmem>>
      %dma_wait3A_317 = arith.constant 16 : i32
      %dma_wait3A_318 = tpu.memref_slice %arg3[%dma_wait3A_317, %mul3A_302] : memref<32x1000000xf32, #tpu.memory_space<hbm>> -> memref<8x128xf32, #tpu.memory_space<hbm>>
      tpu.wait_dma2 semaphore(%dma_wait3A_312 : memref<!tpu.dma_semaphore, #tpu.memory_space<semaphore_mem>>) src(%dma_wait3A_318 : memref<8x128xf32, #tpu.memory_space<hbm>>) dst(%dma_wait3A_316 : memref<8x128xf32, #tpu.memory_space<vmem>>)
      %mul3A_319 = arith.constant 128 : i32
      %mul3A_320 = arith.muli %shift_right_logical3A_264, %mul3A_319 : i32
      %dma_wait3A_321 = arith.constant 1 : i32
      %dma_wait3A_322 = arith.constant 1 : i32
      %dma_wait3A_323 = arith.constant 24 : i32
      %dma_wait3A_324 = arith.constant 0 : i32
      %dma_wait3A_325 = tpu.memref_slice %arg6[%dma_wait3A_321, %dma_wait3A_323, %dma_wait3A_324] : memref<2x32x128xf32, #tpu.memory_space<vmem>> -> memref<1x8x128xf32, #tpu.memory_space<vmem>>
      %dma_wait3A_326 = tpu.memref_squeeze %dma_wait3A_325 : memref<1x8x128xf32, #tpu.memory_space<vmem>> -> memref<8x128xf32, #tpu.memory_space<vmem>>
      %dma_wait3A_327 = arith.constant 24 : i32
      %dma_wait3A_328 = tpu.memref_slice %arg3[%dma_wait3A_327, %mul3A_320] : memref<32x1000000xf32, #tpu.memory_space<hbm>> -> memref<8x128xf32, #tpu.memory_space<hbm>>
      %dma_wait3A_329 = tpu.memref_slice %arg8[%dma_wait3A_322] : memref<2x!tpu.dma_semaphore, #tpu.memory_space<semaphore_mem>> -> memref<1x!tpu.dma_semaphore, #tpu.memory_space<semaphore_mem>>
      %dma_wait3A_330 = tpu.memref_squeeze %dma_wait3A_329 : memref<1x!tpu.dma_semaphore, #tpu.memory_space<semaphore_mem>> -> memref<!tpu.dma_semaphore, #tpu.memory_space<semaphore_mem>>
      %dma_wait3A_331 = arith.constant 24 : i32
      %dma_wait3A_332 = arith.constant 0 : i32
      %dma_wait3A_333 = tpu.memref_slice %arg6[%dma_wait3A_321, %dma_wait3A_331, %dma_wait3A_332] : memref<2x32x128xf32, #tpu.memory_space<vmem>> -> memref<1x8x128xf32, #tpu.memory_space<vmem>>
      %dma_wait3A_334 = tpu.memref_squeeze %dma_wait3A_333 : memref<1x8x128xf32, #tpu.memory_space<vmem>> -> memref<8x128xf32, #tpu.memory_space<vmem>>
      %dma_wait3A_335 = arith.constant 24 : i32
      %dma_wait3A_336 = tpu.memref_slice %arg3[%dma_wait3A_335, %mul3A_320] : memref<32x1000000xf32, #tpu.memory_space<hbm>> -> memref<8x128xf32, #tpu.memory_space<hbm>>
      tpu.wait_dma2 semaphore(%dma_wait3A_330 : memref<!tpu.dma_semaphore, #tpu.memory_space<semaphore_mem>>) src(%dma_wait3A_336 : memref<8x128xf32, #tpu.memory_space<hbm>>) dst(%dma_wait3A_334 : memref<8x128xf32, #tpu.memory_space<vmem>>)
      %mul3A_337 = arith.constant 16 : i32
      %mul3A_338 = arith.muli %scan3A_8, %mul3A_337 : i32
      %add3A_339 = arith.constant 1 : i32
      %add3A_340 = arith.addi %mul3A_338, %add3A_339 : i32
      %and3A_341 = arith.constant 127 : i32
      %and3A_342 = arith.andi %squeeze3A_188, %and3A_341 : i32
      %broadcast_in_dim3A_343 = arith.constant 0 : i32
      %broadcast_in_dim3A_344 = vector.broadcast %broadcast_in_dim3A_343 : i32 to vector<16xi32>
      %add3A_345 = vector.broadcast %and3A_342 : i32 to vector<16xi32>
      %add3A_346 = arith.addi %broadcast_in_dim3A_344, %add3A_345 : vector<16xi32>
      %broadcast_in_dim3A_347 = arith.constant 0 : i32
      %broadcast_in_dim3A_348 = vector.broadcast %broadcast_in_dim3A_347 : i32 to vector<16xi32>
      %add3A_349 = vector.broadcast %add3A_340 : i32 to vector<16xi32>
      %add3A_350 = arith.addi %broadcast_in_dim3A_348, %add3A_349 : vector<16xi32>
      %iota3A_351 = tpu.iota {dimensions = array<i32: 0>} : vector<16xi32>
      %add3A_352 = arith.constant 0 : i32
      %add3A_353 = vector.broadcast %add3A_352 : i32 to vector<16xi32>
      %add3A_354 = arith.addi %iota3A_351, %add3A_353 : vector<16xi32>
      %gather3A_355 = arith.constant 1 : i32
      %gather3A_356 = arith.constant 0 : i32
      %gather3A_357 = arith.constant 0 : i32
      %gather3A_358 = tpu.memref_slice %arg6[%gather3A_355, %gather3A_356, %gather3A_357] : memref<2x32x128xf32, #tpu.memory_space<vmem>> -> memref<1x32x128xf32, #tpu.memory_space<vmem>>
      %gather3A_359 = tpu.memref_squeeze %gather3A_358 : memref<1x32x128xf32, #tpu.memory_space<vmem>> -> memref<32x128xf32, #tpu.memory_space<vmem>>
      %gather3A_360 = tpu.vector_load_idx %gather3A_359[%add3A_354, %add3A_346] : memref<32x128xf32, #tpu.memory_space<vmem>>[vector<16xi32>, vector<16xi32>], vector<16xf32>,
      tpu.vector_store_idx %arg7[%add3A_354, %add3A_350], %gather3A_360 : memref<32x128xf32, #tpu.memory_space<vmem>>[vector<16xi32>, vector<16xi32>], vector<16xf32>,
      %iota3A_361 = tpu.iota {dimensions = array<i32: 0>} : vector<16xi32>
      %add3A_362 = arith.constant 16 : i32
      %add3A_363 = vector.broadcast %add3A_362 : i32 to vector<16xi32>
      %add3A_364 = arith.addi %iota3A_361, %add3A_363 : vector<16xi32>
      %gather3A_365 = arith.constant 1 : i32
      %gather3A_366 = arith.constant 0 : i32
      %gather3A_367 = arith.constant 0 : i32
      %gather3A_368 = tpu.memref_slice %arg6[%gather3A_365, %gather3A_366, %gather3A_367] : memref<2x32x128xf32, #tpu.memory_space<vmem>> -> memref<1x32x128xf32, #tpu.memory_space<vmem>>
      %gather3A_369 = tpu.memref_squeeze %gather3A_368 : memref<1x32x128xf32, #tpu.memory_space<vmem>> -> memref<32x128xf32, #tpu.memory_space<vmem>>
      %gather3A_370 = tpu.vector_load_idx %gather3A_369[%add3A_364, %add3A_346] : memref<32x128xf32, #tpu.memory_space<vmem>>[vector<16xi32>, vector<16xi32>], vector<16xf32>,
      tpu.vector_store_idx %arg7[%add3A_364, %add3A_350], %gather3A_370 : memref<32x128xf32, #tpu.memory_space<vmem>>[vector<16xi32>, vector<16xi32>], vector<16xf32>,
      %slice3A_371 = vector.extract_strided_slice %get3A_11 {offsets = [2], sizes = [1], strides = [1]} : vector<16xi32> to vector<1xi32>
      %squeeze3A_372 = vector.extract %slice3A_371[0] : i32 from vector<1xi32>
      %shift_right_logical3A_373 = arith.constant 7 : i32
      %shift_right_logical3A_374 = arith.shrui %squeeze3A_372, %shift_right_logical3A_373 : i32
      %mul3A_375 = arith.constant 128 : i32
      %mul3A_376 = arith.muli %shift_right_logical3A_374, %mul3A_375 : i32
      %dma_start3A_377 = arith.constant 0 : i32
      %dma_start3A_378 = arith.constant 0 : i32
      %dma_start3A_379 = arith.constant 0 : i32
      %dma_start3A_380 = arith.constant 0 : i32
      %dma_start3A_381 = tpu.memref_slice %arg6[%dma_start3A_377, %dma_start3A_379, %dma_start3A_380] : memref<2x32x128xf32, #tpu.memory_space<vmem>> -> memref<1x8x128xf32, #tpu.memory_space<vmem>>
      %dma_start3A_382 = tpu.memref_squeeze %dma_start3A_381 : memref<1x8x128xf32, #tpu.memory_space<vmem>> -> memref<8x128xf32, #tpu.memory_space<vmem>>
      %dma_start3A_383 = arith.constant 0 : i32
      %dma_start3A_384 = tpu.memref_slice %arg3[%dma_start3A_383, %mul3A_376] : memref<32x1000000xf32, #tpu.memory_space<hbm>> -> memref<8x128xf32, #tpu.memory_space<hbm>>
      %dma_start3A_385 = tpu.memref_slice %arg8[%dma_start3A_378] : memref<2x!tpu.dma_semaphore, #tpu.memory_space<semaphore_mem>> -> memref<1x!tpu.dma_semaphore, #tpu.memory_space<semaphore_mem>>
      %dma_start3A_386 = tpu.memref_squeeze %dma_start3A_385 : memref<1x!tpu.dma_semaphore, #tpu.memory_space<semaphore_mem>> -> memref<!tpu.dma_semaphore, #tpu.memory_space<semaphore_mem>>
      %dma_start3A_387 = arith.constant 0 : i32
      %dma_start3A_388 = arith.constant 0 : i32
      %dma_start3A_389 = tpu.memref_slice %arg6[%dma_start3A_377, %dma_start3A_387, %dma_start3A_388] : memref<2x32x128xf32, #tpu.memory_space<vmem>> -> memref<1x8x128xf32, #tpu.memory_space<vmem>>
      %dma_start3A_390 = tpu.memref_squeeze %dma_start3A_389 : memref<1x8x128xf32, #tpu.memory_space<vmem>> -> memref<8x128xf32, #tpu.memory_space<vmem>>
      %dma_start3A_391 = arith.constant 0 : i32
      %dma_start3A_392 = tpu.memref_slice %arg3[%dma_start3A_391, %mul3A_376] : memref<32x1000000xf32, #tpu.memory_space<hbm>> -> memref<8x128xf32, #tpu.memory_space<hbm>>
      tpu.enqueue_dma source(%dma_start3A_392 : memref<8x128xf32, #tpu.memory_space<hbm>>) target(%dma_start3A_390 : memref<8x128xf32, #tpu.memory_space<vmem>>) target_semaphore(%dma_start3A_386 : memref<!tpu.dma_semaphore, #tpu.memory_space<semaphore_mem>>)
      %mul3A_393 = arith.constant 128 : i32
      %mul3A_394 = arith.muli %shift_right_logical3A_374, %mul3A_393 : i32
      %dma_start3A_395 = arith.constant 0 : i32
      %dma_start3A_396 = arith.constant 0 : i32
      %dma_start3A_397 = arith.constant 8 : i32
      %dma_start3A_398 = arith.constant 0 : i32
      %dma_start3A_399 = tpu.memref_slice %arg6[%dma_start3A_395, %dma_start3A_397, %dma_start3A_398] : memref<2x32x128xf32, #tpu.memory_space<vmem>> -> memref<1x8x128xf32, #tpu.memory_space<vmem>>
      %dma_start3A_400 = tpu.memref_squeeze %dma_start3A_399 : memref<1x8x128xf32, #tpu.memory_space<vmem>> -> memref<8x128xf32, #tpu.memory_space<vmem>>
      %dma_start3A_401 = arith.constant 8 : i32
      %dma_start3A_402 = tpu.memref_slice %arg3[%dma_start3A_401, %mul3A_394] : memref<32x1000000xf32, #tpu.memory_space<hbm>> -> memref<8x128xf32, #tpu.memory_space<hbm>>
      %dma_start3A_403 = tpu.memref_slice %arg8[%dma_start3A_396] : memref<2x!tpu.dma_semaphore, #tpu.memory_space<semaphore_mem>> -> memref<1x!tpu.dma_semaphore, #tpu.memory_space<semaphore_mem>>
      %dma_start3A_404 = tpu.memref_squeeze %dma_start3A_403 : memref<1x!tpu.dma_semaphore, #tpu.memory_space<semaphore_mem>> -> memref<!tpu.dma_semaphore, #tpu.memory_space<semaphore_mem>>
      %dma_start3A_405 = arith.constant 8 : i32
      %dma_start3A_406 = arith.constant 0 : i32
      %dma_start3A_407 = tpu.memref_slice %arg6[%dma_start3A_395, %dma_start3A_405, %dma_start3A_406] : memref<2x32x128xf32, #tpu.memory_space<vmem>> -> memref<1x8x128xf32, #tpu.memory_space<vmem>>
      %dma_start3A_408 = tpu.memref_squeeze %dma_start3A_407 : memref<1x8x128xf32, #tpu.memory_space<vmem>> -> memref<8x128xf32, #tpu.memory_space<vmem>>
      %dma_start3A_409 = arith.constant 8 : i32
      %dma_start3A_410 = tpu.memref_slice %arg3[%dma_start3A_409, %mul3A_394] : memref<32x1000000xf32, #tpu.memory_space<hbm>> -> memref<8x128xf32, #tpu.memory_space<hbm>>
      tpu.enqueue_dma source(%dma_start3A_410 : memref<8x128xf32, #tpu.memory_space<hbm>>) target(%dma_start3A_408 : memref<8x128xf32, #tpu.memory_space<vmem>>) target_semaphore(%dma_start3A_404 : memref<!tpu.dma_semaphore, #tpu.memory_space<semaphore_mem>>)
      %mul3A_411 = arith.constant 128 : i32
      %mul3A_412 = arith.muli %shift_right_logical3A_374, %mul3A_411 : i32
      %dma_start3A_413 = arith.constant 0 : i32
      %dma_start3A_414 = arith.constant 0 : i32
      %dma_start3A_415 = arith.constant 16 : i32
      %dma_start3A_416 = arith.constant 0 : i32
      %dma_start3A_417 = tpu.memref_slice %arg6[%dma_start3A_413, %dma_start3A_415, %dma_start3A_416] : memref<2x32x128xf32, #tpu.memory_space<vmem>> -> memref<1x8x128xf32, #tpu.memory_space<vmem>>
      %dma_start3A_418 = tpu.memref_squeeze %dma_start3A_417 : memref<1x8x128xf32, #tpu.memory_space<vmem>> -> memref<8x128xf32, #tpu.memory_space<vmem>>
      %dma_start3A_419 = arith.constant 16 : i32
      %dma_start3A_420 = tpu.memref_slice %arg3[%dma_start3A_419, %mul3A_412] : memref<32x1000000xf32, #tpu.memory_space<hbm>> -> memref<8x128xf32, #tpu.memory_space<hbm>>
      %dma_start3A_421 = tpu.memref_slice %arg8[%dma_start3A_414] : memref<2x!tpu.dma_semaphore, #tpu.memory_space<semaphore_mem>> -> memref<1x!tpu.dma_semaphore, #tpu.memory_space<semaphore_mem>>
      %dma_start3A_422 = tpu.memref_squeeze %dma_start3A_421 : memref<1x!tpu.dma_semaphore, #tpu.memory_space<semaphore_mem>> -> memref<!tpu.dma_semaphore, #tpu.memory_space<semaphore_mem>>
      %dma_start3A_423 = arith.constant 16 : i32
      %dma_start3A_424 = arith.constant 0 : i32
      %dma_start3A_425 = tpu.memref_slice %arg6[%dma_start3A_413, %dma_start3A_423, %dma_start3A_424] : memref<2x32x128xf32, #tpu.memory_space<vmem>> -> memref<1x8x128xf32, #tpu.memory_space<vmem>>
      %dma_start3A_426 = tpu.memref_squeeze %dma_start3A_425 : memref<1x8x128xf32, #tpu.memory_space<vmem>> -> memref<8x128xf32, #tpu.memory_space<vmem>>
      %dma_start3A_427 = arith.constant 16 : i32
      %dma_start3A_428 = tpu.memref_slice %arg3[%dma_start3A_427, %mul3A_412] : memref<32x1000000xf32, #tpu.memory_space<hbm>> -> memref<8x128xf32, #tpu.memory_space<hbm>>
      tpu.enqueue_dma source(%dma_start3A_428 : memref<8x128xf32, #tpu.memory_space<hbm>>) target(%dma_start3A_426 : memref<8x128xf32, #tpu.memory_space<vmem>>) target_semaphore(%dma_start3A_422 : memref<!tpu.dma_semaphore, #tpu.memory_space<semaphore_mem>>)
      %mul3A_429 = arith.constant 128 : i32
      %mul3A_430 = arith.muli %shift_right_logical3A_374, %mul3A_429 : i32
      %dma_start3A_431 = arith.constant 0 : i32
      %dma_start3A_432 = arith.constant 0 : i32
      %dma_start3A_433 = arith.constant 24 : i32
      %dma_start3A_434 = arith.constant 0 : i32
      %dma_start3A_435 = tpu.memref_slice %arg6[%dma_start3A_431, %dma_start3A_433, %dma_start3A_434] : memref<2x32x128xf32, #tpu.memory_space<vmem>> -> memref<1x8x128xf32, #tpu.memory_space<vmem>>
      %dma_start3A_436 = tpu.memref_squeeze %dma_start3A_435 : memref<1x8x128xf32, #tpu.memory_space<vmem>> -> memref<8x128xf32, #tpu.memory_space<vmem>>
      %dma_start3A_437 = arith.constant 24 : i32
      %dma_start3A_438 = tpu.memref_slice %arg3[%dma_start3A_437, %mul3A_430] : memref<32x1000000xf32, #tpu.memory_space<hbm>> -> memref<8x128xf32, #tpu.memory_space<hbm>>
      %dma_start3A_439 = tpu.memref_slice %arg8[%dma_start3A_432] : memref<2x!tpu.dma_semaphore, #tpu.memory_space<semaphore_mem>> -> memref<1x!tpu.dma_semaphore, #tpu.memory_space<semaphore_mem>>
      %dma_start3A_440 = tpu.memref_squeeze %dma_start3A_439 : memref<1x!tpu.dma_semaphore, #tpu.memory_space<semaphore_mem>> -> memref<!tpu.dma_semaphore, #tpu.memory_space<semaphore_mem>>
      %dma_start3A_441 = arith.constant 24 : i32
      %dma_start3A_442 = arith.constant 0 : i32
      %dma_start3A_443 = tpu.memref_slice %arg6[%dma_start3A_431, %dma_start3A_441, %dma_start3A_442] : memref<2x32x128xf32, #tpu.memory_space<vmem>> -> memref<1x8x128xf32, #tpu.memory_space<vmem>>
      %dma_start3A_444 = tpu.memref_squeeze %dma_start3A_443 : memref<1x8x128xf32, #tpu.memory_space<vmem>> -> memref<8x128xf32, #tpu.memory_space<vmem>>
      %dma_start3A_445 = arith.constant 24 : i32
      %dma_start3A_446 = tpu.memref_slice %arg3[%dma_start3A_445, %mul3A_430] : memref<32x1000000xf32, #tpu.memory_space<hbm>> -> memref<8x128xf32, #tpu.memory_space<hbm>>
      tpu.enqueue_dma source(%dma_start3A_446 : memref<8x128xf32, #tpu.memory_space<hbm>>) target(%dma_start3A_444 : memref<8x128xf32, #tpu.memory_space<vmem>>) target_semaphore(%dma_start3A_440 : memref<!tpu.dma_semaphore, #tpu.memory_space<semaphore_mem>>)
      %shift_right_logical3A_447 = arith.constant 7 : i32
      %shift_right_logical3A_448 = arith.shrui %squeeze3A_372, %shift_right_logical3A_447 : i32
      %mul3A_449 = arith.constant 128 : i32
      %mul3A_450 = arith.muli %shift_right_logical3A_448, %mul3A_449 : i32
      %dma_wait3A_451 = arith.constant 0 : i32
      %dma_wait3A_452 = arith.constant 0 : i32
      %dma_wait3A_453 = arith.constant 0 : i32
      %dma_wait3A_454 = arith.constant 0 : i32
      %dma_wait3A_455 = tpu.memref_slice %arg6[%dma_wait3A_451, %dma_wait3A_453, %dma_wait3A_454] : memref<2x32x128xf32, #tpu.memory_space<vmem>> -> memref<1x8x128xf32, #tpu.memory_space<vmem>>
      %dma_wait3A_456 = tpu.memref_squeeze %dma_wait3A_455 : memref<1x8x128xf32, #tpu.memory_space<vmem>> -> memref<8x128xf32, #tpu.memory_space<vmem>>
      %dma_wait3A_457 = arith.constant 0 : i32
      %dma_wait3A_458 = tpu.memref_slice %arg3[%dma_wait3A_457, %mul3A_450] : memref<32x1000000xf32, #tpu.memory_space<hbm>> -> memref<8x128xf32, #tpu.memory_space<hbm>>
      %dma_wait3A_459 = tpu.memref_slice %arg8[%dma_wait3A_452] : memref<2x!tpu.dma_semaphore, #tpu.memory_space<semaphore_mem>> -> memref<1x!tpu.dma_semaphore, #tpu.memory_space<semaphore_mem>>
      %dma_wait3A_460 = tpu.memref_squeeze %dma_wait3A_459 : memref<1x!tpu.dma_semaphore, #tpu.memory_space<semaphore_mem>> -> memref<!tpu.dma_semaphore, #tpu.memory_space<semaphore_mem>>
      %dma_wait3A_461 = arith.constant 0 : i32
      %dma_wait3A_462 = arith.constant 0 : i32
      %dma_wait3A_463 = tpu.memref_slice %arg6[%dma_wait3A_451, %dma_wait3A_461, %dma_wait3A_462] : memref<2x32x128xf32, #tpu.memory_space<vmem>> -> memref<1x8x128xf32, #tpu.memory_space<vmem>>
      %dma_wait3A_464 = tpu.memref_squeeze %dma_wait3A_463 : memref<1x8x128xf32, #tpu.memory_space<vmem>> -> memref<8x128xf32, #tpu.memory_space<vmem>>
      %dma_wait3A_465 = arith.constant 0 : i32
      %dma_wait3A_466 = tpu.memref_slice %arg3[%dma_wait3A_465, %mul3A_450] : memref<32x1000000xf32, #tpu.memory_space<hbm>> -> memref<8x128xf32, #tpu.memory_space<hbm>>
      tpu.wait_dma2 semaphore(%dma_wait3A_460 : memref<!tpu.dma_semaphore, #tpu.memory_space<semaphore_mem>>) src(%dma_wait3A_466 : memref<8x128xf32, #tpu.memory_space<hbm>>) dst(%dma_wait3A_464 : memref<8x128xf32, #tpu.memory_space<vmem>>)
      %mul3A_467 = arith.constant 128 : i32
      %mul3A_468 = arith.muli %shift_right_logical3A_448, %mul3A_467 : i32
      %dma_wait3A_469 = arith.constant 0 : i32
      %dma_wait3A_470 = arith.constant 0 : i32
      %dma_wait3A_471 = arith.constant 8 : i32
      %dma_wait3A_472 = arith.constant 0 : i32
      %dma_wait3A_473 = tpu.memref_slice %arg6[%dma_wait3A_469, %dma_wait3A_471, %dma_wait3A_472] : memref<2x32x128xf32, #tpu.memory_space<vmem>> -> memref<1x8x128xf32, #tpu.memory_space<vmem>>
      %dma_wait3A_474 = tpu.memref_squeeze %dma_wait3A_473 : memref<1x8x128xf32, #tpu.memory_space<vmem>> -> memref<8x128xf32, #tpu.memory_space<vmem>>
      %dma_wait3A_475 = arith.constant 8 : i32
      %dma_wait3A_476 = tpu.memref_slice %arg3[%dma_wait3A_475, %mul3A_468] : memref<32x1000000xf32, #tpu.memory_space<hbm>> -> memref<8x128xf32, #tpu.memory_space<hbm>>
      %dma_wait3A_477 = tpu.memref_slice %arg8[%dma_wait3A_470] : memref<2x!tpu.dma_semaphore, #tpu.memory_space<semaphore_mem>> -> memref<1x!tpu.dma_semaphore, #tpu.memory_space<semaphore_mem>>
      %dma_wait3A_478 = tpu.memref_squeeze %dma_wait3A_477 : memref<1x!tpu.dma_semaphore, #tpu.memory_space<semaphore_mem>> -> memref<!tpu.dma_semaphore, #tpu.memory_space<semaphore_mem>>
      %dma_wait3A_479 = arith.constant 8 : i32
      %dma_wait3A_480 = arith.constant 0 : i32
      %dma_wait3A_481 = tpu.memref_slice %arg6[%dma_wait3A_469, %dma_wait3A_479, %dma_wait3A_480] : memref<2x32x128xf32, #tpu.memory_space<vmem>> -> memref<1x8x128xf32, #tpu.memory_space<vmem>>
      %dma_wait3A_482 = tpu.memref_squeeze %dma_wait3A_481 : memref<1x8x128xf32, #tpu.memory_space<vmem>> -> memref<8x128xf32, #tpu.memory_space<vmem>>
      %dma_wait3A_483 = arith.constant 8 : i32
      %dma_wait3A_484 = tpu.memref_slice %arg3[%dma_wait3A_483, %mul3A_468] : memref<32x1000000xf32, #tpu.memory_space<hbm>> -> memref<8x128xf32, #tpu.memory_space<hbm>>
      tpu.wait_dma2 semaphore(%dma_wait3A_478 : memref<!tpu.dma_semaphore, #tpu.memory_space<semaphore_mem>>) src(%dma_wait3A_484 : memref<8x128xf32, #tpu.memory_space<hbm>>) dst(%dma_wait3A_482 : memref<8x128xf32, #tpu.memory_space<vmem>>)
      %mul3A_485 = arith.constant 128 : i32
      %mul3A_486 = arith.muli %shift_right_logical3A_448, %mul3A_485 : i32
      %dma_wait3A_487 = arith.constant 0 : i32
      %dma_wait3A_488 = arith.constant 0 : i32
      %dma_wait3A_489 = arith.constant 16 : i32
      %dma_wait3A_490 = arith.constant 0 : i32
      %dma_wait3A_491 = tpu.memref_slice %arg6[%dma_wait3A_487, %dma_wait3A_489, %dma_wait3A_490] : memref<2x32x128xf32, #tpu.memory_space<vmem>> -> memref<1x8x128xf32, #tpu.memory_space<vmem>>
      %dma_wait3A_492 = tpu.memref_squeeze %dma_wait3A_491 : memref<1x8x128xf32, #tpu.memory_space<vmem>> -> memref<8x128xf32, #tpu.memory_space<vmem>>
      %dma_wait3A_493 = arith.constant 16 : i32
      %dma_wait3A_494 = tpu.memref_slice %arg3[%dma_wait3A_493, %mul3A_486] : memref<32x1000000xf32, #tpu.memory_space<hbm>> -> memref<8x128xf32, #tpu.memory_space<hbm>>
      %dma_wait3A_495 = tpu.memref_slice %arg8[%dma_wait3A_488] : memref<2x!tpu.dma_semaphore, #tpu.memory_space<semaphore_mem>> -> memref<1x!tpu.dma_semaphore, #tpu.memory_space<semaphore_mem>>
      %dma_wait3A_496 = tpu.memref_squeeze %dma_wait3A_495 : memref<1x!tpu.dma_semaphore, #tpu.memory_space<semaphore_mem>> -> memref<!tpu.dma_semaphore, #tpu.memory_space<semaphore_mem>>
      %dma_wait3A_497 = arith.constant 16 : i32
      %dma_wait3A_498 = arith.constant 0 : i32
      %dma_wait3A_499 = tpu.memref_slice %arg6[%dma_wait3A_487, %dma_wait3A_497, %dma_wait3A_498] : memref<2x32x128xf32, #tpu.memory_space<vmem>> -> memref<1x8x128xf32, #tpu.memory_space<vmem>>
      %dma_wait3A_500 = tpu.memref_squeeze %dma_wait3A_499 : memref<1x8x128xf32, #tpu.memory_space<vmem>> -> memref<8x128xf32, #tpu.memory_space<vmem>>
      %dma_wait3A_501 = arith.constant 16 : i32
      %dma_wait3A_502 = tpu.memref_slice %arg3[%dma_wait3A_501, %mul3A_486] : memref<32x1000000xf32, #tpu.memory_space<hbm>> -> memref<8x128xf32, #tpu.memory_space<hbm>>
      tpu.wait_dma2 semaphore(%dma_wait3A_496 : memref<!tpu.dma_semaphore, #tpu.memory_space<semaphore_mem>>) src(%dma_wait3A_502 : memref<8x128xf32, #tpu.memory_space<hbm>>) dst(%dma_wait3A_500 : memref<8x128xf32, #tpu.memory_space<vmem>>)
      %mul3A_503 = arith.constant 128 : i32
      %mul3A_504 = arith.muli %shift_right_logical3A_448, %mul3A_503 : i32
      %dma_wait3A_505 = arith.constant 0 : i32
      %dma_wait3A_506 = arith.constant 0 : i32
      %dma_wait3A_507 = arith.constant 24 : i32
      %dma_wait3A_508 = arith.constant 0 : i32
      %dma_wait3A_509 = tpu.memref_slice %arg6[%dma_wait3A_505, %dma_wait3A_507, %dma_wait3A_508] : memref<2x32x128xf32, #tpu.memory_space<vmem>> -> memref<1x8x128xf32, #tpu.memory_space<vmem>>
      %dma_wait3A_510 = tpu.memref_squeeze %dma_wait3A_509 : memref<1x8x128xf32, #tpu.memory_space<vmem>> -> memref<8x128xf32, #tpu.memory_space<vmem>>
      %dma_wait3A_511 = arith.constant 24 : i32
      %dma_wait3A_512 = tpu.memref_slice %arg3[%dma_wait3A_511, %mul3A_504] : memref<32x1000000xf32, #tpu.memory_space<hbm>> -> memref<8x128xf32, #tpu.memory_space<hbm>>
      %dma_wait3A_513 = tpu.memref_slice %arg8[%dma_wait3A_506] : memref<2x!tpu.dma_semaphore, #tpu.memory_space<semaphore_mem>> -> memref<1x!tpu.dma_semaphore, #tpu.memory_space<semaphore_mem>>
      %dma_wait3A_514 = tpu.memref_squeeze %dma_wait3A_513 : memref<1x!tpu.dma_semaphore, #tpu.memory_space<semaphore_mem>> -> memref<!tpu.dma_semaphore, #tpu.memory_space<semaphore_mem>>
      %dma_wait3A_515 = arith.constant 24 : i32
      %dma_wait3A_516 = arith.constant 0 : i32
      %dma_wait3A_517 = tpu.memref_slice %arg6[%dma_wait3A_505, %dma_wait3A_515, %dma_wait3A_516] : memref<2x32x128xf32, #tpu.memory_space<vmem>> -> memref<1x8x128xf32, #tpu.memory_space<vmem>>
      %dma_wait3A_518 = tpu.memref_squeeze %dma_wait3A_517 : memref<1x8x128xf32, #tpu.memory_space<vmem>> -> memref<8x128xf32, #tpu.memory_space<vmem>>
      %dma_wait3A_519 = arith.constant 24 : i32
      %dma_wait3A_520 = tpu.memref_slice %arg3[%dma_wait3A_519, %mul3A_504] : memref<32x1000000xf32, #tpu.memory_space<hbm>> -> memref<8x128xf32, #tpu.memory_space<hbm>>
      tpu.wait_dma2 semaphore(%dma_wait3A_514 : memref<!tpu.dma_semaphore, #tpu.memory_space<semaphore_mem>>) src(%dma_wait3A_520 : memref<8x128xf32, #tpu.memory_space<hbm>>) dst(%dma_wait3A_518 : memref<8x128xf32, #tpu.memory_space<vmem>>)
      %mul3A_521 = arith.constant 16 : i32
      %mul3A_522 = arith.muli %scan3A_8, %mul3A_521 : i32
      %add3A_523 = arith.constant 2 : i32
      %add3A_524 = arith.addi %mul3A_522, %add3A_523 : i32
      %and3A_525 = arith.constant 127 : i32
      %and3A_526 = arith.andi %squeeze3A_372, %and3A_525 : i32
      %broadcast_in_dim3A_527 = arith.constant 0 : i32
      %broadcast_in_dim3A_528 = vector.broadcast %broadcast_in_dim3A_527 : i32 to vector<16xi32>
      %add3A_529 = vector.broadcast %and3A_526 : i32 to vector<16xi32>
      %add3A_530 = arith.addi %broadcast_in_dim3A_528, %add3A_529 : vector<16xi32>
      %broadcast_in_dim3A_531 = arith.constant 0 : i32
      %broadcast_in_dim3A_532 = vector.broadcast %broadcast_in_dim3A_531 : i32 to vector<16xi32>
      %add3A_533 = vector.broadcast %add3A_524 : i32 to vector<16xi32>
      %add3A_534 = arith.addi %broadcast_in_dim3A_532, %add3A_533 : vector<16xi32>
      %iota3A_535 = tpu.iota {dimensions = array<i32: 0>} : vector<16xi32>
      %add3A_536 = arith.constant 0 : i32
      %add3A_537 = vector.broadcast %add3A_536 : i32 to vector<16xi32>
      %add3A_538 = arith.addi %iota3A_535, %add3A_537 : vector<16xi32>
      %gather3A_539 = arith.constant 0 : i32
      %gather3A_540 = arith.constant 0 : i32
      %gather3A_541 = arith.constant 0 : i32
      %gather3A_542 = tpu.memref_slice %arg6[%gather3A_539, %gather3A_540, %gather3A_541] : memref<2x32x128xf32, #tpu.memory_space<vmem>> -> memref<1x32x128xf32, #tpu.memory_space<vmem>>
      %gather3A_543 = tpu.memref_squeeze %gather3A_542 : memref<1x32x128xf32, #tpu.memory_space<vmem>> -> memref<32x128xf32, #tpu.memory_space<vmem>>
      %gather3A_544 = tpu.vector_load_idx %gather3A_543[%add3A_538, %add3A_530] : memref<32x128xf32, #tpu.memory_space<vmem>>[vector<16xi32>, vector<16xi32>], vector<16xf32>,
      tpu.vector_store_idx %arg7[%add3A_538, %add3A_534], %gather3A_544 : memref<32x128xf32, #tpu.memory_space<vmem>>[vector<16xi32>, vector<16xi32>], vector<16xf32>,
      %iota3A_545 = tpu.iota {dimensions = array<i32: 0>} : vector<16xi32>
      %add3A_546 = arith.constant 16 : i32
      %add3A_547 = vector.broadcast %add3A_546 : i32 to vector<16xi32>
      %add3A_548 = arith.addi %iota3A_545, %add3A_547 : vector<16xi32>
      %gather3A_549 = arith.constant 0 : i32
      %gather3A_550 = arith.constant 0 : i32
      %gather3A_551 = arith.constant 0 : i32
      %gather3A_552 = tpu.memref_slice %arg6[%gather3A_549, %gather3A_550, %gather3A_551] : memref<2x32x128xf32, #tpu.memory_space<vmem>> -> memref<1x32x128xf32, #tpu.memory_space<vmem>>
      %gather3A_553 = tpu.memref_squeeze %gather3A_552 : memref<1x32x128xf32, #tpu.memory_space<vmem>> -> memref<32x128xf32, #tpu.memory_space<vmem>>
      %gather3A_554 = tpu.vector_load_idx %gather3A_553[%add3A_548, %add3A_530] : memref<32x128xf32, #tpu.memory_space<vmem>>[vector<16xi32>, vector<16xi32>], vector<16xf32>,
      tpu.vector_store_idx %arg7[%add3A_548, %add3A_534], %gather3A_554 : memref<32x128xf32, #tpu.memory_space<vmem>>[vector<16xi32>, vector<16xi32>], vector<16xf32>,
      %slice3A_555 = vector.extract_strided_slice %get3A_11 {offsets = [3], sizes = [1], strides = [1]} : vector<16xi32> to vector<1xi32>
      %squeeze3A_556 = vector.extract %slice3A_555[0] : i32 from vector<1xi32>
      %shift_right_logical3A_557 = arith.constant 7 : i32
      %shift_right_logical3A_558 = arith.shrui %squeeze3A_556, %shift_right_logical3A_557 : i32
      %mul3A_559 = arith.constant 128 : i32
      %mul3A_560 = arith.muli %shift_right_logical3A_558, %mul3A_559 : i32
      %dma_start3A_561 = arith.constant 1 : i32
      %dma_start3A_562 = arith.constant 1 : i32
      %dma_start3A_563 = arith.constant 0 : i32
      %dma_start3A_564 = arith.constant 0 : i32
      %dma_start3A_565 = tpu.memref_slice %arg6[%dma_start3A_561, %dma_start3A_563, %dma_start3A_564] : memref<2x32x128xf32, #tpu.memory_space<vmem>> -> memref<1x8x128xf32, #tpu.memory_space<vmem>>
      %dma_start3A_566 = tpu.memref_squeeze %dma_start3A_565 : memref<1x8x128xf32, #tpu.memory_space<vmem>> -> memref<8x128xf32, #tpu.memory_space<vmem>>
      %dma_start3A_567 = arith.constant 0 : i32
      %dma_start3A_568 = tpu.memref_slice %arg3[%dma_start3A_567, %mul3A_560] : memref<32x1000000xf32, #tpu.memory_space<hbm>> -> memref<8x128xf32, #tpu.memory_space<hbm>>
      %dma_start3A_569 = tpu.memref_slice %arg8[%dma_start3A_562] : memref<2x!tpu.dma_semaphore, #tpu.memory_space<semaphore_mem>> -> memref<1x!tpu.dma_semaphore, #tpu.memory_space<semaphore_mem>>
      %dma_start3A_570 = tpu.memref_squeeze %dma_start3A_569 : memref<1x!tpu.dma_semaphore, #tpu.memory_space<semaphore_mem>> -> memref<!tpu.dma_semaphore, #tpu.memory_space<semaphore_mem>>
      %dma_start3A_571 = arith.constant 0 : i32
      %dma_start3A_572 = arith.constant 0 : i32
      %dma_start3A_573 = tpu.memref_slice %arg6[%dma_start3A_561, %dma_start3A_571, %dma_start3A_572] : memref<2x32x128xf32, #tpu.memory_space<vmem>> -> memref<1x8x128xf32, #tpu.memory_space<vmem>>
      %dma_start3A_574 = tpu.memref_squeeze %dma_start3A_573 : memref<1x8x128xf32, #tpu.memory_space<vmem>> -> memref<8x128xf32, #tpu.memory_space<vmem>>
      %dma_start3A_575 = arith.constant 0 : i32
      %dma_start3A_576 = tpu.memref_slice %arg3[%dma_start3A_575, %mul3A_560] : memref<32x1000000xf32, #tpu.memory_space<hbm>> -> memref<8x128xf32, #tpu.memory_space<hbm>>
      tpu.enqueue_dma source(%dma_start3A_576 : memref<8x128xf32, #tpu.memory_space<hbm>>) target(%dma_start3A_574 : memref<8x128xf32, #tpu.memory_space<vmem>>) target_semaphore(%dma_start3A_570 : memref<!tpu.dma_semaphore, #tpu.memory_space<semaphore_mem>>)
      %mul3A_577 = arith.constant 128 : i32
      %mul3A_578 = arith.muli %shift_right_logical3A_558, %mul3A_577 : i32
      %dma_start3A_579 = arith.constant 1 : i32
      %dma_start3A_580 = arith.constant 1 : i32
      %dma_start3A_581 = arith.constant 8 : i32
      %dma_start3A_582 = arith.constant 0 : i32
      %dma_start3A_583 = tpu.memref_slice %arg6[%dma_start3A_579, %dma_start3A_581, %dma_start3A_582] : memref<2x32x128xf32, #tpu.memory_space<vmem>> -> memref<1x8x128xf32, #tpu.memory_space<vmem>>
      %dma_start3A_584 = tpu.memref_squeeze %dma_start3A_583 : memref<1x8x128xf32, #tpu.memory_space<vmem>> -> memref<8x128xf32, #tpu.memory_space<vmem>>
      %dma_start3A_585 = arith.constant 8 : i32
      %dma_start3A_586 = tpu.memref_slice %arg3[%dma_start3A_585, %mul3A_578] : memref<32x1000000xf32, #tpu.memory_space<hbm>> -> memref<8x128xf32, #tpu.memory_space<hbm>>
      %dma_start3A_587 = tpu.memref_slice %arg8[%dma_start3A_580] : memref<2x!tpu.dma_semaphore, #tpu.memory_space<semaphore_mem>> -> memref<1x!tpu.dma_semaphore, #tpu.memory_space<semaphore_mem>>
      %dma_start3A_588 = tpu.memref_squeeze %dma_start3A_587 : memref<1x!tpu.dma_semaphore, #tpu.memory_space<semaphore_mem>> -> memref<!tpu.dma_semaphore, #tpu.memory_space<semaphore_mem>>
      %dma_start3A_589 = arith.constant 8 : i32
      %dma_start3A_590 = arith.constant 0 : i32
      %dma_start3A_591 = tpu.memref_slice %arg6[%dma_start3A_579, %dma_start3A_589, %dma_start3A_590] : memref<2x32x128xf32, #tpu.memory_space<vmem>> -> memref<1x8x128xf32, #tpu.memory_space<vmem>>
      %dma_start3A_592 = tpu.memref_squeeze %dma_start3A_591 : memref<1x8x128xf32, #tpu.memory_space<vmem>> -> memref<8x128xf32, #tpu.memory_space<vmem>>
      %dma_start3A_593 = arith.constant 8 : i32
      %dma_start3A_594 = tpu.memref_slice %arg3[%dma_start3A_593, %mul3A_578] : memref<32x1000000xf32, #tpu.memory_space<hbm>> -> memref<8x128xf32, #tpu.memory_space<hbm>>
      tpu.enqueue_dma source(%dma_start3A_594 : memref<8x128xf32, #tpu.memory_space<hbm>>) target(%dma_start3A_592 : memref<8x128xf32, #tpu.memory_space<vmem>>) target_semaphore(%dma_start3A_588 : memref<!tpu.dma_semaphore, #tpu.memory_space<semaphore_mem>>)
      %mul3A_595 = arith.constant 128 : i32
      %mul3A_596 = arith.muli %shift_right_logical3A_558, %mul3A_595 : i32
      %dma_start3A_597 = arith.constant 1 : i32
      %dma_start3A_598 = arith.constant 1 : i32
      %dma_start3A_599 = arith.constant 16 : i32
      %dma_start3A_600 = arith.constant 0 : i32
      %dma_start3A_601 = tpu.memref_slice %arg6[%dma_start3A_597, %dma_start3A_599, %dma_start3A_600] : memref<2x32x128xf32, #tpu.memory_space<vmem>> -> memref<1x8x128xf32, #tpu.memory_space<vmem>>
      %dma_start3A_602 = tpu.memref_squeeze %dma_start3A_601 : memref<1x8x128xf32, #tpu.memory_space<vmem>> -> memref<8x128xf32, #tpu.memory_space<vmem>>
      %dma_start3A_603 = arith.constant 16 : i32
      %dma_start3A_604 = tpu.memref_slice %arg3[%dma_start3A_603, %mul3A_596] : memref<32x1000000xf32, #tpu.memory_space<hbm>> -> memref<8x128xf32, #tpu.memory_space<hbm>>
      %dma_start3A_605 = tpu.memref_slice %arg8[%dma_start3A_598] : memref<2x!tpu.dma_semaphore, #tpu.memory_space<semaphore_mem>> -> memref<1x!tpu.dma_semaphore, #tpu.memory_space<semaphore_mem>>
      %dma_start3A_606 = tpu.memref_squeeze %dma_start3A_605 : memref<1x!tpu.dma_semaphore, #tpu.memory_space<semaphore_mem>> -> memref<!tpu.dma_semaphore, #tpu.memory_space<semaphore_mem>>
      %dma_start3A_607 = arith.constant 16 : i32
      %dma_start3A_608 = arith.constant 0 : i32
      %dma_start3A_609 = tpu.memref_slice %arg6[%dma_start3A_597, %dma_start3A_607, %dma_start3A_608] : memref<2x32x128xf32, #tpu.memory_space<vmem>> -> memref<1x8x128xf32, #tpu.memory_space<vmem>>
      %dma_start3A_610 = tpu.memref_squeeze %dma_start3A_609 : memref<1x8x128xf32, #tpu.memory_space<vmem>> -> memref<8x128xf32, #tpu.memory_space<vmem>>
      %dma_start3A_611 = arith.constant 16 : i32
      %dma_start3A_612 = tpu.memref_slice %arg3[%dma_start3A_611, %mul3A_596] : memref<32x1000000xf32, #tpu.memory_space<hbm>> -> memref<8x128xf32, #tpu.memory_space<hbm>>
      tpu.enqueue_dma source(%dma_start3A_612 : memref<8x128xf32, #tpu.memory_space<hbm>>) target(%dma_start3A_610 : memref<8x128xf32, #tpu.memory_space<vmem>>) target_semaphore(%dma_start3A_606 : memref<!tpu.dma_semaphore, #tpu.memory_space<semaphore_mem>>)
      %mul3A_613 = arith.constant 128 : i32
      %mul3A_614 = arith.muli %shift_right_logical3A_558, %mul3A_613 : i32
      %dma_start3A_615 = arith.constant 1 : i32
      %dma_start3A_616 = arith.constant 1 : i32
      %dma_start3A_617 = arith.constant 24 : i32
      %dma_start3A_618 = arith.constant 0 : i32
      %dma_start3A_619 = tpu.memref_slice %arg6[%dma_start3A_615, %dma_start3A_617, %dma_start3A_618] : memref<2x32x128xf32, #tpu.memory_space<vmem>> -> memref<1x8x128xf32, #tpu.memory_space<vmem>>
      %dma_start3A_620 = tpu.memref_squeeze %dma_start3A_619 : memref<1x8x128xf32, #tpu.memory_space<vmem>> -> memref<8x128xf32, #tpu.memory_space<vmem>>
      %dma_start3A_621 = arith.constant 24 : i32
      %dma_start3A_622 = tpu.memref_slice %arg3[%dma_start3A_621, %mul3A_614] : memref<32x1000000xf32, #tpu.memory_space<hbm>> -> memref<8x128xf32, #tpu.memory_space<hbm>>
      %dma_start3A_623 = tpu.memref_slice %arg8[%dma_start3A_616] : memref<2x!tpu.dma_semaphore, #tpu.memory_space<semaphore_mem>> -> memref<1x!tpu.dma_semaphore, #tpu.memory_space<semaphore_mem>>
      %dma_start3A_624 = tpu.memref_squeeze %dma_start3A_623 : memref<1x!tpu.dma_semaphore, #tpu.memory_space<semaphore_mem>> -> memref<!tpu.dma_semaphore, #tpu.memory_space<semaphore_mem>>
      %dma_start3A_625 = arith.constant 24 : i32
      %dma_start3A_626 = arith.constant 0 : i32
      %dma_start3A_627 = tpu.memref_slice %arg6[%dma_start3A_615, %dma_start3A_625, %dma_start3A_626] : memref<2x32x128xf32, #tpu.memory_space<vmem>> -> memref<1x8x128xf32, #tpu.memory_space<vmem>>
      %dma_start3A_628 = tpu.memref_squeeze %dma_start3A_627 : memref<1x8x128xf32, #tpu.memory_space<vmem>> -> memref<8x128xf32, #tpu.memory_space<vmem>>
      %dma_start3A_629 = arith.constant 24 : i32
      %dma_start3A_630 = tpu.memref_slice %arg3[%dma_start3A_629, %mul3A_614] : memref<32x1000000xf32, #tpu.memory_space<hbm>> -> memref<8x128xf32, #tpu.memory_space<hbm>>
      tpu.enqueue_dma source(%dma_start3A_630 : memref<8x128xf32, #tpu.memory_space<hbm>>) target(%dma_start3A_628 : memref<8x128xf32, #tpu.memory_space<vmem>>) target_semaphore(%dma_start3A_624 : memref<!tpu.dma_semaphore, #tpu.memory_space<semaphore_mem>>)
      %shift_right_logical3A_631 = arith.constant 7 : i32
      %shift_right_logical3A_632 = arith.shrui %squeeze3A_556, %shift_right_logical3A_631 : i32
      %mul3A_633 = arith.constant 128 : i32
      %mul3A_634 = arith.muli %shift_right_logical3A_632, %mul3A_633 : i32
      %dma_wait3A_635 = arith.constant 1 : i32
      %dma_wait3A_636 = arith.constant 1 : i32
      %dma_wait3A_637 = arith.constant 0 : i32
      %dma_wait3A_638 = arith.constant 0 : i32
      %dma_wait3A_639 = tpu.memref_slice %arg6[%dma_wait3A_635, %dma_wait3A_637, %dma_wait3A_638] : memref<2x32x128xf32, #tpu.memory_space<vmem>> -> memref<1x8x128xf32, #tpu.memory_space<vmem>>
      %dma_wait3A_640 = tpu.memref_squeeze %dma_wait3A_639 : memref<1x8x128xf32, #tpu.memory_space<vmem>> -> memref<8x128xf32, #tpu.memory_space<vmem>>
      %dma_wait3A_641 = arith.constant 0 : i32
      %dma_wait3A_642 = tpu.memref_slice %arg3[%dma_wait3A_641, %mul3A_634] : memref<32x1000000xf32, #tpu.memory_space<hbm>> -> memref<8x128xf32, #tpu.memory_space<hbm>>
      %dma_wait3A_643 = tpu.memref_slice %arg8[%dma_wait3A_636] : memref<2x!tpu.dma_semaphore, #tpu.memory_space<semaphore_mem>> -> memref<1x!tpu.dma_semaphore, #tpu.memory_space<semaphore_mem>>
      %dma_wait3A_644 = tpu.memref_squeeze %dma_wait3A_643 : memref<1x!tpu.dma_semaphore, #tpu.memory_space<semaphore_mem>> -> memref<!tpu.dma_semaphore, #tpu.memory_space<semaphore_mem>>
      %dma_wait3A_645 = arith.constant 0 : i32
      %dma_wait3A_646 = arith.constant 0 : i32
      %dma_wait3A_647 = tpu.memref_slice %arg6[%dma_wait3A_635, %dma_wait3A_645, %dma_wait3A_646] : memref<2x32x128xf32, #tpu.memory_space<vmem>> -> memref<1x8x128xf32, #tpu.memory_space<vmem>>
      %dma_wait3A_648 = tpu.memref_squeeze %dma_wait3A_647 : memref<1x8x128xf32, #tpu.memory_space<vmem>> -> memref<8x128xf32, #tpu.memory_space<vmem>>
      %dma_wait3A_649 = arith.constant 0 : i32
      %dma_wait3A_650 = tpu.memref_slice %arg3[%dma_wait3A_649, %mul3A_634] : memref<32x1000000xf32, #tpu.memory_space<hbm>> -> memref<8x128xf32, #tpu.memory_space<hbm>>
      tpu.wait_dma2 semaphore(%dma_wait3A_644 : memref<!tpu.dma_semaphore, #tpu.memory_space<semaphore_mem>>) src(%dma_wait3A_650 : memref<8x128xf32, #tpu.memory_space<hbm>>) dst(%dma_wait3A_648 : memref<8x128xf32, #tpu.memory_space<vmem>>)
      %mul3A_651 = arith.constant 128 : i32
      %mul3A_652 = arith.muli %shift_right_logical3A_632, %mul3A_651 : i32
      %dma_wait3A_653 = arith.constant 1 : i32
      %dma_wait3A_654 = arith.constant 1 : i32
      %dma_wait3A_655 = arith.constant 8 : i32
      %dma_wait3A_656 = arith.constant 0 : i32
      %dma_wait3A_657 = tpu.memref_slice %arg6[%dma_wait3A_653, %dma_wait3A_655, %dma_wait3A_656] : memref<2x32x128xf32, #tpu.memory_space<vmem>> -> memref<1x8x128xf32, #tpu.memory_space<vmem>>
      %dma_wait3A_658 = tpu.memref_squeeze %dma_wait3A_657 : memref<1x8x128xf32, #tpu.memory_space<vmem>> -> memref<8x128xf32, #tpu.memory_space<vmem>>
      %dma_wait3A_659 = arith.constant 8 : i32
      %dma_wait3A_660 = tpu.memref_slice %arg3[%dma_wait3A_659, %mul3A_652] : memref<32x1000000xf32, #tpu.memory_space<hbm>> -> memref<8x128xf32, #tpu.memory_space<hbm>>
      %dma_wait3A_661 = tpu.memref_slice %arg8[%dma_wait3A_654] : memref<2x!tpu.dma_semaphore, #tpu.memory_space<semaphore_mem>> -> memref<1x!tpu.dma_semaphore, #tpu.memory_space<semaphore_mem>>
      %dma_wait3A_662 = tpu.memref_squeeze %dma_wait3A_661 : memref<1x!tpu.dma_semaphore, #tpu.memory_space<semaphore_mem>> -> memref<!tpu.dma_semaphore, #tpu.memory_space<semaphore_mem>>
      %dma_wait3A_663 = arith.constant 8 : i32
      %dma_wait3A_664 = arith.constant 0 : i32
      %dma_wait3A_665 = tpu.memref_slice %arg6[%dma_wait3A_653, %dma_wait3A_663, %dma_wait3A_664] : memref<2x32x128xf32, #tpu.memory_space<vmem>> -> memref<1x8x128xf32, #tpu.memory_space<vmem>>
      %dma_wait3A_666 = tpu.memref_squeeze %dma_wait3A_665 : memref<1x8x128xf32, #tpu.memory_space<vmem>> -> memref<8x128xf32, #tpu.memory_space<vmem>>
      %dma_wait3A_667 = arith.constant 8 : i32
      %dma_wait3A_668 = tpu.memref_slice %arg3[%dma_wait3A_667, %mul3A_652] : memref<32x1000000xf32, #tpu.memory_space<hbm>> -> memref<8x128xf32, #tpu.memory_space<hbm>>
      tpu.wait_dma2 semaphore(%dma_wait3A_662 : memref<!tpu.dma_semaphore, #tpu.memory_space<semaphore_mem>>) src(%dma_wait3A_668 : memref<8x128xf32, #tpu.memory_space<hbm>>) dst(%dma_wait3A_666 : memref<8x128xf32, #tpu.memory_space<vmem>>)
      %mul3A_669 = arith.constant 128 : i32
      %mul3A_670 = arith.muli %shift_right_logical3A_632, %mul3A_669 : i32
      %dma_wait3A_671 = arith.constant 1 : i32
      %dma_wait3A_672 = arith.constant 1 : i32
      %dma_wait3A_673 = arith.constant 16 : i32
      %dma_wait3A_674 = arith.constant 0 : i32
      %dma_wait3A_675 = tpu.memref_slice %arg6[%dma_wait3A_671, %dma_wait3A_673, %dma_wait3A_674] : memref<2x32x128xf32, #tpu.memory_space<vmem>> -> memref<1x8x128xf32, #tpu.memory_space<vmem>>
      %dma_wait3A_676 = tpu.memref_squeeze %dma_wait3A_675 : memref<1x8x128xf32, #tpu.memory_space<vmem>> -> memref<8x128xf32, #tpu.memory_space<vmem>>
      %dma_wait3A_677 = arith.constant 16 : i32
      %dma_wait3A_678 = tpu.memref_slice %arg3[%dma_wait3A_677, %mul3A_670] : memref<32x1000000xf32, #tpu.memory_space<hbm>> -> memref<8x128xf32, #tpu.memory_space<hbm>>
      %dma_wait3A_679 = tpu.memref_slice %arg8[%dma_wait3A_672] : memref<2x!tpu.dma_semaphore, #tpu.memory_space<semaphore_mem>> -> memref<1x!tpu.dma_semaphore, #tpu.memory_space<semaphore_mem>>
      %dma_wait3A_680 = tpu.memref_squeeze %dma_wait3A_679 : memref<1x!tpu.dma_semaphore, #tpu.memory_space<semaphore_mem>> -> memref<!tpu.dma_semaphore, #tpu.memory_space<semaphore_mem>>
      %dma_wait3A_681 = arith.constant 16 : i32
      %dma_wait3A_682 = arith.constant 0 : i32
      %dma_wait3A_683 = tpu.memref_slice %arg6[%dma_wait3A_671, %dma_wait3A_681, %dma_wait3A_682] : memref<2x32x128xf32, #tpu.memory_space<vmem>> -> memref<1x8x128xf32, #tpu.memory_space<vmem>>
      %dma_wait3A_684 = tpu.memref_squeeze %dma_wait3A_683 : memref<1x8x128xf32, #tpu.memory_space<vmem>> -> memref<8x128xf32, #tpu.memory_space<vmem>>
      %dma_wait3A_685 = arith.constant 16 : i32
      %dma_wait3A_686 = tpu.memref_slice %arg3[%dma_wait3A_685, %mul3A_670] : memref<32x1000000xf32, #tpu.memory_space<hbm>> -> memref<8x128xf32, #tpu.memory_space<hbm>>
      tpu.wait_dma2 semaphore(%dma_wait3A_680 : memref<!tpu.dma_semaphore, #tpu.memory_space<semaphore_mem>>) src(%dma_wait3A_686 : memref<8x128xf32, #tpu.memory_space<hbm>>) dst(%dma_wait3A_684 : memref<8x128xf32, #tpu.memory_space<vmem>>)
      %mul3A_687 = arith.constant 128 : i32
      %mul3A_688 = arith.muli %shift_right_logical3A_632, %mul3A_687 : i32
      %dma_wait3A_689 = arith.constant 1 : i32
      %dma_wait3A_690 = arith.constant 1 : i32
      %dma_wait3A_691 = arith.constant 24 : i32
      %dma_wait3A_692 = arith.constant 0 : i32
      %dma_wait3A_693 = tpu.memref_slice %arg6[%dma_wait3A_689, %dma_wait3A_691, %dma_wait3A_692] : memref<2x32x128xf32, #tpu.memory_space<vmem>> -> memref<1x8x128xf32, #tpu.memory_space<vmem>>
      %dma_wait3A_694 = tpu.memref_squeeze %dma_wait3A_693 : memref<1x8x128xf32, #tpu.memory_space<vmem>> -> memref<8x128xf32, #tpu.memory_space<vmem>>
      %dma_wait3A_695 = arith.constant 24 : i32
      %dma_wait3A_696 = tpu.memref_slice %arg3[%dma_wait3A_695, %mul3A_688] : memref<32x1000000xf32, #tpu.memory_space<hbm>> -> memref<8x128xf32, #tpu.memory_space<hbm>>
      %dma_wait3A_697 = tpu.memref_slice %arg8[%dma_wait3A_690] : memref<2x!tpu.dma_semaphore, #tpu.memory_space<semaphore_mem>> -> memref<1x!tpu.dma_semaphore, #tpu.memory_space<semaphore_mem>>
      %dma_wait3A_698 = tpu.memref_squeeze %dma_wait3A_697 : memref<1x!tpu.dma_semaphore, #tpu.memory_space<semaphore_mem>> -> memref<!tpu.dma_semaphore, #tpu.memory_space<semaphore_mem>>
      %dma_wait3A_699 = arith.constant 24 : i32
      %dma_wait3A_700 = arith.constant 0 : i32
      %dma_wait3A_701 = tpu.memref_slice %arg6[%dma_wait3A_689, %dma_wait3A_699, %dma_wait3A_700] : memref<2x32x128xf32, #tpu.memory_space<vmem>> -> memref<1x8x128xf32, #tpu.memory_space<vmem>>
      %dma_wait3A_702 = tpu.memref_squeeze %dma_wait3A_701 : memref<1x8x128xf32, #tpu.memory_space<vmem>> -> memref<8x128xf32, #tpu.memory_space<vmem>>
      %dma_wait3A_703 = arith.constant 24 : i32
      %dma_wait3A_704 = tpu.memref_slice %arg3[%dma_wait3A_703, %mul3A_688] : memref<32x1000000xf32, #tpu.memory_space<hbm>> -> memref<8x128xf32, #tpu.memory_space<hbm>>
      tpu.wait_dma2 semaphore(%dma_wait3A_698 : memref<!tpu.dma_semaphore, #tpu.memory_space<semaphore_mem>>) src(%dma_wait3A_704 : memref<8x128xf32, #tpu.memory_space<hbm>>) dst(%dma_wait3A_702 : memref<8x128xf32, #tpu.memory_space<vmem>>)
      %mul3A_705 = arith.constant 16 : i32
      %mul3A_706 = arith.muli %scan3A_8, %mul3A_705 : i32
      %add3A_707 = arith.constant 3 : i32
      %add3A_708 = arith.addi %mul3A_706, %add3A_707 : i32
      %and3A_709 = arith.constant 127 : i32
      %and3A_710 = arith.andi %squeeze3A_556, %and3A_709 : i32
      %broadcast_in_dim3A_711 = arith.constant 0 : i32
      %broadcast_in_dim3A_712 = vector.broadcast %broadcast_in_dim3A_711 : i32 to vector<16xi32>
      %add3A_713 = vector.broadcast %and3A_710 : i32 to vector<16xi32>
      %add3A_714 = arith.addi %broadcast_in_dim3A_712, %add3A_713 : vector<16xi32>
      %broadcast_in_dim3A_715 = arith.constant 0 : i32
      %broadcast_in_dim3A_716 = vector.broadcast %broadcast_in_dim3A_715 : i32 to vector<16xi32>
      %add3A_717 = vector.broadcast %add3A_708 : i32 to vector<16xi32>
      %add3A_718 = arith.addi %broadcast_in_dim3A_716, %add3A_717 : vector<16xi32>
      %iota3A_719 = tpu.iota {dimensions = array<i32: 0>} : vector<16xi32>
      %add3A_720 = arith.constant 0 : i32
      %add3A_721 = vector.broadcast %add3A_720 : i32 to vector<16xi32>
      %add3A_722 = arith.addi %iota3A_719, %add3A_721 : vector<16xi32>
      %gather3A_723 = arith.constant 1 : i32
      %gather3A_724 = arith.constant 0 : i32
      %gather3A_725 = arith.constant 0 : i32
      %gather3A_726 = tpu.memref_slice %arg6[%gather3A_723, %gather3A_724, %gather3A_725] : memref<2x32x128xf32, #tpu.memory_space<vmem>> -> memref<1x32x128xf32, #tpu.memory_space<vmem>>
      %gather3A_727 = tpu.memref_squeeze %gather3A_726 : memref<1x32x128xf32, #tpu.memory_space<vmem>> -> memref<32x128xf32, #tpu.memory_space<vmem>>
      %gather3A_728 = tpu.vector_load_idx %gather3A_727[%add3A_722, %add3A_714] : memref<32x128xf32, #tpu.memory_space<vmem>>[vector<16xi32>, vector<16xi32>], vector<16xf32>,
      tpu.vector_store_idx %arg7[%add3A_722, %add3A_718], %gather3A_728 : memref<32x128xf32, #tpu.memory_space<vmem>>[vector<16xi32>, vector<16xi32>], vector<16xf32>,
      %iota3A_729 = tpu.iota {dimensions = array<i32: 0>} : vector<16xi32>
      %add3A_730 = arith.constant 16 : i32
      %add3A_731 = vector.broadcast %add3A_730 : i32 to vector<16xi32>
      %add3A_732 = arith.addi %iota3A_729, %add3A_731 : vector<16xi32>
      %gather3A_733 = arith.constant 1 : i32
      %gather3A_734 = arith.constant 0 : i32
      %gather3A_735 = arith.constant 0 : i32
      %gather3A_736 = tpu.memref_slice %arg6[%gather3A_733, %gather3A_734, %gather3A_735] : memref<2x32x128xf32, #tpu.memory_space<vmem>> -> memref<1x32x128xf32, #tpu.memory_space<vmem>>
      %gather3A_737 = tpu.memref_squeeze %gather3A_736 : memref<1x32x128xf32, #tpu.memory_space<vmem>> -> memref<32x128xf32, #tpu.memory_space<vmem>>
      %gather3A_738 = tpu.vector_load_idx %gather3A_737[%add3A_732, %add3A_714] : memref<32x128xf32, #tpu.memory_space<vmem>>[vector<16xi32>, vector<16xi32>], vector<16xf32>,
      tpu.vector_store_idx %arg7[%add3A_732, %add3A_718], %gather3A_738 : memref<32x128xf32, #tpu.memory_space<vmem>>[vector<16xi32>, vector<16xi32>], vector<16xf32>,
      %slice3A_739 = vector.extract_strided_slice %get3A_11 {offsets = [4], sizes = [1], strides = [1]} : vector<16xi32> to vector<1xi32>
      %squeeze3A_740 = vector.extract %slice3A_739[0] : i32 from vector<1xi32>
      %shift_right_logical3A_741 = arith.constant 7 : i32
      %shift_right_logical3A_742 = arith.shrui %squeeze3A_740, %shift_right_logical3A_741 : i32
      %mul3A_743 = arith.constant 128 : i32
      %mul3A_744 = arith.muli %shift_right_logical3A_742, %mul3A_743 : i32
      %dma_start3A_745 = arith.constant 0 : i32
      %dma_start3A_746 = arith.constant 0 : i32
      %dma_start3A_747 = arith.constant 0 : i32
      %dma_start3A_748 = arith.constant 0 : i32
      %dma_start3A_749 = tpu.memref_slice %arg6[%dma_start3A_745, %dma_start3A_747, %dma_start3A_748] : memref<2x32x128xf32, #tpu.memory_space<vmem>> -> memref<1x8x128xf32, #tpu.memory_space<vmem>>
      %dma_start3A_750 = tpu.memref_squeeze %dma_start3A_749 : memref<1x8x128xf32, #tpu.memory_space<vmem>> -> memref<8x128xf32, #tpu.memory_space<vmem>>
      %dma_start3A_751 = arith.constant 0 : i32
      %dma_start3A_752 = tpu.memref_slice %arg3[%dma_start3A_751, %mul3A_744] : memref<32x1000000xf32, #tpu.memory_space<hbm>> -> memref<8x128xf32, #tpu.memory_space<hbm>>
      %dma_start3A_753 = tpu.memref_slice %arg8[%dma_start3A_746] : memref<2x!tpu.dma_semaphore, #tpu.memory_space<semaphore_mem>> -> memref<1x!tpu.dma_semaphore, #tpu.memory_space<semaphore_mem>>
      %dma_start3A_754 = tpu.memref_squeeze %dma_start3A_753 : memref<1x!tpu.dma_semaphore, #tpu.memory_space<semaphore_mem>> -> memref<!tpu.dma_semaphore, #tpu.memory_space<semaphore_mem>>
      %dma_start3A_755 = arith.constant 0 : i32
      %dma_start3A_756 = arith.constant 0 : i32
      %dma_start3A_757 = tpu.memref_slice %arg6[%dma_start3A_745, %dma_start3A_755, %dma_start3A_756] : memref<2x32x128xf32, #tpu.memory_space<vmem>> -> memref<1x8x128xf32, #tpu.memory_space<vmem>>
      %dma_start3A_758 = tpu.memref_squeeze %dma_start3A_757 : memref<1x8x128xf32, #tpu.memory_space<vmem>> -> memref<8x128xf32, #tpu.memory_space<vmem>>
      %dma_start3A_759 = arith.constant 0 : i32
      %dma_start3A_760 = tpu.memref_slice %arg3[%dma_start3A_759, %mul3A_744] : memref<32x1000000xf32, #tpu.memory_space<hbm>> -> memref<8x128xf32, #tpu.memory_space<hbm>>
      tpu.enqueue_dma source(%dma_start3A_760 : memref<8x128xf32, #tpu.memory_space<hbm>>) target(%dma_start3A_758 : memref<8x128xf32, #tpu.memory_space<vmem>>) target_semaphore(%dma_start3A_754 : memref<!tpu.dma_semaphore, #tpu.memory_space<semaphore_mem>>)
      %mul3A_761 = arith.constant 128 : i32
      %mul3A_762 = arith.muli %shift_right_logical3A_742, %mul3A_761 : i32
      %dma_start3A_763 = arith.constant 0 : i32
      %dma_start3A_764 = arith.constant 0 : i32
      %dma_start3A_765 = arith.constant 8 : i32
      %dma_start3A_766 = arith.constant 0 : i32
      %dma_start3A_767 = tpu.memref_slice %arg6[%dma_start3A_763, %dma_start3A_765, %dma_start3A_766] : memref<2x32x128xf32, #tpu.memory_space<vmem>> -> memref<1x8x128xf32, #tpu.memory_space<vmem>>
      %dma_start3A_768 = tpu.memref_squeeze %dma_start3A_767 : memref<1x8x128xf32, #tpu.memory_space<vmem>> -> memref<8x128xf32, #tpu.memory_space<vmem>>
      %dma_start3A_769 = arith.constant 8 : i32
      %dma_start3A_770 = tpu.memref_slice %arg3[%dma_start3A_769, %mul3A_762] : memref<32x1000000xf32, #tpu.memory_space<hbm>> -> memref<8x128xf32, #tpu.memory_space<hbm>>
      %dma_start3A_771 = tpu.memref_slice %arg8[%dma_start3A_764] : memref<2x!tpu.dma_semaphore, #tpu.memory_space<semaphore_mem>> -> memref<1x!tpu.dma_semaphore, #tpu.memory_space<semaphore_mem>>
      %dma_start3A_772 = tpu.memref_squeeze %dma_start3A_771 : memref<1x!tpu.dma_semaphore, #tpu.memory_space<semaphore_mem>> -> memref<!tpu.dma_semaphore, #tpu.memory_space<semaphore_mem>>
      %dma_start3A_773 = arith.constant 8 : i32
      %dma_start3A_774 = arith.constant 0 : i32
      %dma_start3A_775 = tpu.memref_slice %arg6[%dma_start3A_763, %dma_start3A_773, %dma_start3A_774] : memref<2x32x128xf32, #tpu.memory_space<vmem>> -> memref<1x8x128xf32, #tpu.memory_space<vmem>>
      %dma_start3A_776 = tpu.memref_squeeze %dma_start3A_775 : memref<1x8x128xf32, #tpu.memory_space<vmem>> -> memref<8x128xf32, #tpu.memory_space<vmem>>
      %dma_start3A_777 = arith.constant 8 : i32
      %dma_start3A_778 = tpu.memref_slice %arg3[%dma_start3A_777, %mul3A_762] : memref<32x1000000xf32, #tpu.memory_space<hbm>> -> memref<8x128xf32, #tpu.memory_space<hbm>>
      tpu.enqueue_dma source(%dma_start3A_778 : memref<8x128xf32, #tpu.memory_space<hbm>>) target(%dma_start3A_776 : memref<8x128xf32, #tpu.memory_space<vmem>>) target_semaphore(%dma_start3A_772 : memref<!tpu.dma_semaphore, #tpu.memory_space<semaphore_mem>>)
      %mul3A_779 = arith.constant 128 : i32
      %mul3A_780 = arith.muli %shift_right_logical3A_742, %mul3A_779 : i32
      %dma_start3A_781 = arith.constant 0 : i32
      %dma_start3A_782 = arith.constant 0 : i32
      %dma_start3A_783 = arith.constant 16 : i32
      %dma_start3A_784 = arith.constant 0 : i32
      %dma_start3A_785 = tpu.memref_slice %arg6[%dma_start3A_781, %dma_start3A_783, %dma_start3A_784] : memref<2x32x128xf32, #tpu.memory_space<vmem>> -> memref<1x8x128xf32, #tpu.memory_space<vmem>>
      %dma_start3A_786 = tpu.memref_squeeze %dma_start3A_785 : memref<1x8x128xf32, #tpu.memory_space<vmem>> -> memref<8x128xf32, #tpu.memory_space<vmem>>
      %dma_start3A_787 = arith.constant 16 : i32
      %dma_start3A_788 = tpu.memref_slice %arg3[%dma_start3A_787, %mul3A_780] : memref<32x1000000xf32, #tpu.memory_space<hbm>> -> memref<8x128xf32, #tpu.memory_space<hbm>>
      %dma_start3A_789 = tpu.memref_slice %arg8[%dma_start3A_782] : memref<2x!tpu.dma_semaphore, #tpu.memory_space<semaphore_mem>> -> memref<1x!tpu.dma_semaphore, #tpu.memory_space<semaphore_mem>>
      %dma_start3A_790 = tpu.memref_squeeze %dma_start3A_789 : memref<1x!tpu.dma_semaphore, #tpu.memory_space<semaphore_mem>> -> memref<!tpu.dma_semaphore, #tpu.memory_space<semaphore_mem>>
      %dma_start3A_791 = arith.constant 16 : i32
      %dma_start3A_792 = arith.constant 0 : i32
      %dma_start3A_793 = tpu.memref_slice %arg6[%dma_start3A_781, %dma_start3A_791, %dma_start3A_792] : memref<2x32x128xf32, #tpu.memory_space<vmem>> -> memref<1x8x128xf32, #tpu.memory_space<vmem>>
      %dma_start3A_794 = tpu.memref_squeeze %dma_start3A_793 : memref<1x8x128xf32, #tpu.memory_space<vmem>> -> memref<8x128xf32, #tpu.memory_space<vmem>>
      %dma_start3A_795 = arith.constant 16 : i32
      %dma_start3A_796 = tpu.memref_slice %arg3[%dma_start3A_795, %mul3A_780] : memref<32x1000000xf32, #tpu.memory_space<hbm>> -> memref<8x128xf32, #tpu.memory_space<hbm>>
      tpu.enqueue_dma source(%dma_start3A_796 : memref<8x128xf32, #tpu.memory_space<hbm>>) target(%dma_start3A_794 : memref<8x128xf32, #tpu.memory_space<vmem>>) target_semaphore(%dma_start3A_790 : memref<!tpu.dma_semaphore, #tpu.memory_space<semaphore_mem>>)
      %mul3A_797 = arith.constant 128 : i32
      %mul3A_798 = arith.muli %shift_right_logical3A_742, %mul3A_797 : i32
      %dma_start3A_799 = arith.constant 0 : i32
      %dma_start3A_800 = arith.constant 0 : i32
      %dma_start3A_801 = arith.constant 24 : i32
      %dma_start3A_802 = arith.constant 0 : i32
      %dma_start3A_803 = tpu.memref_slice %arg6[%dma_start3A_799, %dma_start3A_801, %dma_start3A_802] : memref<2x32x128xf32, #tpu.memory_space<vmem>> -> memref<1x8x128xf32, #tpu.memory_space<vmem>>
      %dma_start3A_804 = tpu.memref_squeeze %dma_start3A_803 : memref<1x8x128xf32, #tpu.memory_space<vmem>> -> memref<8x128xf32, #tpu.memory_space<vmem>>
      %dma_start3A_805 = arith.constant 24 : i32
      %dma_start3A_806 = tpu.memref_slice %arg3[%dma_start3A_805, %mul3A_798] : memref<32x1000000xf32, #tpu.memory_space<hbm>> -> memref<8x128xf32, #tpu.memory_space<hbm>>
      %dma_start3A_807 = tpu.memref_slice %arg8[%dma_start3A_800] : memref<2x!tpu.dma_semaphore, #tpu.memory_space<semaphore_mem>> -> memref<1x!tpu.dma_semaphore, #tpu.memory_space<semaphore_mem>>
      %dma_start3A_808 = tpu.memref_squeeze %dma_start3A_807 : memref<1x!tpu.dma_semaphore, #tpu.memory_space<semaphore_mem>> -> memref<!tpu.dma_semaphore, #tpu.memory_space<semaphore_mem>>
      %dma_start3A_809 = arith.constant 24 : i32
      %dma_start3A_810 = arith.constant 0 : i32
      %dma_start3A_811 = tpu.memref_slice %arg6[%dma_start3A_799, %dma_start3A_809, %dma_start3A_810] : memref<2x32x128xf32, #tpu.memory_space<vmem>> -> memref<1x8x128xf32, #tpu.memory_space<vmem>>
      %dma_start3A_812 = tpu.memref_squeeze %dma_start3A_811 : memref<1x8x128xf32, #tpu.memory_space<vmem>> -> memref<8x128xf32, #tpu.memory_space<vmem>>
      %dma_start3A_813 = arith.constant 24 : i32
      %dma_start3A_814 = tpu.memref_slice %arg3[%dma_start3A_813, %mul3A_798] : memref<32x1000000xf32, #tpu.memory_space<hbm>> -> memref<8x128xf32, #tpu.memory_space<hbm>>
      tpu.enqueue_dma source(%dma_start3A_814 : memref<8x128xf32, #tpu.memory_space<hbm>>) target(%dma_start3A_812 : memref<8x128xf32, #tpu.memory_space<vmem>>) target_semaphore(%dma_start3A_808 : memref<!tpu.dma_semaphore, #tpu.memory_space<semaphore_mem>>)
      %shift_right_logical3A_815 = arith.constant 7 : i32
      %shift_right_logical3A_816 = arith.shrui %squeeze3A_740, %shift_right_logical3A_815 : i32
      %mul3A_817 = arith.constant 128 : i32
      %mul3A_818 = arith.muli %shift_right_logical3A_816, %mul3A_817 : i32
      %dma_wait3A_819 = arith.constant 0 : i32
      %dma_wait3A_820 = arith.constant 0 : i32
      %dma_wait3A_821 = arith.constant 0 : i32
      %dma_wait3A_822 = arith.constant 0 : i32
      %dma_wait3A_823 = tpu.memref_slice %arg6[%dma_wait3A_819, %dma_wait3A_821, %dma_wait3A_822] : memref<2x32x128xf32, #tpu.memory_space<vmem>> -> memref<1x8x128xf32, #tpu.memory_space<vmem>>
      %dma_wait3A_824 = tpu.memref_squeeze %dma_wait3A_823 : memref<1x8x128xf32, #tpu.memory_space<vmem>> -> memref<8x128xf32, #tpu.memory_space<vmem>>
      %dma_wait3A_825 = arith.constant 0 : i32
      %dma_wait3A_826 = tpu.memref_slice %arg3[%dma_wait3A_825, %mul3A_818] : memref<32x1000000xf32, #tpu.memory_space<hbm>> -> memref<8x128xf32, #tpu.memory_space<hbm>>
      %dma_wait3A_827 = tpu.memref_slice %arg8[%dma_wait3A_820] : memref<2x!tpu.dma_semaphore, #tpu.memory_space<semaphore_mem>> -> memref<1x!tpu.dma_semaphore, #tpu.memory_space<semaphore_mem>>
      %dma_wait3A_828 = tpu.memref_squeeze %dma_wait3A_827 : memref<1x!tpu.dma_semaphore, #tpu.memory_space<semaphore_mem>> -> memref<!tpu.dma_semaphore, #tpu.memory_space<semaphore_mem>>
      %dma_wait3A_829 = arith.constant 0 : i32
      %dma_wait3A_830 = arith.constant 0 : i32
      %dma_wait3A_831 = tpu.memref_slice %arg6[%dma_wait3A_819, %dma_wait3A_829, %dma_wait3A_830] : memref<2x32x128xf32, #tpu.memory_space<vmem>> -> memref<1x8x128xf32, #tpu.memory_space<vmem>>
      %dma_wait3A_832 = tpu.memref_squeeze %dma_wait3A_831 : memref<1x8x128xf32, #tpu.memory_space<vmem>> -> memref<8x128xf32, #tpu.memory_space<vmem>>
      %dma_wait3A_833 = arith.constant 0 : i32
      %dma_wait3A_834 = tpu.memref_slice %arg3[%dma_wait3A_833, %mul3A_818] : memref<32x1000000xf32, #tpu.memory_space<hbm>> -> memref<8x128xf32, #tpu.memory_space<hbm>>
      tpu.wait_dma2 semaphore(%dma_wait3A_828 : memref<!tpu.dma_semaphore, #tpu.memory_space<semaphore_mem>>) src(%dma_wait3A_834 : memref<8x128xf32, #tpu.memory_space<hbm>>) dst(%dma_wait3A_832 : memref<8x128xf32, #tpu.memory_space<vmem>>)
      %mul3A_835 = arith.constant 128 : i32
      %mul3A_836 = arith.muli %shift_right_logical3A_816, %mul3A_835 : i32
      %dma_wait3A_837 = arith.constant 0 : i32
      %dma_wait3A_838 = arith.constant 0 : i32
      %dma_wait3A_839 = arith.constant 8 : i32
      %dma_wait3A_840 = arith.constant 0 : i32
      %dma_wait3A_841 = tpu.memref_slice %arg6[%dma_wait3A_837, %dma_wait3A_839, %dma_wait3A_840] : memref<2x32x128xf32, #tpu.memory_space<vmem>> -> memref<1x8x128xf32, #tpu.memory_space<vmem>>
      %dma_wait3A_842 = tpu.memref_squeeze %dma_wait3A_841 : memref<1x8x128xf32, #tpu.memory_space<vmem>> -> memref<8x128xf32, #tpu.memory_space<vmem>>
      %dma_wait3A_843 = arith.constant 8 : i32
      %dma_wait3A_844 = tpu.memref_slice %arg3[%dma_wait3A_843, %mul3A_836] : memref<32x1000000xf32, #tpu.memory_space<hbm>> -> memref<8x128xf32, #tpu.memory_space<hbm>>
      %dma_wait3A_845 = tpu.memref_slice %arg8[%dma_wait3A_838] : memref<2x!tpu.dma_semaphore, #tpu.memory_space<semaphore_mem>> -> memref<1x!tpu.dma_semaphore, #tpu.memory_space<semaphore_mem>>
      %dma_wait3A_846 = tpu.memref_squeeze %dma_wait3A_845 : memref<1x!tpu.dma_semaphore, #tpu.memory_space<semaphore_mem>> -> memref<!tpu.dma_semaphore, #tpu.memory_space<semaphore_mem>>
      %dma_wait3A_847 = arith.constant 8 : i32
      %dma_wait3A_848 = arith.constant 0 : i32
      %dma_wait3A_849 = tpu.memref_slice %arg6[%dma_wait3A_837, %dma_wait3A_847, %dma_wait3A_848] : memref<2x32x128xf32, #tpu.memory_space<vmem>> -> memref<1x8x128xf32, #tpu.memory_space<vmem>>
      %dma_wait3A_850 = tpu.memref_squeeze %dma_wait3A_849 : memref<1x8x128xf32, #tpu.memory_space<vmem>> -> memref<8x128xf32, #tpu.memory_space<vmem>>
      %dma_wait3A_851 = arith.constant 8 : i32
      %dma_wait3A_852 = tpu.memref_slice %arg3[%dma_wait3A_851, %mul3A_836] : memref<32x1000000xf32, #tpu.memory_space<hbm>> -> memref<8x128xf32, #tpu.memory_space<hbm>>
      tpu.wait_dma2 semaphore(%dma_wait3A_846 : memref<!tpu.dma_semaphore, #tpu.memory_space<semaphore_mem>>) src(%dma_wait3A_852 : memref<8x128xf32, #tpu.memory_space<hbm>>) dst(%dma_wait3A_850 : memref<8x128xf32, #tpu.memory_space<vmem>>)
      %mul3A_853 = arith.constant 128 : i32
      %mul3A_854 = arith.muli %shift_right_logical3A_816, %mul3A_853 : i32
      %dma_wait3A_855 = arith.constant 0 : i32
      %dma_wait3A_856 = arith.constant 0 : i32
      %dma_wait3A_857 = arith.constant 16 : i32
      %dma_wait3A_858 = arith.constant 0 : i32
      %dma_wait3A_859 = tpu.memref_slice %arg6[%dma_wait3A_855, %dma_wait3A_857, %dma_wait3A_858] : memref<2x32x128xf32, #tpu.memory_space<vmem>> -> memref<1x8x128xf32, #tpu.memory_space<vmem>>
      %dma_wait3A_860 = tpu.memref_squeeze %dma_wait3A_859 : memref<1x8x128xf32, #tpu.memory_space<vmem>> -> memref<8x128xf32, #tpu.memory_space<vmem>>
      %dma_wait3A_861 = arith.constant 16 : i32
      %dma_wait3A_862 = tpu.memref_slice %arg3[%dma_wait3A_861, %mul3A_854] : memref<32x1000000xf32, #tpu.memory_space<hbm>> -> memref<8x128xf32, #tpu.memory_space<hbm>>
      %dma_wait3A_863 = tpu.memref_slice %arg8[%dma_wait3A_856] : memref<2x!tpu.dma_semaphore, #tpu.memory_space<semaphore_mem>> -> memref<1x!tpu.dma_semaphore, #tpu.memory_space<semaphore_mem>>
      %dma_wait3A_864 = tpu.memref_squeeze %dma_wait3A_863 : memref<1x!tpu.dma_semaphore, #tpu.memory_space<semaphore_mem>> -> memref<!tpu.dma_semaphore, #tpu.memory_space<semaphore_mem>>
      %dma_wait3A_865 = arith.constant 16 : i32
      %dma_wait3A_866 = arith.constant 0 : i32
      %dma_wait3A_867 = tpu.memref_slice %arg6[%dma_wait3A_855, %dma_wait3A_865, %dma_wait3A_866] : memref<2x32x128xf32, #tpu.memory_space<vmem>> -> memref<1x8x128xf32, #tpu.memory_space<vmem>>
      %dma_wait3A_868 = tpu.memref_squeeze %dma_wait3A_867 : memref<1x8x128xf32, #tpu.memory_space<vmem>> -> memref<8x128xf32, #tpu.memory_space<vmem>>
      %dma_wait3A_869 = arith.constant 16 : i32
      %dma_wait3A_870 = tpu.memref_slice %arg3[%dma_wait3A_869, %mul3A_854] : memref<32x1000000xf32, #tpu.memory_space<hbm>> -> memref<8x128xf32, #tpu.memory_space<hbm>>
      tpu.wait_dma2 semaphore(%dma_wait3A_864 : memref<!tpu.dma_semaphore, #tpu.memory_space<semaphore_mem>>) src(%dma_wait3A_870 : memref<8x128xf32, #tpu.memory_space<hbm>>) dst(%dma_wait3A_868 : memref<8x128xf32, #tpu.memory_space<vmem>>)
      %mul3A_871 = arith.constant 128 : i32
      %mul3A_872 = arith.muli %shift_right_logical3A_816, %mul3A_871 : i32
      %dma_wait3A_873 = arith.constant 0 : i32
      %dma_wait3A_874 = arith.constant 0 : i32
      %dma_wait3A_875 = arith.constant 24 : i32
      %dma_wait3A_876 = arith.constant 0 : i32
      %dma_wait3A_877 = tpu.memref_slice %arg6[%dma_wait3A_873, %dma_wait3A_875, %dma_wait3A_876] : memref<2x32x128xf32, #tpu.memory_space<vmem>> -> memref<1x8x128xf32, #tpu.memory_space<vmem>>
      %dma_wait3A_878 = tpu.memref_squeeze %dma_wait3A_877 : memref<1x8x128xf32, #tpu.memory_space<vmem>> -> memref<8x128xf32, #tpu.memory_space<vmem>>
      %dma_wait3A_879 = arith.constant 24 : i32
      %dma_wait3A_880 = tpu.memref_slice %arg3[%dma_wait3A_879, %mul3A_872] : memref<32x1000000xf32, #tpu.memory_space<hbm>> -> memref<8x128xf32, #tpu.memory_space<hbm>>
      %dma_wait3A_881 = tpu.memref_slice %arg8[%dma_wait3A_874] : memref<2x!tpu.dma_semaphore, #tpu.memory_space<semaphore_mem>> -> memref<1x!tpu.dma_semaphore, #tpu.memory_space<semaphore_mem>>
      %dma_wait3A_882 = tpu.memref_squeeze %dma_wait3A_881 : memref<1x!tpu.dma_semaphore, #tpu.memory_space<semaphore_mem>> -> memref<!tpu.dma_semaphore, #tpu.memory_space<semaphore_mem>>
      %dma_wait3A_883 = arith.constant 24 : i32
      %dma_wait3A_884 = arith.constant 0 : i32
      %dma_wait3A_885 = tpu.memref_slice %arg6[%dma_wait3A_873, %dma_wait3A_883, %dma_wait3A_884] : memref<2x32x128xf32, #tpu.memory_space<vmem>> -> memref<1x8x128xf32, #tpu.memory_space<vmem>>
      %dma_wait3A_886 = tpu.memref_squeeze %dma_wait3A_885 : memref<1x8x128xf32, #tpu.memory_space<vmem>> -> memref<8x128xf32, #tpu.memory_space<vmem>>
      %dma_wait3A_887 = arith.constant 24 : i32
      %dma_wait3A_888 = tpu.memref_slice %arg3[%dma_wait3A_887, %mul3A_872] : memref<32x1000000xf32, #tpu.memory_space<hbm>> -> memref<8x128xf32, #tpu.memory_space<hbm>>
      tpu.wait_dma2 semaphore(%dma_wait3A_882 : memref<!tpu.dma_semaphore, #tpu.memory_space<semaphore_mem>>) src(%dma_wait3A_888 : memref<8x128xf32, #tpu.memory_space<hbm>>) dst(%dma_wait3A_886 : memref<8x128xf32, #tpu.memory_space<vmem>>)
      %mul3A_889 = arith.constant 16 : i32
      %mul3A_890 = arith.muli %scan3A_8, %mul3A_889 : i32
      %add3A_891 = arith.constant 4 : i32
      %add3A_892 = arith.addi %mul3A_890, %add3A_891 : i32
      %and3A_893 = arith.constant 127 : i32
      %and3A_894 = arith.andi %squeeze3A_740, %and3A_893 : i32
      %broadcast_in_dim3A_895 = arith.constant 0 : i32
      %broadcast_in_dim3A_896 = vector.broadcast %broadcast_in_dim3A_895 : i32 to vector<16xi32>
      %add3A_897 = vector.broadcast %and3A_894 : i32 to vector<16xi32>
      %add3A_898 = arith.addi %broadcast_in_dim3A_896, %add3A_897 : vector<16xi32>
      %broadcast_in_dim3A_899 = arith.constant 0 : i32
      %broadcast_in_dim3A_900 = vector.broadcast %broadcast_in_dim3A_899 : i32 to vector<16xi32>
      %add3A_901 = vector.broadcast %add3A_892 : i32 to vector<16xi32>
      %add3A_902 = arith.addi %broadcast_in_dim3A_900, %add3A_901 : vector<16xi32>
      %iota3A_903 = tpu.iota {dimensions = array<i32: 0>} : vector<16xi32>
      %add3A_904 = arith.constant 0 : i32
      %add3A_905 = vector.broadcast %add3A_904 : i32 to vector<16xi32>
      %add3A_906 = arith.addi %iota3A_903, %add3A_905 : vector<16xi32>
      %gather3A_907 = arith.constant 0 : i32
      %gather3A_908 = arith.constant 0 : i32
      %gather3A_909 = arith.constant 0 : i32
      %gather3A_910 = tpu.memref_slice %arg6[%gather3A_907, %gather3A_908, %gather3A_909] : memref<2x32x128xf32, #tpu.memory_space<vmem>> -> memref<1x32x128xf32, #tpu.memory_space<vmem>>
      %gather3A_911 = tpu.memref_squeeze %gather3A_910 : memref<1x32x128xf32, #tpu.memory_space<vmem>> -> memref<32x128xf32, #tpu.memory_space<vmem>>
      %gather3A_912 = tpu.vector_load_idx %gather3A_911[%add3A_906, %add3A_898] : memref<32x128xf32, #tpu.memory_space<vmem>>[vector<16xi32>, vector<16xi32>], vector<16xf32>,
      tpu.vector_store_idx %arg7[%add3A_906, %add3A_902], %gather3A_912 : memref<32x128xf32, #tpu.memory_space<vmem>>[vector<16xi32>, vector<16xi32>], vector<16xf32>,
      %iota3A_913 = tpu.iota {dimensions = array<i32: 0>} : vector<16xi32>
      %add3A_914 = arith.constant 16 : i32
      %add3A_915 = vector.broadcast %add3A_914 : i32 to vector<16xi32>
      %add3A_916 = arith.addi %iota3A_913, %add3A_915 : vector<16xi32>
      %gather3A_917 = arith.constant 0 : i32
      %gather3A_918 = arith.constant 0 : i32
      %gather3A_919 = arith.constant 0 : i32
      %gather3A_920 = tpu.memref_slice %arg6[%gather3A_917, %gather3A_918, %gather3A_919] : memref<2x32x128xf32, #tpu.memory_space<vmem>> -> memref<1x32x128xf32, #tpu.memory_space<vmem>>
      %gather3A_921 = tpu.memref_squeeze %gather3A_920 : memref<1x32x128xf32, #tpu.memory_space<vmem>> -> memref<32x128xf32, #tpu.memory_space<vmem>>
      %gather3A_922 = tpu.vector_load_idx %gather3A_921[%add3A_916, %add3A_898] : memref<32x128xf32, #tpu.memory_space<vmem>>[vector<16xi32>, vector<16xi32>], vector<16xf32>,
      tpu.vector_store_idx %arg7[%add3A_916, %add3A_902], %gather3A_922 : memref<32x128xf32, #tpu.memory_space<vmem>>[vector<16xi32>, vector<16xi32>], vector<16xf32>,
      %slice3A_923 = vector.extract_strided_slice %get3A_11 {offsets = [5], sizes = [1], strides = [1]} : vector<16xi32> to vector<1xi32>
      %squeeze3A_924 = vector.extract %slice3A_923[0] : i32 from vector<1xi32>
      %shift_right_logical3A_925 = arith.constant 7 : i32
      %shift_right_logical3A_926 = arith.shrui %squeeze3A_924, %shift_right_logical3A_925 : i32
      %mul3A_927 = arith.constant 128 : i32
      %mul3A_928 = arith.muli %shift_right_logical3A_926, %mul3A_927 : i32
      %dma_start3A_929 = arith.constant 1 : i32
      %dma_start3A_930 = arith.constant 1 : i32
      %dma_start3A_931 = arith.constant 0 : i32
      %dma_start3A_932 = arith.constant 0 : i32
      %dma_start3A_933 = tpu.memref_slice %arg6[%dma_start3A_929, %dma_start3A_931, %dma_start3A_932] : memref<2x32x128xf32, #tpu.memory_space<vmem>> -> memref<1x8x128xf32, #tpu.memory_space<vmem>>
      %dma_start3A_934 = tpu.memref_squeeze %dma_start3A_933 : memref<1x8x128xf32, #tpu.memory_space<vmem>> -> memref<8x128xf32, #tpu.memory_space<vmem>>
      %dma_start3A_935 = arith.constant 0 : i32
      %dma_start3A_936 = tpu.memref_slice %arg3[%dma_start3A_935, %mul3A_928] : memref<32x1000000xf32, #tpu.memory_space<hbm>> -> memref<8x128xf32, #tpu.memory_space<hbm>>
      %dma_start3A_937 = tpu.memref_slice %arg8[%dma_start3A_930] : memref<2x!tpu.dma_semaphore, #tpu.memory_space<semaphore_mem>> -> memref<1x!tpu.dma_semaphore, #tpu.memory_space<semaphore_mem>>
      %dma_start3A_938 = tpu.memref_squeeze %dma_start3A_937 : memref<1x!tpu.dma_semaphore, #tpu.memory_space<semaphore_mem>> -> memref<!tpu.dma_semaphore, #tpu.memory_space<semaphore_mem>>
      %dma_start3A_939 = arith.constant 0 : i32
      %dma_start3A_940 = arith.constant 0 : i32
      %dma_start3A_941 = tpu.memref_slice %arg6[%dma_start3A_929, %dma_start3A_939, %dma_start3A_940] : memref<2x32x128xf32, #tpu.memory_space<vmem>> -> memref<1x8x128xf32, #tpu.memory_space<vmem>>
      %dma_start3A_942 = tpu.memref_squeeze %dma_start3A_941 : memref<1x8x128xf32, #tpu.memory_space<vmem>> -> memref<8x128xf32, #tpu.memory_space<vmem>>
      %dma_start3A_943 = arith.constant 0 : i32
      %dma_start3A_944 = tpu.memref_slice %arg3[%dma_start3A_943, %mul3A_928] : memref<32x1000000xf32, #tpu.memory_space<hbm>> -> memref<8x128xf32, #tpu.memory_space<hbm>>
      tpu.enqueue_dma source(%dma_start3A_944 : memref<8x128xf32, #tpu.memory_space<hbm>>) target(%dma_start3A_942 : memref<8x128xf32, #tpu.memory_space<vmem>>) target_semaphore(%dma_start3A_938 : memref<!tpu.dma_semaphore, #tpu.memory_space<semaphore_mem>>)
      %mul3A_945 = arith.constant 128 : i32
      %mul3A_946 = arith.muli %shift_right_logical3A_926, %mul3A_945 : i32
      %dma_start3A_947 = arith.constant 1 : i32
      %dma_start3A_948 = arith.constant 1 : i32
      %dma_start3A_949 = arith.constant 8 : i32
      %dma_start3A_950 = arith.constant 0 : i32
      %dma_start3A_951 = tpu.memref_slice %arg6[%dma_start3A_947, %dma_start3A_949, %dma_start3A_950] : memref<2x32x128xf32, #tpu.memory_space<vmem>> -> memref<1x8x128xf32, #tpu.memory_space<vmem>>
      %dma_start3A_952 = tpu.memref_squeeze %dma_start3A_951 : memref<1x8x128xf32, #tpu.memory_space<vmem>> -> memref<8x128xf32, #tpu.memory_space<vmem>>
      %dma_start3A_953 = arith.constant 8 : i32
      %dma_start3A_954 = tpu.memref_slice %arg3[%dma_start3A_953, %mul3A_946] : memref<32x1000000xf32, #tpu.memory_space<hbm>> -> memref<8x128xf32, #tpu.memory_space<hbm>>
      %dma_start3A_955 = tpu.memref_slice %arg8[%dma_start3A_948] : memref<2x!tpu.dma_semaphore, #tpu.memory_space<semaphore_mem>> -> memref<1x!tpu.dma_semaphore, #tpu.memory_space<semaphore_mem>>
      %dma_start3A_956 = tpu.memref_squeeze %dma_start3A_955 : memref<1x!tpu.dma_semaphore, #tpu.memory_space<semaphore_mem>> -> memref<!tpu.dma_semaphore, #tpu.memory_space<semaphore_mem>>
      %dma_start3A_957 = arith.constant 8 : i32
      %dma_start3A_958 = arith.constant 0 : i32
      %dma_start3A_959 = tpu.memref_slice %arg6[%dma_start3A_947, %dma_start3A_957, %dma_start3A_958] : memref<2x32x128xf32, #tpu.memory_space<vmem>> -> memref<1x8x128xf32, #tpu.memory_space<vmem>>
      %dma_start3A_960 = tpu.memref_squeeze %dma_start3A_959 : memref<1x8x128xf32, #tpu.memory_space<vmem>> -> memref<8x128xf32, #tpu.memory_space<vmem>>
      %dma_start3A_961 = arith.constant 8 : i32
      %dma_start3A_962 = tpu.memref_slice %arg3[%dma_start3A_961, %mul3A_946] : memref<32x1000000xf32, #tpu.memory_space<hbm>> -> memref<8x128xf32, #tpu.memory_space<hbm>>
      tpu.enqueue_dma source(%dma_start3A_962 : memref<8x128xf32, #tpu.memory_space<hbm>>) target(%dma_start3A_960 : memref<8x128xf32, #tpu.memory_space<vmem>>) target_semaphore(%dma_start3A_956 : memref<!tpu.dma_semaphore, #tpu.memory_space<semaphore_mem>>)
      %mul3A_963 = arith.constant 128 : i32
      %mul3A_964 = arith.muli %shift_right_logical3A_926, %mul3A_963 : i32
      %dma_start3A_965 = arith.constant 1 : i32
      %dma_start3A_966 = arith.constant 1 : i32
      %dma_start3A_967 = arith.constant 16 : i32
      %dma_start3A_968 = arith.constant 0 : i32
      %dma_start3A_969 = tpu.memref_slice %arg6[%dma_start3A_965, %dma_start3A_967, %dma_start3A_968] : memref<2x32x128xf32, #tpu.memory_space<vmem>> -> memref<1x8x128xf32, #tpu.memory_space<vmem>>
      %dma_start3A_970 = tpu.memref_squeeze %dma_start3A_969 : memref<1x8x128xf32, #tpu.memory_space<vmem>> -> memref<8x128xf32, #tpu.memory_space<vmem>>
      %dma_start3A_971 = arith.constant 16 : i32
      %dma_start3A_972 = tpu.memref_slice %arg3[%dma_start3A_971, %mul3A_964] : memref<32x1000000xf32, #tpu.memory_space<hbm>> -> memref<8x128xf32, #tpu.memory_space<hbm>>
      %dma_start3A_973 = tpu.memref_slice %arg8[%dma_start3A_966] : memref<2x!tpu.dma_semaphore, #tpu.memory_space<semaphore_mem>> -> memref<1x!tpu.dma_semaphore, #tpu.memory_space<semaphore_mem>>
      %dma_start3A_974 = tpu.memref_squeeze %dma_start3A_973 : memref<1x!tpu.dma_semaphore, #tpu.memory_space<semaphore_mem>> -> memref<!tpu.dma_semaphore, #tpu.memory_space<semaphore_mem>>
      %dma_start3A_975 = arith.constant 16 : i32
      %dma_start3A_976 = arith.constant 0 : i32
      %dma_start3A_977 = tpu.memref_slice %arg6[%dma_start3A_965, %dma_start3A_975, %dma_start3A_976] : memref<2x32x128xf32, #tpu.memory_space<vmem>> -> memref<1x8x128xf32, #tpu.memory_space<vmem>>
      %dma_start3A_978 = tpu.memref_squeeze %dma_start3A_977 : memref<1x8x128xf32, #tpu.memory_space<vmem>> -> memref<8x128xf32, #tpu.memory_space<vmem>>
      %dma_start3A_979 = arith.constant 16 : i32
      %dma_start3A_980 = tpu.memref_slice %arg3[%dma_start3A_979, %mul3A_964] : memref<32x1000000xf32, #tpu.memory_space<hbm>> -> memref<8x128xf32, #tpu.memory_space<hbm>>
      tpu.enqueue_dma source(%dma_start3A_980 : memref<8x128xf32, #tpu.memory_space<hbm>>) target(%dma_start3A_978 : memref<8x128xf32, #tpu.memory_space<vmem>>) target_semaphore(%dma_start3A_974 : memref<!tpu.dma_semaphore, #tpu.memory_space<semaphore_mem>>)
      %mul3A_981 = arith.constant 128 : i32
      %mul3A_982 = arith.muli %shift_right_logical3A_926, %mul3A_981 : i32
      %dma_start3A_983 = arith.constant 1 : i32
      %dma_start3A_984 = arith.constant 1 : i32
      %dma_start3A_985 = arith.constant 24 : i32
      %dma_start3A_986 = arith.constant 0 : i32
      %dma_start3A_987 = tpu.memref_slice %arg6[%dma_start3A_983, %dma_start3A_985, %dma_start3A_986] : memref<2x32x128xf32, #tpu.memory_space<vmem>> -> memref<1x8x128xf32, #tpu.memory_space<vmem>>
      %dma_start3A_988 = tpu.memref_squeeze %dma_start3A_987 : memref<1x8x128xf32, #tpu.memory_space<vmem>> -> memref<8x128xf32, #tpu.memory_space<vmem>>
      %dma_start3A_989 = arith.constant 24 : i32
      %dma_start3A_990 = tpu.memref_slice %arg3[%dma_start3A_989, %mul3A_982] : memref<32x1000000xf32, #tpu.memory_space<hbm>> -> memref<8x128xf32, #tpu.memory_space<hbm>>
      %dma_start3A_991 = tpu.memref_slice %arg8[%dma_start3A_984] : memref<2x!tpu.dma_semaphore, #tpu.memory_space<semaphore_mem>> -> memref<1x!tpu.dma_semaphore, #tpu.memory_space<semaphore_mem>>
      %dma_start3A_992 = tpu.memref_squeeze %dma_start3A_991 : memref<1x!tpu.dma_semaphore, #tpu.memory_space<semaphore_mem>> -> memref<!tpu.dma_semaphore, #tpu.memory_space<semaphore_mem>>
      %dma_start3A_993 = arith.constant 24 : i32
      %dma_start3A_994 = arith.constant 0 : i32
      %dma_start3A_995 = tpu.memref_slice %arg6[%dma_start3A_983, %dma_start3A_993, %dma_start3A_994] : memref<2x32x128xf32, #tpu.memory_space<vmem>> -> memref<1x8x128xf32, #tpu.memory_space<vmem>>
      %dma_start3A_996 = tpu.memref_squeeze %dma_start3A_995 : memref<1x8x128xf32, #tpu.memory_space<vmem>> -> memref<8x128xf32, #tpu.memory_space<vmem>>
      %dma_start3A_997 = arith.constant 24 : i32
      %dma_start3A_998 = tpu.memref_slice %arg3[%dma_start3A_997, %mul3A_982] : memref<32x1000000xf32, #tpu.memory_space<hbm>> -> memref<8x128xf32, #tpu.memory_space<hbm>>
      tpu.enqueue_dma source(%dma_start3A_998 : memref<8x128xf32, #tpu.memory_space<hbm>>) target(%dma_start3A_996 : memref<8x128xf32, #tpu.memory_space<vmem>>) target_semaphore(%dma_start3A_992 : memref<!tpu.dma_semaphore, #tpu.memory_space<semaphore_mem>>)
      %shift_right_logical3A_999 = arith.constant 7 : i32
      %shift_right_logical3A_1000 = arith.shrui %squeeze3A_924, %shift_right_logical3A_999 : i32
      %mul3A_1001 = arith.constant 128 : i32
      %mul3A_1002 = arith.muli %shift_right_logical3A_1000, %mul3A_1001 : i32
      %dma_wait3A_1003 = arith.constant 1 : i32
      %dma_wait3A_1004 = arith.constant 1 : i32
      %dma_wait3A_1005 = arith.constant 0 : i32
      %dma_wait3A_1006 = arith.constant 0 : i32
      %dma_wait3A_1007 = tpu.memref_slice %arg6[%dma_wait3A_1003, %dma_wait3A_1005, %dma_wait3A_1006] : memref<2x32x128xf32, #tpu.memory_space<vmem>> -> memref<1x8x128xf32, #tpu.memory_space<vmem>>
      %dma_wait3A_1008 = tpu.memref_squeeze %dma_wait3A_1007 : memref<1x8x128xf32, #tpu.memory_space<vmem>> -> memref<8x128xf32, #tpu.memory_space<vmem>>
      %dma_wait3A_1009 = arith.constant 0 : i32
      %dma_wait3A_1010 = tpu.memref_slice %arg3[%dma_wait3A_1009, %mul3A_1002] : memref<32x1000000xf32, #tpu.memory_space<hbm>> -> memref<8x128xf32, #tpu.memory_space<hbm>>
      %dma_wait3A_1011 = tpu.memref_slice %arg8[%dma_wait3A_1004] : memref<2x!tpu.dma_semaphore, #tpu.memory_space<semaphore_mem>> -> memref<1x!tpu.dma_semaphore, #tpu.memory_space<semaphore_mem>>
      %dma_wait3A_1012 = tpu.memref_squeeze %dma_wait3A_1011 : memref<1x!tpu.dma_semaphore, #tpu.memory_space<semaphore_mem>> -> memref<!tpu.dma_semaphore, #tpu.memory_space<semaphore_mem>>
      %dma_wait3A_1013 = arith.constant 0 : i32
      %dma_wait3A_1014 = arith.constant 0 : i32
      %dma_wait3A_1015 = tpu.memref_slice %arg6[%dma_wait3A_1003, %dma_wait3A_1013, %dma_wait3A_1014] : memref<2x32x128xf32, #tpu.memory_space<vmem>> -> memref<1x8x128xf32, #tpu.memory_space<vmem>>
      %dma_wait3A_1016 = tpu.memref_squeeze %dma_wait3A_1015 : memref<1x8x128xf32, #tpu.memory_space<vmem>> -> memref<8x128xf32, #tpu.memory_space<vmem>>
      %dma_wait3A_1017 = arith.constant 0 : i32
      %dma_wait3A_1018 = tpu.memref_slice %arg3[%dma_wait3A_1017, %mul3A_1002] : memref<32x1000000xf32, #tpu.memory_space<hbm>> -> memref<8x128xf32, #tpu.memory_space<hbm>>
      tpu.wait_dma2 semaphore(%dma_wait3A_1012 : memref<!tpu.dma_semaphore, #tpu.memory_space<semaphore_mem>>) src(%dma_wait3A_1018 : memref<8x128xf32, #tpu.memory_space<hbm>>) dst(%dma_wait3A_1016 : memref<8x128xf32, #tpu.memory_space<vmem>>)
      %mul3A_1019 = arith.constant 128 : i32
      %mul3A_1020 = arith.muli %shift_right_logical3A_1000, %mul3A_1019 : i32
      %dma_wait3A_1021 = arith.constant 1 : i32
      %dma_wait3A_1022 = arith.constant 1 : i32
      %dma_wait3A_1023 = arith.constant 8 : i32
      %dma_wait3A_1024 = arith.constant 0 : i32
      %dma_wait3A_1025 = tpu.memref_slice %arg6[%dma_wait3A_1021, %dma_wait3A_1023, %dma_wait3A_1024] : memref<2x32x128xf32, #tpu.memory_space<vmem>> -> memref<1x8x128xf32, #tpu.memory_space<vmem>>
      %dma_wait3A_1026 = tpu.memref_squeeze %dma_wait3A_1025 : memref<1x8x128xf32, #tpu.memory_space<vmem>> -> memref<8x128xf32, #tpu.memory_space<vmem>>
      %dma_wait3A_1027 = arith.constant 8 : i32
      %dma_wait3A_1028 = tpu.memref_slice %arg3[%dma_wait3A_1027, %mul3A_1020] : memref<32x1000000xf32, #tpu.memory_space<hbm>> -> memref<8x128xf32, #tpu.memory_space<hbm>>
      %dma_wait3A_1029 = tpu.memref_slice %arg8[%dma_wait3A_1022] : memref<2x!tpu.dma_semaphore, #tpu.memory_space<semaphore_mem>> -> memref<1x!tpu.dma_semaphore, #tpu.memory_space<semaphore_mem>>
      %dma_wait3A_1030 = tpu.memref_squeeze %dma_wait3A_1029 : memref<1x!tpu.dma_semaphore, #tpu.memory_space<semaphore_mem>> -> memref<!tpu.dma_semaphore, #tpu.memory_space<semaphore_mem>>
      %dma_wait3A_1031 = arith.constant 8 : i32
      %dma_wait3A_1032 = arith.constant 0 : i32
      %dma_wait3A_1033 = tpu.memref_slice %arg6[%dma_wait3A_1021, %dma_wait3A_1031, %dma_wait3A_1032] : memref<2x32x128xf32, #tpu.memory_space<vmem>> -> memref<1x8x128xf32, #tpu.memory_space<vmem>>
      %dma_wait3A_1034 = tpu.memref_squeeze %dma_wait3A_1033 : memref<1x8x128xf32, #tpu.memory_space<vmem>> -> memref<8x128xf32, #tpu.memory_space<vmem>>
      %dma_wait3A_1035 = arith.constant 8 : i32
      %dma_wait3A_1036 = tpu.memref_slice %arg3[%dma_wait3A_1035, %mul3A_1020] : memref<32x1000000xf32, #tpu.memory_space<hbm>> -> memref<8x128xf32, #tpu.memory_space<hbm>>
      tpu.wait_dma2 semaphore(%dma_wait3A_1030 : memref<!tpu.dma_semaphore, #tpu.memory_space<semaphore_mem>>) src(%dma_wait3A_1036 : memref<8x128xf32, #tpu.memory_space<hbm>>) dst(%dma_wait3A_1034 : memref<8x128xf32, #tpu.memory_space<vmem>>)
      %mul3A_1037 = arith.constant 128 : i32
      %mul3A_1038 = arith.muli %shift_right_logical3A_1000, %mul3A_1037 : i32
      %dma_wait3A_1039 = arith.constant 1 : i32
      %dma_wait3A_1040 = arith.constant 1 : i32
      %dma_wait3A_1041 = arith.constant 16 : i32
      %dma_wait3A_1042 = arith.constant 0 : i32
      %dma_wait3A_1043 = tpu.memref_slice %arg6[%dma_wait3A_1039, %dma_wait3A_1041, %dma_wait3A_1042] : memref<2x32x128xf32, #tpu.memory_space<vmem>> -> memref<1x8x128xf32, #tpu.memory_space<vmem>>
      %dma_wait3A_1044 = tpu.memref_squeeze %dma_wait3A_1043 : memref<1x8x128xf32, #tpu.memory_space<vmem>> -> memref<8x128xf32, #tpu.memory_space<vmem>>
      %dma_wait3A_1045 = arith.constant 16 : i32
      %dma_wait3A_1046 = tpu.memref_slice %arg3[%dma_wait3A_1045, %mul3A_1038] : memref<32x1000000xf32, #tpu.memory_space<hbm>> -> memref<8x128xf32, #tpu.memory_space<hbm>>
      %dma_wait3A_1047 = tpu.memref_slice %arg8[%dma_wait3A_1040] : memref<2x!tpu.dma_semaphore, #tpu.memory_space<semaphore_mem>> -> memref<1x!tpu.dma_semaphore, #tpu.memory_space<semaphore_mem>>
      %dma_wait3A_1048 = tpu.memref_squeeze %dma_wait3A_1047 : memref<1x!tpu.dma_semaphore, #tpu.memory_space<semaphore_mem>> -> memref<!tpu.dma_semaphore, #tpu.memory_space<semaphore_mem>>
      %dma_wait3A_1049 = arith.constant 16 : i32
      %dma_wait3A_1050 = arith.constant 0 : i32
      %dma_wait3A_1051 = tpu.memref_slice %arg6[%dma_wait3A_1039, %dma_wait3A_1049, %dma_wait3A_1050] : memref<2x32x128xf32, #tpu.memory_space<vmem>> -> memref<1x8x128xf32, #tpu.memory_space<vmem>>
      %dma_wait3A_1052 = tpu.memref_squeeze %dma_wait3A_1051 : memref<1x8x128xf32, #tpu.memory_space<vmem>> -> memref<8x128xf32, #tpu.memory_space<vmem>>
      %dma_wait3A_1053 = arith.constant 16 : i32
      %dma_wait3A_1054 = tpu.memref_slice %arg3[%dma_wait3A_1053, %mul3A_1038] : memref<32x1000000xf32, #tpu.memory_space<hbm>> -> memref<8x128xf32, #tpu.memory_space<hbm>>
      tpu.wait_dma2 semaphore(%dma_wait3A_1048 : memref<!tpu.dma_semaphore, #tpu.memory_space<semaphore_mem>>) src(%dma_wait3A_1054 : memref<8x128xf32, #tpu.memory_space<hbm>>) dst(%dma_wait3A_1052 : memref<8x128xf32, #tpu.memory_space<vmem>>)
      %mul3A_1055 = arith.constant 128 : i32
      %mul3A_1056 = arith.muli %shift_right_logical3A_1000, %mul3A_1055 : i32
      %dma_wait3A_1057 = arith.constant 1 : i32
      %dma_wait3A_1058 = arith.constant 1 : i32
      %dma_wait3A_1059 = arith.constant 24 : i32
      %dma_wait3A_1060 = arith.constant 0 : i32
      %dma_wait3A_1061 = tpu.memref_slice %arg6[%dma_wait3A_1057, %dma_wait3A_1059, %dma_wait3A_1060] : memref<2x32x128xf32, #tpu.memory_space<vmem>> -> memref<1x8x128xf32, #tpu.memory_space<vmem>>
      %dma_wait3A_1062 = tpu.memref_squeeze %dma_wait3A_1061 : memref<1x8x128xf32, #tpu.memory_space<vmem>> -> memref<8x128xf32, #tpu.memory_space<vmem>>
      %dma_wait3A_1063 = arith.constant 24 : i32
      %dma_wait3A_1064 = tpu.memref_slice %arg3[%dma_wait3A_1063, %mul3A_1056] : memref<32x1000000xf32, #tpu.memory_space<hbm>> -> memref<8x128xf32, #tpu.memory_space<hbm>>
      %dma_wait3A_1065 = tpu.memref_slice %arg8[%dma_wait3A_1058] : memref<2x!tpu.dma_semaphore, #tpu.memory_space<semaphore_mem>> -> memref<1x!tpu.dma_semaphore, #tpu.memory_space<semaphore_mem>>
      %dma_wait3A_1066 = tpu.memref_squeeze %dma_wait3A_1065 : memref<1x!tpu.dma_semaphore, #tpu.memory_space<semaphore_mem>> -> memref<!tpu.dma_semaphore, #tpu.memory_space<semaphore_mem>>
      %dma_wait3A_1067 = arith.constant 24 : i32
      %dma_wait3A_1068 = arith.constant 0 : i32
      %dma_wait3A_1069 = tpu.memref_slice %arg6[%dma_wait3A_1057, %dma_wait3A_1067, %dma_wait3A_1068] : memref<2x32x128xf32, #tpu.memory_space<vmem>> -> memref<1x8x128xf32, #tpu.memory_space<vmem>>
      %dma_wait3A_1070 = tpu.memref_squeeze %dma_wait3A_1069 : memref<1x8x128xf32, #tpu.memory_space<vmem>> -> memref<8x128xf32, #tpu.memory_space<vmem>>
      %dma_wait3A_1071 = arith.constant 24 : i32
      %dma_wait3A_1072 = tpu.memref_slice %arg3[%dma_wait3A_1071, %mul3A_1056] : memref<32x1000000xf32, #tpu.memory_space<hbm>> -> memref<8x128xf32, #tpu.memory_space<hbm>>
      tpu.wait_dma2 semaphore(%dma_wait3A_1066 : memref<!tpu.dma_semaphore, #tpu.memory_space<semaphore_mem>>) src(%dma_wait3A_1072 : memref<8x128xf32, #tpu.memory_space<hbm>>) dst(%dma_wait3A_1070 : memref<8x128xf32, #tpu.memory_space<vmem>>)
      %mul3A_1073 = arith.constant 16 : i32
      %mul3A_1074 = arith.muli %scan3A_8, %mul3A_1073 : i32
      %add3A_1075 = arith.constant 5 : i32
      %add3A_1076 = arith.addi %mul3A_1074, %add3A_1075 : i32
      %and3A_1077 = arith.constant 127 : i32
      %and3A_1078 = arith.andi %squeeze3A_924, %and3A_1077 : i32
      %broadcast_in_dim3A_1079 = arith.constant 0 : i32
      %broadcast_in_dim3A_1080 = vector.broadcast %broadcast_in_dim3A_1079 : i32 to vector<16xi32>
      %add3A_1081 = vector.broadcast %and3A_1078 : i32 to vector<16xi32>
      %add3A_1082 = arith.addi %broadcast_in_dim3A_1080, %add3A_1081 : vector<16xi32>
      %broadcast_in_dim3A_1083 = arith.constant 0 : i32
      %broadcast_in_dim3A_1084 = vector.broadcast %broadcast_in_dim3A_1083 : i32 to vector<16xi32>
      %add3A_1085 = vector.broadcast %add3A_1076 : i32 to vector<16xi32>
      %add3A_1086 = arith.addi %broadcast_in_dim3A_1084, %add3A_1085 : vector<16xi32>
      %iota3A_1087 = tpu.iota {dimensions = array<i32: 0>} : vector<16xi32>
      %add3A_1088 = arith.constant 0 : i32
      %add3A_1089 = vector.broadcast %add3A_1088 : i32 to vector<16xi32>
      %add3A_1090 = arith.addi %iota3A_1087, %add3A_1089 : vector<16xi32>
      %gather3A_1091 = arith.constant 1 : i32
      %gather3A_1092 = arith.constant 0 : i32
      %gather3A_1093 = arith.constant 0 : i32
      %gather3A_1094 = tpu.memref_slice %arg6[%gather3A_1091, %gather3A_1092, %gather3A_1093] : memref<2x32x128xf32, #tpu.memory_space<vmem>> -> memref<1x32x128xf32, #tpu.memory_space<vmem>>
      %gather3A_1095 = tpu.memref_squeeze %gather3A_1094 : memref<1x32x128xf32, #tpu.memory_space<vmem>> -> memref<32x128xf32, #tpu.memory_space<vmem>>
      %gather3A_1096 = tpu.vector_load_idx %gather3A_1095[%add3A_1090, %add3A_1082] : memref<32x128xf32, #tpu.memory_space<vmem>>[vector<16xi32>, vector<16xi32>], vector<16xf32>,
      tpu.vector_store_idx %arg7[%add3A_1090, %add3A_1086], %gather3A_1096 : memref<32x128xf32, #tpu.memory_space<vmem>>[vector<16xi32>, vector<16xi32>], vector<16xf32>,
      %iota3A_1097 = tpu.iota {dimensions = array<i32: 0>} : vector<16xi32>
      %add3A_1098 = arith.constant 16 : i32
      %add3A_1099 = vector.broadcast %add3A_1098 : i32 to vector<16xi32>
      %add3A_1100 = arith.addi %iota3A_1097, %add3A_1099 : vector<16xi32>
      %gather3A_1101 = arith.constant 1 : i32
      %gather3A_1102 = arith.constant 0 : i32
      %gather3A_1103 = arith.constant 0 : i32
      %gather3A_1104 = tpu.memref_slice %arg6[%gather3A_1101, %gather3A_1102, %gather3A_1103] : memref<2x32x128xf32, #tpu.memory_space<vmem>> -> memref<1x32x128xf32, #tpu.memory_space<vmem>>
      %gather3A_1105 = tpu.memref_squeeze %gather3A_1104 : memref<1x32x128xf32, #tpu.memory_space<vmem>> -> memref<32x128xf32, #tpu.memory_space<vmem>>
      %gather3A_1106 = tpu.vector_load_idx %gather3A_1105[%add3A_1100, %add3A_1082] : memref<32x128xf32, #tpu.memory_space<vmem>>[vector<16xi32>, vector<16xi32>], vector<16xf32>,
      tpu.vector_store_idx %arg7[%add3A_1100, %add3A_1086], %gather3A_1106 : memref<32x128xf32, #tpu.memory_space<vmem>>[vector<16xi32>, vector<16xi32>], vector<16xf32>,
      %slice3A_1107 = vector.extract_strided_slice %get3A_11 {offsets = [6], sizes = [1], strides = [1]} : vector<16xi32> to vector<1xi32>
      %squeeze3A_1108 = vector.extract %slice3A_1107[0] : i32 from vector<1xi32>
      %shift_right_logical3A_1109 = arith.constant 7 : i32
      %shift_right_logical3A_1110 = arith.shrui %squeeze3A_1108, %shift_right_logical3A_1109 : i32
      %mul3A_1111 = arith.constant 128 : i32
      %mul3A_1112 = arith.muli %shift_right_logical3A_1110, %mul3A_1111 : i32
      %dma_start3A_1113 = arith.constant 0 : i32
      %dma_start3A_1114 = arith.constant 0 : i32
      %dma_start3A_1115 = arith.constant 0 : i32
      %dma_start3A_1116 = arith.constant 0 : i32
      %dma_start3A_1117 = tpu.memref_slice %arg6[%dma_start3A_1113, %dma_start3A_1115, %dma_start3A_1116] : memref<2x32x128xf32, #tpu.memory_space<vmem>> -> memref<1x8x128xf32, #tpu.memory_space<vmem>>
      %dma_start3A_1118 = tpu.memref_squeeze %dma_start3A_1117 : memref<1x8x128xf32, #tpu.memory_space<vmem>> -> memref<8x128xf32, #tpu.memory_space<vmem>>
      %dma_start3A_1119 = arith.constant 0 : i32
      %dma_start3A_1120 = tpu.memref_slice %arg3[%dma_start3A_1119, %mul3A_1112] : memref<32x1000000xf32, #tpu.memory_space<hbm>> -> memref<8x128xf32, #tpu.memory_space<hbm>>
      %dma_start3A_1121 = tpu.memref_slice %arg8[%dma_start3A_1114] : memref<2x!tpu.dma_semaphore, #tpu.memory_space<semaphore_mem>> -> memref<1x!tpu.dma_semaphore, #tpu.memory_space<semaphore_mem>>
      %dma_start3A_1122 = tpu.memref_squeeze %dma_start3A_1121 : memref<1x!tpu.dma_semaphore, #tpu.memory_space<semaphore_mem>> -> memref<!tpu.dma_semaphore, #tpu.memory_space<semaphore_mem>>
      %dma_start3A_1123 = arith.constant 0 : i32
      %dma_start3A_1124 = arith.constant 0 : i32
      %dma_start3A_1125 = tpu.memref_slice %arg6[%dma_start3A_1113, %dma_start3A_1123, %dma_start3A_1124] : memref<2x32x128xf32, #tpu.memory_space<vmem>> -> memref<1x8x128xf32, #tpu.memory_space<vmem>>
      %dma_start3A_1126 = tpu.memref_squeeze %dma_start3A_1125 : memref<1x8x128xf32, #tpu.memory_space<vmem>> -> memref<8x128xf32, #tpu.memory_space<vmem>>
      %dma_start3A_1127 = arith.constant 0 : i32
      %dma_start3A_1128 = tpu.memref_slice %arg3[%dma_start3A_1127, %mul3A_1112] : memref<32x1000000xf32, #tpu.memory_space<hbm>> -> memref<8x128xf32, #tpu.memory_space<hbm>>
      tpu.enqueue_dma source(%dma_start3A_1128 : memref<8x128xf32, #tpu.memory_space<hbm>>) target(%dma_start3A_1126 : memref<8x128xf32, #tpu.memory_space<vmem>>) target_semaphore(%dma_start3A_1122 : memref<!tpu.dma_semaphore, #tpu.memory_space<semaphore_mem>>)
      %mul3A_1129 = arith.constant 128 : i32
      %mul3A_1130 = arith.muli %shift_right_logical3A_1110, %mul3A_1129 : i32
      %dma_start3A_1131 = arith.constant 0 : i32
      %dma_start3A_1132 = arith.constant 0 : i32
      %dma_start3A_1133 = arith.constant 8 : i32
      %dma_start3A_1134 = arith.constant 0 : i32
      %dma_start3A_1135 = tpu.memref_slice %arg6[%dma_start3A_1131, %dma_start3A_1133, %dma_start3A_1134] : memref<2x32x128xf32, #tpu.memory_space<vmem>> -> memref<1x8x128xf32, #tpu.memory_space<vmem>>
      %dma_start3A_1136 = tpu.memref_squeeze %dma_start3A_1135 : memref<1x8x128xf32, #tpu.memory_space<vmem>> -> memref<8x128xf32, #tpu.memory_space<vmem>>
      %dma_start3A_1137 = arith.constant 8 : i32
      %dma_start3A_1138 = tpu.memref_slice %arg3[%dma_start3A_1137, %mul3A_1130] : memref<32x1000000xf32, #tpu.memory_space<hbm>> -> memref<8x128xf32, #tpu.memory_space<hbm>>
      %dma_start3A_1139 = tpu.memref_slice %arg8[%dma_start3A_1132] : memref<2x!tpu.dma_semaphore, #tpu.memory_space<semaphore_mem>> -> memref<1x!tpu.dma_semaphore, #tpu.memory_space<semaphore_mem>>
      %dma_start3A_1140 = tpu.memref_squeeze %dma_start3A_1139 : memref<1x!tpu.dma_semaphore, #tpu.memory_space<semaphore_mem>> -> memref<!tpu.dma_semaphore, #tpu.memory_space<semaphore_mem>>
      %dma_start3A_1141 = arith.constant 8 : i32
      %dma_start3A_1142 = arith.constant 0 : i32
      %dma_start3A_1143 = tpu.memref_slice %arg6[%dma_start3A_1131, %dma_start3A_1141, %dma_start3A_1142] : memref<2x32x128xf32, #tpu.memory_space<vmem>> -> memref<1x8x128xf32, #tpu.memory_space<vmem>>
      %dma_start3A_1144 = tpu.memref_squeeze %dma_start3A_1143 : memref<1x8x128xf32, #tpu.memory_space<vmem>> -> memref<8x128xf32, #tpu.memory_space<vmem>>
      %dma_start3A_1145 = arith.constant 8 : i32
      %dma_start3A_1146 = tpu.memref_slice %arg3[%dma_start3A_1145, %mul3A_1130] : memref<32x1000000xf32, #tpu.memory_space<hbm>> -> memref<8x128xf32, #tpu.memory_space<hbm>>
      tpu.enqueue_dma source(%dma_start3A_1146 : memref<8x128xf32, #tpu.memory_space<hbm>>) target(%dma_start3A_1144 : memref<8x128xf32, #tpu.memory_space<vmem>>) target_semaphore(%dma_start3A_1140 : memref<!tpu.dma_semaphore, #tpu.memory_space<semaphore_mem>>)
      %mul3A_1147 = arith.constant 128 : i32
      %mul3A_1148 = arith.muli %shift_right_logical3A_1110, %mul3A_1147 : i32
      %dma_start3A_1149 = arith.constant 0 : i32
      %dma_start3A_1150 = arith.constant 0 : i32
      %dma_start3A_1151 = arith.constant 16 : i32
      %dma_start3A_1152 = arith.constant 0 : i32
      %dma_start3A_1153 = tpu.memref_slice %arg6[%dma_start3A_1149, %dma_start3A_1151, %dma_start3A_1152] : memref<2x32x128xf32, #tpu.memory_space<vmem>> -> memref<1x8x128xf32, #tpu.memory_space<vmem>>
      %dma_start3A_1154 = tpu.memref_squeeze %dma_start3A_1153 : memref<1x8x128xf32, #tpu.memory_space<vmem>> -> memref<8x128xf32, #tpu.memory_space<vmem>>
      %dma_start3A_1155 = arith.constant 16 : i32
      %dma_start3A_1156 = tpu.memref_slice %arg3[%dma_start3A_1155, %mul3A_1148] : memref<32x1000000xf32, #tpu.memory_space<hbm>> -> memref<8x128xf32, #tpu.memory_space<hbm>>
      %dma_start3A_1157 = tpu.memref_slice %arg8[%dma_start3A_1150] : memref<2x!tpu.dma_semaphore, #tpu.memory_space<semaphore_mem>> -> memref<1x!tpu.dma_semaphore, #tpu.memory_space<semaphore_mem>>
      %dma_start3A_1158 = tpu.memref_squeeze %dma_start3A_1157 : memref<1x!tpu.dma_semaphore, #tpu.memory_space<semaphore_mem>> -> memref<!tpu.dma_semaphore, #tpu.memory_space<semaphore_mem>>
      %dma_start3A_1159 = arith.constant 16 : i32
      %dma_start3A_1160 = arith.constant 0 : i32
      %dma_start3A_1161 = tpu.memref_slice %arg6[%dma_start3A_1149, %dma_start3A_1159, %dma_start3A_1160] : memref<2x32x128xf32, #tpu.memory_space<vmem>> -> memref<1x8x128xf32, #tpu.memory_space<vmem>>
      %dma_start3A_1162 = tpu.memref_squeeze %dma_start3A_1161 : memref<1x8x128xf32, #tpu.memory_space<vmem>> -> memref<8x128xf32, #tpu.memory_space<vmem>>
      %dma_start3A_1163 = arith.constant 16 : i32
      %dma_start3A_1164 = tpu.memref_slice %arg3[%dma_start3A_1163, %mul3A_1148] : memref<32x1000000xf32, #tpu.memory_space<hbm>> -> memref<8x128xf32, #tpu.memory_space<hbm>>
      tpu.enqueue_dma source(%dma_start3A_1164 : memref<8x128xf32, #tpu.memory_space<hbm>>) target(%dma_start3A_1162 : memref<8x128xf32, #tpu.memory_space<vmem>>) target_semaphore(%dma_start3A_1158 : memref<!tpu.dma_semaphore, #tpu.memory_space<semaphore_mem>>)
      %mul3A_1165 = arith.constant 128 : i32
      %mul3A_1166 = arith.muli %shift_right_logical3A_1110, %mul3A_1165 : i32
      %dma_start3A_1167 = arith.constant 0 : i32
      %dma_start3A_1168 = arith.constant 0 : i32
      %dma_start3A_1169 = arith.constant 24 : i32
      %dma_start3A_1170 = arith.constant 0 : i32
      %dma_start3A_1171 = tpu.memref_slice %arg6[%dma_start3A_1167, %dma_start3A_1169, %dma_start3A_1170] : memref<2x32x128xf32, #tpu.memory_space<vmem>> -> memref<1x8x128xf32, #tpu.memory_space<vmem>>
      %dma_start3A_1172 = tpu.memref_squeeze %dma_start3A_1171 : memref<1x8x128xf32, #tpu.memory_space<vmem>> -> memref<8x128xf32, #tpu.memory_space<vmem>>
      %dma_start3A_1173 = arith.constant 24 : i32
      %dma_start3A_1174 = tpu.memref_slice %arg3[%dma_start3A_1173, %mul3A_1166] : memref<32x1000000xf32, #tpu.memory_space<hbm>> -> memref<8x128xf32, #tpu.memory_space<hbm>>
      %dma_start3A_1175 = tpu.memref_slice %arg8[%dma_start3A_1168] : memref<2x!tpu.dma_semaphore, #tpu.memory_space<semaphore_mem>> -> memref<1x!tpu.dma_semaphore, #tpu.memory_space<semaphore_mem>>
      %dma_start3A_1176 = tpu.memref_squeeze %dma_start3A_1175 : memref<1x!tpu.dma_semaphore, #tpu.memory_space<semaphore_mem>> -> memref<!tpu.dma_semaphore, #tpu.memory_space<semaphore_mem>>
      %dma_start3A_1177 = arith.constant 24 : i32
      %dma_start3A_1178 = arith.constant 0 : i32
      %dma_start3A_1179 = tpu.memref_slice %arg6[%dma_start3A_1167, %dma_start3A_1177, %dma_start3A_1178] : memref<2x32x128xf32, #tpu.memory_space<vmem>> -> memref<1x8x128xf32, #tpu.memory_space<vmem>>
      %dma_start3A_1180 = tpu.memref_squeeze %dma_start3A_1179 : memref<1x8x128xf32, #tpu.memory_space<vmem>> -> memref<8x128xf32, #tpu.memory_space<vmem>>
      %dma_start3A_1181 = arith.constant 24 : i32
      %dma_start3A_1182 = tpu.memref_slice %arg3[%dma_start3A_1181, %mul3A_1166] : memref<32x1000000xf32, #tpu.memory_space<hbm>> -> memref<8x128xf32, #tpu.memory_space<hbm>>
      tpu.enqueue_dma source(%dma_start3A_1182 : memref<8x128xf32, #tpu.memory_space<hbm>>) target(%dma_start3A_1180 : memref<8x128xf32, #tpu.memory_space<vmem>>) target_semaphore(%dma_start3A_1176 : memref<!tpu.dma_semaphore, #tpu.memory_space<semaphore_mem>>)
      %shift_right_logical3A_1183 = arith.constant 7 : i32
      %shift_right_logical3A_1184 = arith.shrui %squeeze3A_1108, %shift_right_logical3A_1183 : i32
      %mul3A_1185 = arith.constant 128 : i32
      %mul3A_1186 = arith.muli %shift_right_logical3A_1184, %mul3A_1185 : i32
      %dma_wait3A_1187 = arith.constant 0 : i32
      %dma_wait3A_1188 = arith.constant 0 : i32
      %dma_wait3A_1189 = arith.constant 0 : i32
      %dma_wait3A_1190 = arith.constant 0 : i32
      %dma_wait3A_1191 = tpu.memref_slice %arg6[%dma_wait3A_1187, %dma_wait3A_1189, %dma_wait3A_1190] : memref<2x32x128xf32, #tpu.memory_space<vmem>> -> memref<1x8x128xf32, #tpu.memory_space<vmem>>
      %dma_wait3A_1192 = tpu.memref_squeeze %dma_wait3A_1191 : memref<1x8x128xf32, #tpu.memory_space<vmem>> -> memref<8x128xf32, #tpu.memory_space<vmem>>
      %dma_wait3A_1193 = arith.constant 0 : i32
      %dma_wait3A_1194 = tpu.memref_slice %arg3[%dma_wait3A_1193, %mul3A_1186] : memref<32x1000000xf32, #tpu.memory_space<hbm>> -> memref<8x128xf32, #tpu.memory_space<hbm>>
      %dma_wait3A_1195 = tpu.memref_slice %arg8[%dma_wait3A_1188] : memref<2x!tpu.dma_semaphore, #tpu.memory_space<semaphore_mem>> -> memref<1x!tpu.dma_semaphore, #tpu.memory_space<semaphore_mem>>
      %dma_wait3A_1196 = tpu.memref_squeeze %dma_wait3A_1195 : memref<1x!tpu.dma_semaphore, #tpu.memory_space<semaphore_mem>> -> memref<!tpu.dma_semaphore, #tpu.memory_space<semaphore_mem>>
      %dma_wait3A_1197 = arith.constant 0 : i32
      %dma_wait3A_1198 = arith.constant 0 : i32
      %dma_wait3A_1199 = tpu.memref_slice %arg6[%dma_wait3A_1187, %dma_wait3A_1197, %dma_wait3A_1198] : memref<2x32x128xf32, #tpu.memory_space<vmem>> -> memref<1x8x128xf32, #tpu.memory_space<vmem>>
      %dma_wait3A_1200 = tpu.memref_squeeze %dma_wait3A_1199 : memref<1x8x128xf32, #tpu.memory_space<vmem>> -> memref<8x128xf32, #tpu.memory_space<vmem>>
      %dma_wait3A_1201 = arith.constant 0 : i32
      %dma_wait3A_1202 = tpu.memref_slice %arg3[%dma_wait3A_1201, %mul3A_1186] : memref<32x1000000xf32, #tpu.memory_space<hbm>> -> memref<8x128xf32, #tpu.memory_space<hbm>>
      tpu.wait_dma2 semaphore(%dma_wait3A_1196 : memref<!tpu.dma_semaphore, #tpu.memory_space<semaphore_mem>>) src(%dma_wait3A_1202 : memref<8x128xf32, #tpu.memory_space<hbm>>) dst(%dma_wait3A_1200 : memref<8x128xf32, #tpu.memory_space<vmem>>)
      %mul3A_1203 = arith.constant 128 : i32
      %mul3A_1204 = arith.muli %shift_right_logical3A_1184, %mul3A_1203 : i32
      %dma_wait3A_1205 = arith.constant 0 : i32
      %dma_wait3A_1206 = arith.constant 0 : i32
      %dma_wait3A_1207 = arith.constant 8 : i32
      %dma_wait3A_1208 = arith.constant 0 : i32
      %dma_wait3A_1209 = tpu.memref_slice %arg6[%dma_wait3A_1205, %dma_wait3A_1207, %dma_wait3A_1208] : memref<2x32x128xf32, #tpu.memory_space<vmem>> -> memref<1x8x128xf32, #tpu.memory_space<vmem>>
      %dma_wait3A_1210 = tpu.memref_squeeze %dma_wait3A_1209 : memref<1x8x128xf32, #tpu.memory_space<vmem>> -> memref<8x128xf32, #tpu.memory_space<vmem>>
      %dma_wait3A_1211 = arith.constant 8 : i32
      %dma_wait3A_1212 = tpu.memref_slice %arg3[%dma_wait3A_1211, %mul3A_1204] : memref<32x1000000xf32, #tpu.memory_space<hbm>> -> memref<8x128xf32, #tpu.memory_space<hbm>>
      %dma_wait3A_1213 = tpu.memref_slice %arg8[%dma_wait3A_1206] : memref<2x!tpu.dma_semaphore, #tpu.memory_space<semaphore_mem>> -> memref<1x!tpu.dma_semaphore, #tpu.memory_space<semaphore_mem>>
      %dma_wait3A_1214 = tpu.memref_squeeze %dma_wait3A_1213 : memref<1x!tpu.dma_semaphore, #tpu.memory_space<semaphore_mem>> -> memref<!tpu.dma_semaphore, #tpu.memory_space<semaphore_mem>>
      %dma_wait3A_1215 = arith.constant 8 : i32
      %dma_wait3A_1216 = arith.constant 0 : i32
      %dma_wait3A_1217 = tpu.memref_slice %arg6[%dma_wait3A_1205, %dma_wait3A_1215, %dma_wait3A_1216] : memref<2x32x128xf32, #tpu.memory_space<vmem>> -> memref<1x8x128xf32, #tpu.memory_space<vmem>>
      %dma_wait3A_1218 = tpu.memref_squeeze %dma_wait3A_1217 : memref<1x8x128xf32, #tpu.memory_space<vmem>> -> memref<8x128xf32, #tpu.memory_space<vmem>>
      %dma_wait3A_1219 = arith.constant 8 : i32
      %dma_wait3A_1220 = tpu.memref_slice %arg3[%dma_wait3A_1219, %mul3A_1204] : memref<32x1000000xf32, #tpu.memory_space<hbm>> -> memref<8x128xf32, #tpu.memory_space<hbm>>
      tpu.wait_dma2 semaphore(%dma_wait3A_1214 : memref<!tpu.dma_semaphore, #tpu.memory_space<semaphore_mem>>) src(%dma_wait3A_1220 : memref<8x128xf32, #tpu.memory_space<hbm>>) dst(%dma_wait3A_1218 : memref<8x128xf32, #tpu.memory_space<vmem>>)
      %mul3A_1221 = arith.constant 128 : i32
      %mul3A_1222 = arith.muli %shift_right_logical3A_1184, %mul3A_1221 : i32
      %dma_wait3A_1223 = arith.constant 0 : i32
      %dma_wait3A_1224 = arith.constant 0 : i32
      %dma_wait3A_1225 = arith.constant 16 : i32
      %dma_wait3A_1226 = arith.constant 0 : i32
      %dma_wait3A_1227 = tpu.memref_slice %arg6[%dma_wait3A_1223, %dma_wait3A_1225, %dma_wait3A_1226] : memref<2x32x128xf32, #tpu.memory_space<vmem>> -> memref<1x8x128xf32, #tpu.memory_space<vmem>>
      %dma_wait3A_1228 = tpu.memref_squeeze %dma_wait3A_1227 : memref<1x8x128xf32, #tpu.memory_space<vmem>> -> memref<8x128xf32, #tpu.memory_space<vmem>>
      %dma_wait3A_1229 = arith.constant 16 : i32
      %dma_wait3A_1230 = tpu.memref_slice %arg3[%dma_wait3A_1229, %mul3A_1222] : memref<32x1000000xf32, #tpu.memory_space<hbm>> -> memref<8x128xf32, #tpu.memory_space<hbm>>
      %dma_wait3A_1231 = tpu.memref_slice %arg8[%dma_wait3A_1224] : memref<2x!tpu.dma_semaphore, #tpu.memory_space<semaphore_mem>> -> memref<1x!tpu.dma_semaphore, #tpu.memory_space<semaphore_mem>>
      %dma_wait3A_1232 = tpu.memref_squeeze %dma_wait3A_1231 : memref<1x!tpu.dma_semaphore, #tpu.memory_space<semaphore_mem>> -> memref<!tpu.dma_semaphore, #tpu.memory_space<semaphore_mem>>
      %dma_wait3A_1233 = arith.constant 16 : i32
      %dma_wait3A_1234 = arith.constant 0 : i32
      %dma_wait3A_1235 = tpu.memref_slice %arg6[%dma_wait3A_1223, %dma_wait3A_1233, %dma_wait3A_1234] : memref<2x32x128xf32, #tpu.memory_space<vmem>> -> memref<1x8x128xf32, #tpu.memory_space<vmem>>
      %dma_wait3A_1236 = tpu.memref_squeeze %dma_wait3A_1235 : memref<1x8x128xf32, #tpu.memory_space<vmem>> -> memref<8x128xf32, #tpu.memory_space<vmem>>
      %dma_wait3A_1237 = arith.constant 16 : i32
      %dma_wait3A_1238 = tpu.memref_slice %arg3[%dma_wait3A_1237, %mul3A_1222] : memref<32x1000000xf32, #tpu.memory_space<hbm>> -> memref<8x128xf32, #tpu.memory_space<hbm>>
      tpu.wait_dma2 semaphore(%dma_wait3A_1232 : memref<!tpu.dma_semaphore, #tpu.memory_space<semaphore_mem>>) src(%dma_wait3A_1238 : memref<8x128xf32, #tpu.memory_space<hbm>>) dst(%dma_wait3A_1236 : memref<8x128xf32, #tpu.memory_space<vmem>>)
      %mul3A_1239 = arith.constant 128 : i32
      %mul3A_1240 = arith.muli %shift_right_logical3A_1184, %mul3A_1239 : i32
      %dma_wait3A_1241 = arith.constant 0 : i32
      %dma_wait3A_1242 = arith.constant 0 : i32
      %dma_wait3A_1243 = arith.constant 24 : i32
      %dma_wait3A_1244 = arith.constant 0 : i32
      %dma_wait3A_1245 = tpu.memref_slice %arg6[%dma_wait3A_1241, %dma_wait3A_1243, %dma_wait3A_1244] : memref<2x32x128xf32, #tpu.memory_space<vmem>> -> memref<1x8x128xf32, #tpu.memory_space<vmem>>
      %dma_wait3A_1246 = tpu.memref_squeeze %dma_wait3A_1245 : memref<1x8x128xf32, #tpu.memory_space<vmem>> -> memref<8x128xf32, #tpu.memory_space<vmem>>
      %dma_wait3A_1247 = arith.constant 24 : i32
      %dma_wait3A_1248 = tpu.memref_slice %arg3[%dma_wait3A_1247, %mul3A_1240] : memref<32x1000000xf32, #tpu.memory_space<hbm>> -> memref<8x128xf32, #tpu.memory_space<hbm>>
      %dma_wait3A_1249 = tpu.memref_slice %arg8[%dma_wait3A_1242] : memref<2x!tpu.dma_semaphore, #tpu.memory_space<semaphore_mem>> -> memref<1x!tpu.dma_semaphore, #tpu.memory_space<semaphore_mem>>
      %dma_wait3A_1250 = tpu.memref_squeeze %dma_wait3A_1249 : memref<1x!tpu.dma_semaphore, #tpu.memory_space<semaphore_mem>> -> memref<!tpu.dma_semaphore, #tpu.memory_space<semaphore_mem>>
      %dma_wait3A_1251 = arith.constant 24 : i32
      %dma_wait3A_1252 = arith.constant 0 : i32
      %dma_wait3A_1253 = tpu.memref_slice %arg6[%dma_wait3A_1241, %dma_wait3A_1251, %dma_wait3A_1252] : memref<2x32x128xf32, #tpu.memory_space<vmem>> -> memref<1x8x128xf32, #tpu.memory_space<vmem>>
      %dma_wait3A_1254 = tpu.memref_squeeze %dma_wait3A_1253 : memref<1x8x128xf32, #tpu.memory_space<vmem>> -> memref<8x128xf32, #tpu.memory_space<vmem>>
      %dma_wait3A_1255 = arith.constant 24 : i32
      %dma_wait3A_1256 = tpu.memref_slice %arg3[%dma_wait3A_1255, %mul3A_1240] : memref<32x1000000xf32, #tpu.memory_space<hbm>> -> memref<8x128xf32, #tpu.memory_space<hbm>>
      tpu.wait_dma2 semaphore(%dma_wait3A_1250 : memref<!tpu.dma_semaphore, #tpu.memory_space<semaphore_mem>>) src(%dma_wait3A_1256 : memref<8x128xf32, #tpu.memory_space<hbm>>) dst(%dma_wait3A_1254 : memref<8x128xf32, #tpu.memory_space<vmem>>)
      %mul3A_1257 = arith.constant 16 : i32
      %mul3A_1258 = arith.muli %scan3A_8, %mul3A_1257 : i32
      %add3A_1259 = arith.constant 6 : i32
      %add3A_1260 = arith.addi %mul3A_1258, %add3A_1259 : i32
      %and3A_1261 = arith.constant 127 : i32
      %and3A_1262 = arith.andi %squeeze3A_1108, %and3A_1261 : i32
      %broadcast_in_dim3A_1263 = arith.constant 0 : i32
      %broadcast_in_dim3A_1264 = vector.broadcast %broadcast_in_dim3A_1263 : i32 to vector<16xi32>
      %add3A_1265 = vector.broadcast %and3A_1262 : i32 to vector<16xi32>
      %add3A_1266 = arith.addi %broadcast_in_dim3A_1264, %add3A_1265 : vector<16xi32>
      %broadcast_in_dim3A_1267 = arith.constant 0 : i32
      %broadcast_in_dim3A_1268 = vector.broadcast %broadcast_in_dim3A_1267 : i32 to vector<16xi32>
      %add3A_1269 = vector.broadcast %add3A_1260 : i32 to vector<16xi32>
      %add3A_1270 = arith.addi %broadcast_in_dim3A_1268, %add3A_1269 : vector<16xi32>
      %iota3A_1271 = tpu.iota {dimensions = array<i32: 0>} : vector<16xi32>
      %add3A_1272 = arith.constant 0 : i32
      %add3A_1273 = vector.broadcast %add3A_1272 : i32 to vector<16xi32>
      %add3A_1274 = arith.addi %iota3A_1271, %add3A_1273 : vector<16xi32>
      %gather3A_1275 = arith.constant 0 : i32
      %gather3A_1276 = arith.constant 0 : i32
      %gather3A_1277 = arith.constant 0 : i32
      %gather3A_1278 = tpu.memref_slice %arg6[%gather3A_1275, %gather3A_1276, %gather3A_1277] : memref<2x32x128xf32, #tpu.memory_space<vmem>> -> memref<1x32x128xf32, #tpu.memory_space<vmem>>
      %gather3A_1279 = tpu.memref_squeeze %gather3A_1278 : memref<1x32x128xf32, #tpu.memory_space<vmem>> -> memref<32x128xf32, #tpu.memory_space<vmem>>
      %gather3A_1280 = tpu.vector_load_idx %gather3A_1279[%add3A_1274, %add3A_1266] : memref<32x128xf32, #tpu.memory_space<vmem>>[vector<16xi32>, vector<16xi32>], vector<16xf32>,
      tpu.vector_store_idx %arg7[%add3A_1274, %add3A_1270], %gather3A_1280 : memref<32x128xf32, #tpu.memory_space<vmem>>[vector<16xi32>, vector<16xi32>], vector<16xf32>,
      %iota3A_1281 = tpu.iota {dimensions = array<i32: 0>} : vector<16xi32>
      %add3A_1282 = arith.constant 16 : i32
      %add3A_1283 = vector.broadcast %add3A_1282 : i32 to vector<16xi32>
      %add3A_1284 = arith.addi %iota3A_1281, %add3A_1283 : vector<16xi32>
      %gather3A_1285 = arith.constant 0 : i32
      %gather3A_1286 = arith.constant 0 : i32
      %gather3A_1287 = arith.constant 0 : i32
      %gather3A_1288 = tpu.memref_slice %arg6[%gather3A_1285, %gather3A_1286, %gather3A_1287] : memref<2x32x128xf32, #tpu.memory_space<vmem>> -> memref<1x32x128xf32, #tpu.memory_space<vmem>>
      %gather3A_1289 = tpu.memref_squeeze %gather3A_1288 : memref<1x32x128xf32, #tpu.memory_space<vmem>> -> memref<32x128xf32, #tpu.memory_space<vmem>>
      %gather3A_1290 = tpu.vector_load_idx %gather3A_1289[%add3A_1284, %add3A_1266] : memref<32x128xf32, #tpu.memory_space<vmem>>[vector<16xi32>, vector<16xi32>], vector<16xf32>,
      tpu.vector_store_idx %arg7[%add3A_1284, %add3A_1270], %gather3A_1290 : memref<32x128xf32, #tpu.memory_space<vmem>>[vector<16xi32>, vector<16xi32>], vector<16xf32>,
      %slice3A_1291 = vector.extract_strided_slice %get3A_11 {offsets = [7], sizes = [1], strides = [1]} : vector<16xi32> to vector<1xi32>
      %squeeze3A_1292 = vector.extract %slice3A_1291[0] : i32 from vector<1xi32>
      %shift_right_logical3A_1293 = arith.constant 7 : i32
      %shift_right_logical3A_1294 = arith.shrui %squeeze3A_1292, %shift_right_logical3A_1293 : i32
      %mul3A_1295 = arith.constant 128 : i32
      %mul3A_1296 = arith.muli %shift_right_logical3A_1294, %mul3A_1295 : i32
      %dma_start3A_1297 = arith.constant 1 : i32
      %dma_start3A_1298 = arith.constant 1 : i32
      %dma_start3A_1299 = arith.constant 0 : i32
      %dma_start3A_1300 = arith.constant 0 : i32
      %dma_start3A_1301 = tpu.memref_slice %arg6[%dma_start3A_1297, %dma_start3A_1299, %dma_start3A_1300] : memref<2x32x128xf32, #tpu.memory_space<vmem>> -> memref<1x8x128xf32, #tpu.memory_space<vmem>>
      %dma_start3A_1302 = tpu.memref_squeeze %dma_start3A_1301 : memref<1x8x128xf32, #tpu.memory_space<vmem>> -> memref<8x128xf32, #tpu.memory_space<vmem>>
      %dma_start3A_1303 = arith.constant 0 : i32
      %dma_start3A_1304 = tpu.memref_slice %arg3[%dma_start3A_1303, %mul3A_1296] : memref<32x1000000xf32, #tpu.memory_space<hbm>> -> memref<8x128xf32, #tpu.memory_space<hbm>>
      %dma_start3A_1305 = tpu.memref_slice %arg8[%dma_start3A_1298] : memref<2x!tpu.dma_semaphore, #tpu.memory_space<semaphore_mem>> -> memref<1x!tpu.dma_semaphore, #tpu.memory_space<semaphore_mem>>
      %dma_start3A_1306 = tpu.memref_squeeze %dma_start3A_1305 : memref<1x!tpu.dma_semaphore, #tpu.memory_space<semaphore_mem>> -> memref<!tpu.dma_semaphore, #tpu.memory_space<semaphore_mem>>
      %dma_start3A_1307 = arith.constant 0 : i32
      %dma_start3A_1308 = arith.constant 0 : i32
      %dma_start3A_1309 = tpu.memref_slice %arg6[%dma_start3A_1297, %dma_start3A_1307, %dma_start3A_1308] : memref<2x32x128xf32, #tpu.memory_space<vmem>> -> memref<1x8x128xf32, #tpu.memory_space<vmem>>
      %dma_start3A_1310 = tpu.memref_squeeze %dma_start3A_1309 : memref<1x8x128xf32, #tpu.memory_space<vmem>> -> memref<8x128xf32, #tpu.memory_space<vmem>>
      %dma_start3A_1311 = arith.constant 0 : i32
      %dma_start3A_1312 = tpu.memref_slice %arg3[%dma_start3A_1311, %mul3A_1296] : memref<32x1000000xf32, #tpu.memory_space<hbm>> -> memref<8x128xf32, #tpu.memory_space<hbm>>
      tpu.enqueue_dma source(%dma_start3A_1312 : memref<8x128xf32, #tpu.memory_space<hbm>>) target(%dma_start3A_1310 : memref<8x128xf32, #tpu.memory_space<vmem>>) target_semaphore(%dma_start3A_1306 : memref<!tpu.dma_semaphore, #tpu.memory_space<semaphore_mem>>)
      %mul3A_1313 = arith.constant 128 : i32
      %mul3A_1314 = arith.muli %shift_right_logical3A_1294, %mul3A_1313 : i32
      %dma_start3A_1315 = arith.constant 1 : i32
      %dma_start3A_1316 = arith.constant 1 : i32
      %dma_start3A_1317 = arith.constant 8 : i32
      %dma_start3A_1318 = arith.constant 0 : i32
      %dma_start3A_1319 = tpu.memref_slice %arg6[%dma_start3A_1315, %dma_start3A_1317, %dma_start3A_1318] : memref<2x32x128xf32, #tpu.memory_space<vmem>> -> memref<1x8x128xf32, #tpu.memory_space<vmem>>
      %dma_start3A_1320 = tpu.memref_squeeze %dma_start3A_1319 : memref<1x8x128xf32, #tpu.memory_space<vmem>> -> memref<8x128xf32, #tpu.memory_space<vmem>>
      %dma_start3A_1321 = arith.constant 8 : i32
      %dma_start3A_1322 = tpu.memref_slice %arg3[%dma_start3A_1321, %mul3A_1314] : memref<32x1000000xf32, #tpu.memory_space<hbm>> -> memref<8x128xf32, #tpu.memory_space<hbm>>
      %dma_start3A_1323 = tpu.memref_slice %arg8[%dma_start3A_1316] : memref<2x!tpu.dma_semaphore, #tpu.memory_space<semaphore_mem>> -> memref<1x!tpu.dma_semaphore, #tpu.memory_space<semaphore_mem>>
      %dma_start3A_1324 = tpu.memref_squeeze %dma_start3A_1323 : memref<1x!tpu.dma_semaphore, #tpu.memory_space<semaphore_mem>> -> memref<!tpu.dma_semaphore, #tpu.memory_space<semaphore_mem>>
      %dma_start3A_1325 = arith.constant 8 : i32
      %dma_start3A_1326 = arith.constant 0 : i32
      %dma_start3A_1327 = tpu.memref_slice %arg6[%dma_start3A_1315, %dma_start3A_1325, %dma_start3A_1326] : memref<2x32x128xf32, #tpu.memory_space<vmem>> -> memref<1x8x128xf32, #tpu.memory_space<vmem>>
      %dma_start3A_1328 = tpu.memref_squeeze %dma_start3A_1327 : memref<1x8x128xf32, #tpu.memory_space<vmem>> -> memref<8x128xf32, #tpu.memory_space<vmem>>
      %dma_start3A_1329 = arith.constant 8 : i32
      %dma_start3A_1330 = tpu.memref_slice %arg3[%dma_start3A_1329, %mul3A_1314] : memref<32x1000000xf32, #tpu.memory_space<hbm>> -> memref<8x128xf32, #tpu.memory_space<hbm>>
      tpu.enqueue_dma source(%dma_start3A_1330 : memref<8x128xf32, #tpu.memory_space<hbm>>) target(%dma_start3A_1328 : memref<8x128xf32, #tpu.memory_space<vmem>>) target_semaphore(%dma_start3A_1324 : memref<!tpu.dma_semaphore, #tpu.memory_space<semaphore_mem>>)
      %mul3A_1331 = arith.constant 128 : i32
      %mul3A_1332 = arith.muli %shift_right_logical3A_1294, %mul3A_1331 : i32
      %dma_start3A_1333 = arith.constant 1 : i32
      %dma_start3A_1334 = arith.constant 1 : i32
      %dma_start3A_1335 = arith.constant 16 : i32
      %dma_start3A_1336 = arith.constant 0 : i32
      %dma_start3A_1337 = tpu.memref_slice %arg6[%dma_start3A_1333, %dma_start3A_1335, %dma_start3A_1336] : memref<2x32x128xf32, #tpu.memory_space<vmem>> -> memref<1x8x128xf32, #tpu.memory_space<vmem>>
      %dma_start3A_1338 = tpu.memref_squeeze %dma_start3A_1337 : memref<1x8x128xf32, #tpu.memory_space<vmem>> -> memref<8x128xf32, #tpu.memory_space<vmem>>
      %dma_start3A_1339 = arith.constant 16 : i32
      %dma_start3A_1340 = tpu.memref_slice %arg3[%dma_start3A_1339, %mul3A_1332] : memref<32x1000000xf32, #tpu.memory_space<hbm>> -> memref<8x128xf32, #tpu.memory_space<hbm>>
      %dma_start3A_1341 = tpu.memref_slice %arg8[%dma_start3A_1334] : memref<2x!tpu.dma_semaphore, #tpu.memory_space<semaphore_mem>> -> memref<1x!tpu.dma_semaphore, #tpu.memory_space<semaphore_mem>>
      %dma_start3A_1342 = tpu.memref_squeeze %dma_start3A_1341 : memref<1x!tpu.dma_semaphore, #tpu.memory_space<semaphore_mem>> -> memref<!tpu.dma_semaphore, #tpu.memory_space<semaphore_mem>>
      %dma_start3A_1343 = arith.constant 16 : i32
      %dma_start3A_1344 = arith.constant 0 : i32
      %dma_start3A_1345 = tpu.memref_slice %arg6[%dma_start3A_1333, %dma_start3A_1343, %dma_start3A_1344] : memref<2x32x128xf32, #tpu.memory_space<vmem>> -> memref<1x8x128xf32, #tpu.memory_space<vmem>>
      %dma_start3A_1346 = tpu.memref_squeeze %dma_start3A_1345 : memref<1x8x128xf32, #tpu.memory_space<vmem>> -> memref<8x128xf32, #tpu.memory_space<vmem>>
      %dma_start3A_1347 = arith.constant 16 : i32
      %dma_start3A_1348 = tpu.memref_slice %arg3[%dma_start3A_1347, %mul3A_1332] : memref<32x1000000xf32, #tpu.memory_space<hbm>> -> memref<8x128xf32, #tpu.memory_space<hbm>>
      tpu.enqueue_dma source(%dma_start3A_1348 : memref<8x128xf32, #tpu.memory_space<hbm>>) target(%dma_start3A_1346 : memref<8x128xf32, #tpu.memory_space<vmem>>) target_semaphore(%dma_start3A_1342 : memref<!tpu.dma_semaphore, #tpu.memory_space<semaphore_mem>>)
      %mul3A_1349 = arith.constant 128 : i32
      %mul3A_1350 = arith.muli %shift_right_logical3A_1294, %mul3A_1349 : i32
      %dma_start3A_1351 = arith.constant 1 : i32
      %dma_start3A_1352 = arith.constant 1 : i32
      %dma_start3A_1353 = arith.constant 24 : i32
      %dma_start3A_1354 = arith.constant 0 : i32
      %dma_start3A_1355 = tpu.memref_slice %arg6[%dma_start3A_1351, %dma_start3A_1353, %dma_start3A_1354] : memref<2x32x128xf32, #tpu.memory_space<vmem>> -> memref<1x8x128xf32, #tpu.memory_space<vmem>>
      %dma_start3A_1356 = tpu.memref_squeeze %dma_start3A_1355 : memref<1x8x128xf32, #tpu.memory_space<vmem>> -> memref<8x128xf32, #tpu.memory_space<vmem>>
      %dma_start3A_1357 = arith.constant 24 : i32
      %dma_start3A_1358 = tpu.memref_slice %arg3[%dma_start3A_1357, %mul3A_1350] : memref<32x1000000xf32, #tpu.memory_space<hbm>> -> memref<8x128xf32, #tpu.memory_space<hbm>>
      %dma_start3A_1359 = tpu.memref_slice %arg8[%dma_start3A_1352] : memref<2x!tpu.dma_semaphore, #tpu.memory_space<semaphore_mem>> -> memref<1x!tpu.dma_semaphore, #tpu.memory_space<semaphore_mem>>
      %dma_start3A_1360 = tpu.memref_squeeze %dma_start3A_1359 : memref<1x!tpu.dma_semaphore, #tpu.memory_space<semaphore_mem>> -> memref<!tpu.dma_semaphore, #tpu.memory_space<semaphore_mem>>
      %dma_start3A_1361 = arith.constant 24 : i32
      %dma_start3A_1362 = arith.constant 0 : i32
      %dma_start3A_1363 = tpu.memref_slice %arg6[%dma_start3A_1351, %dma_start3A_1361, %dma_start3A_1362] : memref<2x32x128xf32, #tpu.memory_space<vmem>> -> memref<1x8x128xf32, #tpu.memory_space<vmem>>
      %dma_start3A_1364 = tpu.memref_squeeze %dma_start3A_1363 : memref<1x8x128xf32, #tpu.memory_space<vmem>> -> memref<8x128xf32, #tpu.memory_space<vmem>>
      %dma_start3A_1365 = arith.constant 24 : i32
      %dma_start3A_1366 = tpu.memref_slice %arg3[%dma_start3A_1365, %mul3A_1350] : memref<32x1000000xf32, #tpu.memory_space<hbm>> -> memref<8x128xf32, #tpu.memory_space<hbm>>
      tpu.enqueue_dma source(%dma_start3A_1366 : memref<8x128xf32, #tpu.memory_space<hbm>>) target(%dma_start3A_1364 : memref<8x128xf32, #tpu.memory_space<vmem>>) target_semaphore(%dma_start3A_1360 : memref<!tpu.dma_semaphore, #tpu.memory_space<semaphore_mem>>)
      %shift_right_logical3A_1367 = arith.constant 7 : i32
      %shift_right_logical3A_1368 = arith.shrui %squeeze3A_1292, %shift_right_logical3A_1367 : i32
      %mul3A_1369 = arith.constant 128 : i32
      %mul3A_1370 = arith.muli %shift_right_logical3A_1368, %mul3A_1369 : i32
      %dma_wait3A_1371 = arith.constant 1 : i32
      %dma_wait3A_1372 = arith.constant 1 : i32
      %dma_wait3A_1373 = arith.constant 0 : i32
      %dma_wait3A_1374 = arith.constant 0 : i32
      %dma_wait3A_1375 = tpu.memref_slice %arg6[%dma_wait3A_1371, %dma_wait3A_1373, %dma_wait3A_1374] : memref<2x32x128xf32, #tpu.memory_space<vmem>> -> memref<1x8x128xf32, #tpu.memory_space<vmem>>
      %dma_wait3A_1376 = tpu.memref_squeeze %dma_wait3A_1375 : memref<1x8x128xf32, #tpu.memory_space<vmem>> -> memref<8x128xf32, #tpu.memory_space<vmem>>
      %dma_wait3A_1377 = arith.constant 0 : i32
      %dma_wait3A_1378 = tpu.memref_slice %arg3[%dma_wait3A_1377, %mul3A_1370] : memref<32x1000000xf32, #tpu.memory_space<hbm>> -> memref<8x128xf32, #tpu.memory_space<hbm>>
      %dma_wait3A_1379 = tpu.memref_slice %arg8[%dma_wait3A_1372] : memref<2x!tpu.dma_semaphore, #tpu.memory_space<semaphore_mem>> -> memref<1x!tpu.dma_semaphore, #tpu.memory_space<semaphore_mem>>
      %dma_wait3A_1380 = tpu.memref_squeeze %dma_wait3A_1379 : memref<1x!tpu.dma_semaphore, #tpu.memory_space<semaphore_mem>> -> memref<!tpu.dma_semaphore, #tpu.memory_space<semaphore_mem>>
      %dma_wait3A_1381 = arith.constant 0 : i32
      %dma_wait3A_1382 = arith.constant 0 : i32
      %dma_wait3A_1383 = tpu.memref_slice %arg6[%dma_wait3A_1371, %dma_wait3A_1381, %dma_wait3A_1382] : memref<2x32x128xf32, #tpu.memory_space<vmem>> -> memref<1x8x128xf32, #tpu.memory_space<vmem>>
      %dma_wait3A_1384 = tpu.memref_squeeze %dma_wait3A_1383 : memref<1x8x128xf32, #tpu.memory_space<vmem>> -> memref<8x128xf32, #tpu.memory_space<vmem>>
      %dma_wait3A_1385 = arith.constant 0 : i32
      %dma_wait3A_1386 = tpu.memref_slice %arg3[%dma_wait3A_1385, %mul3A_1370] : memref<32x1000000xf32, #tpu.memory_space<hbm>> -> memref<8x128xf32, #tpu.memory_space<hbm>>
      tpu.wait_dma2 semaphore(%dma_wait3A_1380 : memref<!tpu.dma_semaphore, #tpu.memory_space<semaphore_mem>>) src(%dma_wait3A_1386 : memref<8x128xf32, #tpu.memory_space<hbm>>) dst(%dma_wait3A_1384 : memref<8x128xf32, #tpu.memory_space<vmem>>)
      %mul3A_1387 = arith.constant 128 : i32
      %mul3A_1388 = arith.muli %shift_right_logical3A_1368, %mul3A_1387 : i32
      %dma_wait3A_1389 = arith.constant 1 : i32
      %dma_wait3A_1390 = arith.constant 1 : i32
      %dma_wait3A_1391 = arith.constant 8 : i32
      %dma_wait3A_1392 = arith.constant 0 : i32
      %dma_wait3A_1393 = tpu.memref_slice %arg6[%dma_wait3A_1389, %dma_wait3A_1391, %dma_wait3A_1392] : memref<2x32x128xf32, #tpu.memory_space<vmem>> -> memref<1x8x128xf32, #tpu.memory_space<vmem>>
      %dma_wait3A_1394 = tpu.memref_squeeze %dma_wait3A_1393 : memref<1x8x128xf32, #tpu.memory_space<vmem>> -> memref<8x128xf32, #tpu.memory_space<vmem>>
      %dma_wait3A_1395 = arith.constant 8 : i32
      %dma_wait3A_1396 = tpu.memref_slice %arg3[%dma_wait3A_1395, %mul3A_1388] : memref<32x1000000xf32, #tpu.memory_space<hbm>> -> memref<8x128xf32, #tpu.memory_space<hbm>>
      %dma_wait3A_1397 = tpu.memref_slice %arg8[%dma_wait3A_1390] : memref<2x!tpu.dma_semaphore, #tpu.memory_space<semaphore_mem>> -> memref<1x!tpu.dma_semaphore, #tpu.memory_space<semaphore_mem>>
      %dma_wait3A_1398 = tpu.memref_squeeze %dma_wait3A_1397 : memref<1x!tpu.dma_semaphore, #tpu.memory_space<semaphore_mem>> -> memref<!tpu.dma_semaphore, #tpu.memory_space<semaphore_mem>>
      %dma_wait3A_1399 = arith.constant 8 : i32
      %dma_wait3A_1400 = arith.constant 0 : i32
      %dma_wait3A_1401 = tpu.memref_slice %arg6[%dma_wait3A_1389, %dma_wait3A_1399, %dma_wait3A_1400] : memref<2x32x128xf32, #tpu.memory_space<vmem>> -> memref<1x8x128xf32, #tpu.memory_space<vmem>>
      %dma_wait3A_1402 = tpu.memref_squeeze %dma_wait3A_1401 : memref<1x8x128xf32, #tpu.memory_space<vmem>> -> memref<8x128xf32, #tpu.memory_space<vmem>>
      %dma_wait3A_1403 = arith.constant 8 : i32
      %dma_wait3A_1404 = tpu.memref_slice %arg3[%dma_wait3A_1403, %mul3A_1388] : memref<32x1000000xf32, #tpu.memory_space<hbm>> -> memref<8x128xf32, #tpu.memory_space<hbm>>
      tpu.wait_dma2 semaphore(%dma_wait3A_1398 : memref<!tpu.dma_semaphore, #tpu.memory_space<semaphore_mem>>) src(%dma_wait3A_1404 : memref<8x128xf32, #tpu.memory_space<hbm>>) dst(%dma_wait3A_1402 : memref<8x128xf32, #tpu.memory_space<vmem>>)
      %mul3A_1405 = arith.constant 128 : i32
      %mul3A_1406 = arith.muli %shift_right_logical3A_1368, %mul3A_1405 : i32
      %dma_wait3A_1407 = arith.constant 1 : i32
      %dma_wait3A_1408 = arith.constant 1 : i32
      %dma_wait3A_1409 = arith.constant 16 : i32
      %dma_wait3A_1410 = arith.constant 0 : i32
      %dma_wait3A_1411 = tpu.memref_slice %arg6[%dma_wait3A_1407, %dma_wait3A_1409, %dma_wait3A_1410] : memref<2x32x128xf32, #tpu.memory_space<vmem>> -> memref<1x8x128xf32, #tpu.memory_space<vmem>>
      %dma_wait3A_1412 = tpu.memref_squeeze %dma_wait3A_1411 : memref<1x8x128xf32, #tpu.memory_space<vmem>> -> memref<8x128xf32, #tpu.memory_space<vmem>>
      %dma_wait3A_1413 = arith.constant 16 : i32
      %dma_wait3A_1414 = tpu.memref_slice %arg3[%dma_wait3A_1413, %mul3A_1406] : memref<32x1000000xf32, #tpu.memory_space<hbm>> -> memref<8x128xf32, #tpu.memory_space<hbm>>
      %dma_wait3A_1415 = tpu.memref_slice %arg8[%dma_wait3A_1408] : memref<2x!tpu.dma_semaphore, #tpu.memory_space<semaphore_mem>> -> memref<1x!tpu.dma_semaphore, #tpu.memory_space<semaphore_mem>>
      %dma_wait3A_1416 = tpu.memref_squeeze %dma_wait3A_1415 : memref<1x!tpu.dma_semaphore, #tpu.memory_space<semaphore_mem>> -> memref<!tpu.dma_semaphore, #tpu.memory_space<semaphore_mem>>
      %dma_wait3A_1417 = arith.constant 16 : i32
      %dma_wait3A_1418 = arith.constant 0 : i32
      %dma_wait3A_1419 = tpu.memref_slice %arg6[%dma_wait3A_1407, %dma_wait3A_1417, %dma_wait3A_1418] : memref<2x32x128xf32, #tpu.memory_space<vmem>> -> memref<1x8x128xf32, #tpu.memory_space<vmem>>
      %dma_wait3A_1420 = tpu.memref_squeeze %dma_wait3A_1419 : memref<1x8x128xf32, #tpu.memory_space<vmem>> -> memref<8x128xf32, #tpu.memory_space<vmem>>
      %dma_wait3A_1421 = arith.constant 16 : i32
      %dma_wait3A_1422 = tpu.memref_slice %arg3[%dma_wait3A_1421, %mul3A_1406] : memref<32x1000000xf32, #tpu.memory_space<hbm>> -> memref<8x128xf32, #tpu.memory_space<hbm>>
      tpu.wait_dma2 semaphore(%dma_wait3A_1416 : memref<!tpu.dma_semaphore, #tpu.memory_space<semaphore_mem>>) src(%dma_wait3A_1422 : memref<8x128xf32, #tpu.memory_space<hbm>>) dst(%dma_wait3A_1420 : memref<8x128xf32, #tpu.memory_space<vmem>>)
      %mul3A_1423 = arith.constant 128 : i32
      %mul3A_1424 = arith.muli %shift_right_logical3A_1368, %mul3A_1423 : i32
      %dma_wait3A_1425 = arith.constant 1 : i32
      %dma_wait3A_1426 = arith.constant 1 : i32
      %dma_wait3A_1427 = arith.constant 24 : i32
      %dma_wait3A_1428 = arith.constant 0 : i32
      %dma_wait3A_1429 = tpu.memref_slice %arg6[%dma_wait3A_1425, %dma_wait3A_1427, %dma_wait3A_1428] : memref<2x32x128xf32, #tpu.memory_space<vmem>> -> memref<1x8x128xf32, #tpu.memory_space<vmem>>
      %dma_wait3A_1430 = tpu.memref_squeeze %dma_wait3A_1429 : memref<1x8x128xf32, #tpu.memory_space<vmem>> -> memref<8x128xf32, #tpu.memory_space<vmem>>
      %dma_wait3A_1431 = arith.constant 24 : i32
      %dma_wait3A_1432 = tpu.memref_slice %arg3[%dma_wait3A_1431, %mul3A_1424] : memref<32x1000000xf32, #tpu.memory_space<hbm>> -> memref<8x128xf32, #tpu.memory_space<hbm>>
      %dma_wait3A_1433 = tpu.memref_slice %arg8[%dma_wait3A_1426] : memref<2x!tpu.dma_semaphore, #tpu.memory_space<semaphore_mem>> -> memref<1x!tpu.dma_semaphore, #tpu.memory_space<semaphore_mem>>
      %dma_wait3A_1434 = tpu.memref_squeeze %dma_wait3A_1433 : memref<1x!tpu.dma_semaphore, #tpu.memory_space<semaphore_mem>> -> memref<!tpu.dma_semaphore, #tpu.memory_space<semaphore_mem>>
      %dma_wait3A_1435 = arith.constant 24 : i32
      %dma_wait3A_1436 = arith.constant 0 : i32
      %dma_wait3A_1437 = tpu.memref_slice %arg6[%dma_wait3A_1425, %dma_wait3A_1435, %dma_wait3A_1436] : memref<2x32x128xf32, #tpu.memory_space<vmem>> -> memref<1x8x128xf32, #tpu.memory_space<vmem>>
      %dma_wait3A_1438 = tpu.memref_squeeze %dma_wait3A_1437 : memref<1x8x128xf32, #tpu.memory_space<vmem>> -> memref<8x128xf32, #tpu.memory_space<vmem>>
      %dma_wait3A_1439 = arith.constant 24 : i32
      %dma_wait3A_1440 = tpu.memref_slice %arg3[%dma_wait3A_1439, %mul3A_1424] : memref<32x1000000xf32, #tpu.memory_space<hbm>> -> memref<8x128xf32, #tpu.memory_space<hbm>>
      tpu.wait_dma2 semaphore(%dma_wait3A_1434 : memref<!tpu.dma_semaphore, #tpu.memory_space<semaphore_mem>>) src(%dma_wait3A_1440 : memref<8x128xf32, #tpu.memory_space<hbm>>) dst(%dma_wait3A_1438 : memref<8x128xf32, #tpu.memory_space<vmem>>)
      %mul3A_1441 = arith.constant 16 : i32
      %mul3A_1442 = arith.muli %scan3A_8, %mul3A_1441 : i32
      %add3A_1443 = arith.constant 7 : i32
      %add3A_1444 = arith.addi %mul3A_1442, %add3A_1443 : i32
      %and3A_1445 = arith.constant 127 : i32
      %and3A_1446 = arith.andi %squeeze3A_1292, %and3A_1445 : i32
      %broadcast_in_dim3A_1447 = arith.constant 0 : i32
      %broadcast_in_dim3A_1448 = vector.broadcast %broadcast_in_dim3A_1447 : i32 to vector<16xi32>
      %add3A_1449 = vector.broadcast %and3A_1446 : i32 to vector<16xi32>
      %add3A_1450 = arith.addi %broadcast_in_dim3A_1448, %add3A_1449 : vector<16xi32>
      %broadcast_in_dim3A_1451 = arith.constant 0 : i32
      %broadcast_in_dim3A_1452 = vector.broadcast %broadcast_in_dim3A_1451 : i32 to vector<16xi32>
      %add3A_1453 = vector.broadcast %add3A_1444 : i32 to vector<16xi32>
      %add3A_1454 = arith.addi %broadcast_in_dim3A_1452, %add3A_1453 : vector<16xi32>
      %iota3A_1455 = tpu.iota {dimensions = array<i32: 0>} : vector<16xi32>
      %add3A_1456 = arith.constant 0 : i32
      %add3A_1457 = vector.broadcast %add3A_1456 : i32 to vector<16xi32>
      %add3A_1458 = arith.addi %iota3A_1455, %add3A_1457 : vector<16xi32>
      %gather3A_1459 = arith.constant 1 : i32
      %gather3A_1460 = arith.constant 0 : i32
      %gather3A_1461 = arith.constant 0 : i32
      %gather3A_1462 = tpu.memref_slice %arg6[%gather3A_1459, %gather3A_1460, %gather3A_1461] : memref<2x32x128xf32, #tpu.memory_space<vmem>> -> memref<1x32x128xf32, #tpu.memory_space<vmem>>
      %gather3A_1463 = tpu.memref_squeeze %gather3A_1462 : memref<1x32x128xf32, #tpu.memory_space<vmem>> -> memref<32x128xf32, #tpu.memory_space<vmem>>
      %gather3A_1464 = tpu.vector_load_idx %gather3A_1463[%add3A_1458, %add3A_1450] : memref<32x128xf32, #tpu.memory_space<vmem>>[vector<16xi32>, vector<16xi32>], vector<16xf32>,
      tpu.vector_store_idx %arg7[%add3A_1458, %add3A_1454], %gather3A_1464 : memref<32x128xf32, #tpu.memory_space<vmem>>[vector<16xi32>, vector<16xi32>], vector<16xf32>,
      %iota3A_1465 = tpu.iota {dimensions = array<i32: 0>} : vector<16xi32>
      %add3A_1466 = arith.constant 16 : i32
      %add3A_1467 = vector.broadcast %add3A_1466 : i32 to vector<16xi32>
      %add3A_1468 = arith.addi %iota3A_1465, %add3A_1467 : vector<16xi32>
      %gather3A_1469 = arith.constant 1 : i32
      %gather3A_1470 = arith.constant 0 : i32
      %gather3A_1471 = arith.constant 0 : i32
      %gather3A_1472 = tpu.memref_slice %arg6[%gather3A_1469, %gather3A_1470, %gather3A_1471] : memref<2x32x128xf32, #tpu.memory_space<vmem>> -> memref<1x32x128xf32, #tpu.memory_space<vmem>>
      %gather3A_1473 = tpu.memref_squeeze %gather3A_1472 : memref<1x32x128xf32, #tpu.memory_space<vmem>> -> memref<32x128xf32, #tpu.memory_space<vmem>>
      %gather3A_1474 = tpu.vector_load_idx %gather3A_1473[%add3A_1468, %add3A_1450] : memref<32x128xf32, #tpu.memory_space<vmem>>[vector<16xi32>, vector<16xi32>], vector<16xf32>,
      tpu.vector_store_idx %arg7[%add3A_1468, %add3A_1454], %gather3A_1474 : memref<32x128xf32, #tpu.memory_space<vmem>>[vector<16xi32>, vector<16xi32>], vector<16xf32>,
      %slice3A_1475 = vector.extract_strided_slice %get3A_11 {offsets = [8], sizes = [1], strides = [1]} : vector<16xi32> to vector<1xi32>
      %squeeze3A_1476 = vector.extract %slice3A_1475[0] : i32 from vector<1xi32>
      %shift_right_logical3A_1477 = arith.constant 7 : i32
      %shift_right_logical3A_1478 = arith.shrui %squeeze3A_1476, %shift_right_logical3A_1477 : i32
      %mul3A_1479 = arith.constant 128 : i32
      %mul3A_1480 = arith.muli %shift_right_logical3A_1478, %mul3A_1479 : i32
      %dma_start3A_1481 = arith.constant 0 : i32
      %dma_start3A_1482 = arith.constant 0 : i32
      %dma_start3A_1483 = arith.constant 0 : i32
      %dma_start3A_1484 = arith.constant 0 : i32
      %dma_start3A_1485 = tpu.memref_slice %arg6[%dma_start3A_1481, %dma_start3A_1483, %dma_start3A_1484] : memref<2x32x128xf32, #tpu.memory_space<vmem>> -> memref<1x8x128xf32, #tpu.memory_space<vmem>>
      %dma_start3A_1486 = tpu.memref_squeeze %dma_start3A_1485 : memref<1x8x128xf32, #tpu.memory_space<vmem>> -> memref<8x128xf32, #tpu.memory_space<vmem>>
      %dma_start3A_1487 = arith.constant 0 : i32
      %dma_start3A_1488 = tpu.memref_slice %arg3[%dma_start3A_1487, %mul3A_1480] : memref<32x1000000xf32, #tpu.memory_space<hbm>> -> memref<8x128xf32, #tpu.memory_space<hbm>>
      %dma_start3A_1489 = tpu.memref_slice %arg8[%dma_start3A_1482] : memref<2x!tpu.dma_semaphore, #tpu.memory_space<semaphore_mem>> -> memref<1x!tpu.dma_semaphore, #tpu.memory_space<semaphore_mem>>
      %dma_start3A_1490 = tpu.memref_squeeze %dma_start3A_1489 : memref<1x!tpu.dma_semaphore, #tpu.memory_space<semaphore_mem>> -> memref<!tpu.dma_semaphore, #tpu.memory_space<semaphore_mem>>
      %dma_start3A_1491 = arith.constant 0 : i32
      %dma_start3A_1492 = arith.constant 0 : i32
      %dma_start3A_1493 = tpu.memref_slice %arg6[%dma_start3A_1481, %dma_start3A_1491, %dma_start3A_1492] : memref<2x32x128xf32, #tpu.memory_space<vmem>> -> memref<1x8x128xf32, #tpu.memory_space<vmem>>
      %dma_start3A_1494 = tpu.memref_squeeze %dma_start3A_1493 : memref<1x8x128xf32, #tpu.memory_space<vmem>> -> memref<8x128xf32, #tpu.memory_space<vmem>>
      %dma_start3A_1495 = arith.constant 0 : i32
      %dma_start3A_1496 = tpu.memref_slice %arg3[%dma_start3A_1495, %mul3A_1480] : memref<32x1000000xf32, #tpu.memory_space<hbm>> -> memref<8x128xf32, #tpu.memory_space<hbm>>
      tpu.enqueue_dma source(%dma_start3A_1496 : memref<8x128xf32, #tpu.memory_space<hbm>>) target(%dma_start3A_1494 : memref<8x128xf32, #tpu.memory_space<vmem>>) target_semaphore(%dma_start3A_1490 : memref<!tpu.dma_semaphore, #tpu.memory_space<semaphore_mem>>)
      %mul3A_1497 = arith.constant 128 : i32
      %mul3A_1498 = arith.muli %shift_right_logical3A_1478, %mul3A_1497 : i32
      %dma_start3A_1499 = arith.constant 0 : i32
      %dma_start3A_1500 = arith.constant 0 : i32
      %dma_start3A_1501 = arith.constant 8 : i32
      %dma_start3A_1502 = arith.constant 0 : i32
      %dma_start3A_1503 = tpu.memref_slice %arg6[%dma_start3A_1499, %dma_start3A_1501, %dma_start3A_1502] : memref<2x32x128xf32, #tpu.memory_space<vmem>> -> memref<1x8x128xf32, #tpu.memory_space<vmem>>
      %dma_start3A_1504 = tpu.memref_squeeze %dma_start3A_1503 : memref<1x8x128xf32, #tpu.memory_space<vmem>> -> memref<8x128xf32, #tpu.memory_space<vmem>>
      %dma_start3A_1505 = arith.constant 8 : i32
      %dma_start3A_1506 = tpu.memref_slice %arg3[%dma_start3A_1505, %mul3A_1498] : memref<32x1000000xf32, #tpu.memory_space<hbm>> -> memref<8x128xf32, #tpu.memory_space<hbm>>
      %dma_start3A_1507 = tpu.memref_slice %arg8[%dma_start3A_1500] : memref<2x!tpu.dma_semaphore, #tpu.memory_space<semaphore_mem>> -> memref<1x!tpu.dma_semaphore, #tpu.memory_space<semaphore_mem>>
      %dma_start3A_1508 = tpu.memref_squeeze %dma_start3A_1507 : memref<1x!tpu.dma_semaphore, #tpu.memory_space<semaphore_mem>> -> memref<!tpu.dma_semaphore, #tpu.memory_space<semaphore_mem>>
      %dma_start3A_1509 = arith.constant 8 : i32
      %dma_start3A_1510 = arith.constant 0 : i32
      %dma_start3A_1511 = tpu.memref_slice %arg6[%dma_start3A_1499, %dma_start3A_1509, %dma_start3A_1510] : memref<2x32x128xf32, #tpu.memory_space<vmem>> -> memref<1x8x128xf32, #tpu.memory_space<vmem>>
      %dma_start3A_1512 = tpu.memref_squeeze %dma_start3A_1511 : memref<1x8x128xf32, #tpu.memory_space<vmem>> -> memref<8x128xf32, #tpu.memory_space<vmem>>
      %dma_start3A_1513 = arith.constant 8 : i32
      %dma_start3A_1514 = tpu.memref_slice %arg3[%dma_start3A_1513, %mul3A_1498] : memref<32x1000000xf32, #tpu.memory_space<hbm>> -> memref<8x128xf32, #tpu.memory_space<hbm>>
      tpu.enqueue_dma source(%dma_start3A_1514 : memref<8x128xf32, #tpu.memory_space<hbm>>) target(%dma_start3A_1512 : memref<8x128xf32, #tpu.memory_space<vmem>>) target_semaphore(%dma_start3A_1508 : memref<!tpu.dma_semaphore, #tpu.memory_space<semaphore_mem>>)
      %mul3A_1515 = arith.constant 128 : i32
      %mul3A_1516 = arith.muli %shift_right_logical3A_1478, %mul3A_1515 : i32
      %dma_start3A_1517 = arith.constant 0 : i32
      %dma_start3A_1518 = arith.constant 0 : i32
      %dma_start3A_1519 = arith.constant 16 : i32
      %dma_start3A_1520 = arith.constant 0 : i32
      %dma_start3A_1521 = tpu.memref_slice %arg6[%dma_start3A_1517, %dma_start3A_1519, %dma_start3A_1520] : memref<2x32x128xf32, #tpu.memory_space<vmem>> -> memref<1x8x128xf32, #tpu.memory_space<vmem>>
      %dma_start3A_1522 = tpu.memref_squeeze %dma_start3A_1521 : memref<1x8x128xf32, #tpu.memory_space<vmem>> -> memref<8x128xf32, #tpu.memory_space<vmem>>
      %dma_start3A_1523 = arith.constant 16 : i32
      %dma_start3A_1524 = tpu.memref_slice %arg3[%dma_start3A_1523, %mul3A_1516] : memref<32x1000000xf32, #tpu.memory_space<hbm>> -> memref<8x128xf32, #tpu.memory_space<hbm>>
      %dma_start3A_1525 = tpu.memref_slice %arg8[%dma_start3A_1518] : memref<2x!tpu.dma_semaphore, #tpu.memory_space<semaphore_mem>> -> memref<1x!tpu.dma_semaphore, #tpu.memory_space<semaphore_mem>>
      %dma_start3A_1526 = tpu.memref_squeeze %dma_start3A_1525 : memref<1x!tpu.dma_semaphore, #tpu.memory_space<semaphore_mem>> -> memref<!tpu.dma_semaphore, #tpu.memory_space<semaphore_mem>>
      %dma_start3A_1527 = arith.constant 16 : i32
      %dma_start3A_1528 = arith.constant 0 : i32
      %dma_start3A_1529 = tpu.memref_slice %arg6[%dma_start3A_1517, %dma_start3A_1527, %dma_start3A_1528] : memref<2x32x128xf32, #tpu.memory_space<vmem>> -> memref<1x8x128xf32, #tpu.memory_space<vmem>>
      %dma_start3A_1530 = tpu.memref_squeeze %dma_start3A_1529 : memref<1x8x128xf32, #tpu.memory_space<vmem>> -> memref<8x128xf32, #tpu.memory_space<vmem>>
      %dma_start3A_1531 = arith.constant 16 : i32
      %dma_start3A_1532 = tpu.memref_slice %arg3[%dma_start3A_1531, %mul3A_1516] : memref<32x1000000xf32, #tpu.memory_space<hbm>> -> memref<8x128xf32, #tpu.memory_space<hbm>>
      tpu.enqueue_dma source(%dma_start3A_1532 : memref<8x128xf32, #tpu.memory_space<hbm>>) target(%dma_start3A_1530 : memref<8x128xf32, #tpu.memory_space<vmem>>) target_semaphore(%dma_start3A_1526 : memref<!tpu.dma_semaphore, #tpu.memory_space<semaphore_mem>>)
      %mul3A_1533 = arith.constant 128 : i32
      %mul3A_1534 = arith.muli %shift_right_logical3A_1478, %mul3A_1533 : i32
      %dma_start3A_1535 = arith.constant 0 : i32
      %dma_start3A_1536 = arith.constant 0 : i32
      %dma_start3A_1537 = arith.constant 24 : i32
      %dma_start3A_1538 = arith.constant 0 : i32
      %dma_start3A_1539 = tpu.memref_slice %arg6[%dma_start3A_1535, %dma_start3A_1537, %dma_start3A_1538] : memref<2x32x128xf32, #tpu.memory_space<vmem>> -> memref<1x8x128xf32, #tpu.memory_space<vmem>>
      %dma_start3A_1540 = tpu.memref_squeeze %dma_start3A_1539 : memref<1x8x128xf32, #tpu.memory_space<vmem>> -> memref<8x128xf32, #tpu.memory_space<vmem>>
      %dma_start3A_1541 = arith.constant 24 : i32
      %dma_start3A_1542 = tpu.memref_slice %arg3[%dma_start3A_1541, %mul3A_1534] : memref<32x1000000xf32, #tpu.memory_space<hbm>> -> memref<8x128xf32, #tpu.memory_space<hbm>>
      %dma_start3A_1543 = tpu.memref_slice %arg8[%dma_start3A_1536] : memref<2x!tpu.dma_semaphore, #tpu.memory_space<semaphore_mem>> -> memref<1x!tpu.dma_semaphore, #tpu.memory_space<semaphore_mem>>
      %dma_start3A_1544 = tpu.memref_squeeze %dma_start3A_1543 : memref<1x!tpu.dma_semaphore, #tpu.memory_space<semaphore_mem>> -> memref<!tpu.dma_semaphore, #tpu.memory_space<semaphore_mem>>
      %dma_start3A_1545 = arith.constant 24 : i32
      %dma_start3A_1546 = arith.constant 0 : i32
      %dma_start3A_1547 = tpu.memref_slice %arg6[%dma_start3A_1535, %dma_start3A_1545, %dma_start3A_1546] : memref<2x32x128xf32, #tpu.memory_space<vmem>> -> memref<1x8x128xf32, #tpu.memory_space<vmem>>
      %dma_start3A_1548 = tpu.memref_squeeze %dma_start3A_1547 : memref<1x8x128xf32, #tpu.memory_space<vmem>> -> memref<8x128xf32, #tpu.memory_space<vmem>>
      %dma_start3A_1549 = arith.constant 24 : i32
      %dma_start3A_1550 = tpu.memref_slice %arg3[%dma_start3A_1549, %mul3A_1534] : memref<32x1000000xf32, #tpu.memory_space<hbm>> -> memref<8x128xf32, #tpu.memory_space<hbm>>
      tpu.enqueue_dma source(%dma_start3A_1550 : memref<8x128xf32, #tpu.memory_space<hbm>>) target(%dma_start3A_1548 : memref<8x128xf32, #tpu.memory_space<vmem>>) target_semaphore(%dma_start3A_1544 : memref<!tpu.dma_semaphore, #tpu.memory_space<semaphore_mem>>)
      %shift_right_logical3A_1551 = arith.constant 7 : i32
      %shift_right_logical3A_1552 = arith.shrui %squeeze3A_1476, %shift_right_logical3A_1551 : i32
      %mul3A_1553 = arith.constant 128 : i32
      %mul3A_1554 = arith.muli %shift_right_logical3A_1552, %mul3A_1553 : i32
      %dma_wait3A_1555 = arith.constant 0 : i32
      %dma_wait3A_1556 = arith.constant 0 : i32
      %dma_wait3A_1557 = arith.constant 0 : i32
      %dma_wait3A_1558 = arith.constant 0 : i32
      %dma_wait3A_1559 = tpu.memref_slice %arg6[%dma_wait3A_1555, %dma_wait3A_1557, %dma_wait3A_1558] : memref<2x32x128xf32, #tpu.memory_space<vmem>> -> memref<1x8x128xf32, #tpu.memory_space<vmem>>
      %dma_wait3A_1560 = tpu.memref_squeeze %dma_wait3A_1559 : memref<1x8x128xf32, #tpu.memory_space<vmem>> -> memref<8x128xf32, #tpu.memory_space<vmem>>
      %dma_wait3A_1561 = arith.constant 0 : i32
      %dma_wait3A_1562 = tpu.memref_slice %arg3[%dma_wait3A_1561, %mul3A_1554] : memref<32x1000000xf32, #tpu.memory_space<hbm>> -> memref<8x128xf32, #tpu.memory_space<hbm>>
      %dma_wait3A_1563 = tpu.memref_slice %arg8[%dma_wait3A_1556] : memref<2x!tpu.dma_semaphore, #tpu.memory_space<semaphore_mem>> -> memref<1x!tpu.dma_semaphore, #tpu.memory_space<semaphore_mem>>
      %dma_wait3A_1564 = tpu.memref_squeeze %dma_wait3A_1563 : memref<1x!tpu.dma_semaphore, #tpu.memory_space<semaphore_mem>> -> memref<!tpu.dma_semaphore, #tpu.memory_space<semaphore_mem>>
      %dma_wait3A_1565 = arith.constant 0 : i32
      %dma_wait3A_1566 = arith.constant 0 : i32
      %dma_wait3A_1567 = tpu.memref_slice %arg6[%dma_wait3A_1555, %dma_wait3A_1565, %dma_wait3A_1566] : memref<2x32x128xf32, #tpu.memory_space<vmem>> -> memref<1x8x128xf32, #tpu.memory_space<vmem>>
      %dma_wait3A_1568 = tpu.memref_squeeze %dma_wait3A_1567 : memref<1x8x128xf32, #tpu.memory_space<vmem>> -> memref<8x128xf32, #tpu.memory_space<vmem>>
      %dma_wait3A_1569 = arith.constant 0 : i32
      %dma_wait3A_1570 = tpu.memref_slice %arg3[%dma_wait3A_1569, %mul3A_1554] : memref<32x1000000xf32, #tpu.memory_space<hbm>> -> memref<8x128xf32, #tpu.memory_space<hbm>>
      tpu.wait_dma2 semaphore(%dma_wait3A_1564 : memref<!tpu.dma_semaphore, #tpu.memory_space<semaphore_mem>>) src(%dma_wait3A_1570 : memref<8x128xf32, #tpu.memory_space<hbm>>) dst(%dma_wait3A_1568 : memref<8x128xf32, #tpu.memory_space<vmem>>)
      %mul3A_1571 = arith.constant 128 : i32
      %mul3A_1572 = arith.muli %shift_right_logical3A_1552, %mul3A_1571 : i32
      %dma_wait3A_1573 = arith.constant 0 : i32
      %dma_wait3A_1574 = arith.constant 0 : i32
      %dma_wait3A_1575 = arith.constant 8 : i32
      %dma_wait3A_1576 = arith.constant 0 : i32
      %dma_wait3A_1577 = tpu.memref_slice %arg6[%dma_wait3A_1573, %dma_wait3A_1575, %dma_wait3A_1576] : memref<2x32x128xf32, #tpu.memory_space<vmem>> -> memref<1x8x128xf32, #tpu.memory_space<vmem>>
      %dma_wait3A_1578 = tpu.memref_squeeze %dma_wait3A_1577 : memref<1x8x128xf32, #tpu.memory_space<vmem>> -> memref<8x128xf32, #tpu.memory_space<vmem>>
      %dma_wait3A_1579 = arith.constant 8 : i32
      %dma_wait3A_1580 = tpu.memref_slice %arg3[%dma_wait3A_1579, %mul3A_1572] : memref<32x1000000xf32, #tpu.memory_space<hbm>> -> memref<8x128xf32, #tpu.memory_space<hbm>>
      %dma_wait3A_1581 = tpu.memref_slice %arg8[%dma_wait3A_1574] : memref<2x!tpu.dma_semaphore, #tpu.memory_space<semaphore_mem>> -> memref<1x!tpu.dma_semaphore, #tpu.memory_space<semaphore_mem>>
      %dma_wait3A_1582 = tpu.memref_squeeze %dma_wait3A_1581 : memref<1x!tpu.dma_semaphore, #tpu.memory_space<semaphore_mem>> -> memref<!tpu.dma_semaphore, #tpu.memory_space<semaphore_mem>>
      %dma_wait3A_1583 = arith.constant 8 : i32
      %dma_wait3A_1584 = arith.constant 0 : i32
      %dma_wait3A_1585 = tpu.memref_slice %arg6[%dma_wait3A_1573, %dma_wait3A_1583, %dma_wait3A_1584] : memref<2x32x128xf32, #tpu.memory_space<vmem>> -> memref<1x8x128xf32, #tpu.memory_space<vmem>>
      %dma_wait3A_1586 = tpu.memref_squeeze %dma_wait3A_1585 : memref<1x8x128xf32, #tpu.memory_space<vmem>> -> memref<8x128xf32, #tpu.memory_space<vmem>>
      %dma_wait3A_1587 = arith.constant 8 : i32
      %dma_wait3A_1588 = tpu.memref_slice %arg3[%dma_wait3A_1587, %mul3A_1572] : memref<32x1000000xf32, #tpu.memory_space<hbm>> -> memref<8x128xf32, #tpu.memory_space<hbm>>
      tpu.wait_dma2 semaphore(%dma_wait3A_1582 : memref<!tpu.dma_semaphore, #tpu.memory_space<semaphore_mem>>) src(%dma_wait3A_1588 : memref<8x128xf32, #tpu.memory_space<hbm>>) dst(%dma_wait3A_1586 : memref<8x128xf32, #tpu.memory_space<vmem>>)
      %mul3A_1589 = arith.constant 128 : i32
      %mul3A_1590 = arith.muli %shift_right_logical3A_1552, %mul3A_1589 : i32
      %dma_wait3A_1591 = arith.constant 0 : i32
      %dma_wait3A_1592 = arith.constant 0 : i32
      %dma_wait3A_1593 = arith.constant 16 : i32
      %dma_wait3A_1594 = arith.constant 0 : i32
      %dma_wait3A_1595 = tpu.memref_slice %arg6[%dma_wait3A_1591, %dma_wait3A_1593, %dma_wait3A_1594] : memref<2x32x128xf32, #tpu.memory_space<vmem>> -> memref<1x8x128xf32, #tpu.memory_space<vmem>>
      %dma_wait3A_1596 = tpu.memref_squeeze %dma_wait3A_1595 : memref<1x8x128xf32, #tpu.memory_space<vmem>> -> memref<8x128xf32, #tpu.memory_space<vmem>>
      %dma_wait3A_1597 = arith.constant 16 : i32
      %dma_wait3A_1598 = tpu.memref_slice %arg3[%dma_wait3A_1597, %mul3A_1590] : memref<32x1000000xf32, #tpu.memory_space<hbm>> -> memref<8x128xf32, #tpu.memory_space<hbm>>
      %dma_wait3A_1599 = tpu.memref_slice %arg8[%dma_wait3A_1592] : memref<2x!tpu.dma_semaphore, #tpu.memory_space<semaphore_mem>> -> memref<1x!tpu.dma_semaphore, #tpu.memory_space<semaphore_mem>>
      %dma_wait3A_1600 = tpu.memref_squeeze %dma_wait3A_1599 : memref<1x!tpu.dma_semaphore, #tpu.memory_space<semaphore_mem>> -> memref<!tpu.dma_semaphore, #tpu.memory_space<semaphore_mem>>
      %dma_wait3A_1601 = arith.constant 16 : i32
      %dma_wait3A_1602 = arith.constant 0 : i32
      %dma_wait3A_1603 = tpu.memref_slice %arg6[%dma_wait3A_1591, %dma_wait3A_1601, %dma_wait3A_1602] : memref<2x32x128xf32, #tpu.memory_space<vmem>> -> memref<1x8x128xf32, #tpu.memory_space<vmem>>
      %dma_wait3A_1604 = tpu.memref_squeeze %dma_wait3A_1603 : memref<1x8x128xf32, #tpu.memory_space<vmem>> -> memref<8x128xf32, #tpu.memory_space<vmem>>
      %dma_wait3A_1605 = arith.constant 16 : i32
      %dma_wait3A_1606 = tpu.memref_slice %arg3[%dma_wait3A_1605, %mul3A_1590] : memref<32x1000000xf32, #tpu.memory_space<hbm>> -> memref<8x128xf32, #tpu.memory_space<hbm>>
      tpu.wait_dma2 semaphore(%dma_wait3A_1600 : memref<!tpu.dma_semaphore, #tpu.memory_space<semaphore_mem>>) src(%dma_wait3A_1606 : memref<8x128xf32, #tpu.memory_space<hbm>>) dst(%dma_wait3A_1604 : memref<8x128xf32, #tpu.memory_space<vmem>>)
      %mul3A_1607 = arith.constant 128 : i32
      %mul3A_1608 = arith.muli %shift_right_logical3A_1552, %mul3A_1607 : i32
      %dma_wait3A_1609 = arith.constant 0 : i32
      %dma_wait3A_1610 = arith.constant 0 : i32
      %dma_wait3A_1611 = arith.constant 24 : i32
      %dma_wait3A_1612 = arith.constant 0 : i32
      %dma_wait3A_1613 = tpu.memref_slice %arg6[%dma_wait3A_1609, %dma_wait3A_1611, %dma_wait3A_1612] : memref<2x32x128xf32, #tpu.memory_space<vmem>> -> memref<1x8x128xf32, #tpu.memory_space<vmem>>
      %dma_wait3A_1614 = tpu.memref_squeeze %dma_wait3A_1613 : memref<1x8x128xf32, #tpu.memory_space<vmem>> -> memref<8x128xf32, #tpu.memory_space<vmem>>
      %dma_wait3A_1615 = arith.constant 24 : i32
      %dma_wait3A_1616 = tpu.memref_slice %arg3[%dma_wait3A_1615, %mul3A_1608] : memref<32x1000000xf32, #tpu.memory_space<hbm>> -> memref<8x128xf32, #tpu.memory_space<hbm>>
      %dma_wait3A_1617 = tpu.memref_slice %arg8[%dma_wait3A_1610] : memref<2x!tpu.dma_semaphore, #tpu.memory_space<semaphore_mem>> -> memref<1x!tpu.dma_semaphore, #tpu.memory_space<semaphore_mem>>
      %dma_wait3A_1618 = tpu.memref_squeeze %dma_wait3A_1617 : memref<1x!tpu.dma_semaphore, #tpu.memory_space<semaphore_mem>> -> memref<!tpu.dma_semaphore, #tpu.memory_space<semaphore_mem>>
      %dma_wait3A_1619 = arith.constant 24 : i32
      %dma_wait3A_1620 = arith.constant 0 : i32
      %dma_wait3A_1621 = tpu.memref_slice %arg6[%dma_wait3A_1609, %dma_wait3A_1619, %dma_wait3A_1620] : memref<2x32x128xf32, #tpu.memory_space<vmem>> -> memref<1x8x128xf32, #tpu.memory_space<vmem>>
      %dma_wait3A_1622 = tpu.memref_squeeze %dma_wait3A_1621 : memref<1x8x128xf32, #tpu.memory_space<vmem>> -> memref<8x128xf32, #tpu.memory_space<vmem>>
      %dma_wait3A_1623 = arith.constant 24 : i32
      %dma_wait3A_1624 = tpu.memref_slice %arg3[%dma_wait3A_1623, %mul3A_1608] : memref<32x1000000xf32, #tpu.memory_space<hbm>> -> memref<8x128xf32, #tpu.memory_space<hbm>>
      tpu.wait_dma2 semaphore(%dma_wait3A_1618 : memref<!tpu.dma_semaphore, #tpu.memory_space<semaphore_mem>>) src(%dma_wait3A_1624 : memref<8x128xf32, #tpu.memory_space<hbm>>) dst(%dma_wait3A_1622 : memref<8x128xf32, #tpu.memory_space<vmem>>)
      %mul3A_1625 = arith.constant 16 : i32
      %mul3A_1626 = arith.muli %scan3A_8, %mul3A_1625 : i32
      %add3A_1627 = arith.constant 8 : i32
      %add3A_1628 = arith.addi %mul3A_1626, %add3A_1627 : i32
      %and3A_1629 = arith.constant 127 : i32
      %and3A_1630 = arith.andi %squeeze3A_1476, %and3A_1629 : i32
      %broadcast_in_dim3A_1631 = arith.constant 0 : i32
      %broadcast_in_dim3A_1632 = vector.broadcast %broadcast_in_dim3A_1631 : i32 to vector<16xi32>
      %add3A_1633 = vector.broadcast %and3A_1630 : i32 to vector<16xi32>
      %add3A_1634 = arith.addi %broadcast_in_dim3A_1632, %add3A_1633 : vector<16xi32>
      %broadcast_in_dim3A_1635 = arith.constant 0 : i32
      %broadcast_in_dim3A_1636 = vector.broadcast %broadcast_in_dim3A_1635 : i32 to vector<16xi32>
      %add3A_1637 = vector.broadcast %add3A_1628 : i32 to vector<16xi32>
      %add3A_1638 = arith.addi %broadcast_in_dim3A_1636, %add3A_1637 : vector<16xi32>
      %iota3A_1639 = tpu.iota {dimensions = array<i32: 0>} : vector<16xi32>
      %add3A_1640 = arith.constant 0 : i32
      %add3A_1641 = vector.broadcast %add3A_1640 : i32 to vector<16xi32>
      %add3A_1642 = arith.addi %iota3A_1639, %add3A_1641 : vector<16xi32>
      %gather3A_1643 = arith.constant 0 : i32
      %gather3A_1644 = arith.constant 0 : i32
      %gather3A_1645 = arith.constant 0 : i32
      %gather3A_1646 = tpu.memref_slice %arg6[%gather3A_1643, %gather3A_1644, %gather3A_1645] : memref<2x32x128xf32, #tpu.memory_space<vmem>> -> memref<1x32x128xf32, #tpu.memory_space<vmem>>
      %gather3A_1647 = tpu.memref_squeeze %gather3A_1646 : memref<1x32x128xf32, #tpu.memory_space<vmem>> -> memref<32x128xf32, #tpu.memory_space<vmem>>
      %gather3A_1648 = tpu.vector_load_idx %gather3A_1647[%add3A_1642, %add3A_1634] : memref<32x128xf32, #tpu.memory_space<vmem>>[vector<16xi32>, vector<16xi32>], vector<16xf32>,
      tpu.vector_store_idx %arg7[%add3A_1642, %add3A_1638], %gather3A_1648 : memref<32x128xf32, #tpu.memory_space<vmem>>[vector<16xi32>, vector<16xi32>], vector<16xf32>,
      %iota3A_1649 = tpu.iota {dimensions = array<i32: 0>} : vector<16xi32>
      %add3A_1650 = arith.constant 16 : i32
      %add3A_1651 = vector.broadcast %add3A_1650 : i32 to vector<16xi32>
      %add3A_1652 = arith.addi %iota3A_1649, %add3A_1651 : vector<16xi32>
      %gather3A_1653 = arith.constant 0 : i32
      %gather3A_1654 = arith.constant 0 : i32
      %gather3A_1655 = arith.constant 0 : i32
      %gather3A_1656 = tpu.memref_slice %arg6[%gather3A_1653, %gather3A_1654, %gather3A_1655] : memref<2x32x128xf32, #tpu.memory_space<vmem>> -> memref<1x32x128xf32, #tpu.memory_space<vmem>>
      %gather3A_1657 = tpu.memref_squeeze %gather3A_1656 : memref<1x32x128xf32, #tpu.memory_space<vmem>> -> memref<32x128xf32, #tpu.memory_space<vmem>>
      %gather3A_1658 = tpu.vector_load_idx %gather3A_1657[%add3A_1652, %add3A_1634] : memref<32x128xf32, #tpu.memory_space<vmem>>[vector<16xi32>, vector<16xi32>], vector<16xf32>,
      tpu.vector_store_idx %arg7[%add3A_1652, %add3A_1638], %gather3A_1658 : memref<32x128xf32, #tpu.memory_space<vmem>>[vector<16xi32>, vector<16xi32>], vector<16xf32>,
      %slice3A_1659 = vector.extract_strided_slice %get3A_11 {offsets = [9], sizes = [1], strides = [1]} : vector<16xi32> to vector<1xi32>
      %squeeze3A_1660 = vector.extract %slice3A_1659[0] : i32 from vector<1xi32>
      %shift_right_logical3A_1661 = arith.constant 7 : i32
      %shift_right_logical3A_1662 = arith.shrui %squeeze3A_1660, %shift_right_logical3A_1661 : i32
      %mul3A_1663 = arith.constant 128 : i32
      %mul3A_1664 = arith.muli %shift_right_logical3A_1662, %mul3A_1663 : i32
      %dma_start3A_1665 = arith.constant 1 : i32
      %dma_start3A_1666 = arith.constant 1 : i32
      %dma_start3A_1667 = arith.constant 0 : i32
      %dma_start3A_1668 = arith.constant 0 : i32
      %dma_start3A_1669 = tpu.memref_slice %arg6[%dma_start3A_1665, %dma_start3A_1667, %dma_start3A_1668] : memref<2x32x128xf32, #tpu.memory_space<vmem>> -> memref<1x8x128xf32, #tpu.memory_space<vmem>>
      %dma_start3A_1670 = tpu.memref_squeeze %dma_start3A_1669 : memref<1x8x128xf32, #tpu.memory_space<vmem>> -> memref<8x128xf32, #tpu.memory_space<vmem>>
      %dma_start3A_1671 = arith.constant 0 : i32
      %dma_start3A_1672 = tpu.memref_slice %arg3[%dma_start3A_1671, %mul3A_1664] : memref<32x1000000xf32, #tpu.memory_space<hbm>> -> memref<8x128xf32, #tpu.memory_space<hbm>>
      %dma_start3A_1673 = tpu.memref_slice %arg8[%dma_start3A_1666] : memref<2x!tpu.dma_semaphore, #tpu.memory_space<semaphore_mem>> -> memref<1x!tpu.dma_semaphore, #tpu.memory_space<semaphore_mem>>
      %dma_start3A_1674 = tpu.memref_squeeze %dma_start3A_1673 : memref<1x!tpu.dma_semaphore, #tpu.memory_space<semaphore_mem>> -> memref<!tpu.dma_semaphore, #tpu.memory_space<semaphore_mem>>
      %dma_start3A_1675 = arith.constant 0 : i32
      %dma_start3A_1676 = arith.constant 0 : i32
      %dma_start3A_1677 = tpu.memref_slice %arg6[%dma_start3A_1665, %dma_start3A_1675, %dma_start3A_1676] : memref<2x32x128xf32, #tpu.memory_space<vmem>> -> memref<1x8x128xf32, #tpu.memory_space<vmem>>
      %dma_start3A_1678 = tpu.memref_squeeze %dma_start3A_1677 : memref<1x8x128xf32, #tpu.memory_space<vmem>> -> memref<8x128xf32, #tpu.memory_space<vmem>>
      %dma_start3A_1679 = arith.constant 0 : i32
      %dma_start3A_1680 = tpu.memref_slice %arg3[%dma_start3A_1679, %mul3A_1664] : memref<32x1000000xf32, #tpu.memory_space<hbm>> -> memref<8x128xf32, #tpu.memory_space<hbm>>
      tpu.enqueue_dma source(%dma_start3A_1680 : memref<8x128xf32, #tpu.memory_space<hbm>>) target(%dma_start3A_1678 : memref<8x128xf32, #tpu.memory_space<vmem>>) target_semaphore(%dma_start3A_1674 : memref<!tpu.dma_semaphore, #tpu.memory_space<semaphore_mem>>)
      %mul3A_1681 = arith.constant 128 : i32
      %mul3A_1682 = arith.muli %shift_right_logical3A_1662, %mul3A_1681 : i32
      %dma_start3A_1683 = arith.constant 1 : i32
      %dma_start3A_1684 = arith.constant 1 : i32
      %dma_start3A_1685 = arith.constant 8 : i32
      %dma_start3A_1686 = arith.constant 0 : i32
      %dma_start3A_1687 = tpu.memref_slice %arg6[%dma_start3A_1683, %dma_start3A_1685, %dma_start3A_1686] : memref<2x32x128xf32, #tpu.memory_space<vmem>> -> memref<1x8x128xf32, #tpu.memory_space<vmem>>
      %dma_start3A_1688 = tpu.memref_squeeze %dma_start3A_1687 : memref<1x8x128xf32, #tpu.memory_space<vmem>> -> memref<8x128xf32, #tpu.memory_space<vmem>>
      %dma_start3A_1689 = arith.constant 8 : i32
      %dma_start3A_1690 = tpu.memref_slice %arg3[%dma_start3A_1689, %mul3A_1682] : memref<32x1000000xf32, #tpu.memory_space<hbm>> -> memref<8x128xf32, #tpu.memory_space<hbm>>
      %dma_start3A_1691 = tpu.memref_slice %arg8[%dma_start3A_1684] : memref<2x!tpu.dma_semaphore, #tpu.memory_space<semaphore_mem>> -> memref<1x!tpu.dma_semaphore, #tpu.memory_space<semaphore_mem>>
      %dma_start3A_1692 = tpu.memref_squeeze %dma_start3A_1691 : memref<1x!tpu.dma_semaphore, #tpu.memory_space<semaphore_mem>> -> memref<!tpu.dma_semaphore, #tpu.memory_space<semaphore_mem>>
      %dma_start3A_1693 = arith.constant 8 : i32
      %dma_start3A_1694 = arith.constant 0 : i32
      %dma_start3A_1695 = tpu.memref_slice %arg6[%dma_start3A_1683, %dma_start3A_1693, %dma_start3A_1694] : memref<2x32x128xf32, #tpu.memory_space<vmem>> -> memref<1x8x128xf32, #tpu.memory_space<vmem>>
      %dma_start3A_1696 = tpu.memref_squeeze %dma_start3A_1695 : memref<1x8x128xf32, #tpu.memory_space<vmem>> -> memref<8x128xf32, #tpu.memory_space<vmem>>
      %dma_start3A_1697 = arith.constant 8 : i32
      %dma_start3A_1698 = tpu.memref_slice %arg3[%dma_start3A_1697, %mul3A_1682] : memref<32x1000000xf32, #tpu.memory_space<hbm>> -> memref<8x128xf32, #tpu.memory_space<hbm>>
      tpu.enqueue_dma source(%dma_start3A_1698 : memref<8x128xf32, #tpu.memory_space<hbm>>) target(%dma_start3A_1696 : memref<8x128xf32, #tpu.memory_space<vmem>>) target_semaphore(%dma_start3A_1692 : memref<!tpu.dma_semaphore, #tpu.memory_space<semaphore_mem>>)
      %mul3A_1699 = arith.constant 128 : i32
      %mul3A_1700 = arith.muli %shift_right_logical3A_1662, %mul3A_1699 : i32
      %dma_start3A_1701 = arith.constant 1 : i32
      %dma_start3A_1702 = arith.constant 1 : i32
      %dma_start3A_1703 = arith.constant 16 : i32
      %dma_start3A_1704 = arith.constant 0 : i32
      %dma_start3A_1705 = tpu.memref_slice %arg6[%dma_start3A_1701, %dma_start3A_1703, %dma_start3A_1704] : memref<2x32x128xf32, #tpu.memory_space<vmem>> -> memref<1x8x128xf32, #tpu.memory_space<vmem>>
      %dma_start3A_1706 = tpu.memref_squeeze %dma_start3A_1705 : memref<1x8x128xf32, #tpu.memory_space<vmem>> -> memref<8x128xf32, #tpu.memory_space<vmem>>
      %dma_start3A_1707 = arith.constant 16 : i32
      %dma_start3A_1708 = tpu.memref_slice %arg3[%dma_start3A_1707, %mul3A_1700] : memref<32x1000000xf32, #tpu.memory_space<hbm>> -> memref<8x128xf32, #tpu.memory_space<hbm>>
      %dma_start3A_1709 = tpu.memref_slice %arg8[%dma_start3A_1702] : memref<2x!tpu.dma_semaphore, #tpu.memory_space<semaphore_mem>> -> memref<1x!tpu.dma_semaphore, #tpu.memory_space<semaphore_mem>>
      %dma_start3A_1710 = tpu.memref_squeeze %dma_start3A_1709 : memref<1x!tpu.dma_semaphore, #tpu.memory_space<semaphore_mem>> -> memref<!tpu.dma_semaphore, #tpu.memory_space<semaphore_mem>>
      %dma_start3A_1711 = arith.constant 16 : i32
      %dma_start3A_1712 = arith.constant 0 : i32
      %dma_start3A_1713 = tpu.memref_slice %arg6[%dma_start3A_1701, %dma_start3A_1711, %dma_start3A_1712] : memref<2x32x128xf32, #tpu.memory_space<vmem>> -> memref<1x8x128xf32, #tpu.memory_space<vmem>>
      %dma_start3A_1714 = tpu.memref_squeeze %dma_start3A_1713 : memref<1x8x128xf32, #tpu.memory_space<vmem>> -> memref<8x128xf32, #tpu.memory_space<vmem>>
      %dma_start3A_1715 = arith.constant 16 : i32
      %dma_start3A_1716 = tpu.memref_slice %arg3[%dma_start3A_1715, %mul3A_1700] : memref<32x1000000xf32, #tpu.memory_space<hbm>> -> memref<8x128xf32, #tpu.memory_space<hbm>>
      tpu.enqueue_dma source(%dma_start3A_1716 : memref<8x128xf32, #tpu.memory_space<hbm>>) target(%dma_start3A_1714 : memref<8x128xf32, #tpu.memory_space<vmem>>) target_semaphore(%dma_start3A_1710 : memref<!tpu.dma_semaphore, #tpu.memory_space<semaphore_mem>>)
      %mul3A_1717 = arith.constant 128 : i32
      %mul3A_1718 = arith.muli %shift_right_logical3A_1662, %mul3A_1717 : i32
      %dma_start3A_1719 = arith.constant 1 : i32
      %dma_start3A_1720 = arith.constant 1 : i32
      %dma_start3A_1721 = arith.constant 24 : i32
      %dma_start3A_1722 = arith.constant 0 : i32
      %dma_start3A_1723 = tpu.memref_slice %arg6[%dma_start3A_1719, %dma_start3A_1721, %dma_start3A_1722] : memref<2x32x128xf32, #tpu.memory_space<vmem>> -> memref<1x8x128xf32, #tpu.memory_space<vmem>>
      %dma_start3A_1724 = tpu.memref_squeeze %dma_start3A_1723 : memref<1x8x128xf32, #tpu.memory_space<vmem>> -> memref<8x128xf32, #tpu.memory_space<vmem>>
      %dma_start3A_1725 = arith.constant 24 : i32
      %dma_start3A_1726 = tpu.memref_slice %arg3[%dma_start3A_1725, %mul3A_1718] : memref<32x1000000xf32, #tpu.memory_space<hbm>> -> memref<8x128xf32, #tpu.memory_space<hbm>>
      %dma_start3A_1727 = tpu.memref_slice %arg8[%dma_start3A_1720] : memref<2x!tpu.dma_semaphore, #tpu.memory_space<semaphore_mem>> -> memref<1x!tpu.dma_semaphore, #tpu.memory_space<semaphore_mem>>
      %dma_start3A_1728 = tpu.memref_squeeze %dma_start3A_1727 : memref<1x!tpu.dma_semaphore, #tpu.memory_space<semaphore_mem>> -> memref<!tpu.dma_semaphore, #tpu.memory_space<semaphore_mem>>
      %dma_start3A_1729 = arith.constant 24 : i32
      %dma_start3A_1730 = arith.constant 0 : i32
      %dma_start3A_1731 = tpu.memref_slice %arg6[%dma_start3A_1719, %dma_start3A_1729, %dma_start3A_1730] : memref<2x32x128xf32, #tpu.memory_space<vmem>> -> memref<1x8x128xf32, #tpu.memory_space<vmem>>
      %dma_start3A_1732 = tpu.memref_squeeze %dma_start3A_1731 : memref<1x8x128xf32, #tpu.memory_space<vmem>> -> memref<8x128xf32, #tpu.memory_space<vmem>>
      %dma_start3A_1733 = arith.constant 24 : i32
      %dma_start3A_1734 = tpu.memref_slice %arg3[%dma_start3A_1733, %mul3A_1718] : memref<32x1000000xf32, #tpu.memory_space<hbm>> -> memref<8x128xf32, #tpu.memory_space<hbm>>
      tpu.enqueue_dma source(%dma_start3A_1734 : memref<8x128xf32, #tpu.memory_space<hbm>>) target(%dma_start3A_1732 : memref<8x128xf32, #tpu.memory_space<vmem>>) target_semaphore(%dma_start3A_1728 : memref<!tpu.dma_semaphore, #tpu.memory_space<semaphore_mem>>)
      %shift_right_logical3A_1735 = arith.constant 7 : i32
      %shift_right_logical3A_1736 = arith.shrui %squeeze3A_1660, %shift_right_logical3A_1735 : i32
      %mul3A_1737 = arith.constant 128 : i32
      %mul3A_1738 = arith.muli %shift_right_logical3A_1736, %mul3A_1737 : i32
      %dma_wait3A_1739 = arith.constant 1 : i32
      %dma_wait3A_1740 = arith.constant 1 : i32
      %dma_wait3A_1741 = arith.constant 0 : i32
      %dma_wait3A_1742 = arith.constant 0 : i32
      %dma_wait3A_1743 = tpu.memref_slice %arg6[%dma_wait3A_1739, %dma_wait3A_1741, %dma_wait3A_1742] : memref<2x32x128xf32, #tpu.memory_space<vmem>> -> memref<1x8x128xf32, #tpu.memory_space<vmem>>
      %dma_wait3A_1744 = tpu.memref_squeeze %dma_wait3A_1743 : memref<1x8x128xf32, #tpu.memory_space<vmem>> -> memref<8x128xf32, #tpu.memory_space<vmem>>
      %dma_wait3A_1745 = arith.constant 0 : i32
      %dma_wait3A_1746 = tpu.memref_slice %arg3[%dma_wait3A_1745, %mul3A_1738] : memref<32x1000000xf32, #tpu.memory_space<hbm>> -> memref<8x128xf32, #tpu.memory_space<hbm>>
      %dma_wait3A_1747 = tpu.memref_slice %arg8[%dma_wait3A_1740] : memref<2x!tpu.dma_semaphore, #tpu.memory_space<semaphore_mem>> -> memref<1x!tpu.dma_semaphore, #tpu.memory_space<semaphore_mem>>
      %dma_wait3A_1748 = tpu.memref_squeeze %dma_wait3A_1747 : memref<1x!tpu.dma_semaphore, #tpu.memory_space<semaphore_mem>> -> memref<!tpu.dma_semaphore, #tpu.memory_space<semaphore_mem>>
      %dma_wait3A_1749 = arith.constant 0 : i32
      %dma_wait3A_1750 = arith.constant 0 : i32
      %dma_wait3A_1751 = tpu.memref_slice %arg6[%dma_wait3A_1739, %dma_wait3A_1749, %dma_wait3A_1750] : memref<2x32x128xf32, #tpu.memory_space<vmem>> -> memref<1x8x128xf32, #tpu.memory_space<vmem>>
      %dma_wait3A_1752 = tpu.memref_squeeze %dma_wait3A_1751 : memref<1x8x128xf32, #tpu.memory_space<vmem>> -> memref<8x128xf32, #tpu.memory_space<vmem>>
      %dma_wait3A_1753 = arith.constant 0 : i32
      %dma_wait3A_1754 = tpu.memref_slice %arg3[%dma_wait3A_1753, %mul3A_1738] : memref<32x1000000xf32, #tpu.memory_space<hbm>> -> memref<8x128xf32, #tpu.memory_space<hbm>>
      tpu.wait_dma2 semaphore(%dma_wait3A_1748 : memref<!tpu.dma_semaphore, #tpu.memory_space<semaphore_mem>>) src(%dma_wait3A_1754 : memref<8x128xf32, #tpu.memory_space<hbm>>) dst(%dma_wait3A_1752 : memref<8x128xf32, #tpu.memory_space<vmem>>)
      %mul3A_1755 = arith.constant 128 : i32
      %mul3A_1756 = arith.muli %shift_right_logical3A_1736, %mul3A_1755 : i32
      %dma_wait3A_1757 = arith.constant 1 : i32
      %dma_wait3A_1758 = arith.constant 1 : i32
      %dma_wait3A_1759 = arith.constant 8 : i32
      %dma_wait3A_1760 = arith.constant 0 : i32
      %dma_wait3A_1761 = tpu.memref_slice %arg6[%dma_wait3A_1757, %dma_wait3A_1759, %dma_wait3A_1760] : memref<2x32x128xf32, #tpu.memory_space<vmem>> -> memref<1x8x128xf32, #tpu.memory_space<vmem>>
      %dma_wait3A_1762 = tpu.memref_squeeze %dma_wait3A_1761 : memref<1x8x128xf32, #tpu.memory_space<vmem>> -> memref<8x128xf32, #tpu.memory_space<vmem>>
      %dma_wait3A_1763 = arith.constant 8 : i32
      %dma_wait3A_1764 = tpu.memref_slice %arg3[%dma_wait3A_1763, %mul3A_1756] : memref<32x1000000xf32, #tpu.memory_space<hbm>> -> memref<8x128xf32, #tpu.memory_space<hbm>>
      %dma_wait3A_1765 = tpu.memref_slice %arg8[%dma_wait3A_1758] : memref<2x!tpu.dma_semaphore, #tpu.memory_space<semaphore_mem>> -> memref<1x!tpu.dma_semaphore, #tpu.memory_space<semaphore_mem>>
      %dma_wait3A_1766 = tpu.memref_squeeze %dma_wait3A_1765 : memref<1x!tpu.dma_semaphore, #tpu.memory_space<semaphore_mem>> -> memref<!tpu.dma_semaphore, #tpu.memory_space<semaphore_mem>>
      %dma_wait3A_1767 = arith.constant 8 : i32
      %dma_wait3A_1768 = arith.constant 0 : i32
      %dma_wait3A_1769 = tpu.memref_slice %arg6[%dma_wait3A_1757, %dma_wait3A_1767, %dma_wait3A_1768] : memref<2x32x128xf32, #tpu.memory_space<vmem>> -> memref<1x8x128xf32, #tpu.memory_space<vmem>>
      %dma_wait3A_1770 = tpu.memref_squeeze %dma_wait3A_1769 : memref<1x8x128xf32, #tpu.memory_space<vmem>> -> memref<8x128xf32, #tpu.memory_space<vmem>>
      %dma_wait3A_1771 = arith.constant 8 : i32
      %dma_wait3A_1772 = tpu.memref_slice %arg3[%dma_wait3A_1771, %mul3A_1756] : memref<32x1000000xf32, #tpu.memory_space<hbm>> -> memref<8x128xf32, #tpu.memory_space<hbm>>
      tpu.wait_dma2 semaphore(%dma_wait3A_1766 : memref<!tpu.dma_semaphore, #tpu.memory_space<semaphore_mem>>) src(%dma_wait3A_1772 : memref<8x128xf32, #tpu.memory_space<hbm>>) dst(%dma_wait3A_1770 : memref<8x128xf32, #tpu.memory_space<vmem>>)
      %mul3A_1773 = arith.constant 128 : i32
      %mul3A_1774 = arith.muli %shift_right_logical3A_1736, %mul3A_1773 : i32
      %dma_wait3A_1775 = arith.constant 1 : i32
      %dma_wait3A_1776 = arith.constant 1 : i32
      %dma_wait3A_1777 = arith.constant 16 : i32
      %dma_wait3A_1778 = arith.constant 0 : i32
      %dma_wait3A_1779 = tpu.memref_slice %arg6[%dma_wait3A_1775, %dma_wait3A_1777, %dma_wait3A_1778] : memref<2x32x128xf32, #tpu.memory_space<vmem>> -> memref<1x8x128xf32, #tpu.memory_space<vmem>>
      %dma_wait3A_1780 = tpu.memref_squeeze %dma_wait3A_1779 : memref<1x8x128xf32, #tpu.memory_space<vmem>> -> memref<8x128xf32, #tpu.memory_space<vmem>>
      %dma_wait3A_1781 = arith.constant 16 : i32
      %dma_wait3A_1782 = tpu.memref_slice %arg3[%dma_wait3A_1781, %mul3A_1774] : memref<32x1000000xf32, #tpu.memory_space<hbm>> -> memref<8x128xf32, #tpu.memory_space<hbm>>
      %dma_wait3A_1783 = tpu.memref_slice %arg8[%dma_wait3A_1776] : memref<2x!tpu.dma_semaphore, #tpu.memory_space<semaphore_mem>> -> memref<1x!tpu.dma_semaphore, #tpu.memory_space<semaphore_mem>>
      %dma_wait3A_1784 = tpu.memref_squeeze %dma_wait3A_1783 : memref<1x!tpu.dma_semaphore, #tpu.memory_space<semaphore_mem>> -> memref<!tpu.dma_semaphore, #tpu.memory_space<semaphore_mem>>
      %dma_wait3A_1785 = arith.constant 16 : i32
      %dma_wait3A_1786 = arith.constant 0 : i32
      %dma_wait3A_1787 = tpu.memref_slice %arg6[%dma_wait3A_1775, %dma_wait3A_1785, %dma_wait3A_1786] : memref<2x32x128xf32, #tpu.memory_space<vmem>> -> memref<1x8x128xf32, #tpu.memory_space<vmem>>
      %dma_wait3A_1788 = tpu.memref_squeeze %dma_wait3A_1787 : memref<1x8x128xf32, #tpu.memory_space<vmem>> -> memref<8x128xf32, #tpu.memory_space<vmem>>
      %dma_wait3A_1789 = arith.constant 16 : i32
      %dma_wait3A_1790 = tpu.memref_slice %arg3[%dma_wait3A_1789, %mul3A_1774] : memref<32x1000000xf32, #tpu.memory_space<hbm>> -> memref<8x128xf32, #tpu.memory_space<hbm>>
      tpu.wait_dma2 semaphore(%dma_wait3A_1784 : memref<!tpu.dma_semaphore, #tpu.memory_space<semaphore_mem>>) src(%dma_wait3A_1790 : memref<8x128xf32, #tpu.memory_space<hbm>>) dst(%dma_wait3A_1788 : memref<8x128xf32, #tpu.memory_space<vmem>>)
      %mul3A_1791 = arith.constant 128 : i32
      %mul3A_1792 = arith.muli %shift_right_logical3A_1736, %mul3A_1791 : i32
      %dma_wait3A_1793 = arith.constant 1 : i32
      %dma_wait3A_1794 = arith.constant 1 : i32
      %dma_wait3A_1795 = arith.constant 24 : i32
      %dma_wait3A_1796 = arith.constant 0 : i32
      %dma_wait3A_1797 = tpu.memref_slice %arg6[%dma_wait3A_1793, %dma_wait3A_1795, %dma_wait3A_1796] : memref<2x32x128xf32, #tpu.memory_space<vmem>> -> memref<1x8x128xf32, #tpu.memory_space<vmem>>
      %dma_wait3A_1798 = tpu.memref_squeeze %dma_wait3A_1797 : memref<1x8x128xf32, #tpu.memory_space<vmem>> -> memref<8x128xf32, #tpu.memory_space<vmem>>
      %dma_wait3A_1799 = arith.constant 24 : i32
      %dma_wait3A_1800 = tpu.memref_slice %arg3[%dma_wait3A_1799, %mul3A_1792] : memref<32x1000000xf32, #tpu.memory_space<hbm>> -> memref<8x128xf32, #tpu.memory_space<hbm>>
      %dma_wait3A_1801 = tpu.memref_slice %arg8[%dma_wait3A_1794] : memref<2x!tpu.dma_semaphore, #tpu.memory_space<semaphore_mem>> -> memref<1x!tpu.dma_semaphore, #tpu.memory_space<semaphore_mem>>
      %dma_wait3A_1802 = tpu.memref_squeeze %dma_wait3A_1801 : memref<1x!tpu.dma_semaphore, #tpu.memory_space<semaphore_mem>> -> memref<!tpu.dma_semaphore, #tpu.memory_space<semaphore_mem>>
      %dma_wait3A_1803 = arith.constant 24 : i32
      %dma_wait3A_1804 = arith.constant 0 : i32
      %dma_wait3A_1805 = tpu.memref_slice %arg6[%dma_wait3A_1793, %dma_wait3A_1803, %dma_wait3A_1804] : memref<2x32x128xf32, #tpu.memory_space<vmem>> -> memref<1x8x128xf32, #tpu.memory_space<vmem>>
      %dma_wait3A_1806 = tpu.memref_squeeze %dma_wait3A_1805 : memref<1x8x128xf32, #tpu.memory_space<vmem>> -> memref<8x128xf32, #tpu.memory_space<vmem>>
      %dma_wait3A_1807 = arith.constant 24 : i32
      %dma_wait3A_1808 = tpu.memref_slice %arg3[%dma_wait3A_1807, %mul3A_1792] : memref<32x1000000xf32, #tpu.memory_space<hbm>> -> memref<8x128xf32, #tpu.memory_space<hbm>>
      tpu.wait_dma2 semaphore(%dma_wait3A_1802 : memref<!tpu.dma_semaphore, #tpu.memory_space<semaphore_mem>>) src(%dma_wait3A_1808 : memref<8x128xf32, #tpu.memory_space<hbm>>) dst(%dma_wait3A_1806 : memref<8x128xf32, #tpu.memory_space<vmem>>)
      %mul3A_1809 = arith.constant 16 : i32
      %mul3A_1810 = arith.muli %scan3A_8, %mul3A_1809 : i32
      %add3A_1811 = arith.constant 9 : i32
      %add3A_1812 = arith.addi %mul3A_1810, %add3A_1811 : i32
      %and3A_1813 = arith.constant 127 : i32
      %and3A_1814 = arith.andi %squeeze3A_1660, %and3A_1813 : i32
      %broadcast_in_dim3A_1815 = arith.constant 0 : i32
      %broadcast_in_dim3A_1816 = vector.broadcast %broadcast_in_dim3A_1815 : i32 to vector<16xi32>
      %add3A_1817 = vector.broadcast %and3A_1814 : i32 to vector<16xi32>
      %add3A_1818 = arith.addi %broadcast_in_dim3A_1816, %add3A_1817 : vector<16xi32>
      %broadcast_in_dim3A_1819 = arith.constant 0 : i32
      %broadcast_in_dim3A_1820 = vector.broadcast %broadcast_in_dim3A_1819 : i32 to vector<16xi32>
      %add3A_1821 = vector.broadcast %add3A_1812 : i32 to vector<16xi32>
      %add3A_1822 = arith.addi %broadcast_in_dim3A_1820, %add3A_1821 : vector<16xi32>
      %iota3A_1823 = tpu.iota {dimensions = array<i32: 0>} : vector<16xi32>
      %add3A_1824 = arith.constant 0 : i32
      %add3A_1825 = vector.broadcast %add3A_1824 : i32 to vector<16xi32>
      %add3A_1826 = arith.addi %iota3A_1823, %add3A_1825 : vector<16xi32>
      %gather3A_1827 = arith.constant 1 : i32
      %gather3A_1828 = arith.constant 0 : i32
      %gather3A_1829 = arith.constant 0 : i32
      %gather3A_1830 = tpu.memref_slice %arg6[%gather3A_1827, %gather3A_1828, %gather3A_1829] : memref<2x32x128xf32, #tpu.memory_space<vmem>> -> memref<1x32x128xf32, #tpu.memory_space<vmem>>
      %gather3A_1831 = tpu.memref_squeeze %gather3A_1830 : memref<1x32x128xf32, #tpu.memory_space<vmem>> -> memref<32x128xf32, #tpu.memory_space<vmem>>
      %gather3A_1832 = tpu.vector_load_idx %gather3A_1831[%add3A_1826, %add3A_1818] : memref<32x128xf32, #tpu.memory_space<vmem>>[vector<16xi32>, vector<16xi32>], vector<16xf32>,
      tpu.vector_store_idx %arg7[%add3A_1826, %add3A_1822], %gather3A_1832 : memref<32x128xf32, #tpu.memory_space<vmem>>[vector<16xi32>, vector<16xi32>], vector<16xf32>,
      %iota3A_1833 = tpu.iota {dimensions = array<i32: 0>} : vector<16xi32>
      %add3A_1834 = arith.constant 16 : i32
      %add3A_1835 = vector.broadcast %add3A_1834 : i32 to vector<16xi32>
      %add3A_1836 = arith.addi %iota3A_1833, %add3A_1835 : vector<16xi32>
      %gather3A_1837 = arith.constant 1 : i32
      %gather3A_1838 = arith.constant 0 : i32
      %gather3A_1839 = arith.constant 0 : i32
      %gather3A_1840 = tpu.memref_slice %arg6[%gather3A_1837, %gather3A_1838, %gather3A_1839] : memref<2x32x128xf32, #tpu.memory_space<vmem>> -> memref<1x32x128xf32, #tpu.memory_space<vmem>>
      %gather3A_1841 = tpu.memref_squeeze %gather3A_1840 : memref<1x32x128xf32, #tpu.memory_space<vmem>> -> memref<32x128xf32, #tpu.memory_space<vmem>>
      %gather3A_1842 = tpu.vector_load_idx %gather3A_1841[%add3A_1836, %add3A_1818] : memref<32x128xf32, #tpu.memory_space<vmem>>[vector<16xi32>, vector<16xi32>], vector<16xf32>,
      tpu.vector_store_idx %arg7[%add3A_1836, %add3A_1822], %gather3A_1842 : memref<32x128xf32, #tpu.memory_space<vmem>>[vector<16xi32>, vector<16xi32>], vector<16xf32>,
      %slice3A_1843 = vector.extract_strided_slice %get3A_11 {offsets = [10], sizes = [1], strides = [1]} : vector<16xi32> to vector<1xi32>
      %squeeze3A_1844 = vector.extract %slice3A_1843[0] : i32 from vector<1xi32>
      %shift_right_logical3A_1845 = arith.constant 7 : i32
      %shift_right_logical3A_1846 = arith.shrui %squeeze3A_1844, %shift_right_logical3A_1845 : i32
      %mul3A_1847 = arith.constant 128 : i32
      %mul3A_1848 = arith.muli %shift_right_logical3A_1846, %mul3A_1847 : i32
      %dma_start3A_1849 = arith.constant 0 : i32
      %dma_start3A_1850 = arith.constant 0 : i32
      %dma_start3A_1851 = arith.constant 0 : i32
      %dma_start3A_1852 = arith.constant 0 : i32
      %dma_start3A_1853 = tpu.memref_slice %arg6[%dma_start3A_1849, %dma_start3A_1851, %dma_start3A_1852] : memref<2x32x128xf32, #tpu.memory_space<vmem>> -> memref<1x8x128xf32, #tpu.memory_space<vmem>>
      %dma_start3A_1854 = tpu.memref_squeeze %dma_start3A_1853 : memref<1x8x128xf32, #tpu.memory_space<vmem>> -> memref<8x128xf32, #tpu.memory_space<vmem>>
      %dma_start3A_1855 = arith.constant 0 : i32
      %dma_start3A_1856 = tpu.memref_slice %arg3[%dma_start3A_1855, %mul3A_1848] : memref<32x1000000xf32, #tpu.memory_space<hbm>> -> memref<8x128xf32, #tpu.memory_space<hbm>>
      %dma_start3A_1857 = tpu.memref_slice %arg8[%dma_start3A_1850] : memref<2x!tpu.dma_semaphore, #tpu.memory_space<semaphore_mem>> -> memref<1x!tpu.dma_semaphore, #tpu.memory_space<semaphore_mem>>
      %dma_start3A_1858 = tpu.memref_squeeze %dma_start3A_1857 : memref<1x!tpu.dma_semaphore, #tpu.memory_space<semaphore_mem>> -> memref<!tpu.dma_semaphore, #tpu.memory_space<semaphore_mem>>
      %dma_start3A_1859 = arith.constant 0 : i32
      %dma_start3A_1860 = arith.constant 0 : i32
      %dma_start3A_1861 = tpu.memref_slice %arg6[%dma_start3A_1849, %dma_start3A_1859, %dma_start3A_1860] : memref<2x32x128xf32, #tpu.memory_space<vmem>> -> memref<1x8x128xf32, #tpu.memory_space<vmem>>
      %dma_start3A_1862 = tpu.memref_squeeze %dma_start3A_1861 : memref<1x8x128xf32, #tpu.memory_space<vmem>> -> memref<8x128xf32, #tpu.memory_space<vmem>>
      %dma_start3A_1863 = arith.constant 0 : i32
      %dma_start3A_1864 = tpu.memref_slice %arg3[%dma_start3A_1863, %mul3A_1848] : memref<32x1000000xf32, #tpu.memory_space<hbm>> -> memref<8x128xf32, #tpu.memory_space<hbm>>
      tpu.enqueue_dma source(%dma_start3A_1864 : memref<8x128xf32, #tpu.memory_space<hbm>>) target(%dma_start3A_1862 : memref<8x128xf32, #tpu.memory_space<vmem>>) target_semaphore(%dma_start3A_1858 : memref<!tpu.dma_semaphore, #tpu.memory_space<semaphore_mem>>)
      %mul3A_1865 = arith.constant 128 : i32
      %mul3A_1866 = arith.muli %shift_right_logical3A_1846, %mul3A_1865 : i32
      %dma_start3A_1867 = arith.constant 0 : i32
      %dma_start3A_1868 = arith.constant 0 : i32
      %dma_start3A_1869 = arith.constant 8 : i32
      %dma_start3A_1870 = arith.constant 0 : i32
      %dma_start3A_1871 = tpu.memref_slice %arg6[%dma_start3A_1867, %dma_start3A_1869, %dma_start3A_1870] : memref<2x32x128xf32, #tpu.memory_space<vmem>> -> memref<1x8x128xf32, #tpu.memory_space<vmem>>
      %dma_start3A_1872 = tpu.memref_squeeze %dma_start3A_1871 : memref<1x8x128xf32, #tpu.memory_space<vmem>> -> memref<8x128xf32, #tpu.memory_space<vmem>>
      %dma_start3A_1873 = arith.constant 8 : i32
      %dma_start3A_1874 = tpu.memref_slice %arg3[%dma_start3A_1873, %mul3A_1866] : memref<32x1000000xf32, #tpu.memory_space<hbm>> -> memref<8x128xf32, #tpu.memory_space<hbm>>
      %dma_start3A_1875 = tpu.memref_slice %arg8[%dma_start3A_1868] : memref<2x!tpu.dma_semaphore, #tpu.memory_space<semaphore_mem>> -> memref<1x!tpu.dma_semaphore, #tpu.memory_space<semaphore_mem>>
      %dma_start3A_1876 = tpu.memref_squeeze %dma_start3A_1875 : memref<1x!tpu.dma_semaphore, #tpu.memory_space<semaphore_mem>> -> memref<!tpu.dma_semaphore, #tpu.memory_space<semaphore_mem>>
      %dma_start3A_1877 = arith.constant 8 : i32
      %dma_start3A_1878 = arith.constant 0 : i32
      %dma_start3A_1879 = tpu.memref_slice %arg6[%dma_start3A_1867, %dma_start3A_1877, %dma_start3A_1878] : memref<2x32x128xf32, #tpu.memory_space<vmem>> -> memref<1x8x128xf32, #tpu.memory_space<vmem>>
      %dma_start3A_1880 = tpu.memref_squeeze %dma_start3A_1879 : memref<1x8x128xf32, #tpu.memory_space<vmem>> -> memref<8x128xf32, #tpu.memory_space<vmem>>
      %dma_start3A_1881 = arith.constant 8 : i32
      %dma_start3A_1882 = tpu.memref_slice %arg3[%dma_start3A_1881, %mul3A_1866] : memref<32x1000000xf32, #tpu.memory_space<hbm>> -> memref<8x128xf32, #tpu.memory_space<hbm>>
      tpu.enqueue_dma source(%dma_start3A_1882 : memref<8x128xf32, #tpu.memory_space<hbm>>) target(%dma_start3A_1880 : memref<8x128xf32, #tpu.memory_space<vmem>>) target_semaphore(%dma_start3A_1876 : memref<!tpu.dma_semaphore, #tpu.memory_space<semaphore_mem>>)
      %mul3A_1883 = arith.constant 128 : i32
      %mul3A_1884 = arith.muli %shift_right_logical3A_1846, %mul3A_1883 : i32
      %dma_start3A_1885 = arith.constant 0 : i32
      %dma_start3A_1886 = arith.constant 0 : i32
      %dma_start3A_1887 = arith.constant 16 : i32
      %dma_start3A_1888 = arith.constant 0 : i32
      %dma_start3A_1889 = tpu.memref_slice %arg6[%dma_start3A_1885, %dma_start3A_1887, %dma_start3A_1888] : memref<2x32x128xf32, #tpu.memory_space<vmem>> -> memref<1x8x128xf32, #tpu.memory_space<vmem>>
      %dma_start3A_1890 = tpu.memref_squeeze %dma_start3A_1889 : memref<1x8x128xf32, #tpu.memory_space<vmem>> -> memref<8x128xf32, #tpu.memory_space<vmem>>
      %dma_start3A_1891 = arith.constant 16 : i32
      %dma_start3A_1892 = tpu.memref_slice %arg3[%dma_start3A_1891, %mul3A_1884] : memref<32x1000000xf32, #tpu.memory_space<hbm>> -> memref<8x128xf32, #tpu.memory_space<hbm>>
      %dma_start3A_1893 = tpu.memref_slice %arg8[%dma_start3A_1886] : memref<2x!tpu.dma_semaphore, #tpu.memory_space<semaphore_mem>> -> memref<1x!tpu.dma_semaphore, #tpu.memory_space<semaphore_mem>>
      %dma_start3A_1894 = tpu.memref_squeeze %dma_start3A_1893 : memref<1x!tpu.dma_semaphore, #tpu.memory_space<semaphore_mem>> -> memref<!tpu.dma_semaphore, #tpu.memory_space<semaphore_mem>>
      %dma_start3A_1895 = arith.constant 16 : i32
      %dma_start3A_1896 = arith.constant 0 : i32
      %dma_start3A_1897 = tpu.memref_slice %arg6[%dma_start3A_1885, %dma_start3A_1895, %dma_start3A_1896] : memref<2x32x128xf32, #tpu.memory_space<vmem>> -> memref<1x8x128xf32, #tpu.memory_space<vmem>>
      %dma_start3A_1898 = tpu.memref_squeeze %dma_start3A_1897 : memref<1x8x128xf32, #tpu.memory_space<vmem>> -> memref<8x128xf32, #tpu.memory_space<vmem>>
      %dma_start3A_1899 = arith.constant 16 : i32
      %dma_start3A_1900 = tpu.memref_slice %arg3[%dma_start3A_1899, %mul3A_1884] : memref<32x1000000xf32, #tpu.memory_space<hbm>> -> memref<8x128xf32, #tpu.memory_space<hbm>>
      tpu.enqueue_dma source(%dma_start3A_1900 : memref<8x128xf32, #tpu.memory_space<hbm>>) target(%dma_start3A_1898 : memref<8x128xf32, #tpu.memory_space<vmem>>) target_semaphore(%dma_start3A_1894 : memref<!tpu.dma_semaphore, #tpu.memory_space<semaphore_mem>>)
      %mul3A_1901 = arith.constant 128 : i32
      %mul3A_1902 = arith.muli %shift_right_logical3A_1846, %mul3A_1901 : i32
      %dma_start3A_1903 = arith.constant 0 : i32
      %dma_start3A_1904 = arith.constant 0 : i32
      %dma_start3A_1905 = arith.constant 24 : i32
      %dma_start3A_1906 = arith.constant 0 : i32
      %dma_start3A_1907 = tpu.memref_slice %arg6[%dma_start3A_1903, %dma_start3A_1905, %dma_start3A_1906] : memref<2x32x128xf32, #tpu.memory_space<vmem>> -> memref<1x8x128xf32, #tpu.memory_space<vmem>>
      %dma_start3A_1908 = tpu.memref_squeeze %dma_start3A_1907 : memref<1x8x128xf32, #tpu.memory_space<vmem>> -> memref<8x128xf32, #tpu.memory_space<vmem>>
      %dma_start3A_1909 = arith.constant 24 : i32
      %dma_start3A_1910 = tpu.memref_slice %arg3[%dma_start3A_1909, %mul3A_1902] : memref<32x1000000xf32, #tpu.memory_space<hbm>> -> memref<8x128xf32, #tpu.memory_space<hbm>>
      %dma_start3A_1911 = tpu.memref_slice %arg8[%dma_start3A_1904] : memref<2x!tpu.dma_semaphore, #tpu.memory_space<semaphore_mem>> -> memref<1x!tpu.dma_semaphore, #tpu.memory_space<semaphore_mem>>
      %dma_start3A_1912 = tpu.memref_squeeze %dma_start3A_1911 : memref<1x!tpu.dma_semaphore, #tpu.memory_space<semaphore_mem>> -> memref<!tpu.dma_semaphore, #tpu.memory_space<semaphore_mem>>
      %dma_start3A_1913 = arith.constant 24 : i32
      %dma_start3A_1914 = arith.constant 0 : i32
      %dma_start3A_1915 = tpu.memref_slice %arg6[%dma_start3A_1903, %dma_start3A_1913, %dma_start3A_1914] : memref<2x32x128xf32, #tpu.memory_space<vmem>> -> memref<1x8x128xf32, #tpu.memory_space<vmem>>
      %dma_start3A_1916 = tpu.memref_squeeze %dma_start3A_1915 : memref<1x8x128xf32, #tpu.memory_space<vmem>> -> memref<8x128xf32, #tpu.memory_space<vmem>>
      %dma_start3A_1917 = arith.constant 24 : i32
      %dma_start3A_1918 = tpu.memref_slice %arg3[%dma_start3A_1917, %mul3A_1902] : memref<32x1000000xf32, #tpu.memory_space<hbm>> -> memref<8x128xf32, #tpu.memory_space<hbm>>
      tpu.enqueue_dma source(%dma_start3A_1918 : memref<8x128xf32, #tpu.memory_space<hbm>>) target(%dma_start3A_1916 : memref<8x128xf32, #tpu.memory_space<vmem>>) target_semaphore(%dma_start3A_1912 : memref<!tpu.dma_semaphore, #tpu.memory_space<semaphore_mem>>)
      %shift_right_logical3A_1919 = arith.constant 7 : i32
      %shift_right_logical3A_1920 = arith.shrui %squeeze3A_1844, %shift_right_logical3A_1919 : i32
      %mul3A_1921 = arith.constant 128 : i32
      %mul3A_1922 = arith.muli %shift_right_logical3A_1920, %mul3A_1921 : i32
      %dma_wait3A_1923 = arith.constant 0 : i32
      %dma_wait3A_1924 = arith.constant 0 : i32
      %dma_wait3A_1925 = arith.constant 0 : i32
      %dma_wait3A_1926 = arith.constant 0 : i32
      %dma_wait3A_1927 = tpu.memref_slice %arg6[%dma_wait3A_1923, %dma_wait3A_1925, %dma_wait3A_1926] : memref<2x32x128xf32, #tpu.memory_space<vmem>> -> memref<1x8x128xf32, #tpu.memory_space<vmem>>
      %dma_wait3A_1928 = tpu.memref_squeeze %dma_wait3A_1927 : memref<1x8x128xf32, #tpu.memory_space<vmem>> -> memref<8x128xf32, #tpu.memory_space<vmem>>
      %dma_wait3A_1929 = arith.constant 0 : i32
      %dma_wait3A_1930 = tpu.memref_slice %arg3[%dma_wait3A_1929, %mul3A_1922] : memref<32x1000000xf32, #tpu.memory_space<hbm>> -> memref<8x128xf32, #tpu.memory_space<hbm>>
      %dma_wait3A_1931 = tpu.memref_slice %arg8[%dma_wait3A_1924] : memref<2x!tpu.dma_semaphore, #tpu.memory_space<semaphore_mem>> -> memref<1x!tpu.dma_semaphore, #tpu.memory_space<semaphore_mem>>
      %dma_wait3A_1932 = tpu.memref_squeeze %dma_wait3A_1931 : memref<1x!tpu.dma_semaphore, #tpu.memory_space<semaphore_mem>> -> memref<!tpu.dma_semaphore, #tpu.memory_space<semaphore_mem>>
      %dma_wait3A_1933 = arith.constant 0 : i32
      %dma_wait3A_1934 = arith.constant 0 : i32
      %dma_wait3A_1935 = tpu.memref_slice %arg6[%dma_wait3A_1923, %dma_wait3A_1933, %dma_wait3A_1934] : memref<2x32x128xf32, #tpu.memory_space<vmem>> -> memref<1x8x128xf32, #tpu.memory_space<vmem>>
      %dma_wait3A_1936 = tpu.memref_squeeze %dma_wait3A_1935 : memref<1x8x128xf32, #tpu.memory_space<vmem>> -> memref<8x128xf32, #tpu.memory_space<vmem>>
      %dma_wait3A_1937 = arith.constant 0 : i32
      %dma_wait3A_1938 = tpu.memref_slice %arg3[%dma_wait3A_1937, %mul3A_1922] : memref<32x1000000xf32, #tpu.memory_space<hbm>> -> memref<8x128xf32, #tpu.memory_space<hbm>>
      tpu.wait_dma2 semaphore(%dma_wait3A_1932 : memref<!tpu.dma_semaphore, #tpu.memory_space<semaphore_mem>>) src(%dma_wait3A_1938 : memref<8x128xf32, #tpu.memory_space<hbm>>) dst(%dma_wait3A_1936 : memref<8x128xf32, #tpu.memory_space<vmem>>)
      %mul3A_1939 = arith.constant 128 : i32
      %mul3A_1940 = arith.muli %shift_right_logical3A_1920, %mul3A_1939 : i32
      %dma_wait3A_1941 = arith.constant 0 : i32
      %dma_wait3A_1942 = arith.constant 0 : i32
      %dma_wait3A_1943 = arith.constant 8 : i32
      %dma_wait3A_1944 = arith.constant 0 : i32
      %dma_wait3A_1945 = tpu.memref_slice %arg6[%dma_wait3A_1941, %dma_wait3A_1943, %dma_wait3A_1944] : memref<2x32x128xf32, #tpu.memory_space<vmem>> -> memref<1x8x128xf32, #tpu.memory_space<vmem>>
      %dma_wait3A_1946 = tpu.memref_squeeze %dma_wait3A_1945 : memref<1x8x128xf32, #tpu.memory_space<vmem>> -> memref<8x128xf32, #tpu.memory_space<vmem>>
      %dma_wait3A_1947 = arith.constant 8 : i32
      %dma_wait3A_1948 = tpu.memref_slice %arg3[%dma_wait3A_1947, %mul3A_1940] : memref<32x1000000xf32, #tpu.memory_space<hbm>> -> memref<8x128xf32, #tpu.memory_space<hbm>>
      %dma_wait3A_1949 = tpu.memref_slice %arg8[%dma_wait3A_1942] : memref<2x!tpu.dma_semaphore, #tpu.memory_space<semaphore_mem>> -> memref<1x!tpu.dma_semaphore, #tpu.memory_space<semaphore_mem>>
      %dma_wait3A_1950 = tpu.memref_squeeze %dma_wait3A_1949 : memref<1x!tpu.dma_semaphore, #tpu.memory_space<semaphore_mem>> -> memref<!tpu.dma_semaphore, #tpu.memory_space<semaphore_mem>>
      %dma_wait3A_1951 = arith.constant 8 : i32
      %dma_wait3A_1952 = arith.constant 0 : i32
      %dma_wait3A_1953 = tpu.memref_slice %arg6[%dma_wait3A_1941, %dma_wait3A_1951, %dma_wait3A_1952] : memref<2x32x128xf32, #tpu.memory_space<vmem>> -> memref<1x8x128xf32, #tpu.memory_space<vmem>>
      %dma_wait3A_1954 = tpu.memref_squeeze %dma_wait3A_1953 : memref<1x8x128xf32, #tpu.memory_space<vmem>> -> memref<8x128xf32, #tpu.memory_space<vmem>>
      %dma_wait3A_1955 = arith.constant 8 : i32
      %dma_wait3A_1956 = tpu.memref_slice %arg3[%dma_wait3A_1955, %mul3A_1940] : memref<32x1000000xf32, #tpu.memory_space<hbm>> -> memref<8x128xf32, #tpu.memory_space<hbm>>
      tpu.wait_dma2 semaphore(%dma_wait3A_1950 : memref<!tpu.dma_semaphore, #tpu.memory_space<semaphore_mem>>) src(%dma_wait3A_1956 : memref<8x128xf32, #tpu.memory_space<hbm>>) dst(%dma_wait3A_1954 : memref<8x128xf32, #tpu.memory_space<vmem>>)
      %mul3A_1957 = arith.constant 128 : i32
      %mul3A_1958 = arith.muli %shift_right_logical3A_1920, %mul3A_1957 : i32
      %dma_wait3A_1959 = arith.constant 0 : i32
      %dma_wait3A_1960 = arith.constant 0 : i32
      %dma_wait3A_1961 = arith.constant 16 : i32
      %dma_wait3A_1962 = arith.constant 0 : i32
      %dma_wait3A_1963 = tpu.memref_slice %arg6[%dma_wait3A_1959, %dma_wait3A_1961, %dma_wait3A_1962] : memref<2x32x128xf32, #tpu.memory_space<vmem>> -> memref<1x8x128xf32, #tpu.memory_space<vmem>>
      %dma_wait3A_1964 = tpu.memref_squeeze %dma_wait3A_1963 : memref<1x8x128xf32, #tpu.memory_space<vmem>> -> memref<8x128xf32, #tpu.memory_space<vmem>>
      %dma_wait3A_1965 = arith.constant 16 : i32
      %dma_wait3A_1966 = tpu.memref_slice %arg3[%dma_wait3A_1965, %mul3A_1958] : memref<32x1000000xf32, #tpu.memory_space<hbm>> -> memref<8x128xf32, #tpu.memory_space<hbm>>
      %dma_wait3A_1967 = tpu.memref_slice %arg8[%dma_wait3A_1960] : memref<2x!tpu.dma_semaphore, #tpu.memory_space<semaphore_mem>> -> memref<1x!tpu.dma_semaphore, #tpu.memory_space<semaphore_mem>>
      %dma_wait3A_1968 = tpu.memref_squeeze %dma_wait3A_1967 : memref<1x!tpu.dma_semaphore, #tpu.memory_space<semaphore_mem>> -> memref<!tpu.dma_semaphore, #tpu.memory_space<semaphore_mem>>
      %dma_wait3A_1969 = arith.constant 16 : i32
      %dma_wait3A_1970 = arith.constant 0 : i32
      %dma_wait3A_1971 = tpu.memref_slice %arg6[%dma_wait3A_1959, %dma_wait3A_1969, %dma_wait3A_1970] : memref<2x32x128xf32, #tpu.memory_space<vmem>> -> memref<1x8x128xf32, #tpu.memory_space<vmem>>
      %dma_wait3A_1972 = tpu.memref_squeeze %dma_wait3A_1971 : memref<1x8x128xf32, #tpu.memory_space<vmem>> -> memref<8x128xf32, #tpu.memory_space<vmem>>
      %dma_wait3A_1973 = arith.constant 16 : i32
      %dma_wait3A_1974 = tpu.memref_slice %arg3[%dma_wait3A_1973, %mul3A_1958] : memref<32x1000000xf32, #tpu.memory_space<hbm>> -> memref<8x128xf32, #tpu.memory_space<hbm>>
      tpu.wait_dma2 semaphore(%dma_wait3A_1968 : memref<!tpu.dma_semaphore, #tpu.memory_space<semaphore_mem>>) src(%dma_wait3A_1974 : memref<8x128xf32, #tpu.memory_space<hbm>>) dst(%dma_wait3A_1972 : memref<8x128xf32, #tpu.memory_space<vmem>>)
      %mul3A_1975 = arith.constant 128 : i32
      %mul3A_1976 = arith.muli %shift_right_logical3A_1920, %mul3A_1975 : i32
      %dma_wait3A_1977 = arith.constant 0 : i32
      %dma_wait3A_1978 = arith.constant 0 : i32
      %dma_wait3A_1979 = arith.constant 24 : i32
      %dma_wait3A_1980 = arith.constant 0 : i32
      %dma_wait3A_1981 = tpu.memref_slice %arg6[%dma_wait3A_1977, %dma_wait3A_1979, %dma_wait3A_1980] : memref<2x32x128xf32, #tpu.memory_space<vmem>> -> memref<1x8x128xf32, #tpu.memory_space<vmem>>
      %dma_wait3A_1982 = tpu.memref_squeeze %dma_wait3A_1981 : memref<1x8x128xf32, #tpu.memory_space<vmem>> -> memref<8x128xf32, #tpu.memory_space<vmem>>
      %dma_wait3A_1983 = arith.constant 24 : i32
      %dma_wait3A_1984 = tpu.memref_slice %arg3[%dma_wait3A_1983, %mul3A_1976] : memref<32x1000000xf32, #tpu.memory_space<hbm>> -> memref<8x128xf32, #tpu.memory_space<hbm>>
      %dma_wait3A_1985 = tpu.memref_slice %arg8[%dma_wait3A_1978] : memref<2x!tpu.dma_semaphore, #tpu.memory_space<semaphore_mem>> -> memref<1x!tpu.dma_semaphore, #tpu.memory_space<semaphore_mem>>
      %dma_wait3A_1986 = tpu.memref_squeeze %dma_wait3A_1985 : memref<1x!tpu.dma_semaphore, #tpu.memory_space<semaphore_mem>> -> memref<!tpu.dma_semaphore, #tpu.memory_space<semaphore_mem>>
      %dma_wait3A_1987 = arith.constant 24 : i32
      %dma_wait3A_1988 = arith.constant 0 : i32
      %dma_wait3A_1989 = tpu.memref_slice %arg6[%dma_wait3A_1977, %dma_wait3A_1987, %dma_wait3A_1988] : memref<2x32x128xf32, #tpu.memory_space<vmem>> -> memref<1x8x128xf32, #tpu.memory_space<vmem>>
      %dma_wait3A_1990 = tpu.memref_squeeze %dma_wait3A_1989 : memref<1x8x128xf32, #tpu.memory_space<vmem>> -> memref<8x128xf32, #tpu.memory_space<vmem>>
      %dma_wait3A_1991 = arith.constant 24 : i32
      %dma_wait3A_1992 = tpu.memref_slice %arg3[%dma_wait3A_1991, %mul3A_1976] : memref<32x1000000xf32, #tpu.memory_space<hbm>> -> memref<8x128xf32, #tpu.memory_space<hbm>>
      tpu.wait_dma2 semaphore(%dma_wait3A_1986 : memref<!tpu.dma_semaphore, #tpu.memory_space<semaphore_mem>>) src(%dma_wait3A_1992 : memref<8x128xf32, #tpu.memory_space<hbm>>) dst(%dma_wait3A_1990 : memref<8x128xf32, #tpu.memory_space<vmem>>)
      %mul3A_1993 = arith.constant 16 : i32
      %mul3A_1994 = arith.muli %scan3A_8, %mul3A_1993 : i32
      %add3A_1995 = arith.constant 10 : i32
      %add3A_1996 = arith.addi %mul3A_1994, %add3A_1995 : i32
      %and3A_1997 = arith.constant 127 : i32
      %and3A_1998 = arith.andi %squeeze3A_1844, %and3A_1997 : i32
      %broadcast_in_dim3A_1999 = arith.constant 0 : i32
      %broadcast_in_dim3A_2000 = vector.broadcast %broadcast_in_dim3A_1999 : i32 to vector<16xi32>
      %add3A_2001 = vector.broadcast %and3A_1998 : i32 to vector<16xi32>
      %add3A_2002 = arith.addi %broadcast_in_dim3A_2000, %add3A_2001 : vector<16xi32>
      %broadcast_in_dim3A_2003 = arith.constant 0 : i32
      %broadcast_in_dim3A_2004 = vector.broadcast %broadcast_in_dim3A_2003 : i32 to vector<16xi32>
      %add3A_2005 = vector.broadcast %add3A_1996 : i32 to vector<16xi32>
      %add3A_2006 = arith.addi %broadcast_in_dim3A_2004, %add3A_2005 : vector<16xi32>
      %iota3A_2007 = tpu.iota {dimensions = array<i32: 0>} : vector<16xi32>
      %add3A_2008 = arith.constant 0 : i32
      %add3A_2009 = vector.broadcast %add3A_2008 : i32 to vector<16xi32>
      %add3A_2010 = arith.addi %iota3A_2007, %add3A_2009 : vector<16xi32>
      %gather3A_2011 = arith.constant 0 : i32
      %gather3A_2012 = arith.constant 0 : i32
      %gather3A_2013 = arith.constant 0 : i32
      %gather3A_2014 = tpu.memref_slice %arg6[%gather3A_2011, %gather3A_2012, %gather3A_2013] : memref<2x32x128xf32, #tpu.memory_space<vmem>> -> memref<1x32x128xf32, #tpu.memory_space<vmem>>
      %gather3A_2015 = tpu.memref_squeeze %gather3A_2014 : memref<1x32x128xf32, #tpu.memory_space<vmem>> -> memref<32x128xf32, #tpu.memory_space<vmem>>
      %gather3A_2016 = tpu.vector_load_idx %gather3A_2015[%add3A_2010, %add3A_2002] : memref<32x128xf32, #tpu.memory_space<vmem>>[vector<16xi32>, vector<16xi32>], vector<16xf32>,
      tpu.vector_store_idx %arg7[%add3A_2010, %add3A_2006], %gather3A_2016 : memref<32x128xf32, #tpu.memory_space<vmem>>[vector<16xi32>, vector<16xi32>], vector<16xf32>,
      %iota3A_2017 = tpu.iota {dimensions = array<i32: 0>} : vector<16xi32>
      %add3A_2018 = arith.constant 16 : i32
      %add3A_2019 = vector.broadcast %add3A_2018 : i32 to vector<16xi32>
      %add3A_2020 = arith.addi %iota3A_2017, %add3A_2019 : vector<16xi32>
      %gather3A_2021 = arith.constant 0 : i32
      %gather3A_2022 = arith.constant 0 : i32
      %gather3A_2023 = arith.constant 0 : i32
      %gather3A_2024 = tpu.memref_slice %arg6[%gather3A_2021, %gather3A_2022, %gather3A_2023] : memref<2x32x128xf32, #tpu.memory_space<vmem>> -> memref<1x32x128xf32, #tpu.memory_space<vmem>>
      %gather3A_2025 = tpu.memref_squeeze %gather3A_2024 : memref<1x32x128xf32, #tpu.memory_space<vmem>> -> memref<32x128xf32, #tpu.memory_space<vmem>>
      %gather3A_2026 = tpu.vector_load_idx %gather3A_2025[%add3A_2020, %add3A_2002] : memref<32x128xf32, #tpu.memory_space<vmem>>[vector<16xi32>, vector<16xi32>], vector<16xf32>,
      tpu.vector_store_idx %arg7[%add3A_2020, %add3A_2006], %gather3A_2026 : memref<32x128xf32, #tpu.memory_space<vmem>>[vector<16xi32>, vector<16xi32>], vector<16xf32>,
      %slice3A_2027 = vector.extract_strided_slice %get3A_11 {offsets = [11], sizes = [1], strides = [1]} : vector<16xi32> to vector<1xi32>
      %squeeze3A_2028 = vector.extract %slice3A_2027[0] : i32 from vector<1xi32>
      %shift_right_logical3A_2029 = arith.constant 7 : i32
      %shift_right_logical3A_2030 = arith.shrui %squeeze3A_2028, %shift_right_logical3A_2029 : i32
      %mul3A_2031 = arith.constant 128 : i32
      %mul3A_2032 = arith.muli %shift_right_logical3A_2030, %mul3A_2031 : i32
      %dma_start3A_2033 = arith.constant 1 : i32
      %dma_start3A_2034 = arith.constant 1 : i32
      %dma_start3A_2035 = arith.constant 0 : i32
      %dma_start3A_2036 = arith.constant 0 : i32
      %dma_start3A_2037 = tpu.memref_slice %arg6[%dma_start3A_2033, %dma_start3A_2035, %dma_start3A_2036] : memref<2x32x128xf32, #tpu.memory_space<vmem>> -> memref<1x8x128xf32, #tpu.memory_space<vmem>>
      %dma_start3A_2038 = tpu.memref_squeeze %dma_start3A_2037 : memref<1x8x128xf32, #tpu.memory_space<vmem>> -> memref<8x128xf32, #tpu.memory_space<vmem>>
      %dma_start3A_2039 = arith.constant 0 : i32
      %dma_start3A_2040 = tpu.memref_slice %arg3[%dma_start3A_2039, %mul3A_2032] : memref<32x1000000xf32, #tpu.memory_space<hbm>> -> memref<8x128xf32, #tpu.memory_space<hbm>>
      %dma_start3A_2041 = tpu.memref_slice %arg8[%dma_start3A_2034] : memref<2x!tpu.dma_semaphore, #tpu.memory_space<semaphore_mem>> -> memref<1x!tpu.dma_semaphore, #tpu.memory_space<semaphore_mem>>
      %dma_start3A_2042 = tpu.memref_squeeze %dma_start3A_2041 : memref<1x!tpu.dma_semaphore, #tpu.memory_space<semaphore_mem>> -> memref<!tpu.dma_semaphore, #tpu.memory_space<semaphore_mem>>
      %dma_start3A_2043 = arith.constant 0 : i32
      %dma_start3A_2044 = arith.constant 0 : i32
      %dma_start3A_2045 = tpu.memref_slice %arg6[%dma_start3A_2033, %dma_start3A_2043, %dma_start3A_2044] : memref<2x32x128xf32, #tpu.memory_space<vmem>> -> memref<1x8x128xf32, #tpu.memory_space<vmem>>
      %dma_start3A_2046 = tpu.memref_squeeze %dma_start3A_2045 : memref<1x8x128xf32, #tpu.memory_space<vmem>> -> memref<8x128xf32, #tpu.memory_space<vmem>>
      %dma_start3A_2047 = arith.constant 0 : i32
      %dma_start3A_2048 = tpu.memref_slice %arg3[%dma_start3A_2047, %mul3A_2032] : memref<32x1000000xf32, #tpu.memory_space<hbm>> -> memref<8x128xf32, #tpu.memory_space<hbm>>
      tpu.enqueue_dma source(%dma_start3A_2048 : memref<8x128xf32, #tpu.memory_space<hbm>>) target(%dma_start3A_2046 : memref<8x128xf32, #tpu.memory_space<vmem>>) target_semaphore(%dma_start3A_2042 : memref<!tpu.dma_semaphore, #tpu.memory_space<semaphore_mem>>)
      %mul3A_2049 = arith.constant 128 : i32
      %mul3A_2050 = arith.muli %shift_right_logical3A_2030, %mul3A_2049 : i32
      %dma_start3A_2051 = arith.constant 1 : i32
      %dma_start3A_2052 = arith.constant 1 : i32
      %dma_start3A_2053 = arith.constant 8 : i32
      %dma_start3A_2054 = arith.constant 0 : i32
      %dma_start3A_2055 = tpu.memref_slice %arg6[%dma_start3A_2051, %dma_start3A_2053, %dma_start3A_2054] : memref<2x32x128xf32, #tpu.memory_space<vmem>> -> memref<1x8x128xf32, #tpu.memory_space<vmem>>
      %dma_start3A_2056 = tpu.memref_squeeze %dma_start3A_2055 : memref<1x8x128xf32, #tpu.memory_space<vmem>> -> memref<8x128xf32, #tpu.memory_space<vmem>>
      %dma_start3A_2057 = arith.constant 8 : i32
      %dma_start3A_2058 = tpu.memref_slice %arg3[%dma_start3A_2057, %mul3A_2050] : memref<32x1000000xf32, #tpu.memory_space<hbm>> -> memref<8x128xf32, #tpu.memory_space<hbm>>
      %dma_start3A_2059 = tpu.memref_slice %arg8[%dma_start3A_2052] : memref<2x!tpu.dma_semaphore, #tpu.memory_space<semaphore_mem>> -> memref<1x!tpu.dma_semaphore, #tpu.memory_space<semaphore_mem>>
      %dma_start3A_2060 = tpu.memref_squeeze %dma_start3A_2059 : memref<1x!tpu.dma_semaphore, #tpu.memory_space<semaphore_mem>> -> memref<!tpu.dma_semaphore, #tpu.memory_space<semaphore_mem>>
      %dma_start3A_2061 = arith.constant 8 : i32
      %dma_start3A_2062 = arith.constant 0 : i32
      %dma_start3A_2063 = tpu.memref_slice %arg6[%dma_start3A_2051, %dma_start3A_2061, %dma_start3A_2062] : memref<2x32x128xf32, #tpu.memory_space<vmem>> -> memref<1x8x128xf32, #tpu.memory_space<vmem>>
      %dma_start3A_2064 = tpu.memref_squeeze %dma_start3A_2063 : memref<1x8x128xf32, #tpu.memory_space<vmem>> -> memref<8x128xf32, #tpu.memory_space<vmem>>
      %dma_start3A_2065 = arith.constant 8 : i32
      %dma_start3A_2066 = tpu.memref_slice %arg3[%dma_start3A_2065, %mul3A_2050] : memref<32x1000000xf32, #tpu.memory_space<hbm>> -> memref<8x128xf32, #tpu.memory_space<hbm>>
      tpu.enqueue_dma source(%dma_start3A_2066 : memref<8x128xf32, #tpu.memory_space<hbm>>) target(%dma_start3A_2064 : memref<8x128xf32, #tpu.memory_space<vmem>>) target_semaphore(%dma_start3A_2060 : memref<!tpu.dma_semaphore, #tpu.memory_space<semaphore_mem>>)
      %mul3A_2067 = arith.constant 128 : i32
      %mul3A_2068 = arith.muli %shift_right_logical3A_2030, %mul3A_2067 : i32
      %dma_start3A_2069 = arith.constant 1 : i32
      %dma_start3A_2070 = arith.constant 1 : i32
      %dma_start3A_2071 = arith.constant 16 : i32
      %dma_start3A_2072 = arith.constant 0 : i32
      %dma_start3A_2073 = tpu.memref_slice %arg6[%dma_start3A_2069, %dma_start3A_2071, %dma_start3A_2072] : memref<2x32x128xf32, #tpu.memory_space<vmem>> -> memref<1x8x128xf32, #tpu.memory_space<vmem>>
      %dma_start3A_2074 = tpu.memref_squeeze %dma_start3A_2073 : memref<1x8x128xf32, #tpu.memory_space<vmem>> -> memref<8x128xf32, #tpu.memory_space<vmem>>
      %dma_start3A_2075 = arith.constant 16 : i32
      %dma_start3A_2076 = tpu.memref_slice %arg3[%dma_start3A_2075, %mul3A_2068] : memref<32x1000000xf32, #tpu.memory_space<hbm>> -> memref<8x128xf32, #tpu.memory_space<hbm>>
      %dma_start3A_2077 = tpu.memref_slice %arg8[%dma_start3A_2070] : memref<2x!tpu.dma_semaphore, #tpu.memory_space<semaphore_mem>> -> memref<1x!tpu.dma_semaphore, #tpu.memory_space<semaphore_mem>>
      %dma_start3A_2078 = tpu.memref_squeeze %dma_start3A_2077 : memref<1x!tpu.dma_semaphore, #tpu.memory_space<semaphore_mem>> -> memref<!tpu.dma_semaphore, #tpu.memory_space<semaphore_mem>>
      %dma_start3A_2079 = arith.constant 16 : i32
      %dma_start3A_2080 = arith.constant 0 : i32
      %dma_start3A_2081 = tpu.memref_slice %arg6[%dma_start3A_2069, %dma_start3A_2079, %dma_start3A_2080] : memref<2x32x128xf32, #tpu.memory_space<vmem>> -> memref<1x8x128xf32, #tpu.memory_space<vmem>>
      %dma_start3A_2082 = tpu.memref_squeeze %dma_start3A_2081 : memref<1x8x128xf32, #tpu.memory_space<vmem>> -> memref<8x128xf32, #tpu.memory_space<vmem>>
      %dma_start3A_2083 = arith.constant 16 : i32
      %dma_start3A_2084 = tpu.memref_slice %arg3[%dma_start3A_2083, %mul3A_2068] : memref<32x1000000xf32, #tpu.memory_space<hbm>> -> memref<8x128xf32, #tpu.memory_space<hbm>>
      tpu.enqueue_dma source(%dma_start3A_2084 : memref<8x128xf32, #tpu.memory_space<hbm>>) target(%dma_start3A_2082 : memref<8x128xf32, #tpu.memory_space<vmem>>) target_semaphore(%dma_start3A_2078 : memref<!tpu.dma_semaphore, #tpu.memory_space<semaphore_mem>>)
      %mul3A_2085 = arith.constant 128 : i32
      %mul3A_2086 = arith.muli %shift_right_logical3A_2030, %mul3A_2085 : i32
      %dma_start3A_2087 = arith.constant 1 : i32
      %dma_start3A_2088 = arith.constant 1 : i32
      %dma_start3A_2089 = arith.constant 24 : i32
      %dma_start3A_2090 = arith.constant 0 : i32
      %dma_start3A_2091 = tpu.memref_slice %arg6[%dma_start3A_2087, %dma_start3A_2089, %dma_start3A_2090] : memref<2x32x128xf32, #tpu.memory_space<vmem>> -> memref<1x8x128xf32, #tpu.memory_space<vmem>>
      %dma_start3A_2092 = tpu.memref_squeeze %dma_start3A_2091 : memref<1x8x128xf32, #tpu.memory_space<vmem>> -> memref<8x128xf32, #tpu.memory_space<vmem>>
      %dma_start3A_2093 = arith.constant 24 : i32
      %dma_start3A_2094 = tpu.memref_slice %arg3[%dma_start3A_2093, %mul3A_2086] : memref<32x1000000xf32, #tpu.memory_space<hbm>> -> memref<8x128xf32, #tpu.memory_space<hbm>>
      %dma_start3A_2095 = tpu.memref_slice %arg8[%dma_start3A_2088] : memref<2x!tpu.dma_semaphore, #tpu.memory_space<semaphore_mem>> -> memref<1x!tpu.dma_semaphore, #tpu.memory_space<semaphore_mem>>
      %dma_start3A_2096 = tpu.memref_squeeze %dma_start3A_2095 : memref<1x!tpu.dma_semaphore, #tpu.memory_space<semaphore_mem>> -> memref<!tpu.dma_semaphore, #tpu.memory_space<semaphore_mem>>
      %dma_start3A_2097 = arith.constant 24 : i32
      %dma_start3A_2098 = arith.constant 0 : i32
      %dma_start3A_2099 = tpu.memref_slice %arg6[%dma_start3A_2087, %dma_start3A_2097, %dma_start3A_2098] : memref<2x32x128xf32, #tpu.memory_space<vmem>> -> memref<1x8x128xf32, #tpu.memory_space<vmem>>
      %dma_start3A_2100 = tpu.memref_squeeze %dma_start3A_2099 : memref<1x8x128xf32, #tpu.memory_space<vmem>> -> memref<8x128xf32, #tpu.memory_space<vmem>>
      %dma_start3A_2101 = arith.constant 24 : i32
      %dma_start3A_2102 = tpu.memref_slice %arg3[%dma_start3A_2101, %mul3A_2086] : memref<32x1000000xf32, #tpu.memory_space<hbm>> -> memref<8x128xf32, #tpu.memory_space<hbm>>
      tpu.enqueue_dma source(%dma_start3A_2102 : memref<8x128xf32, #tpu.memory_space<hbm>>) target(%dma_start3A_2100 : memref<8x128xf32, #tpu.memory_space<vmem>>) target_semaphore(%dma_start3A_2096 : memref<!tpu.dma_semaphore, #tpu.memory_space<semaphore_mem>>)
      %shift_right_logical3A_2103 = arith.constant 7 : i32
      %shift_right_logical3A_2104 = arith.shrui %squeeze3A_2028, %shift_right_logical3A_2103 : i32
      %mul3A_2105 = arith.constant 128 : i32
      %mul3A_2106 = arith.muli %shift_right_logical3A_2104, %mul3A_2105 : i32
      %dma_wait3A_2107 = arith.constant 1 : i32
      %dma_wait3A_2108 = arith.constant 1 : i32
      %dma_wait3A_2109 = arith.constant 0 : i32
      %dma_wait3A_2110 = arith.constant 0 : i32
      %dma_wait3A_2111 = tpu.memref_slice %arg6[%dma_wait3A_2107, %dma_wait3A_2109, %dma_wait3A_2110] : memref<2x32x128xf32, #tpu.memory_space<vmem>> -> memref<1x8x128xf32, #tpu.memory_space<vmem>>
      %dma_wait3A_2112 = tpu.memref_squeeze %dma_wait3A_2111 : memref<1x8x128xf32, #tpu.memory_space<vmem>> -> memref<8x128xf32, #tpu.memory_space<vmem>>
      %dma_wait3A_2113 = arith.constant 0 : i32
      %dma_wait3A_2114 = tpu.memref_slice %arg3[%dma_wait3A_2113, %mul3A_2106] : memref<32x1000000xf32, #tpu.memory_space<hbm>> -> memref<8x128xf32, #tpu.memory_space<hbm>>
      %dma_wait3A_2115 = tpu.memref_slice %arg8[%dma_wait3A_2108] : memref<2x!tpu.dma_semaphore, #tpu.memory_space<semaphore_mem>> -> memref<1x!tpu.dma_semaphore, #tpu.memory_space<semaphore_mem>>
      %dma_wait3A_2116 = tpu.memref_squeeze %dma_wait3A_2115 : memref<1x!tpu.dma_semaphore, #tpu.memory_space<semaphore_mem>> -> memref<!tpu.dma_semaphore, #tpu.memory_space<semaphore_mem>>
      %dma_wait3A_2117 = arith.constant 0 : i32
      %dma_wait3A_2118 = arith.constant 0 : i32
      %dma_wait3A_2119 = tpu.memref_slice %arg6[%dma_wait3A_2107, %dma_wait3A_2117, %dma_wait3A_2118] : memref<2x32x128xf32, #tpu.memory_space<vmem>> -> memref<1x8x128xf32, #tpu.memory_space<vmem>>
      %dma_wait3A_2120 = tpu.memref_squeeze %dma_wait3A_2119 : memref<1x8x128xf32, #tpu.memory_space<vmem>> -> memref<8x128xf32, #tpu.memory_space<vmem>>
      %dma_wait3A_2121 = arith.constant 0 : i32
      %dma_wait3A_2122 = tpu.memref_slice %arg3[%dma_wait3A_2121, %mul3A_2106] : memref<32x1000000xf32, #tpu.memory_space<hbm>> -> memref<8x128xf32, #tpu.memory_space<hbm>>
      tpu.wait_dma2 semaphore(%dma_wait3A_2116 : memref<!tpu.dma_semaphore, #tpu.memory_space<semaphore_mem>>) src(%dma_wait3A_2122 : memref<8x128xf32, #tpu.memory_space<hbm>>) dst(%dma_wait3A_2120 : memref<8x128xf32, #tpu.memory_space<vmem>>)
      %mul3A_2123 = arith.constant 128 : i32
      %mul3A_2124 = arith.muli %shift_right_logical3A_2104, %mul3A_2123 : i32
      %dma_wait3A_2125 = arith.constant 1 : i32
      %dma_wait3A_2126 = arith.constant 1 : i32
      %dma_wait3A_2127 = arith.constant 8 : i32
      %dma_wait3A_2128 = arith.constant 0 : i32
      %dma_wait3A_2129 = tpu.memref_slice %arg6[%dma_wait3A_2125, %dma_wait3A_2127, %dma_wait3A_2128] : memref<2x32x128xf32, #tpu.memory_space<vmem>> -> memref<1x8x128xf32, #tpu.memory_space<vmem>>
      %dma_wait3A_2130 = tpu.memref_squeeze %dma_wait3A_2129 : memref<1x8x128xf32, #tpu.memory_space<vmem>> -> memref<8x128xf32, #tpu.memory_space<vmem>>
      %dma_wait3A_2131 = arith.constant 8 : i32
      %dma_wait3A_2132 = tpu.memref_slice %arg3[%dma_wait3A_2131, %mul3A_2124] : memref<32x1000000xf32, #tpu.memory_space<hbm>> -> memref<8x128xf32, #tpu.memory_space<hbm>>
      %dma_wait3A_2133 = tpu.memref_slice %arg8[%dma_wait3A_2126] : memref<2x!tpu.dma_semaphore, #tpu.memory_space<semaphore_mem>> -> memref<1x!tpu.dma_semaphore, #tpu.memory_space<semaphore_mem>>
      %dma_wait3A_2134 = tpu.memref_squeeze %dma_wait3A_2133 : memref<1x!tpu.dma_semaphore, #tpu.memory_space<semaphore_mem>> -> memref<!tpu.dma_semaphore, #tpu.memory_space<semaphore_mem>>
      %dma_wait3A_2135 = arith.constant 8 : i32
      %dma_wait3A_2136 = arith.constant 0 : i32
      %dma_wait3A_2137 = tpu.memref_slice %arg6[%dma_wait3A_2125, %dma_wait3A_2135, %dma_wait3A_2136] : memref<2x32x128xf32, #tpu.memory_space<vmem>> -> memref<1x8x128xf32, #tpu.memory_space<vmem>>
      %dma_wait3A_2138 = tpu.memref_squeeze %dma_wait3A_2137 : memref<1x8x128xf32, #tpu.memory_space<vmem>> -> memref<8x128xf32, #tpu.memory_space<vmem>>
      %dma_wait3A_2139 = arith.constant 8 : i32
      %dma_wait3A_2140 = tpu.memref_slice %arg3[%dma_wait3A_2139, %mul3A_2124] : memref<32x1000000xf32, #tpu.memory_space<hbm>> -> memref<8x128xf32, #tpu.memory_space<hbm>>
      tpu.wait_dma2 semaphore(%dma_wait3A_2134 : memref<!tpu.dma_semaphore, #tpu.memory_space<semaphore_mem>>) src(%dma_wait3A_2140 : memref<8x128xf32, #tpu.memory_space<hbm>>) dst(%dma_wait3A_2138 : memref<8x128xf32, #tpu.memory_space<vmem>>)
      %mul3A_2141 = arith.constant 128 : i32
      %mul3A_2142 = arith.muli %shift_right_logical3A_2104, %mul3A_2141 : i32
      %dma_wait3A_2143 = arith.constant 1 : i32
      %dma_wait3A_2144 = arith.constant 1 : i32
      %dma_wait3A_2145 = arith.constant 16 : i32
      %dma_wait3A_2146 = arith.constant 0 : i32
      %dma_wait3A_2147 = tpu.memref_slice %arg6[%dma_wait3A_2143, %dma_wait3A_2145, %dma_wait3A_2146] : memref<2x32x128xf32, #tpu.memory_space<vmem>> -> memref<1x8x128xf32, #tpu.memory_space<vmem>>
      %dma_wait3A_2148 = tpu.memref_squeeze %dma_wait3A_2147 : memref<1x8x128xf32, #tpu.memory_space<vmem>> -> memref<8x128xf32, #tpu.memory_space<vmem>>
      %dma_wait3A_2149 = arith.constant 16 : i32
      %dma_wait3A_2150 = tpu.memref_slice %arg3[%dma_wait3A_2149, %mul3A_2142] : memref<32x1000000xf32, #tpu.memory_space<hbm>> -> memref<8x128xf32, #tpu.memory_space<hbm>>
      %dma_wait3A_2151 = tpu.memref_slice %arg8[%dma_wait3A_2144] : memref<2x!tpu.dma_semaphore, #tpu.memory_space<semaphore_mem>> -> memref<1x!tpu.dma_semaphore, #tpu.memory_space<semaphore_mem>>
      %dma_wait3A_2152 = tpu.memref_squeeze %dma_wait3A_2151 : memref<1x!tpu.dma_semaphore, #tpu.memory_space<semaphore_mem>> -> memref<!tpu.dma_semaphore, #tpu.memory_space<semaphore_mem>>
      %dma_wait3A_2153 = arith.constant 16 : i32
      %dma_wait3A_2154 = arith.constant 0 : i32
      %dma_wait3A_2155 = tpu.memref_slice %arg6[%dma_wait3A_2143, %dma_wait3A_2153, %dma_wait3A_2154] : memref<2x32x128xf32, #tpu.memory_space<vmem>> -> memref<1x8x128xf32, #tpu.memory_space<vmem>>
      %dma_wait3A_2156 = tpu.memref_squeeze %dma_wait3A_2155 : memref<1x8x128xf32, #tpu.memory_space<vmem>> -> memref<8x128xf32, #tpu.memory_space<vmem>>
      %dma_wait3A_2157 = arith.constant 16 : i32
      %dma_wait3A_2158 = tpu.memref_slice %arg3[%dma_wait3A_2157, %mul3A_2142] : memref<32x1000000xf32, #tpu.memory_space<hbm>> -> memref<8x128xf32, #tpu.memory_space<hbm>>
      tpu.wait_dma2 semaphore(%dma_wait3A_2152 : memref<!tpu.dma_semaphore, #tpu.memory_space<semaphore_mem>>) src(%dma_wait3A_2158 : memref<8x128xf32, #tpu.memory_space<hbm>>) dst(%dma_wait3A_2156 : memref<8x128xf32, #tpu.memory_space<vmem>>)
      %mul3A_2159 = arith.constant 128 : i32
      %mul3A_2160 = arith.muli %shift_right_logical3A_2104, %mul3A_2159 : i32
      %dma_wait3A_2161 = arith.constant 1 : i32
      %dma_wait3A_2162 = arith.constant 1 : i32
      %dma_wait3A_2163 = arith.constant 24 : i32
      %dma_wait3A_2164 = arith.constant 0 : i32
      %dma_wait3A_2165 = tpu.memref_slice %arg6[%dma_wait3A_2161, %dma_wait3A_2163, %dma_wait3A_2164] : memref<2x32x128xf32, #tpu.memory_space<vmem>> -> memref<1x8x128xf32, #tpu.memory_space<vmem>>
      %dma_wait3A_2166 = tpu.memref_squeeze %dma_wait3A_2165 : memref<1x8x128xf32, #tpu.memory_space<vmem>> -> memref<8x128xf32, #tpu.memory_space<vmem>>
      %dma_wait3A_2167 = arith.constant 24 : i32
      %dma_wait3A_2168 = tpu.memref_slice %arg3[%dma_wait3A_2167, %mul3A_2160] : memref<32x1000000xf32, #tpu.memory_space<hbm>> -> memref<8x128xf32, #tpu.memory_space<hbm>>
      %dma_wait3A_2169 = tpu.memref_slice %arg8[%dma_wait3A_2162] : memref<2x!tpu.dma_semaphore, #tpu.memory_space<semaphore_mem>> -> memref<1x!tpu.dma_semaphore, #tpu.memory_space<semaphore_mem>>
      %dma_wait3A_2170 = tpu.memref_squeeze %dma_wait3A_2169 : memref<1x!tpu.dma_semaphore, #tpu.memory_space<semaphore_mem>> -> memref<!tpu.dma_semaphore, #tpu.memory_space<semaphore_mem>>
      %dma_wait3A_2171 = arith.constant 24 : i32
      %dma_wait3A_2172 = arith.constant 0 : i32
      %dma_wait3A_2173 = tpu.memref_slice %arg6[%dma_wait3A_2161, %dma_wait3A_2171, %dma_wait3A_2172] : memref<2x32x128xf32, #tpu.memory_space<vmem>> -> memref<1x8x128xf32, #tpu.memory_space<vmem>>
      %dma_wait3A_2174 = tpu.memref_squeeze %dma_wait3A_2173 : memref<1x8x128xf32, #tpu.memory_space<vmem>> -> memref<8x128xf32, #tpu.memory_space<vmem>>
      %dma_wait3A_2175 = arith.constant 24 : i32
      %dma_wait3A_2176 = tpu.memref_slice %arg3[%dma_wait3A_2175, %mul3A_2160] : memref<32x1000000xf32, #tpu.memory_space<hbm>> -> memref<8x128xf32, #tpu.memory_space<hbm>>
      tpu.wait_dma2 semaphore(%dma_wait3A_2170 : memref<!tpu.dma_semaphore, #tpu.memory_space<semaphore_mem>>) src(%dma_wait3A_2176 : memref<8x128xf32, #tpu.memory_space<hbm>>) dst(%dma_wait3A_2174 : memref<8x128xf32, #tpu.memory_space<vmem>>)
      %mul3A_2177 = arith.constant 16 : i32
      %mul3A_2178 = arith.muli %scan3A_8, %mul3A_2177 : i32
      %add3A_2179 = arith.constant 11 : i32
      %add3A_2180 = arith.addi %mul3A_2178, %add3A_2179 : i32
      %and3A_2181 = arith.constant 127 : i32
      %and3A_2182 = arith.andi %squeeze3A_2028, %and3A_2181 : i32
      %broadcast_in_dim3A_2183 = arith.constant 0 : i32
      %broadcast_in_dim3A_2184 = vector.broadcast %broadcast_in_dim3A_2183 : i32 to vector<16xi32>
      %add3A_2185 = vector.broadcast %and3A_2182 : i32 to vector<16xi32>
      %add3A_2186 = arith.addi %broadcast_in_dim3A_2184, %add3A_2185 : vector<16xi32>
      %broadcast_in_dim3A_2187 = arith.constant 0 : i32
      %broadcast_in_dim3A_2188 = vector.broadcast %broadcast_in_dim3A_2187 : i32 to vector<16xi32>
      %add3A_2189 = vector.broadcast %add3A_2180 : i32 to vector<16xi32>
      %add3A_2190 = arith.addi %broadcast_in_dim3A_2188, %add3A_2189 : vector<16xi32>
      %iota3A_2191 = tpu.iota {dimensions = array<i32: 0>} : vector<16xi32>
      %add3A_2192 = arith.constant 0 : i32
      %add3A_2193 = vector.broadcast %add3A_2192 : i32 to vector<16xi32>
      %add3A_2194 = arith.addi %iota3A_2191, %add3A_2193 : vector<16xi32>
      %gather3A_2195 = arith.constant 1 : i32
      %gather3A_2196 = arith.constant 0 : i32
      %gather3A_2197 = arith.constant 0 : i32
      %gather3A_2198 = tpu.memref_slice %arg6[%gather3A_2195, %gather3A_2196, %gather3A_2197] : memref<2x32x128xf32, #tpu.memory_space<vmem>> -> memref<1x32x128xf32, #tpu.memory_space<vmem>>
      %gather3A_2199 = tpu.memref_squeeze %gather3A_2198 : memref<1x32x128xf32, #tpu.memory_space<vmem>> -> memref<32x128xf32, #tpu.memory_space<vmem>>
      %gather3A_2200 = tpu.vector_load_idx %gather3A_2199[%add3A_2194, %add3A_2186] : memref<32x128xf32, #tpu.memory_space<vmem>>[vector<16xi32>, vector<16xi32>], vector<16xf32>,
      tpu.vector_store_idx %arg7[%add3A_2194, %add3A_2190], %gather3A_2200 : memref<32x128xf32, #tpu.memory_space<vmem>>[vector<16xi32>, vector<16xi32>], vector<16xf32>,
      %iota3A_2201 = tpu.iota {dimensions = array<i32: 0>} : vector<16xi32>
      %add3A_2202 = arith.constant 16 : i32
      %add3A_2203 = vector.broadcast %add3A_2202 : i32 to vector<16xi32>
      %add3A_2204 = arith.addi %iota3A_2201, %add3A_2203 : vector<16xi32>
      %gather3A_2205 = arith.constant 1 : i32
      %gather3A_2206 = arith.constant 0 : i32
      %gather3A_2207 = arith.constant 0 : i32
      %gather3A_2208 = tpu.memref_slice %arg6[%gather3A_2205, %gather3A_2206, %gather3A_2207] : memref<2x32x128xf32, #tpu.memory_space<vmem>> -> memref<1x32x128xf32, #tpu.memory_space<vmem>>
      %gather3A_2209 = tpu.memref_squeeze %gather3A_2208 : memref<1x32x128xf32, #tpu.memory_space<vmem>> -> memref<32x128xf32, #tpu.memory_space<vmem>>
      %gather3A_2210 = tpu.vector_load_idx %gather3A_2209[%add3A_2204, %add3A_2186] : memref<32x128xf32, #tpu.memory_space<vmem>>[vector<16xi32>, vector<16xi32>], vector<16xf32>,
      tpu.vector_store_idx %arg7[%add3A_2204, %add3A_2190], %gather3A_2210 : memref<32x128xf32, #tpu.memory_space<vmem>>[vector<16xi32>, vector<16xi32>], vector<16xf32>,
      %slice3A_2211 = vector.extract_strided_slice %get3A_11 {offsets = [12], sizes = [1], strides = [1]} : vector<16xi32> to vector<1xi32>
      %squeeze3A_2212 = vector.extract %slice3A_2211[0] : i32 from vector<1xi32>
      %shift_right_logical3A_2213 = arith.constant 7 : i32
      %shift_right_logical3A_2214 = arith.shrui %squeeze3A_2212, %shift_right_logical3A_2213 : i32
      %mul3A_2215 = arith.constant 128 : i32
      %mul3A_2216 = arith.muli %shift_right_logical3A_2214, %mul3A_2215 : i32
      %dma_start3A_2217 = arith.constant 0 : i32
      %dma_start3A_2218 = arith.constant 0 : i32
      %dma_start3A_2219 = arith.constant 0 : i32
      %dma_start3A_2220 = arith.constant 0 : i32
      %dma_start3A_2221 = tpu.memref_slice %arg6[%dma_start3A_2217, %dma_start3A_2219, %dma_start3A_2220] : memref<2x32x128xf32, #tpu.memory_space<vmem>> -> memref<1x8x128xf32, #tpu.memory_space<vmem>>
      %dma_start3A_2222 = tpu.memref_squeeze %dma_start3A_2221 : memref<1x8x128xf32, #tpu.memory_space<vmem>> -> memref<8x128xf32, #tpu.memory_space<vmem>>
      %dma_start3A_2223 = arith.constant 0 : i32
      %dma_start3A_2224 = tpu.memref_slice %arg3[%dma_start3A_2223, %mul3A_2216] : memref<32x1000000xf32, #tpu.memory_space<hbm>> -> memref<8x128xf32, #tpu.memory_space<hbm>>
      %dma_start3A_2225 = tpu.memref_slice %arg8[%dma_start3A_2218] : memref<2x!tpu.dma_semaphore, #tpu.memory_space<semaphore_mem>> -> memref<1x!tpu.dma_semaphore, #tpu.memory_space<semaphore_mem>>
      %dma_start3A_2226 = tpu.memref_squeeze %dma_start3A_2225 : memref<1x!tpu.dma_semaphore, #tpu.memory_space<semaphore_mem>> -> memref<!tpu.dma_semaphore, #tpu.memory_space<semaphore_mem>>
      %dma_start3A_2227 = arith.constant 0 : i32
      %dma_start3A_2228 = arith.constant 0 : i32
      %dma_start3A_2229 = tpu.memref_slice %arg6[%dma_start3A_2217, %dma_start3A_2227, %dma_start3A_2228] : memref<2x32x128xf32, #tpu.memory_space<vmem>> -> memref<1x8x128xf32, #tpu.memory_space<vmem>>
      %dma_start3A_2230 = tpu.memref_squeeze %dma_start3A_2229 : memref<1x8x128xf32, #tpu.memory_space<vmem>> -> memref<8x128xf32, #tpu.memory_space<vmem>>
      %dma_start3A_2231 = arith.constant 0 : i32
      %dma_start3A_2232 = tpu.memref_slice %arg3[%dma_start3A_2231, %mul3A_2216] : memref<32x1000000xf32, #tpu.memory_space<hbm>> -> memref<8x128xf32, #tpu.memory_space<hbm>>
      tpu.enqueue_dma source(%dma_start3A_2232 : memref<8x128xf32, #tpu.memory_space<hbm>>) target(%dma_start3A_2230 : memref<8x128xf32, #tpu.memory_space<vmem>>) target_semaphore(%dma_start3A_2226 : memref<!tpu.dma_semaphore, #tpu.memory_space<semaphore_mem>>)
      %mul3A_2233 = arith.constant 128 : i32
      %mul3A_2234 = arith.muli %shift_right_logical3A_2214, %mul3A_2233 : i32
      %dma_start3A_2235 = arith.constant 0 : i32
      %dma_start3A_2236 = arith.constant 0 : i32
      %dma_start3A_2237 = arith.constant 8 : i32
      %dma_start3A_2238 = arith.constant 0 : i32
      %dma_start3A_2239 = tpu.memref_slice %arg6[%dma_start3A_2235, %dma_start3A_2237, %dma_start3A_2238] : memref<2x32x128xf32, #tpu.memory_space<vmem>> -> memref<1x8x128xf32, #tpu.memory_space<vmem>>
      %dma_start3A_2240 = tpu.memref_squeeze %dma_start3A_2239 : memref<1x8x128xf32, #tpu.memory_space<vmem>> -> memref<8x128xf32, #tpu.memory_space<vmem>>
      %dma_start3A_2241 = arith.constant 8 : i32
      %dma_start3A_2242 = tpu.memref_slice %arg3[%dma_start3A_2241, %mul3A_2234] : memref<32x1000000xf32, #tpu.memory_space<hbm>> -> memref<8x128xf32, #tpu.memory_space<hbm>>
      %dma_start3A_2243 = tpu.memref_slice %arg8[%dma_start3A_2236] : memref<2x!tpu.dma_semaphore, #tpu.memory_space<semaphore_mem>> -> memref<1x!tpu.dma_semaphore, #tpu.memory_space<semaphore_mem>>
      %dma_start3A_2244 = tpu.memref_squeeze %dma_start3A_2243 : memref<1x!tpu.dma_semaphore, #tpu.memory_space<semaphore_mem>> -> memref<!tpu.dma_semaphore, #tpu.memory_space<semaphore_mem>>
      %dma_start3A_2245 = arith.constant 8 : i32
      %dma_start3A_2246 = arith.constant 0 : i32
      %dma_start3A_2247 = tpu.memref_slice %arg6[%dma_start3A_2235, %dma_start3A_2245, %dma_start3A_2246] : memref<2x32x128xf32, #tpu.memory_space<vmem>> -> memref<1x8x128xf32, #tpu.memory_space<vmem>>
      %dma_start3A_2248 = tpu.memref_squeeze %dma_start3A_2247 : memref<1x8x128xf32, #tpu.memory_space<vmem>> -> memref<8x128xf32, #tpu.memory_space<vmem>>
      %dma_start3A_2249 = arith.constant 8 : i32
      %dma_start3A_2250 = tpu.memref_slice %arg3[%dma_start3A_2249, %mul3A_2234] : memref<32x1000000xf32, #tpu.memory_space<hbm>> -> memref<8x128xf32, #tpu.memory_space<hbm>>
      tpu.enqueue_dma source(%dma_start3A_2250 : memref<8x128xf32, #tpu.memory_space<hbm>>) target(%dma_start3A_2248 : memref<8x128xf32, #tpu.memory_space<vmem>>) target_semaphore(%dma_start3A_2244 : memref<!tpu.dma_semaphore, #tpu.memory_space<semaphore_mem>>)
      %mul3A_2251 = arith.constant 128 : i32
      %mul3A_2252 = arith.muli %shift_right_logical3A_2214, %mul3A_2251 : i32
      %dma_start3A_2253 = arith.constant 0 : i32
      %dma_start3A_2254 = arith.constant 0 : i32
      %dma_start3A_2255 = arith.constant 16 : i32
      %dma_start3A_2256 = arith.constant 0 : i32
      %dma_start3A_2257 = tpu.memref_slice %arg6[%dma_start3A_2253, %dma_start3A_2255, %dma_start3A_2256] : memref<2x32x128xf32, #tpu.memory_space<vmem>> -> memref<1x8x128xf32, #tpu.memory_space<vmem>>
      %dma_start3A_2258 = tpu.memref_squeeze %dma_start3A_2257 : memref<1x8x128xf32, #tpu.memory_space<vmem>> -> memref<8x128xf32, #tpu.memory_space<vmem>>
      %dma_start3A_2259 = arith.constant 16 : i32
      %dma_start3A_2260 = tpu.memref_slice %arg3[%dma_start3A_2259, %mul3A_2252] : memref<32x1000000xf32, #tpu.memory_space<hbm>> -> memref<8x128xf32, #tpu.memory_space<hbm>>
      %dma_start3A_2261 = tpu.memref_slice %arg8[%dma_start3A_2254] : memref<2x!tpu.dma_semaphore, #tpu.memory_space<semaphore_mem>> -> memref<1x!tpu.dma_semaphore, #tpu.memory_space<semaphore_mem>>
      %dma_start3A_2262 = tpu.memref_squeeze %dma_start3A_2261 : memref<1x!tpu.dma_semaphore, #tpu.memory_space<semaphore_mem>> -> memref<!tpu.dma_semaphore, #tpu.memory_space<semaphore_mem>>
      %dma_start3A_2263 = arith.constant 16 : i32
      %dma_start3A_2264 = arith.constant 0 : i32
      %dma_start3A_2265 = tpu.memref_slice %arg6[%dma_start3A_2253, %dma_start3A_2263, %dma_start3A_2264] : memref<2x32x128xf32, #tpu.memory_space<vmem>> -> memref<1x8x128xf32, #tpu.memory_space<vmem>>
      %dma_start3A_2266 = tpu.memref_squeeze %dma_start3A_2265 : memref<1x8x128xf32, #tpu.memory_space<vmem>> -> memref<8x128xf32, #tpu.memory_space<vmem>>
      %dma_start3A_2267 = arith.constant 16 : i32
      %dma_start3A_2268 = tpu.memref_slice %arg3[%dma_start3A_2267, %mul3A_2252] : memref<32x1000000xf32, #tpu.memory_space<hbm>> -> memref<8x128xf32, #tpu.memory_space<hbm>>
      tpu.enqueue_dma source(%dma_start3A_2268 : memref<8x128xf32, #tpu.memory_space<hbm>>) target(%dma_start3A_2266 : memref<8x128xf32, #tpu.memory_space<vmem>>) target_semaphore(%dma_start3A_2262 : memref<!tpu.dma_semaphore, #tpu.memory_space<semaphore_mem>>)
      %mul3A_2269 = arith.constant 128 : i32
      %mul3A_2270 = arith.muli %shift_right_logical3A_2214, %mul3A_2269 : i32
      %dma_start3A_2271 = arith.constant 0 : i32
      %dma_start3A_2272 = arith.constant 0 : i32
      %dma_start3A_2273 = arith.constant 24 : i32
      %dma_start3A_2274 = arith.constant 0 : i32
      %dma_start3A_2275 = tpu.memref_slice %arg6[%dma_start3A_2271, %dma_start3A_2273, %dma_start3A_2274] : memref<2x32x128xf32, #tpu.memory_space<vmem>> -> memref<1x8x128xf32, #tpu.memory_space<vmem>>
      %dma_start3A_2276 = tpu.memref_squeeze %dma_start3A_2275 : memref<1x8x128xf32, #tpu.memory_space<vmem>> -> memref<8x128xf32, #tpu.memory_space<vmem>>
      %dma_start3A_2277 = arith.constant 24 : i32
      %dma_start3A_2278 = tpu.memref_slice %arg3[%dma_start3A_2277, %mul3A_2270] : memref<32x1000000xf32, #tpu.memory_space<hbm>> -> memref<8x128xf32, #tpu.memory_space<hbm>>
      %dma_start3A_2279 = tpu.memref_slice %arg8[%dma_start3A_2272] : memref<2x!tpu.dma_semaphore, #tpu.memory_space<semaphore_mem>> -> memref<1x!tpu.dma_semaphore, #tpu.memory_space<semaphore_mem>>
      %dma_start3A_2280 = tpu.memref_squeeze %dma_start3A_2279 : memref<1x!tpu.dma_semaphore, #tpu.memory_space<semaphore_mem>> -> memref<!tpu.dma_semaphore, #tpu.memory_space<semaphore_mem>>
      %dma_start3A_2281 = arith.constant 24 : i32
      %dma_start3A_2282 = arith.constant 0 : i32
      %dma_start3A_2283 = tpu.memref_slice %arg6[%dma_start3A_2271, %dma_start3A_2281, %dma_start3A_2282] : memref<2x32x128xf32, #tpu.memory_space<vmem>> -> memref<1x8x128xf32, #tpu.memory_space<vmem>>
      %dma_start3A_2284 = tpu.memref_squeeze %dma_start3A_2283 : memref<1x8x128xf32, #tpu.memory_space<vmem>> -> memref<8x128xf32, #tpu.memory_space<vmem>>
      %dma_start3A_2285 = arith.constant 24 : i32
      %dma_start3A_2286 = tpu.memref_slice %arg3[%dma_start3A_2285, %mul3A_2270] : memref<32x1000000xf32, #tpu.memory_space<hbm>> -> memref<8x128xf32, #tpu.memory_space<hbm>>
      tpu.enqueue_dma source(%dma_start3A_2286 : memref<8x128xf32, #tpu.memory_space<hbm>>) target(%dma_start3A_2284 : memref<8x128xf32, #tpu.memory_space<vmem>>) target_semaphore(%dma_start3A_2280 : memref<!tpu.dma_semaphore, #tpu.memory_space<semaphore_mem>>)
      %shift_right_logical3A_2287 = arith.constant 7 : i32
      %shift_right_logical3A_2288 = arith.shrui %squeeze3A_2212, %shift_right_logical3A_2287 : i32
      %mul3A_2289 = arith.constant 128 : i32
      %mul3A_2290 = arith.muli %shift_right_logical3A_2288, %mul3A_2289 : i32
      %dma_wait3A_2291 = arith.constant 0 : i32
      %dma_wait3A_2292 = arith.constant 0 : i32
      %dma_wait3A_2293 = arith.constant 0 : i32
      %dma_wait3A_2294 = arith.constant 0 : i32
      %dma_wait3A_2295 = tpu.memref_slice %arg6[%dma_wait3A_2291, %dma_wait3A_2293, %dma_wait3A_2294] : memref<2x32x128xf32, #tpu.memory_space<vmem>> -> memref<1x8x128xf32, #tpu.memory_space<vmem>>
      %dma_wait3A_2296 = tpu.memref_squeeze %dma_wait3A_2295 : memref<1x8x128xf32, #tpu.memory_space<vmem>> -> memref<8x128xf32, #tpu.memory_space<vmem>>
      %dma_wait3A_2297 = arith.constant 0 : i32
      %dma_wait3A_2298 = tpu.memref_slice %arg3[%dma_wait3A_2297, %mul3A_2290] : memref<32x1000000xf32, #tpu.memory_space<hbm>> -> memref<8x128xf32, #tpu.memory_space<hbm>>
      %dma_wait3A_2299 = tpu.memref_slice %arg8[%dma_wait3A_2292] : memref<2x!tpu.dma_semaphore, #tpu.memory_space<semaphore_mem>> -> memref<1x!tpu.dma_semaphore, #tpu.memory_space<semaphore_mem>>
      %dma_wait3A_2300 = tpu.memref_squeeze %dma_wait3A_2299 : memref<1x!tpu.dma_semaphore, #tpu.memory_space<semaphore_mem>> -> memref<!tpu.dma_semaphore, #tpu.memory_space<semaphore_mem>>
      %dma_wait3A_2301 = arith.constant 0 : i32
      %dma_wait3A_2302 = arith.constant 0 : i32
      %dma_wait3A_2303 = tpu.memref_slice %arg6[%dma_wait3A_2291, %dma_wait3A_2301, %dma_wait3A_2302] : memref<2x32x128xf32, #tpu.memory_space<vmem>> -> memref<1x8x128xf32, #tpu.memory_space<vmem>>
      %dma_wait3A_2304 = tpu.memref_squeeze %dma_wait3A_2303 : memref<1x8x128xf32, #tpu.memory_space<vmem>> -> memref<8x128xf32, #tpu.memory_space<vmem>>
      %dma_wait3A_2305 = arith.constant 0 : i32
      %dma_wait3A_2306 = tpu.memref_slice %arg3[%dma_wait3A_2305, %mul3A_2290] : memref<32x1000000xf32, #tpu.memory_space<hbm>> -> memref<8x128xf32, #tpu.memory_space<hbm>>
      tpu.wait_dma2 semaphore(%dma_wait3A_2300 : memref<!tpu.dma_semaphore, #tpu.memory_space<semaphore_mem>>) src(%dma_wait3A_2306 : memref<8x128xf32, #tpu.memory_space<hbm>>) dst(%dma_wait3A_2304 : memref<8x128xf32, #tpu.memory_space<vmem>>)
      %mul3A_2307 = arith.constant 128 : i32
      %mul3A_2308 = arith.muli %shift_right_logical3A_2288, %mul3A_2307 : i32
      %dma_wait3A_2309 = arith.constant 0 : i32
      %dma_wait3A_2310 = arith.constant 0 : i32
      %dma_wait3A_2311 = arith.constant 8 : i32
      %dma_wait3A_2312 = arith.constant 0 : i32
      %dma_wait3A_2313 = tpu.memref_slice %arg6[%dma_wait3A_2309, %dma_wait3A_2311, %dma_wait3A_2312] : memref<2x32x128xf32, #tpu.memory_space<vmem>> -> memref<1x8x128xf32, #tpu.memory_space<vmem>>
      %dma_wait3A_2314 = tpu.memref_squeeze %dma_wait3A_2313 : memref<1x8x128xf32, #tpu.memory_space<vmem>> -> memref<8x128xf32, #tpu.memory_space<vmem>>
      %dma_wait3A_2315 = arith.constant 8 : i32
      %dma_wait3A_2316 = tpu.memref_slice %arg3[%dma_wait3A_2315, %mul3A_2308] : memref<32x1000000xf32, #tpu.memory_space<hbm>> -> memref<8x128xf32, #tpu.memory_space<hbm>>
      %dma_wait3A_2317 = tpu.memref_slice %arg8[%dma_wait3A_2310] : memref<2x!tpu.dma_semaphore, #tpu.memory_space<semaphore_mem>> -> memref<1x!tpu.dma_semaphore, #tpu.memory_space<semaphore_mem>>
      %dma_wait3A_2318 = tpu.memref_squeeze %dma_wait3A_2317 : memref<1x!tpu.dma_semaphore, #tpu.memory_space<semaphore_mem>> -> memref<!tpu.dma_semaphore, #tpu.memory_space<semaphore_mem>>
      %dma_wait3A_2319 = arith.constant 8 : i32
      %dma_wait3A_2320 = arith.constant 0 : i32
      %dma_wait3A_2321 = tpu.memref_slice %arg6[%dma_wait3A_2309, %dma_wait3A_2319, %dma_wait3A_2320] : memref<2x32x128xf32, #tpu.memory_space<vmem>> -> memref<1x8x128xf32, #tpu.memory_space<vmem>>
      %dma_wait3A_2322 = tpu.memref_squeeze %dma_wait3A_2321 : memref<1x8x128xf32, #tpu.memory_space<vmem>> -> memref<8x128xf32, #tpu.memory_space<vmem>>
      %dma_wait3A_2323 = arith.constant 8 : i32
      %dma_wait3A_2324 = tpu.memref_slice %arg3[%dma_wait3A_2323, %mul3A_2308] : memref<32x1000000xf32, #tpu.memory_space<hbm>> -> memref<8x128xf32, #tpu.memory_space<hbm>>
      tpu.wait_dma2 semaphore(%dma_wait3A_2318 : memref<!tpu.dma_semaphore, #tpu.memory_space<semaphore_mem>>) src(%dma_wait3A_2324 : memref<8x128xf32, #tpu.memory_space<hbm>>) dst(%dma_wait3A_2322 : memref<8x128xf32, #tpu.memory_space<vmem>>)
      %mul3A_2325 = arith.constant 128 : i32
      %mul3A_2326 = arith.muli %shift_right_logical3A_2288, %mul3A_2325 : i32
      %dma_wait3A_2327 = arith.constant 0 : i32
      %dma_wait3A_2328 = arith.constant 0 : i32
      %dma_wait3A_2329 = arith.constant 16 : i32
      %dma_wait3A_2330 = arith.constant 0 : i32
      %dma_wait3A_2331 = tpu.memref_slice %arg6[%dma_wait3A_2327, %dma_wait3A_2329, %dma_wait3A_2330] : memref<2x32x128xf32, #tpu.memory_space<vmem>> -> memref<1x8x128xf32, #tpu.memory_space<vmem>>
      %dma_wait3A_2332 = tpu.memref_squeeze %dma_wait3A_2331 : memref<1x8x128xf32, #tpu.memory_space<vmem>> -> memref<8x128xf32, #tpu.memory_space<vmem>>
      %dma_wait3A_2333 = arith.constant 16 : i32
      %dma_wait3A_2334 = tpu.memref_slice %arg3[%dma_wait3A_2333, %mul3A_2326] : memref<32x1000000xf32, #tpu.memory_space<hbm>> -> memref<8x128xf32, #tpu.memory_space<hbm>>
      %dma_wait3A_2335 = tpu.memref_slice %arg8[%dma_wait3A_2328] : memref<2x!tpu.dma_semaphore, #tpu.memory_space<semaphore_mem>> -> memref<1x!tpu.dma_semaphore, #tpu.memory_space<semaphore_mem>>
      %dma_wait3A_2336 = tpu.memref_squeeze %dma_wait3A_2335 : memref<1x!tpu.dma_semaphore, #tpu.memory_space<semaphore_mem>> -> memref<!tpu.dma_semaphore, #tpu.memory_space<semaphore_mem>>
      %dma_wait3A_2337 = arith.constant 16 : i32
      %dma_wait3A_2338 = arith.constant 0 : i32
      %dma_wait3A_2339 = tpu.memref_slice %arg6[%dma_wait3A_2327, %dma_wait3A_2337, %dma_wait3A_2338] : memref<2x32x128xf32, #tpu.memory_space<vmem>> -> memref<1x8x128xf32, #tpu.memory_space<vmem>>
      %dma_wait3A_2340 = tpu.memref_squeeze %dma_wait3A_2339 : memref<1x8x128xf32, #tpu.memory_space<vmem>> -> memref<8x128xf32, #tpu.memory_space<vmem>>
      %dma_wait3A_2341 = arith.constant 16 : i32
      %dma_wait3A_2342 = tpu.memref_slice %arg3[%dma_wait3A_2341, %mul3A_2326] : memref<32x1000000xf32, #tpu.memory_space<hbm>> -> memref<8x128xf32, #tpu.memory_space<hbm>>
      tpu.wait_dma2 semaphore(%dma_wait3A_2336 : memref<!tpu.dma_semaphore, #tpu.memory_space<semaphore_mem>>) src(%dma_wait3A_2342 : memref<8x128xf32, #tpu.memory_space<hbm>>) dst(%dma_wait3A_2340 : memref<8x128xf32, #tpu.memory_space<vmem>>)
      %mul3A_2343 = arith.constant 128 : i32
      %mul3A_2344 = arith.muli %shift_right_logical3A_2288, %mul3A_2343 : i32
      %dma_wait3A_2345 = arith.constant 0 : i32
      %dma_wait3A_2346 = arith.constant 0 : i32
      %dma_wait3A_2347 = arith.constant 24 : i32
      %dma_wait3A_2348 = arith.constant 0 : i32
      %dma_wait3A_2349 = tpu.memref_slice %arg6[%dma_wait3A_2345, %dma_wait3A_2347, %dma_wait3A_2348] : memref<2x32x128xf32, #tpu.memory_space<vmem>> -> memref<1x8x128xf32, #tpu.memory_space<vmem>>
      %dma_wait3A_2350 = tpu.memref_squeeze %dma_wait3A_2349 : memref<1x8x128xf32, #tpu.memory_space<vmem>> -> memref<8x128xf32, #tpu.memory_space<vmem>>
      %dma_wait3A_2351 = arith.constant 24 : i32
      %dma_wait3A_2352 = tpu.memref_slice %arg3[%dma_wait3A_2351, %mul3A_2344] : memref<32x1000000xf32, #tpu.memory_space<hbm>> -> memref<8x128xf32, #tpu.memory_space<hbm>>
      %dma_wait3A_2353 = tpu.memref_slice %arg8[%dma_wait3A_2346] : memref<2x!tpu.dma_semaphore, #tpu.memory_space<semaphore_mem>> -> memref<1x!tpu.dma_semaphore, #tpu.memory_space<semaphore_mem>>
      %dma_wait3A_2354 = tpu.memref_squeeze %dma_wait3A_2353 : memref<1x!tpu.dma_semaphore, #tpu.memory_space<semaphore_mem>> -> memref<!tpu.dma_semaphore, #tpu.memory_space<semaphore_mem>>
      %dma_wait3A_2355 = arith.constant 24 : i32
      %dma_wait3A_2356 = arith.constant 0 : i32
      %dma_wait3A_2357 = tpu.memref_slice %arg6[%dma_wait3A_2345, %dma_wait3A_2355, %dma_wait3A_2356] : memref<2x32x128xf32, #tpu.memory_space<vmem>> -> memref<1x8x128xf32, #tpu.memory_space<vmem>>
      %dma_wait3A_2358 = tpu.memref_squeeze %dma_wait3A_2357 : memref<1x8x128xf32, #tpu.memory_space<vmem>> -> memref<8x128xf32, #tpu.memory_space<vmem>>
      %dma_wait3A_2359 = arith.constant 24 : i32
      %dma_wait3A_2360 = tpu.memref_slice %arg3[%dma_wait3A_2359, %mul3A_2344] : memref<32x1000000xf32, #tpu.memory_space<hbm>> -> memref<8x128xf32, #tpu.memory_space<hbm>>
      tpu.wait_dma2 semaphore(%dma_wait3A_2354 : memref<!tpu.dma_semaphore, #tpu.memory_space<semaphore_mem>>) src(%dma_wait3A_2360 : memref<8x128xf32, #tpu.memory_space<hbm>>) dst(%dma_wait3A_2358 : memref<8x128xf32, #tpu.memory_space<vmem>>)
      %mul3A_2361 = arith.constant 16 : i32
      %mul3A_2362 = arith.muli %scan3A_8, %mul3A_2361 : i32
      %add3A_2363 = arith.constant 12 : i32
      %add3A_2364 = arith.addi %mul3A_2362, %add3A_2363 : i32
      %and3A_2365 = arith.constant 127 : i32
      %and3A_2366 = arith.andi %squeeze3A_2212, %and3A_2365 : i32
      %broadcast_in_dim3A_2367 = arith.constant 0 : i32
      %broadcast_in_dim3A_2368 = vector.broadcast %broadcast_in_dim3A_2367 : i32 to vector<16xi32>
      %add3A_2369 = vector.broadcast %and3A_2366 : i32 to vector<16xi32>
      %add3A_2370 = arith.addi %broadcast_in_dim3A_2368, %add3A_2369 : vector<16xi32>
      %broadcast_in_dim3A_2371 = arith.constant 0 : i32
      %broadcast_in_dim3A_2372 = vector.broadcast %broadcast_in_dim3A_2371 : i32 to vector<16xi32>
      %add3A_2373 = vector.broadcast %add3A_2364 : i32 to vector<16xi32>
      %add3A_2374 = arith.addi %broadcast_in_dim3A_2372, %add3A_2373 : vector<16xi32>
      %iota3A_2375 = tpu.iota {dimensions = array<i32: 0>} : vector<16xi32>
      %add3A_2376 = arith.constant 0 : i32
      %add3A_2377 = vector.broadcast %add3A_2376 : i32 to vector<16xi32>
      %add3A_2378 = arith.addi %iota3A_2375, %add3A_2377 : vector<16xi32>
      %gather3A_2379 = arith.constant 0 : i32
      %gather3A_2380 = arith.constant 0 : i32
      %gather3A_2381 = arith.constant 0 : i32
      %gather3A_2382 = tpu.memref_slice %arg6[%gather3A_2379, %gather3A_2380, %gather3A_2381] : memref<2x32x128xf32, #tpu.memory_space<vmem>> -> memref<1x32x128xf32, #tpu.memory_space<vmem>>
      %gather3A_2383 = tpu.memref_squeeze %gather3A_2382 : memref<1x32x128xf32, #tpu.memory_space<vmem>> -> memref<32x128xf32, #tpu.memory_space<vmem>>
      %gather3A_2384 = tpu.vector_load_idx %gather3A_2383[%add3A_2378, %add3A_2370] : memref<32x128xf32, #tpu.memory_space<vmem>>[vector<16xi32>, vector<16xi32>], vector<16xf32>,
      tpu.vector_store_idx %arg7[%add3A_2378, %add3A_2374], %gather3A_2384 : memref<32x128xf32, #tpu.memory_space<vmem>>[vector<16xi32>, vector<16xi32>], vector<16xf32>,
      %iota3A_2385 = tpu.iota {dimensions = array<i32: 0>} : vector<16xi32>
      %add3A_2386 = arith.constant 16 : i32
      %add3A_2387 = vector.broadcast %add3A_2386 : i32 to vector<16xi32>
      %add3A_2388 = arith.addi %iota3A_2385, %add3A_2387 : vector<16xi32>
      %gather3A_2389 = arith.constant 0 : i32
      %gather3A_2390 = arith.constant 0 : i32
      %gather3A_2391 = arith.constant 0 : i32
      %gather3A_2392 = tpu.memref_slice %arg6[%gather3A_2389, %gather3A_2390, %gather3A_2391] : memref<2x32x128xf32, #tpu.memory_space<vmem>> -> memref<1x32x128xf32, #tpu.memory_space<vmem>>
      %gather3A_2393 = tpu.memref_squeeze %gather3A_2392 : memref<1x32x128xf32, #tpu.memory_space<vmem>> -> memref<32x128xf32, #tpu.memory_space<vmem>>
      %gather3A_2394 = tpu.vector_load_idx %gather3A_2393[%add3A_2388, %add3A_2370] : memref<32x128xf32, #tpu.memory_space<vmem>>[vector<16xi32>, vector<16xi32>], vector<16xf32>,
      tpu.vector_store_idx %arg7[%add3A_2388, %add3A_2374], %gather3A_2394 : memref<32x128xf32, #tpu.memory_space<vmem>>[vector<16xi32>, vector<16xi32>], vector<16xf32>,
      %slice3A_2395 = vector.extract_strided_slice %get3A_11 {offsets = [13], sizes = [1], strides = [1]} : vector<16xi32> to vector<1xi32>
      %squeeze3A_2396 = vector.extract %slice3A_2395[0] : i32 from vector<1xi32>
      %shift_right_logical3A_2397 = arith.constant 7 : i32
      %shift_right_logical3A_2398 = arith.shrui %squeeze3A_2396, %shift_right_logical3A_2397 : i32
      %mul3A_2399 = arith.constant 128 : i32
      %mul3A_2400 = arith.muli %shift_right_logical3A_2398, %mul3A_2399 : i32
      %dma_start3A_2401 = arith.constant 1 : i32
      %dma_start3A_2402 = arith.constant 1 : i32
      %dma_start3A_2403 = arith.constant 0 : i32
      %dma_start3A_2404 = arith.constant 0 : i32
      %dma_start3A_2405 = tpu.memref_slice %arg6[%dma_start3A_2401, %dma_start3A_2403, %dma_start3A_2404] : memref<2x32x128xf32, #tpu.memory_space<vmem>> -> memref<1x8x128xf32, #tpu.memory_space<vmem>>
      %dma_start3A_2406 = tpu.memref_squeeze %dma_start3A_2405 : memref<1x8x128xf32, #tpu.memory_space<vmem>> -> memref<8x128xf32, #tpu.memory_space<vmem>>
      %dma_start3A_2407 = arith.constant 0 : i32
      %dma_start3A_2408 = tpu.memref_slice %arg3[%dma_start3A_2407, %mul3A_2400] : memref<32x1000000xf32, #tpu.memory_space<hbm>> -> memref<8x128xf32, #tpu.memory_space<hbm>>
      %dma_start3A_2409 = tpu.memref_slice %arg8[%dma_start3A_2402] : memref<2x!tpu.dma_semaphore, #tpu.memory_space<semaphore_mem>> -> memref<1x!tpu.dma_semaphore, #tpu.memory_space<semaphore_mem>>
      %dma_start3A_2410 = tpu.memref_squeeze %dma_start3A_2409 : memref<1x!tpu.dma_semaphore, #tpu.memory_space<semaphore_mem>> -> memref<!tpu.dma_semaphore, #tpu.memory_space<semaphore_mem>>
      %dma_start3A_2411 = arith.constant 0 : i32
      %dma_start3A_2412 = arith.constant 0 : i32
      %dma_start3A_2413 = tpu.memref_slice %arg6[%dma_start3A_2401, %dma_start3A_2411, %dma_start3A_2412] : memref<2x32x128xf32, #tpu.memory_space<vmem>> -> memref<1x8x128xf32, #tpu.memory_space<vmem>>
      %dma_start3A_2414 = tpu.memref_squeeze %dma_start3A_2413 : memref<1x8x128xf32, #tpu.memory_space<vmem>> -> memref<8x128xf32, #tpu.memory_space<vmem>>
      %dma_start3A_2415 = arith.constant 0 : i32
      %dma_start3A_2416 = tpu.memref_slice %arg3[%dma_start3A_2415, %mul3A_2400] : memref<32x1000000xf32, #tpu.memory_space<hbm>> -> memref<8x128xf32, #tpu.memory_space<hbm>>
      tpu.enqueue_dma source(%dma_start3A_2416 : memref<8x128xf32, #tpu.memory_space<hbm>>) target(%dma_start3A_2414 : memref<8x128xf32, #tpu.memory_space<vmem>>) target_semaphore(%dma_start3A_2410 : memref<!tpu.dma_semaphore, #tpu.memory_space<semaphore_mem>>)
      %mul3A_2417 = arith.constant 128 : i32
      %mul3A_2418 = arith.muli %shift_right_logical3A_2398, %mul3A_2417 : i32
      %dma_start3A_2419 = arith.constant 1 : i32
      %dma_start3A_2420 = arith.constant 1 : i32
      %dma_start3A_2421 = arith.constant 8 : i32
      %dma_start3A_2422 = arith.constant 0 : i32
      %dma_start3A_2423 = tpu.memref_slice %arg6[%dma_start3A_2419, %dma_start3A_2421, %dma_start3A_2422] : memref<2x32x128xf32, #tpu.memory_space<vmem>> -> memref<1x8x128xf32, #tpu.memory_space<vmem>>
      %dma_start3A_2424 = tpu.memref_squeeze %dma_start3A_2423 : memref<1x8x128xf32, #tpu.memory_space<vmem>> -> memref<8x128xf32, #tpu.memory_space<vmem>>
      %dma_start3A_2425 = arith.constant 8 : i32
      %dma_start3A_2426 = tpu.memref_slice %arg3[%dma_start3A_2425, %mul3A_2418] : memref<32x1000000xf32, #tpu.memory_space<hbm>> -> memref<8x128xf32, #tpu.memory_space<hbm>>
      %dma_start3A_2427 = tpu.memref_slice %arg8[%dma_start3A_2420] : memref<2x!tpu.dma_semaphore, #tpu.memory_space<semaphore_mem>> -> memref<1x!tpu.dma_semaphore, #tpu.memory_space<semaphore_mem>>
      %dma_start3A_2428 = tpu.memref_squeeze %dma_start3A_2427 : memref<1x!tpu.dma_semaphore, #tpu.memory_space<semaphore_mem>> -> memref<!tpu.dma_semaphore, #tpu.memory_space<semaphore_mem>>
      %dma_start3A_2429 = arith.constant 8 : i32
      %dma_start3A_2430 = arith.constant 0 : i32
      %dma_start3A_2431 = tpu.memref_slice %arg6[%dma_start3A_2419, %dma_start3A_2429, %dma_start3A_2430] : memref<2x32x128xf32, #tpu.memory_space<vmem>> -> memref<1x8x128xf32, #tpu.memory_space<vmem>>
      %dma_start3A_2432 = tpu.memref_squeeze %dma_start3A_2431 : memref<1x8x128xf32, #tpu.memory_space<vmem>> -> memref<8x128xf32, #tpu.memory_space<vmem>>
      %dma_start3A_2433 = arith.constant 8 : i32
      %dma_start3A_2434 = tpu.memref_slice %arg3[%dma_start3A_2433, %mul3A_2418] : memref<32x1000000xf32, #tpu.memory_space<hbm>> -> memref<8x128xf32, #tpu.memory_space<hbm>>
      tpu.enqueue_dma source(%dma_start3A_2434 : memref<8x128xf32, #tpu.memory_space<hbm>>) target(%dma_start3A_2432 : memref<8x128xf32, #tpu.memory_space<vmem>>) target_semaphore(%dma_start3A_2428 : memref<!tpu.dma_semaphore, #tpu.memory_space<semaphore_mem>>)
      %mul3A_2435 = arith.constant 128 : i32
      %mul3A_2436 = arith.muli %shift_right_logical3A_2398, %mul3A_2435 : i32
      %dma_start3A_2437 = arith.constant 1 : i32
      %dma_start3A_2438 = arith.constant 1 : i32
      %dma_start3A_2439 = arith.constant 16 : i32
      %dma_start3A_2440 = arith.constant 0 : i32
      %dma_start3A_2441 = tpu.memref_slice %arg6[%dma_start3A_2437, %dma_start3A_2439, %dma_start3A_2440] : memref<2x32x128xf32, #tpu.memory_space<vmem>> -> memref<1x8x128xf32, #tpu.memory_space<vmem>>
      %dma_start3A_2442 = tpu.memref_squeeze %dma_start3A_2441 : memref<1x8x128xf32, #tpu.memory_space<vmem>> -> memref<8x128xf32, #tpu.memory_space<vmem>>
      %dma_start3A_2443 = arith.constant 16 : i32
      %dma_start3A_2444 = tpu.memref_slice %arg3[%dma_start3A_2443, %mul3A_2436] : memref<32x1000000xf32, #tpu.memory_space<hbm>> -> memref<8x128xf32, #tpu.memory_space<hbm>>
      %dma_start3A_2445 = tpu.memref_slice %arg8[%dma_start3A_2438] : memref<2x!tpu.dma_semaphore, #tpu.memory_space<semaphore_mem>> -> memref<1x!tpu.dma_semaphore, #tpu.memory_space<semaphore_mem>>
      %dma_start3A_2446 = tpu.memref_squeeze %dma_start3A_2445 : memref<1x!tpu.dma_semaphore, #tpu.memory_space<semaphore_mem>> -> memref<!tpu.dma_semaphore, #tpu.memory_space<semaphore_mem>>
      %dma_start3A_2447 = arith.constant 16 : i32
      %dma_start3A_2448 = arith.constant 0 : i32
      %dma_start3A_2449 = tpu.memref_slice %arg6[%dma_start3A_2437, %dma_start3A_2447, %dma_start3A_2448] : memref<2x32x128xf32, #tpu.memory_space<vmem>> -> memref<1x8x128xf32, #tpu.memory_space<vmem>>
      %dma_start3A_2450 = tpu.memref_squeeze %dma_start3A_2449 : memref<1x8x128xf32, #tpu.memory_space<vmem>> -> memref<8x128xf32, #tpu.memory_space<vmem>>
      %dma_start3A_2451 = arith.constant 16 : i32
      %dma_start3A_2452 = tpu.memref_slice %arg3[%dma_start3A_2451, %mul3A_2436] : memref<32x1000000xf32, #tpu.memory_space<hbm>> -> memref<8x128xf32, #tpu.memory_space<hbm>>
      tpu.enqueue_dma source(%dma_start3A_2452 : memref<8x128xf32, #tpu.memory_space<hbm>>) target(%dma_start3A_2450 : memref<8x128xf32, #tpu.memory_space<vmem>>) target_semaphore(%dma_start3A_2446 : memref<!tpu.dma_semaphore, #tpu.memory_space<semaphore_mem>>)
      %mul3A_2453 = arith.constant 128 : i32
      %mul3A_2454 = arith.muli %shift_right_logical3A_2398, %mul3A_2453 : i32
      %dma_start3A_2455 = arith.constant 1 : i32
      %dma_start3A_2456 = arith.constant 1 : i32
      %dma_start3A_2457 = arith.constant 24 : i32
      %dma_start3A_2458 = arith.constant 0 : i32
      %dma_start3A_2459 = tpu.memref_slice %arg6[%dma_start3A_2455, %dma_start3A_2457, %dma_start3A_2458] : memref<2x32x128xf32, #tpu.memory_space<vmem>> -> memref<1x8x128xf32, #tpu.memory_space<vmem>>
      %dma_start3A_2460 = tpu.memref_squeeze %dma_start3A_2459 : memref<1x8x128xf32, #tpu.memory_space<vmem>> -> memref<8x128xf32, #tpu.memory_space<vmem>>
      %dma_start3A_2461 = arith.constant 24 : i32
      %dma_start3A_2462 = tpu.memref_slice %arg3[%dma_start3A_2461, %mul3A_2454] : memref<32x1000000xf32, #tpu.memory_space<hbm>> -> memref<8x128xf32, #tpu.memory_space<hbm>>
      %dma_start3A_2463 = tpu.memref_slice %arg8[%dma_start3A_2456] : memref<2x!tpu.dma_semaphore, #tpu.memory_space<semaphore_mem>> -> memref<1x!tpu.dma_semaphore, #tpu.memory_space<semaphore_mem>>
      %dma_start3A_2464 = tpu.memref_squeeze %dma_start3A_2463 : memref<1x!tpu.dma_semaphore, #tpu.memory_space<semaphore_mem>> -> memref<!tpu.dma_semaphore, #tpu.memory_space<semaphore_mem>>
      %dma_start3A_2465 = arith.constant 24 : i32
      %dma_start3A_2466 = arith.constant 0 : i32
      %dma_start3A_2467 = tpu.memref_slice %arg6[%dma_start3A_2455, %dma_start3A_2465, %dma_start3A_2466] : memref<2x32x128xf32, #tpu.memory_space<vmem>> -> memref<1x8x128xf32, #tpu.memory_space<vmem>>
      %dma_start3A_2468 = tpu.memref_squeeze %dma_start3A_2467 : memref<1x8x128xf32, #tpu.memory_space<vmem>> -> memref<8x128xf32, #tpu.memory_space<vmem>>
      %dma_start3A_2469 = arith.constant 24 : i32
      %dma_start3A_2470 = tpu.memref_slice %arg3[%dma_start3A_2469, %mul3A_2454] : memref<32x1000000xf32, #tpu.memory_space<hbm>> -> memref<8x128xf32, #tpu.memory_space<hbm>>
      tpu.enqueue_dma source(%dma_start3A_2470 : memref<8x128xf32, #tpu.memory_space<hbm>>) target(%dma_start3A_2468 : memref<8x128xf32, #tpu.memory_space<vmem>>) target_semaphore(%dma_start3A_2464 : memref<!tpu.dma_semaphore, #tpu.memory_space<semaphore_mem>>)
      %shift_right_logical3A_2471 = arith.constant 7 : i32
      %shift_right_logical3A_2472 = arith.shrui %squeeze3A_2396, %shift_right_logical3A_2471 : i32
      %mul3A_2473 = arith.constant 128 : i32
      %mul3A_2474 = arith.muli %shift_right_logical3A_2472, %mul3A_2473 : i32
      %dma_wait3A_2475 = arith.constant 1 : i32
      %dma_wait3A_2476 = arith.constant 1 : i32
      %dma_wait3A_2477 = arith.constant 0 : i32
      %dma_wait3A_2478 = arith.constant 0 : i32
      %dma_wait3A_2479 = tpu.memref_slice %arg6[%dma_wait3A_2475, %dma_wait3A_2477, %dma_wait3A_2478] : memref<2x32x128xf32, #tpu.memory_space<vmem>> -> memref<1x8x128xf32, #tpu.memory_space<vmem>>
      %dma_wait3A_2480 = tpu.memref_squeeze %dma_wait3A_2479 : memref<1x8x128xf32, #tpu.memory_space<vmem>> -> memref<8x128xf32, #tpu.memory_space<vmem>>
      %dma_wait3A_2481 = arith.constant 0 : i32
      %dma_wait3A_2482 = tpu.memref_slice %arg3[%dma_wait3A_2481, %mul3A_2474] : memref<32x1000000xf32, #tpu.memory_space<hbm>> -> memref<8x128xf32, #tpu.memory_space<hbm>>
      %dma_wait3A_2483 = tpu.memref_slice %arg8[%dma_wait3A_2476] : memref<2x!tpu.dma_semaphore, #tpu.memory_space<semaphore_mem>> -> memref<1x!tpu.dma_semaphore, #tpu.memory_space<semaphore_mem>>
      %dma_wait3A_2484 = tpu.memref_squeeze %dma_wait3A_2483 : memref<1x!tpu.dma_semaphore, #tpu.memory_space<semaphore_mem>> -> memref<!tpu.dma_semaphore, #tpu.memory_space<semaphore_mem>>
      %dma_wait3A_2485 = arith.constant 0 : i32
      %dma_wait3A_2486 = arith.constant 0 : i32
      %dma_wait3A_2487 = tpu.memref_slice %arg6[%dma_wait3A_2475, %dma_wait3A_2485, %dma_wait3A_2486] : memref<2x32x128xf32, #tpu.memory_space<vmem>> -> memref<1x8x128xf32, #tpu.memory_space<vmem>>
      %dma_wait3A_2488 = tpu.memref_squeeze %dma_wait3A_2487 : memref<1x8x128xf32, #tpu.memory_space<vmem>> -> memref<8x128xf32, #tpu.memory_space<vmem>>
      %dma_wait3A_2489 = arith.constant 0 : i32
      %dma_wait3A_2490 = tpu.memref_slice %arg3[%dma_wait3A_2489, %mul3A_2474] : memref<32x1000000xf32, #tpu.memory_space<hbm>> -> memref<8x128xf32, #tpu.memory_space<hbm>>
      tpu.wait_dma2 semaphore(%dma_wait3A_2484 : memref<!tpu.dma_semaphore, #tpu.memory_space<semaphore_mem>>) src(%dma_wait3A_2490 : memref<8x128xf32, #tpu.memory_space<hbm>>) dst(%dma_wait3A_2488 : memref<8x128xf32, #tpu.memory_space<vmem>>)
      %mul3A_2491 = arith.constant 128 : i32
      %mul3A_2492 = arith.muli %shift_right_logical3A_2472, %mul3A_2491 : i32
      %dma_wait3A_2493 = arith.constant 1 : i32
      %dma_wait3A_2494 = arith.constant 1 : i32
      %dma_wait3A_2495 = arith.constant 8 : i32
      %dma_wait3A_2496 = arith.constant 0 : i32
      %dma_wait3A_2497 = tpu.memref_slice %arg6[%dma_wait3A_2493, %dma_wait3A_2495, %dma_wait3A_2496] : memref<2x32x128xf32, #tpu.memory_space<vmem>> -> memref<1x8x128xf32, #tpu.memory_space<vmem>>
      %dma_wait3A_2498 = tpu.memref_squeeze %dma_wait3A_2497 : memref<1x8x128xf32, #tpu.memory_space<vmem>> -> memref<8x128xf32, #tpu.memory_space<vmem>>
      %dma_wait3A_2499 = arith.constant 8 : i32
      %dma_wait3A_2500 = tpu.memref_slice %arg3[%dma_wait3A_2499, %mul3A_2492] : memref<32x1000000xf32, #tpu.memory_space<hbm>> -> memref<8x128xf32, #tpu.memory_space<hbm>>
      %dma_wait3A_2501 = tpu.memref_slice %arg8[%dma_wait3A_2494] : memref<2x!tpu.dma_semaphore, #tpu.memory_space<semaphore_mem>> -> memref<1x!tpu.dma_semaphore, #tpu.memory_space<semaphore_mem>>
      %dma_wait3A_2502 = tpu.memref_squeeze %dma_wait3A_2501 : memref<1x!tpu.dma_semaphore, #tpu.memory_space<semaphore_mem>> -> memref<!tpu.dma_semaphore, #tpu.memory_space<semaphore_mem>>
      %dma_wait3A_2503 = arith.constant 8 : i32
      %dma_wait3A_2504 = arith.constant 0 : i32
      %dma_wait3A_2505 = tpu.memref_slice %arg6[%dma_wait3A_2493, %dma_wait3A_2503, %dma_wait3A_2504] : memref<2x32x128xf32, #tpu.memory_space<vmem>> -> memref<1x8x128xf32, #tpu.memory_space<vmem>>
      %dma_wait3A_2506 = tpu.memref_squeeze %dma_wait3A_2505 : memref<1x8x128xf32, #tpu.memory_space<vmem>> -> memref<8x128xf32, #tpu.memory_space<vmem>>
      %dma_wait3A_2507 = arith.constant 8 : i32
      %dma_wait3A_2508 = tpu.memref_slice %arg3[%dma_wait3A_2507, %mul3A_2492] : memref<32x1000000xf32, #tpu.memory_space<hbm>> -> memref<8x128xf32, #tpu.memory_space<hbm>>
      tpu.wait_dma2 semaphore(%dma_wait3A_2502 : memref<!tpu.dma_semaphore, #tpu.memory_space<semaphore_mem>>) src(%dma_wait3A_2508 : memref<8x128xf32, #tpu.memory_space<hbm>>) dst(%dma_wait3A_2506 : memref<8x128xf32, #tpu.memory_space<vmem>>)
      %mul3A_2509 = arith.constant 128 : i32
      %mul3A_2510 = arith.muli %shift_right_logical3A_2472, %mul3A_2509 : i32
      %dma_wait3A_2511 = arith.constant 1 : i32
      %dma_wait3A_2512 = arith.constant 1 : i32
      %dma_wait3A_2513 = arith.constant 16 : i32
      %dma_wait3A_2514 = arith.constant 0 : i32
      %dma_wait3A_2515 = tpu.memref_slice %arg6[%dma_wait3A_2511, %dma_wait3A_2513, %dma_wait3A_2514] : memref<2x32x128xf32, #tpu.memory_space<vmem>> -> memref<1x8x128xf32, #tpu.memory_space<vmem>>
      %dma_wait3A_2516 = tpu.memref_squeeze %dma_wait3A_2515 : memref<1x8x128xf32, #tpu.memory_space<vmem>> -> memref<8x128xf32, #tpu.memory_space<vmem>>
      %dma_wait3A_2517 = arith.constant 16 : i32
      %dma_wait3A_2518 = tpu.memref_slice %arg3[%dma_wait3A_2517, %mul3A_2510] : memref<32x1000000xf32, #tpu.memory_space<hbm>> -> memref<8x128xf32, #tpu.memory_space<hbm>>
      %dma_wait3A_2519 = tpu.memref_slice %arg8[%dma_wait3A_2512] : memref<2x!tpu.dma_semaphore, #tpu.memory_space<semaphore_mem>> -> memref<1x!tpu.dma_semaphore, #tpu.memory_space<semaphore_mem>>
      %dma_wait3A_2520 = tpu.memref_squeeze %dma_wait3A_2519 : memref<1x!tpu.dma_semaphore, #tpu.memory_space<semaphore_mem>> -> memref<!tpu.dma_semaphore, #tpu.memory_space<semaphore_mem>>
      %dma_wait3A_2521 = arith.constant 16 : i32
      %dma_wait3A_2522 = arith.constant 0 : i32
      %dma_wait3A_2523 = tpu.memref_slice %arg6[%dma_wait3A_2511, %dma_wait3A_2521, %dma_wait3A_2522] : memref<2x32x128xf32, #tpu.memory_space<vmem>> -> memref<1x8x128xf32, #tpu.memory_space<vmem>>
      %dma_wait3A_2524 = tpu.memref_squeeze %dma_wait3A_2523 : memref<1x8x128xf32, #tpu.memory_space<vmem>> -> memref<8x128xf32, #tpu.memory_space<vmem>>
      %dma_wait3A_2525 = arith.constant 16 : i32
      %dma_wait3A_2526 = tpu.memref_slice %arg3[%dma_wait3A_2525, %mul3A_2510] : memref<32x1000000xf32, #tpu.memory_space<hbm>> -> memref<8x128xf32, #tpu.memory_space<hbm>>
      tpu.wait_dma2 semaphore(%dma_wait3A_2520 : memref<!tpu.dma_semaphore, #tpu.memory_space<semaphore_mem>>) src(%dma_wait3A_2526 : memref<8x128xf32, #tpu.memory_space<hbm>>) dst(%dma_wait3A_2524 : memref<8x128xf32, #tpu.memory_space<vmem>>)
      %mul3A_2527 = arith.constant 128 : i32
      %mul3A_2528 = arith.muli %shift_right_logical3A_2472, %mul3A_2527 : i32
      %dma_wait3A_2529 = arith.constant 1 : i32
      %dma_wait3A_2530 = arith.constant 1 : i32
      %dma_wait3A_2531 = arith.constant 24 : i32
      %dma_wait3A_2532 = arith.constant 0 : i32
      %dma_wait3A_2533 = tpu.memref_slice %arg6[%dma_wait3A_2529, %dma_wait3A_2531, %dma_wait3A_2532] : memref<2x32x128xf32, #tpu.memory_space<vmem>> -> memref<1x8x128xf32, #tpu.memory_space<vmem>>
      %dma_wait3A_2534 = tpu.memref_squeeze %dma_wait3A_2533 : memref<1x8x128xf32, #tpu.memory_space<vmem>> -> memref<8x128xf32, #tpu.memory_space<vmem>>
      %dma_wait3A_2535 = arith.constant 24 : i32
      %dma_wait3A_2536 = tpu.memref_slice %arg3[%dma_wait3A_2535, %mul3A_2528] : memref<32x1000000xf32, #tpu.memory_space<hbm>> -> memref<8x128xf32, #tpu.memory_space<hbm>>
      %dma_wait3A_2537 = tpu.memref_slice %arg8[%dma_wait3A_2530] : memref<2x!tpu.dma_semaphore, #tpu.memory_space<semaphore_mem>> -> memref<1x!tpu.dma_semaphore, #tpu.memory_space<semaphore_mem>>
      %dma_wait3A_2538 = tpu.memref_squeeze %dma_wait3A_2537 : memref<1x!tpu.dma_semaphore, #tpu.memory_space<semaphore_mem>> -> memref<!tpu.dma_semaphore, #tpu.memory_space<semaphore_mem>>
      %dma_wait3A_2539 = arith.constant 24 : i32
      %dma_wait3A_2540 = arith.constant 0 : i32
      %dma_wait3A_2541 = tpu.memref_slice %arg6[%dma_wait3A_2529, %dma_wait3A_2539, %dma_wait3A_2540] : memref<2x32x128xf32, #tpu.memory_space<vmem>> -> memref<1x8x128xf32, #tpu.memory_space<vmem>>
      %dma_wait3A_2542 = tpu.memref_squeeze %dma_wait3A_2541 : memref<1x8x128xf32, #tpu.memory_space<vmem>> -> memref<8x128xf32, #tpu.memory_space<vmem>>
      %dma_wait3A_2543 = arith.constant 24 : i32
      %dma_wait3A_2544 = tpu.memref_slice %arg3[%dma_wait3A_2543, %mul3A_2528] : memref<32x1000000xf32, #tpu.memory_space<hbm>> -> memref<8x128xf32, #tpu.memory_space<hbm>>
      tpu.wait_dma2 semaphore(%dma_wait3A_2538 : memref<!tpu.dma_semaphore, #tpu.memory_space<semaphore_mem>>) src(%dma_wait3A_2544 : memref<8x128xf32, #tpu.memory_space<hbm>>) dst(%dma_wait3A_2542 : memref<8x128xf32, #tpu.memory_space<vmem>>)
      %mul3A_2545 = arith.constant 16 : i32
      %mul3A_2546 = arith.muli %scan3A_8, %mul3A_2545 : i32
      %add3A_2547 = arith.constant 13 : i32
      %add3A_2548 = arith.addi %mul3A_2546, %add3A_2547 : i32
      %and3A_2549 = arith.constant 127 : i32
      %and3A_2550 = arith.andi %squeeze3A_2396, %and3A_2549 : i32
      %broadcast_in_dim3A_2551 = arith.constant 0 : i32
      %broadcast_in_dim3A_2552 = vector.broadcast %broadcast_in_dim3A_2551 : i32 to vector<16xi32>
      %add3A_2553 = vector.broadcast %and3A_2550 : i32 to vector<16xi32>
      %add3A_2554 = arith.addi %broadcast_in_dim3A_2552, %add3A_2553 : vector<16xi32>
      %broadcast_in_dim3A_2555 = arith.constant 0 : i32
      %broadcast_in_dim3A_2556 = vector.broadcast %broadcast_in_dim3A_2555 : i32 to vector<16xi32>
      %add3A_2557 = vector.broadcast %add3A_2548 : i32 to vector<16xi32>
      %add3A_2558 = arith.addi %broadcast_in_dim3A_2556, %add3A_2557 : vector<16xi32>
      %iota3A_2559 = tpu.iota {dimensions = array<i32: 0>} : vector<16xi32>
      %add3A_2560 = arith.constant 0 : i32
      %add3A_2561 = vector.broadcast %add3A_2560 : i32 to vector<16xi32>
      %add3A_2562 = arith.addi %iota3A_2559, %add3A_2561 : vector<16xi32>
      %gather3A_2563 = arith.constant 1 : i32
      %gather3A_2564 = arith.constant 0 : i32
      %gather3A_2565 = arith.constant 0 : i32
      %gather3A_2566 = tpu.memref_slice %arg6[%gather3A_2563, %gather3A_2564, %gather3A_2565] : memref<2x32x128xf32, #tpu.memory_space<vmem>> -> memref<1x32x128xf32, #tpu.memory_space<vmem>>
      %gather3A_2567 = tpu.memref_squeeze %gather3A_2566 : memref<1x32x128xf32, #tpu.memory_space<vmem>> -> memref<32x128xf32, #tpu.memory_space<vmem>>
      %gather3A_2568 = tpu.vector_load_idx %gather3A_2567[%add3A_2562, %add3A_2554] : memref<32x128xf32, #tpu.memory_space<vmem>>[vector<16xi32>, vector<16xi32>], vector<16xf32>,
      tpu.vector_store_idx %arg7[%add3A_2562, %add3A_2558], %gather3A_2568 : memref<32x128xf32, #tpu.memory_space<vmem>>[vector<16xi32>, vector<16xi32>], vector<16xf32>,
      %iota3A_2569 = tpu.iota {dimensions = array<i32: 0>} : vector<16xi32>
      %add3A_2570 = arith.constant 16 : i32
      %add3A_2571 = vector.broadcast %add3A_2570 : i32 to vector<16xi32>
      %add3A_2572 = arith.addi %iota3A_2569, %add3A_2571 : vector<16xi32>
      %gather3A_2573 = arith.constant 1 : i32
      %gather3A_2574 = arith.constant 0 : i32
      %gather3A_2575 = arith.constant 0 : i32
      %gather3A_2576 = tpu.memref_slice %arg6[%gather3A_2573, %gather3A_2574, %gather3A_2575] : memref<2x32x128xf32, #tpu.memory_space<vmem>> -> memref<1x32x128xf32, #tpu.memory_space<vmem>>
      %gather3A_2577 = tpu.memref_squeeze %gather3A_2576 : memref<1x32x128xf32, #tpu.memory_space<vmem>> -> memref<32x128xf32, #tpu.memory_space<vmem>>
      %gather3A_2578 = tpu.vector_load_idx %gather3A_2577[%add3A_2572, %add3A_2554] : memref<32x128xf32, #tpu.memory_space<vmem>>[vector<16xi32>, vector<16xi32>], vector<16xf32>,
      tpu.vector_store_idx %arg7[%add3A_2572, %add3A_2558], %gather3A_2578 : memref<32x128xf32, #tpu.memory_space<vmem>>[vector<16xi32>, vector<16xi32>], vector<16xf32>,
      %slice3A_2579 = vector.extract_strided_slice %get3A_11 {offsets = [14], sizes = [1], strides = [1]} : vector<16xi32> to vector<1xi32>
      %squeeze3A_2580 = vector.extract %slice3A_2579[0] : i32 from vector<1xi32>
      %shift_right_logical3A_2581 = arith.constant 7 : i32
      %shift_right_logical3A_2582 = arith.shrui %squeeze3A_2580, %shift_right_logical3A_2581 : i32
      %mul3A_2583 = arith.constant 128 : i32
      %mul3A_2584 = arith.muli %shift_right_logical3A_2582, %mul3A_2583 : i32
      %dma_start3A_2585 = arith.constant 0 : i32
      %dma_start3A_2586 = arith.constant 0 : i32
      %dma_start3A_2587 = arith.constant 0 : i32
      %dma_start3A_2588 = arith.constant 0 : i32
      %dma_start3A_2589 = tpu.memref_slice %arg6[%dma_start3A_2585, %dma_start3A_2587, %dma_start3A_2588] : memref<2x32x128xf32, #tpu.memory_space<vmem>> -> memref<1x8x128xf32, #tpu.memory_space<vmem>>
      %dma_start3A_2590 = tpu.memref_squeeze %dma_start3A_2589 : memref<1x8x128xf32, #tpu.memory_space<vmem>> -> memref<8x128xf32, #tpu.memory_space<vmem>>
      %dma_start3A_2591 = arith.constant 0 : i32
      %dma_start3A_2592 = tpu.memref_slice %arg3[%dma_start3A_2591, %mul3A_2584] : memref<32x1000000xf32, #tpu.memory_space<hbm>> -> memref<8x128xf32, #tpu.memory_space<hbm>>
      %dma_start3A_2593 = tpu.memref_slice %arg8[%dma_start3A_2586] : memref<2x!tpu.dma_semaphore, #tpu.memory_space<semaphore_mem>> -> memref<1x!tpu.dma_semaphore, #tpu.memory_space<semaphore_mem>>
      %dma_start3A_2594 = tpu.memref_squeeze %dma_start3A_2593 : memref<1x!tpu.dma_semaphore, #tpu.memory_space<semaphore_mem>> -> memref<!tpu.dma_semaphore, #tpu.memory_space<semaphore_mem>>
      %dma_start3A_2595 = arith.constant 0 : i32
      %dma_start3A_2596 = arith.constant 0 : i32
      %dma_start3A_2597 = tpu.memref_slice %arg6[%dma_start3A_2585, %dma_start3A_2595, %dma_start3A_2596] : memref<2x32x128xf32, #tpu.memory_space<vmem>> -> memref<1x8x128xf32, #tpu.memory_space<vmem>>
      %dma_start3A_2598 = tpu.memref_squeeze %dma_start3A_2597 : memref<1x8x128xf32, #tpu.memory_space<vmem>> -> memref<8x128xf32, #tpu.memory_space<vmem>>
      %dma_start3A_2599 = arith.constant 0 : i32
      %dma_start3A_2600 = tpu.memref_slice %arg3[%dma_start3A_2599, %mul3A_2584] : memref<32x1000000xf32, #tpu.memory_space<hbm>> -> memref<8x128xf32, #tpu.memory_space<hbm>>
      tpu.enqueue_dma source(%dma_start3A_2600 : memref<8x128xf32, #tpu.memory_space<hbm>>) target(%dma_start3A_2598 : memref<8x128xf32, #tpu.memory_space<vmem>>) target_semaphore(%dma_start3A_2594 : memref<!tpu.dma_semaphore, #tpu.memory_space<semaphore_mem>>)
      %mul3A_2601 = arith.constant 128 : i32
      %mul3A_2602 = arith.muli %shift_right_logical3A_2582, %mul3A_2601 : i32
      %dma_start3A_2603 = arith.constant 0 : i32
      %dma_start3A_2604 = arith.constant 0 : i32
      %dma_start3A_2605 = arith.constant 8 : i32
      %dma_start3A_2606 = arith.constant 0 : i32
      %dma_start3A_2607 = tpu.memref_slice %arg6[%dma_start3A_2603, %dma_start3A_2605, %dma_start3A_2606] : memref<2x32x128xf32, #tpu.memory_space<vmem>> -> memref<1x8x128xf32, #tpu.memory_space<vmem>>
      %dma_start3A_2608 = tpu.memref_squeeze %dma_start3A_2607 : memref<1x8x128xf32, #tpu.memory_space<vmem>> -> memref<8x128xf32, #tpu.memory_space<vmem>>
      %dma_start3A_2609 = arith.constant 8 : i32
      %dma_start3A_2610 = tpu.memref_slice %arg3[%dma_start3A_2609, %mul3A_2602] : memref<32x1000000xf32, #tpu.memory_space<hbm>> -> memref<8x128xf32, #tpu.memory_space<hbm>>
      %dma_start3A_2611 = tpu.memref_slice %arg8[%dma_start3A_2604] : memref<2x!tpu.dma_semaphore, #tpu.memory_space<semaphore_mem>> -> memref<1x!tpu.dma_semaphore, #tpu.memory_space<semaphore_mem>>
      %dma_start3A_2612 = tpu.memref_squeeze %dma_start3A_2611 : memref<1x!tpu.dma_semaphore, #tpu.memory_space<semaphore_mem>> -> memref<!tpu.dma_semaphore, #tpu.memory_space<semaphore_mem>>
      %dma_start3A_2613 = arith.constant 8 : i32
      %dma_start3A_2614 = arith.constant 0 : i32
      %dma_start3A_2615 = tpu.memref_slice %arg6[%dma_start3A_2603, %dma_start3A_2613, %dma_start3A_2614] : memref<2x32x128xf32, #tpu.memory_space<vmem>> -> memref<1x8x128xf32, #tpu.memory_space<vmem>>
      %dma_start3A_2616 = tpu.memref_squeeze %dma_start3A_2615 : memref<1x8x128xf32, #tpu.memory_space<vmem>> -> memref<8x128xf32, #tpu.memory_space<vmem>>
      %dma_start3A_2617 = arith.constant 8 : i32
      %dma_start3A_2618 = tpu.memref_slice %arg3[%dma_start3A_2617, %mul3A_2602] : memref<32x1000000xf32, #tpu.memory_space<hbm>> -> memref<8x128xf32, #tpu.memory_space<hbm>>
      tpu.enqueue_dma source(%dma_start3A_2618 : memref<8x128xf32, #tpu.memory_space<hbm>>) target(%dma_start3A_2616 : memref<8x128xf32, #tpu.memory_space<vmem>>) target_semaphore(%dma_start3A_2612 : memref<!tpu.dma_semaphore, #tpu.memory_space<semaphore_mem>>)
      %mul3A_2619 = arith.constant 128 : i32
      %mul3A_2620 = arith.muli %shift_right_logical3A_2582, %mul3A_2619 : i32
      %dma_start3A_2621 = arith.constant 0 : i32
      %dma_start3A_2622 = arith.constant 0 : i32
      %dma_start3A_2623 = arith.constant 16 : i32
      %dma_start3A_2624 = arith.constant 0 : i32
      %dma_start3A_2625 = tpu.memref_slice %arg6[%dma_start3A_2621, %dma_start3A_2623, %dma_start3A_2624] : memref<2x32x128xf32, #tpu.memory_space<vmem>> -> memref<1x8x128xf32, #tpu.memory_space<vmem>>
      %dma_start3A_2626 = tpu.memref_squeeze %dma_start3A_2625 : memref<1x8x128xf32, #tpu.memory_space<vmem>> -> memref<8x128xf32, #tpu.memory_space<vmem>>
      %dma_start3A_2627 = arith.constant 16 : i32
      %dma_start3A_2628 = tpu.memref_slice %arg3[%dma_start3A_2627, %mul3A_2620] : memref<32x1000000xf32, #tpu.memory_space<hbm>> -> memref<8x128xf32, #tpu.memory_space<hbm>>
      %dma_start3A_2629 = tpu.memref_slice %arg8[%dma_start3A_2622] : memref<2x!tpu.dma_semaphore, #tpu.memory_space<semaphore_mem>> -> memref<1x!tpu.dma_semaphore, #tpu.memory_space<semaphore_mem>>
      %dma_start3A_2630 = tpu.memref_squeeze %dma_start3A_2629 : memref<1x!tpu.dma_semaphore, #tpu.memory_space<semaphore_mem>> -> memref<!tpu.dma_semaphore, #tpu.memory_space<semaphore_mem>>
      %dma_start3A_2631 = arith.constant 16 : i32
      %dma_start3A_2632 = arith.constant 0 : i32
      %dma_start3A_2633 = tpu.memref_slice %arg6[%dma_start3A_2621, %dma_start3A_2631, %dma_start3A_2632] : memref<2x32x128xf32, #tpu.memory_space<vmem>> -> memref<1x8x128xf32, #tpu.memory_space<vmem>>
      %dma_start3A_2634 = tpu.memref_squeeze %dma_start3A_2633 : memref<1x8x128xf32, #tpu.memory_space<vmem>> -> memref<8x128xf32, #tpu.memory_space<vmem>>
      %dma_start3A_2635 = arith.constant 16 : i32
      %dma_start3A_2636 = tpu.memref_slice %arg3[%dma_start3A_2635, %mul3A_2620] : memref<32x1000000xf32, #tpu.memory_space<hbm>> -> memref<8x128xf32, #tpu.memory_space<hbm>>
      tpu.enqueue_dma source(%dma_start3A_2636 : memref<8x128xf32, #tpu.memory_space<hbm>>) target(%dma_start3A_2634 : memref<8x128xf32, #tpu.memory_space<vmem>>) target_semaphore(%dma_start3A_2630 : memref<!tpu.dma_semaphore, #tpu.memory_space<semaphore_mem>>)
      %mul3A_2637 = arith.constant 128 : i32
      %mul3A_2638 = arith.muli %shift_right_logical3A_2582, %mul3A_2637 : i32
      %dma_start3A_2639 = arith.constant 0 : i32
      %dma_start3A_2640 = arith.constant 0 : i32
      %dma_start3A_2641 = arith.constant 24 : i32
      %dma_start3A_2642 = arith.constant 0 : i32
      %dma_start3A_2643 = tpu.memref_slice %arg6[%dma_start3A_2639, %dma_start3A_2641, %dma_start3A_2642] : memref<2x32x128xf32, #tpu.memory_space<vmem>> -> memref<1x8x128xf32, #tpu.memory_space<vmem>>
      %dma_start3A_2644 = tpu.memref_squeeze %dma_start3A_2643 : memref<1x8x128xf32, #tpu.memory_space<vmem>> -> memref<8x128xf32, #tpu.memory_space<vmem>>
      %dma_start3A_2645 = arith.constant 24 : i32
      %dma_start3A_2646 = tpu.memref_slice %arg3[%dma_start3A_2645, %mul3A_2638] : memref<32x1000000xf32, #tpu.memory_space<hbm>> -> memref<8x128xf32, #tpu.memory_space<hbm>>
      %dma_start3A_2647 = tpu.memref_slice %arg8[%dma_start3A_2640] : memref<2x!tpu.dma_semaphore, #tpu.memory_space<semaphore_mem>> -> memref<1x!tpu.dma_semaphore, #tpu.memory_space<semaphore_mem>>
      %dma_start3A_2648 = tpu.memref_squeeze %dma_start3A_2647 : memref<1x!tpu.dma_semaphore, #tpu.memory_space<semaphore_mem>> -> memref<!tpu.dma_semaphore, #tpu.memory_space<semaphore_mem>>
      %dma_start3A_2649 = arith.constant 24 : i32
      %dma_start3A_2650 = arith.constant 0 : i32
      %dma_start3A_2651 = tpu.memref_slice %arg6[%dma_start3A_2639, %dma_start3A_2649, %dma_start3A_2650] : memref<2x32x128xf32, #tpu.memory_space<vmem>> -> memref<1x8x128xf32, #tpu.memory_space<vmem>>
      %dma_start3A_2652 = tpu.memref_squeeze %dma_start3A_2651 : memref<1x8x128xf32, #tpu.memory_space<vmem>> -> memref<8x128xf32, #tpu.memory_space<vmem>>
      %dma_start3A_2653 = arith.constant 24 : i32
      %dma_start3A_2654 = tpu.memref_slice %arg3[%dma_start3A_2653, %mul3A_2638] : memref<32x1000000xf32, #tpu.memory_space<hbm>> -> memref<8x128xf32, #tpu.memory_space<hbm>>
      tpu.enqueue_dma source(%dma_start3A_2654 : memref<8x128xf32, #tpu.memory_space<hbm>>) target(%dma_start3A_2652 : memref<8x128xf32, #tpu.memory_space<vmem>>) target_semaphore(%dma_start3A_2648 : memref<!tpu.dma_semaphore, #tpu.memory_space<semaphore_mem>>)
      %shift_right_logical3A_2655 = arith.constant 7 : i32
      %shift_right_logical3A_2656 = arith.shrui %squeeze3A_2580, %shift_right_logical3A_2655 : i32
      %mul3A_2657 = arith.constant 128 : i32
      %mul3A_2658 = arith.muli %shift_right_logical3A_2656, %mul3A_2657 : i32
      %dma_wait3A_2659 = arith.constant 0 : i32
      %dma_wait3A_2660 = arith.constant 0 : i32
      %dma_wait3A_2661 = arith.constant 0 : i32
      %dma_wait3A_2662 = arith.constant 0 : i32
      %dma_wait3A_2663 = tpu.memref_slice %arg6[%dma_wait3A_2659, %dma_wait3A_2661, %dma_wait3A_2662] : memref<2x32x128xf32, #tpu.memory_space<vmem>> -> memref<1x8x128xf32, #tpu.memory_space<vmem>>
      %dma_wait3A_2664 = tpu.memref_squeeze %dma_wait3A_2663 : memref<1x8x128xf32, #tpu.memory_space<vmem>> -> memref<8x128xf32, #tpu.memory_space<vmem>>
      %dma_wait3A_2665 = arith.constant 0 : i32
      %dma_wait3A_2666 = tpu.memref_slice %arg3[%dma_wait3A_2665, %mul3A_2658] : memref<32x1000000xf32, #tpu.memory_space<hbm>> -> memref<8x128xf32, #tpu.memory_space<hbm>>
      %dma_wait3A_2667 = tpu.memref_slice %arg8[%dma_wait3A_2660] : memref<2x!tpu.dma_semaphore, #tpu.memory_space<semaphore_mem>> -> memref<1x!tpu.dma_semaphore, #tpu.memory_space<semaphore_mem>>
      %dma_wait3A_2668 = tpu.memref_squeeze %dma_wait3A_2667 : memref<1x!tpu.dma_semaphore, #tpu.memory_space<semaphore_mem>> -> memref<!tpu.dma_semaphore, #tpu.memory_space<semaphore_mem>>
      %dma_wait3A_2669 = arith.constant 0 : i32
      %dma_wait3A_2670 = arith.constant 0 : i32
      %dma_wait3A_2671 = tpu.memref_slice %arg6[%dma_wait3A_2659, %dma_wait3A_2669, %dma_wait3A_2670] : memref<2x32x128xf32, #tpu.memory_space<vmem>> -> memref<1x8x128xf32, #tpu.memory_space<vmem>>
      %dma_wait3A_2672 = tpu.memref_squeeze %dma_wait3A_2671 : memref<1x8x128xf32, #tpu.memory_space<vmem>> -> memref<8x128xf32, #tpu.memory_space<vmem>>
      %dma_wait3A_2673 = arith.constant 0 : i32
      %dma_wait3A_2674 = tpu.memref_slice %arg3[%dma_wait3A_2673, %mul3A_2658] : memref<32x1000000xf32, #tpu.memory_space<hbm>> -> memref<8x128xf32, #tpu.memory_space<hbm>>
      tpu.wait_dma2 semaphore(%dma_wait3A_2668 : memref<!tpu.dma_semaphore, #tpu.memory_space<semaphore_mem>>) src(%dma_wait3A_2674 : memref<8x128xf32, #tpu.memory_space<hbm>>) dst(%dma_wait3A_2672 : memref<8x128xf32, #tpu.memory_space<vmem>>)
      %mul3A_2675 = arith.constant 128 : i32
      %mul3A_2676 = arith.muli %shift_right_logical3A_2656, %mul3A_2675 : i32
      %dma_wait3A_2677 = arith.constant 0 : i32
      %dma_wait3A_2678 = arith.constant 0 : i32
      %dma_wait3A_2679 = arith.constant 8 : i32
      %dma_wait3A_2680 = arith.constant 0 : i32
      %dma_wait3A_2681 = tpu.memref_slice %arg6[%dma_wait3A_2677, %dma_wait3A_2679, %dma_wait3A_2680] : memref<2x32x128xf32, #tpu.memory_space<vmem>> -> memref<1x8x128xf32, #tpu.memory_space<vmem>>
      %dma_wait3A_2682 = tpu.memref_squeeze %dma_wait3A_2681 : memref<1x8x128xf32, #tpu.memory_space<vmem>> -> memref<8x128xf32, #tpu.memory_space<vmem>>
      %dma_wait3A_2683 = arith.constant 8 : i32
      %dma_wait3A_2684 = tpu.memref_slice %arg3[%dma_wait3A_2683, %mul3A_2676] : memref<32x1000000xf32, #tpu.memory_space<hbm>> -> memref<8x128xf32, #tpu.memory_space<hbm>>
      %dma_wait3A_2685 = tpu.memref_slice %arg8[%dma_wait3A_2678] : memref<2x!tpu.dma_semaphore, #tpu.memory_space<semaphore_mem>> -> memref<1x!tpu.dma_semaphore, #tpu.memory_space<semaphore_mem>>
      %dma_wait3A_2686 = tpu.memref_squeeze %dma_wait3A_2685 : memref<1x!tpu.dma_semaphore, #tpu.memory_space<semaphore_mem>> -> memref<!tpu.dma_semaphore, #tpu.memory_space<semaphore_mem>>
      %dma_wait3A_2687 = arith.constant 8 : i32
      %dma_wait3A_2688 = arith.constant 0 : i32
      %dma_wait3A_2689 = tpu.memref_slice %arg6[%dma_wait3A_2677, %dma_wait3A_2687, %dma_wait3A_2688] : memref<2x32x128xf32, #tpu.memory_space<vmem>> -> memref<1x8x128xf32, #tpu.memory_space<vmem>>
      %dma_wait3A_2690 = tpu.memref_squeeze %dma_wait3A_2689 : memref<1x8x128xf32, #tpu.memory_space<vmem>> -> memref<8x128xf32, #tpu.memory_space<vmem>>
      %dma_wait3A_2691 = arith.constant 8 : i32
      %dma_wait3A_2692 = tpu.memref_slice %arg3[%dma_wait3A_2691, %mul3A_2676] : memref<32x1000000xf32, #tpu.memory_space<hbm>> -> memref<8x128xf32, #tpu.memory_space<hbm>>
      tpu.wait_dma2 semaphore(%dma_wait3A_2686 : memref<!tpu.dma_semaphore, #tpu.memory_space<semaphore_mem>>) src(%dma_wait3A_2692 : memref<8x128xf32, #tpu.memory_space<hbm>>) dst(%dma_wait3A_2690 : memref<8x128xf32, #tpu.memory_space<vmem>>)
      %mul3A_2693 = arith.constant 128 : i32
      %mul3A_2694 = arith.muli %shift_right_logical3A_2656, %mul3A_2693 : i32
      %dma_wait3A_2695 = arith.constant 0 : i32
      %dma_wait3A_2696 = arith.constant 0 : i32
      %dma_wait3A_2697 = arith.constant 16 : i32
      %dma_wait3A_2698 = arith.constant 0 : i32
      %dma_wait3A_2699 = tpu.memref_slice %arg6[%dma_wait3A_2695, %dma_wait3A_2697, %dma_wait3A_2698] : memref<2x32x128xf32, #tpu.memory_space<vmem>> -> memref<1x8x128xf32, #tpu.memory_space<vmem>>
      %dma_wait3A_2700 = tpu.memref_squeeze %dma_wait3A_2699 : memref<1x8x128xf32, #tpu.memory_space<vmem>> -> memref<8x128xf32, #tpu.memory_space<vmem>>
      %dma_wait3A_2701 = arith.constant 16 : i32
      %dma_wait3A_2702 = tpu.memref_slice %arg3[%dma_wait3A_2701, %mul3A_2694] : memref<32x1000000xf32, #tpu.memory_space<hbm>> -> memref<8x128xf32, #tpu.memory_space<hbm>>
      %dma_wait3A_2703 = tpu.memref_slice %arg8[%dma_wait3A_2696] : memref<2x!tpu.dma_semaphore, #tpu.memory_space<semaphore_mem>> -> memref<1x!tpu.dma_semaphore, #tpu.memory_space<semaphore_mem>>
      %dma_wait3A_2704 = tpu.memref_squeeze %dma_wait3A_2703 : memref<1x!tpu.dma_semaphore, #tpu.memory_space<semaphore_mem>> -> memref<!tpu.dma_semaphore, #tpu.memory_space<semaphore_mem>>
      %dma_wait3A_2705 = arith.constant 16 : i32
      %dma_wait3A_2706 = arith.constant 0 : i32
      %dma_wait3A_2707 = tpu.memref_slice %arg6[%dma_wait3A_2695, %dma_wait3A_2705, %dma_wait3A_2706] : memref<2x32x128xf32, #tpu.memory_space<vmem>> -> memref<1x8x128xf32, #tpu.memory_space<vmem>>
      %dma_wait3A_2708 = tpu.memref_squeeze %dma_wait3A_2707 : memref<1x8x128xf32, #tpu.memory_space<vmem>> -> memref<8x128xf32, #tpu.memory_space<vmem>>
      %dma_wait3A_2709 = arith.constant 16 : i32
      %dma_wait3A_2710 = tpu.memref_slice %arg3[%dma_wait3A_2709, %mul3A_2694] : memref<32x1000000xf32, #tpu.memory_space<hbm>> -> memref<8x128xf32, #tpu.memory_space<hbm>>
      tpu.wait_dma2 semaphore(%dma_wait3A_2704 : memref<!tpu.dma_semaphore, #tpu.memory_space<semaphore_mem>>) src(%dma_wait3A_2710 : memref<8x128xf32, #tpu.memory_space<hbm>>) dst(%dma_wait3A_2708 : memref<8x128xf32, #tpu.memory_space<vmem>>)
      %mul3A_2711 = arith.constant 128 : i32
      %mul3A_2712 = arith.muli %shift_right_logical3A_2656, %mul3A_2711 : i32
      %dma_wait3A_2713 = arith.constant 0 : i32
      %dma_wait3A_2714 = arith.constant 0 : i32
      %dma_wait3A_2715 = arith.constant 24 : i32
      %dma_wait3A_2716 = arith.constant 0 : i32
      %dma_wait3A_2717 = tpu.memref_slice %arg6[%dma_wait3A_2713, %dma_wait3A_2715, %dma_wait3A_2716] : memref<2x32x128xf32, #tpu.memory_space<vmem>> -> memref<1x8x128xf32, #tpu.memory_space<vmem>>
      %dma_wait3A_2718 = tpu.memref_squeeze %dma_wait3A_2717 : memref<1x8x128xf32, #tpu.memory_space<vmem>> -> memref<8x128xf32, #tpu.memory_space<vmem>>
      %dma_wait3A_2719 = arith.constant 24 : i32
      %dma_wait3A_2720 = tpu.memref_slice %arg3[%dma_wait3A_2719, %mul3A_2712] : memref<32x1000000xf32, #tpu.memory_space<hbm>> -> memref<8x128xf32, #tpu.memory_space<hbm>>
      %dma_wait3A_2721 = tpu.memref_slice %arg8[%dma_wait3A_2714] : memref<2x!tpu.dma_semaphore, #tpu.memory_space<semaphore_mem>> -> memref<1x!tpu.dma_semaphore, #tpu.memory_space<semaphore_mem>>
      %dma_wait3A_2722 = tpu.memref_squeeze %dma_wait3A_2721 : memref<1x!tpu.dma_semaphore, #tpu.memory_space<semaphore_mem>> -> memref<!tpu.dma_semaphore, #tpu.memory_space<semaphore_mem>>
      %dma_wait3A_2723 = arith.constant 24 : i32
      %dma_wait3A_2724 = arith.constant 0 : i32
      %dma_wait3A_2725 = tpu.memref_slice %arg6[%dma_wait3A_2713, %dma_wait3A_2723, %dma_wait3A_2724] : memref<2x32x128xf32, #tpu.memory_space<vmem>> -> memref<1x8x128xf32, #tpu.memory_space<vmem>>
      %dma_wait3A_2726 = tpu.memref_squeeze %dma_wait3A_2725 : memref<1x8x128xf32, #tpu.memory_space<vmem>> -> memref<8x128xf32, #tpu.memory_space<vmem>>
      %dma_wait3A_2727 = arith.constant 24 : i32
      %dma_wait3A_2728 = tpu.memref_slice %arg3[%dma_wait3A_2727, %mul3A_2712] : memref<32x1000000xf32, #tpu.memory_space<hbm>> -> memref<8x128xf32, #tpu.memory_space<hbm>>
      tpu.wait_dma2 semaphore(%dma_wait3A_2722 : memref<!tpu.dma_semaphore, #tpu.memory_space<semaphore_mem>>) src(%dma_wait3A_2728 : memref<8x128xf32, #tpu.memory_space<hbm>>) dst(%dma_wait3A_2726 : memref<8x128xf32, #tpu.memory_space<vmem>>)
      %mul3A_2729 = arith.constant 16 : i32
      %mul3A_2730 = arith.muli %scan3A_8, %mul3A_2729 : i32
      %add3A_2731 = arith.constant 14 : i32
      %add3A_2732 = arith.addi %mul3A_2730, %add3A_2731 : i32
      %and3A_2733 = arith.constant 127 : i32
      %and3A_2734 = arith.andi %squeeze3A_2580, %and3A_2733 : i32
      %broadcast_in_dim3A_2735 = arith.constant 0 : i32
      %broadcast_in_dim3A_2736 = vector.broadcast %broadcast_in_dim3A_2735 : i32 to vector<16xi32>
      %add3A_2737 = vector.broadcast %and3A_2734 : i32 to vector<16xi32>
      %add3A_2738 = arith.addi %broadcast_in_dim3A_2736, %add3A_2737 : vector<16xi32>
      %broadcast_in_dim3A_2739 = arith.constant 0 : i32
      %broadcast_in_dim3A_2740 = vector.broadcast %broadcast_in_dim3A_2739 : i32 to vector<16xi32>
      %add3A_2741 = vector.broadcast %add3A_2732 : i32 to vector<16xi32>
      %add3A_2742 = arith.addi %broadcast_in_dim3A_2740, %add3A_2741 : vector<16xi32>
      %iota3A_2743 = tpu.iota {dimensions = array<i32: 0>} : vector<16xi32>
      %add3A_2744 = arith.constant 0 : i32
      %add3A_2745 = vector.broadcast %add3A_2744 : i32 to vector<16xi32>
      %add3A_2746 = arith.addi %iota3A_2743, %add3A_2745 : vector<16xi32>
      %gather3A_2747 = arith.constant 0 : i32
      %gather3A_2748 = arith.constant 0 : i32
      %gather3A_2749 = arith.constant 0 : i32
      %gather3A_2750 = tpu.memref_slice %arg6[%gather3A_2747, %gather3A_2748, %gather3A_2749] : memref<2x32x128xf32, #tpu.memory_space<vmem>> -> memref<1x32x128xf32, #tpu.memory_space<vmem>>
      %gather3A_2751 = tpu.memref_squeeze %gather3A_2750 : memref<1x32x128xf32, #tpu.memory_space<vmem>> -> memref<32x128xf32, #tpu.memory_space<vmem>>
      %gather3A_2752 = tpu.vector_load_idx %gather3A_2751[%add3A_2746, %add3A_2738] : memref<32x128xf32, #tpu.memory_space<vmem>>[vector<16xi32>, vector<16xi32>], vector<16xf32>,
      tpu.vector_store_idx %arg7[%add3A_2746, %add3A_2742], %gather3A_2752 : memref<32x128xf32, #tpu.memory_space<vmem>>[vector<16xi32>, vector<16xi32>], vector<16xf32>,
      %iota3A_2753 = tpu.iota {dimensions = array<i32: 0>} : vector<16xi32>
      %add3A_2754 = arith.constant 16 : i32
      %add3A_2755 = vector.broadcast %add3A_2754 : i32 to vector<16xi32>
      %add3A_2756 = arith.addi %iota3A_2753, %add3A_2755 : vector<16xi32>
      %gather3A_2757 = arith.constant 0 : i32
      %gather3A_2758 = arith.constant 0 : i32
      %gather3A_2759 = arith.constant 0 : i32
      %gather3A_2760 = tpu.memref_slice %arg6[%gather3A_2757, %gather3A_2758, %gather3A_2759] : memref<2x32x128xf32, #tpu.memory_space<vmem>> -> memref<1x32x128xf32, #tpu.memory_space<vmem>>
      %gather3A_2761 = tpu.memref_squeeze %gather3A_2760 : memref<1x32x128xf32, #tpu.memory_space<vmem>> -> memref<32x128xf32, #tpu.memory_space<vmem>>
      %gather3A_2762 = tpu.vector_load_idx %gather3A_2761[%add3A_2756, %add3A_2738] : memref<32x128xf32, #tpu.memory_space<vmem>>[vector<16xi32>, vector<16xi32>], vector<16xf32>,
      tpu.vector_store_idx %arg7[%add3A_2756, %add3A_2742], %gather3A_2762 : memref<32x128xf32, #tpu.memory_space<vmem>>[vector<16xi32>, vector<16xi32>], vector<16xf32>,
      %slice3A_2763 = vector.extract_strided_slice %get3A_11 {offsets = [15], sizes = [1], strides = [1]} : vector<16xi32> to vector<1xi32>
      %squeeze3A_2764 = vector.extract %slice3A_2763[0] : i32 from vector<1xi32>
      %shift_right_logical3A_2765 = arith.constant 7 : i32
      %shift_right_logical3A_2766 = arith.shrui %squeeze3A_2764, %shift_right_logical3A_2765 : i32
      %mul3A_2767 = arith.constant 128 : i32
      %mul3A_2768 = arith.muli %shift_right_logical3A_2766, %mul3A_2767 : i32
      %dma_start3A_2769 = arith.constant 1 : i32
      %dma_start3A_2770 = arith.constant 1 : i32
      %dma_start3A_2771 = arith.constant 0 : i32
      %dma_start3A_2772 = arith.constant 0 : i32
      %dma_start3A_2773 = tpu.memref_slice %arg6[%dma_start3A_2769, %dma_start3A_2771, %dma_start3A_2772] : memref<2x32x128xf32, #tpu.memory_space<vmem>> -> memref<1x8x128xf32, #tpu.memory_space<vmem>>
      %dma_start3A_2774 = tpu.memref_squeeze %dma_start3A_2773 : memref<1x8x128xf32, #tpu.memory_space<vmem>> -> memref<8x128xf32, #tpu.memory_space<vmem>>
      %dma_start3A_2775 = arith.constant 0 : i32
      %dma_start3A_2776 = tpu.memref_slice %arg3[%dma_start3A_2775, %mul3A_2768] : memref<32x1000000xf32, #tpu.memory_space<hbm>> -> memref<8x128xf32, #tpu.memory_space<hbm>>
      %dma_start3A_2777 = tpu.memref_slice %arg8[%dma_start3A_2770] : memref<2x!tpu.dma_semaphore, #tpu.memory_space<semaphore_mem>> -> memref<1x!tpu.dma_semaphore, #tpu.memory_space<semaphore_mem>>
      %dma_start3A_2778 = tpu.memref_squeeze %dma_start3A_2777 : memref<1x!tpu.dma_semaphore, #tpu.memory_space<semaphore_mem>> -> memref<!tpu.dma_semaphore, #tpu.memory_space<semaphore_mem>>
      %dma_start3A_2779 = arith.constant 0 : i32
      %dma_start3A_2780 = arith.constant 0 : i32
      %dma_start3A_2781 = tpu.memref_slice %arg6[%dma_start3A_2769, %dma_start3A_2779, %dma_start3A_2780] : memref<2x32x128xf32, #tpu.memory_space<vmem>> -> memref<1x8x128xf32, #tpu.memory_space<vmem>>
      %dma_start3A_2782 = tpu.memref_squeeze %dma_start3A_2781 : memref<1x8x128xf32, #tpu.memory_space<vmem>> -> memref<8x128xf32, #tpu.memory_space<vmem>>
      %dma_start3A_2783 = arith.constant 0 : i32
      %dma_start3A_2784 = tpu.memref_slice %arg3[%dma_start3A_2783, %mul3A_2768] : memref<32x1000000xf32, #tpu.memory_space<hbm>> -> memref<8x128xf32, #tpu.memory_space<hbm>>
      tpu.enqueue_dma source(%dma_start3A_2784 : memref<8x128xf32, #tpu.memory_space<hbm>>) target(%dma_start3A_2782 : memref<8x128xf32, #tpu.memory_space<vmem>>) target_semaphore(%dma_start3A_2778 : memref<!tpu.dma_semaphore, #tpu.memory_space<semaphore_mem>>)
      %mul3A_2785 = arith.constant 128 : i32
      %mul3A_2786 = arith.muli %shift_right_logical3A_2766, %mul3A_2785 : i32
      %dma_start3A_2787 = arith.constant 1 : i32
      %dma_start3A_2788 = arith.constant 1 : i32
      %dma_start3A_2789 = arith.constant 8 : i32
      %dma_start3A_2790 = arith.constant 0 : i32
      %dma_start3A_2791 = tpu.memref_slice %arg6[%dma_start3A_2787, %dma_start3A_2789, %dma_start3A_2790] : memref<2x32x128xf32, #tpu.memory_space<vmem>> -> memref<1x8x128xf32, #tpu.memory_space<vmem>>
      %dma_start3A_2792 = tpu.memref_squeeze %dma_start3A_2791 : memref<1x8x128xf32, #tpu.memory_space<vmem>> -> memref<8x128xf32, #tpu.memory_space<vmem>>
      %dma_start3A_2793 = arith.constant 8 : i32
      %dma_start3A_2794 = tpu.memref_slice %arg3[%dma_start3A_2793, %mul3A_2786] : memref<32x1000000xf32, #tpu.memory_space<hbm>> -> memref<8x128xf32, #tpu.memory_space<hbm>>
      %dma_start3A_2795 = tpu.memref_slice %arg8[%dma_start3A_2788] : memref<2x!tpu.dma_semaphore, #tpu.memory_space<semaphore_mem>> -> memref<1x!tpu.dma_semaphore, #tpu.memory_space<semaphore_mem>>
      %dma_start3A_2796 = tpu.memref_squeeze %dma_start3A_2795 : memref<1x!tpu.dma_semaphore, #tpu.memory_space<semaphore_mem>> -> memref<!tpu.dma_semaphore, #tpu.memory_space<semaphore_mem>>
      %dma_start3A_2797 = arith.constant 8 : i32
      %dma_start3A_2798 = arith.constant 0 : i32
      %dma_start3A_2799 = tpu.memref_slice %arg6[%dma_start3A_2787, %dma_start3A_2797, %dma_start3A_2798] : memref<2x32x128xf32, #tpu.memory_space<vmem>> -> memref<1x8x128xf32, #tpu.memory_space<vmem>>
      %dma_start3A_2800 = tpu.memref_squeeze %dma_start3A_2799 : memref<1x8x128xf32, #tpu.memory_space<vmem>> -> memref<8x128xf32, #tpu.memory_space<vmem>>
      %dma_start3A_2801 = arith.constant 8 : i32
      %dma_start3A_2802 = tpu.memref_slice %arg3[%dma_start3A_2801, %mul3A_2786] : memref<32x1000000xf32, #tpu.memory_space<hbm>> -> memref<8x128xf32, #tpu.memory_space<hbm>>
      tpu.enqueue_dma source(%dma_start3A_2802 : memref<8x128xf32, #tpu.memory_space<hbm>>) target(%dma_start3A_2800 : memref<8x128xf32, #tpu.memory_space<vmem>>) target_semaphore(%dma_start3A_2796 : memref<!tpu.dma_semaphore, #tpu.memory_space<semaphore_mem>>)
      %mul3A_2803 = arith.constant 128 : i32
      %mul3A_2804 = arith.muli %shift_right_logical3A_2766, %mul3A_2803 : i32
      %dma_start3A_2805 = arith.constant 1 : i32
      %dma_start3A_2806 = arith.constant 1 : i32
      %dma_start3A_2807 = arith.constant 16 : i32
      %dma_start3A_2808 = arith.constant 0 : i32
      %dma_start3A_2809 = tpu.memref_slice %arg6[%dma_start3A_2805, %dma_start3A_2807, %dma_start3A_2808] : memref<2x32x128xf32, #tpu.memory_space<vmem>> -> memref<1x8x128xf32, #tpu.memory_space<vmem>>
      %dma_start3A_2810 = tpu.memref_squeeze %dma_start3A_2809 : memref<1x8x128xf32, #tpu.memory_space<vmem>> -> memref<8x128xf32, #tpu.memory_space<vmem>>
      %dma_start3A_2811 = arith.constant 16 : i32
      %dma_start3A_2812 = tpu.memref_slice %arg3[%dma_start3A_2811, %mul3A_2804] : memref<32x1000000xf32, #tpu.memory_space<hbm>> -> memref<8x128xf32, #tpu.memory_space<hbm>>
      %dma_start3A_2813 = tpu.memref_slice %arg8[%dma_start3A_2806] : memref<2x!tpu.dma_semaphore, #tpu.memory_space<semaphore_mem>> -> memref<1x!tpu.dma_semaphore, #tpu.memory_space<semaphore_mem>>
      %dma_start3A_2814 = tpu.memref_squeeze %dma_start3A_2813 : memref<1x!tpu.dma_semaphore, #tpu.memory_space<semaphore_mem>> -> memref<!tpu.dma_semaphore, #tpu.memory_space<semaphore_mem>>
      %dma_start3A_2815 = arith.constant 16 : i32
      %dma_start3A_2816 = arith.constant 0 : i32
      %dma_start3A_2817 = tpu.memref_slice %arg6[%dma_start3A_2805, %dma_start3A_2815, %dma_start3A_2816] : memref<2x32x128xf32, #tpu.memory_space<vmem>> -> memref<1x8x128xf32, #tpu.memory_space<vmem>>
      %dma_start3A_2818 = tpu.memref_squeeze %dma_start3A_2817 : memref<1x8x128xf32, #tpu.memory_space<vmem>> -> memref<8x128xf32, #tpu.memory_space<vmem>>
      %dma_start3A_2819 = arith.constant 16 : i32
      %dma_start3A_2820 = tpu.memref_slice %arg3[%dma_start3A_2819, %mul3A_2804] : memref<32x1000000xf32, #tpu.memory_space<hbm>> -> memref<8x128xf32, #tpu.memory_space<hbm>>
      tpu.enqueue_dma source(%dma_start3A_2820 : memref<8x128xf32, #tpu.memory_space<hbm>>) target(%dma_start3A_2818 : memref<8x128xf32, #tpu.memory_space<vmem>>) target_semaphore(%dma_start3A_2814 : memref<!tpu.dma_semaphore, #tpu.memory_space<semaphore_mem>>)
      %mul3A_2821 = arith.constant 128 : i32
      %mul3A_2822 = arith.muli %shift_right_logical3A_2766, %mul3A_2821 : i32
      %dma_start3A_2823 = arith.constant 1 : i32
      %dma_start3A_2824 = arith.constant 1 : i32
      %dma_start3A_2825 = arith.constant 24 : i32
      %dma_start3A_2826 = arith.constant 0 : i32
      %dma_start3A_2827 = tpu.memref_slice %arg6[%dma_start3A_2823, %dma_start3A_2825, %dma_start3A_2826] : memref<2x32x128xf32, #tpu.memory_space<vmem>> -> memref<1x8x128xf32, #tpu.memory_space<vmem>>
      %dma_start3A_2828 = tpu.memref_squeeze %dma_start3A_2827 : memref<1x8x128xf32, #tpu.memory_space<vmem>> -> memref<8x128xf32, #tpu.memory_space<vmem>>
      %dma_start3A_2829 = arith.constant 24 : i32
      %dma_start3A_2830 = tpu.memref_slice %arg3[%dma_start3A_2829, %mul3A_2822] : memref<32x1000000xf32, #tpu.memory_space<hbm>> -> memref<8x128xf32, #tpu.memory_space<hbm>>
      %dma_start3A_2831 = tpu.memref_slice %arg8[%dma_start3A_2824] : memref<2x!tpu.dma_semaphore, #tpu.memory_space<semaphore_mem>> -> memref<1x!tpu.dma_semaphore, #tpu.memory_space<semaphore_mem>>
      %dma_start3A_2832 = tpu.memref_squeeze %dma_start3A_2831 : memref<1x!tpu.dma_semaphore, #tpu.memory_space<semaphore_mem>> -> memref<!tpu.dma_semaphore, #tpu.memory_space<semaphore_mem>>
      %dma_start3A_2833 = arith.constant 24 : i32
      %dma_start3A_2834 = arith.constant 0 : i32
      %dma_start3A_2835 = tpu.memref_slice %arg6[%dma_start3A_2823, %dma_start3A_2833, %dma_start3A_2834] : memref<2x32x128xf32, #tpu.memory_space<vmem>> -> memref<1x8x128xf32, #tpu.memory_space<vmem>>
      %dma_start3A_2836 = tpu.memref_squeeze %dma_start3A_2835 : memref<1x8x128xf32, #tpu.memory_space<vmem>> -> memref<8x128xf32, #tpu.memory_space<vmem>>
      %dma_start3A_2837 = arith.constant 24 : i32
      %dma_start3A_2838 = tpu.memref_slice %arg3[%dma_start3A_2837, %mul3A_2822] : memref<32x1000000xf32, #tpu.memory_space<hbm>> -> memref<8x128xf32, #tpu.memory_space<hbm>>
      tpu.enqueue_dma source(%dma_start3A_2838 : memref<8x128xf32, #tpu.memory_space<hbm>>) target(%dma_start3A_2836 : memref<8x128xf32, #tpu.memory_space<vmem>>) target_semaphore(%dma_start3A_2832 : memref<!tpu.dma_semaphore, #tpu.memory_space<semaphore_mem>>)
      %shift_right_logical3A_2839 = arith.constant 7 : i32
      %shift_right_logical3A_2840 = arith.shrui %squeeze3A_2764, %shift_right_logical3A_2839 : i32
      %mul3A_2841 = arith.constant 128 : i32
      %mul3A_2842 = arith.muli %shift_right_logical3A_2840, %mul3A_2841 : i32
      %dma_wait3A_2843 = arith.constant 1 : i32
      %dma_wait3A_2844 = arith.constant 1 : i32
      %dma_wait3A_2845 = arith.constant 0 : i32
      %dma_wait3A_2846 = arith.constant 0 : i32
      %dma_wait3A_2847 = tpu.memref_slice %arg6[%dma_wait3A_2843, %dma_wait3A_2845, %dma_wait3A_2846] : memref<2x32x128xf32, #tpu.memory_space<vmem>> -> memref<1x8x128xf32, #tpu.memory_space<vmem>>
      %dma_wait3A_2848 = tpu.memref_squeeze %dma_wait3A_2847 : memref<1x8x128xf32, #tpu.memory_space<vmem>> -> memref<8x128xf32, #tpu.memory_space<vmem>>
      %dma_wait3A_2849 = arith.constant 0 : i32
      %dma_wait3A_2850 = tpu.memref_slice %arg3[%dma_wait3A_2849, %mul3A_2842] : memref<32x1000000xf32, #tpu.memory_space<hbm>> -> memref<8x128xf32, #tpu.memory_space<hbm>>
      %dma_wait3A_2851 = tpu.memref_slice %arg8[%dma_wait3A_2844] : memref<2x!tpu.dma_semaphore, #tpu.memory_space<semaphore_mem>> -> memref<1x!tpu.dma_semaphore, #tpu.memory_space<semaphore_mem>>
      %dma_wait3A_2852 = tpu.memref_squeeze %dma_wait3A_2851 : memref<1x!tpu.dma_semaphore, #tpu.memory_space<semaphore_mem>> -> memref<!tpu.dma_semaphore, #tpu.memory_space<semaphore_mem>>
      %dma_wait3A_2853 = arith.constant 0 : i32
      %dma_wait3A_2854 = arith.constant 0 : i32
      %dma_wait3A_2855 = tpu.memref_slice %arg6[%dma_wait3A_2843, %dma_wait3A_2853, %dma_wait3A_2854] : memref<2x32x128xf32, #tpu.memory_space<vmem>> -> memref<1x8x128xf32, #tpu.memory_space<vmem>>
      %dma_wait3A_2856 = tpu.memref_squeeze %dma_wait3A_2855 : memref<1x8x128xf32, #tpu.memory_space<vmem>> -> memref<8x128xf32, #tpu.memory_space<vmem>>
      %dma_wait3A_2857 = arith.constant 0 : i32
      %dma_wait3A_2858 = tpu.memref_slice %arg3[%dma_wait3A_2857, %mul3A_2842] : memref<32x1000000xf32, #tpu.memory_space<hbm>> -> memref<8x128xf32, #tpu.memory_space<hbm>>
      tpu.wait_dma2 semaphore(%dma_wait3A_2852 : memref<!tpu.dma_semaphore, #tpu.memory_space<semaphore_mem>>) src(%dma_wait3A_2858 : memref<8x128xf32, #tpu.memory_space<hbm>>) dst(%dma_wait3A_2856 : memref<8x128xf32, #tpu.memory_space<vmem>>)
      %mul3A_2859 = arith.constant 128 : i32
      %mul3A_2860 = arith.muli %shift_right_logical3A_2840, %mul3A_2859 : i32
      %dma_wait3A_2861 = arith.constant 1 : i32
      %dma_wait3A_2862 = arith.constant 1 : i32
      %dma_wait3A_2863 = arith.constant 8 : i32
      %dma_wait3A_2864 = arith.constant 0 : i32
      %dma_wait3A_2865 = tpu.memref_slice %arg6[%dma_wait3A_2861, %dma_wait3A_2863, %dma_wait3A_2864] : memref<2x32x128xf32, #tpu.memory_space<vmem>> -> memref<1x8x128xf32, #tpu.memory_space<vmem>>
      %dma_wait3A_2866 = tpu.memref_squeeze %dma_wait3A_2865 : memref<1x8x128xf32, #tpu.memory_space<vmem>> -> memref<8x128xf32, #tpu.memory_space<vmem>>
      %dma_wait3A_2867 = arith.constant 8 : i32
      %dma_wait3A_2868 = tpu.memref_slice %arg3[%dma_wait3A_2867, %mul3A_2860] : memref<32x1000000xf32, #tpu.memory_space<hbm>> -> memref<8x128xf32, #tpu.memory_space<hbm>>
      %dma_wait3A_2869 = tpu.memref_slice %arg8[%dma_wait3A_2862] : memref<2x!tpu.dma_semaphore, #tpu.memory_space<semaphore_mem>> -> memref<1x!tpu.dma_semaphore, #tpu.memory_space<semaphore_mem>>
      %dma_wait3A_2870 = tpu.memref_squeeze %dma_wait3A_2869 : memref<1x!tpu.dma_semaphore, #tpu.memory_space<semaphore_mem>> -> memref<!tpu.dma_semaphore, #tpu.memory_space<semaphore_mem>>
      %dma_wait3A_2871 = arith.constant 8 : i32
      %dma_wait3A_2872 = arith.constant 0 : i32
      %dma_wait3A_2873 = tpu.memref_slice %arg6[%dma_wait3A_2861, %dma_wait3A_2871, %dma_wait3A_2872] : memref<2x32x128xf32, #tpu.memory_space<vmem>> -> memref<1x8x128xf32, #tpu.memory_space<vmem>>
      %dma_wait3A_2874 = tpu.memref_squeeze %dma_wait3A_2873 : memref<1x8x128xf32, #tpu.memory_space<vmem>> -> memref<8x128xf32, #tpu.memory_space<vmem>>
      %dma_wait3A_2875 = arith.constant 8 : i32
      %dma_wait3A_2876 = tpu.memref_slice %arg3[%dma_wait3A_2875, %mul3A_2860] : memref<32x1000000xf32, #tpu.memory_space<hbm>> -> memref<8x128xf32, #tpu.memory_space<hbm>>
      tpu.wait_dma2 semaphore(%dma_wait3A_2870 : memref<!tpu.dma_semaphore, #tpu.memory_space<semaphore_mem>>) src(%dma_wait3A_2876 : memref<8x128xf32, #tpu.memory_space<hbm>>) dst(%dma_wait3A_2874 : memref<8x128xf32, #tpu.memory_space<vmem>>)
      %mul3A_2877 = arith.constant 128 : i32
      %mul3A_2878 = arith.muli %shift_right_logical3A_2840, %mul3A_2877 : i32
      %dma_wait3A_2879 = arith.constant 1 : i32
      %dma_wait3A_2880 = arith.constant 1 : i32
      %dma_wait3A_2881 = arith.constant 16 : i32
      %dma_wait3A_2882 = arith.constant 0 : i32
      %dma_wait3A_2883 = tpu.memref_slice %arg6[%dma_wait3A_2879, %dma_wait3A_2881, %dma_wait3A_2882] : memref<2x32x128xf32, #tpu.memory_space<vmem>> -> memref<1x8x128xf32, #tpu.memory_space<vmem>>
      %dma_wait3A_2884 = tpu.memref_squeeze %dma_wait3A_2883 : memref<1x8x128xf32, #tpu.memory_space<vmem>> -> memref<8x128xf32, #tpu.memory_space<vmem>>
      %dma_wait3A_2885 = arith.constant 16 : i32
      %dma_wait3A_2886 = tpu.memref_slice %arg3[%dma_wait3A_2885, %mul3A_2878] : memref<32x1000000xf32, #tpu.memory_space<hbm>> -> memref<8x128xf32, #tpu.memory_space<hbm>>
      %dma_wait3A_2887 = tpu.memref_slice %arg8[%dma_wait3A_2880] : memref<2x!tpu.dma_semaphore, #tpu.memory_space<semaphore_mem>> -> memref<1x!tpu.dma_semaphore, #tpu.memory_space<semaphore_mem>>
      %dma_wait3A_2888 = tpu.memref_squeeze %dma_wait3A_2887 : memref<1x!tpu.dma_semaphore, #tpu.memory_space<semaphore_mem>> -> memref<!tpu.dma_semaphore, #tpu.memory_space<semaphore_mem>>
      %dma_wait3A_2889 = arith.constant 16 : i32
      %dma_wait3A_2890 = arith.constant 0 : i32
      %dma_wait3A_2891 = tpu.memref_slice %arg6[%dma_wait3A_2879, %dma_wait3A_2889, %dma_wait3A_2890] : memref<2x32x128xf32, #tpu.memory_space<vmem>> -> memref<1x8x128xf32, #tpu.memory_space<vmem>>
      %dma_wait3A_2892 = tpu.memref_squeeze %dma_wait3A_2891 : memref<1x8x128xf32, #tpu.memory_space<vmem>> -> memref<8x128xf32, #tpu.memory_space<vmem>>
      %dma_wait3A_2893 = arith.constant 16 : i32
      %dma_wait3A_2894 = tpu.memref_slice %arg3[%dma_wait3A_2893, %mul3A_2878] : memref<32x1000000xf32, #tpu.memory_space<hbm>> -> memref<8x128xf32, #tpu.memory_space<hbm>>
      tpu.wait_dma2 semaphore(%dma_wait3A_2888 : memref<!tpu.dma_semaphore, #tpu.memory_space<semaphore_mem>>) src(%dma_wait3A_2894 : memref<8x128xf32, #tpu.memory_space<hbm>>) dst(%dma_wait3A_2892 : memref<8x128xf32, #tpu.memory_space<vmem>>)
      %mul3A_2895 = arith.constant 128 : i32
      %mul3A_2896 = arith.muli %shift_right_logical3A_2840, %mul3A_2895 : i32
      %dma_wait3A_2897 = arith.constant 1 : i32
      %dma_wait3A_2898 = arith.constant 1 : i32
      %dma_wait3A_2899 = arith.constant 24 : i32
      %dma_wait3A_2900 = arith.constant 0 : i32
      %dma_wait3A_2901 = tpu.memref_slice %arg6[%dma_wait3A_2897, %dma_wait3A_2899, %dma_wait3A_2900] : memref<2x32x128xf32, #tpu.memory_space<vmem>> -> memref<1x8x128xf32, #tpu.memory_space<vmem>>
      %dma_wait3A_2902 = tpu.memref_squeeze %dma_wait3A_2901 : memref<1x8x128xf32, #tpu.memory_space<vmem>> -> memref<8x128xf32, #tpu.memory_space<vmem>>
      %dma_wait3A_2903 = arith.constant 24 : i32
      %dma_wait3A_2904 = tpu.memref_slice %arg3[%dma_wait3A_2903, %mul3A_2896] : memref<32x1000000xf32, #tpu.memory_space<hbm>> -> memref<8x128xf32, #tpu.memory_space<hbm>>
      %dma_wait3A_2905 = tpu.memref_slice %arg8[%dma_wait3A_2898] : memref<2x!tpu.dma_semaphore, #tpu.memory_space<semaphore_mem>> -> memref<1x!tpu.dma_semaphore, #tpu.memory_space<semaphore_mem>>
      %dma_wait3A_2906 = tpu.memref_squeeze %dma_wait3A_2905 : memref<1x!tpu.dma_semaphore, #tpu.memory_space<semaphore_mem>> -> memref<!tpu.dma_semaphore, #tpu.memory_space<semaphore_mem>>
      %dma_wait3A_2907 = arith.constant 24 : i32
      %dma_wait3A_2908 = arith.constant 0 : i32
      %dma_wait3A_2909 = tpu.memref_slice %arg6[%dma_wait3A_2897, %dma_wait3A_2907, %dma_wait3A_2908] : memref<2x32x128xf32, #tpu.memory_space<vmem>> -> memref<1x8x128xf32, #tpu.memory_space<vmem>>
      %dma_wait3A_2910 = tpu.memref_squeeze %dma_wait3A_2909 : memref<1x8x128xf32, #tpu.memory_space<vmem>> -> memref<8x128xf32, #tpu.memory_space<vmem>>
      %dma_wait3A_2911 = arith.constant 24 : i32
      %dma_wait3A_2912 = tpu.memref_slice %arg3[%dma_wait3A_2911, %mul3A_2896] : memref<32x1000000xf32, #tpu.memory_space<hbm>> -> memref<8x128xf32, #tpu.memory_space<hbm>>
      tpu.wait_dma2 semaphore(%dma_wait3A_2906 : memref<!tpu.dma_semaphore, #tpu.memory_space<semaphore_mem>>) src(%dma_wait3A_2912 : memref<8x128xf32, #tpu.memory_space<hbm>>) dst(%dma_wait3A_2910 : memref<8x128xf32, #tpu.memory_space<vmem>>)
      %mul3A_2913 = arith.constant 16 : i32
      %mul3A_2914 = arith.muli %scan3A_8, %mul3A_2913 : i32
      %add3A_2915 = arith.constant 15 : i32
      %add3A_2916 = arith.addi %mul3A_2914, %add3A_2915 : i32
      %and3A_2917 = arith.constant 127 : i32
      %and3A_2918 = arith.andi %squeeze3A_2764, %and3A_2917 : i32
      %broadcast_in_dim3A_2919 = arith.constant 0 : i32
      %broadcast_in_dim3A_2920 = vector.broadcast %broadcast_in_dim3A_2919 : i32 to vector<16xi32>
      %add3A_2921 = vector.broadcast %and3A_2918 : i32 to vector<16xi32>
      %add3A_2922 = arith.addi %broadcast_in_dim3A_2920, %add3A_2921 : vector<16xi32>
      %broadcast_in_dim3A_2923 = arith.constant 0 : i32
      %broadcast_in_dim3A_2924 = vector.broadcast %broadcast_in_dim3A_2923 : i32 to vector<16xi32>
      %add3A_2925 = vector.broadcast %add3A_2916 : i32 to vector<16xi32>
      %add3A_2926 = arith.addi %broadcast_in_dim3A_2924, %add3A_2925 : vector<16xi32>
      %iota3A_2927 = tpu.iota {dimensions = array<i32: 0>} : vector<16xi32>
      %add3A_2928 = arith.constant 0 : i32
      %add3A_2929 = vector.broadcast %add3A_2928 : i32 to vector<16xi32>
      %add3A_2930 = arith.addi %iota3A_2927, %add3A_2929 : vector<16xi32>
      %gather3A_2931 = arith.constant 1 : i32
      %gather3A_2932 = arith.constant 0 : i32
      %gather3A_2933 = arith.constant 0 : i32
      %gather3A_2934 = tpu.memref_slice %arg6[%gather3A_2931, %gather3A_2932, %gather3A_2933] : memref<2x32x128xf32, #tpu.memory_space<vmem>> -> memref<1x32x128xf32, #tpu.memory_space<vmem>>
      %gather3A_2935 = tpu.memref_squeeze %gather3A_2934 : memref<1x32x128xf32, #tpu.memory_space<vmem>> -> memref<32x128xf32, #tpu.memory_space<vmem>>
      %gather3A_2936 = tpu.vector_load_idx %gather3A_2935[%add3A_2930, %add3A_2922] : memref<32x128xf32, #tpu.memory_space<vmem>>[vector<16xi32>, vector<16xi32>], vector<16xf32>,
      tpu.vector_store_idx %arg7[%add3A_2930, %add3A_2926], %gather3A_2936 : memref<32x128xf32, #tpu.memory_space<vmem>>[vector<16xi32>, vector<16xi32>], vector<16xf32>,
      %iota3A_2937 = tpu.iota {dimensions = array<i32: 0>} : vector<16xi32>
      %add3A_2938 = arith.constant 16 : i32
      %add3A_2939 = vector.broadcast %add3A_2938 : i32 to vector<16xi32>
      %add3A_2940 = arith.addi %iota3A_2937, %add3A_2939 : vector<16xi32>
      %gather3A_2941 = arith.constant 1 : i32
      %gather3A_2942 = arith.constant 0 : i32
      %gather3A_2943 = arith.constant 0 : i32
      %gather3A_2944 = tpu.memref_slice %arg6[%gather3A_2941, %gather3A_2942, %gather3A_2943] : memref<2x32x128xf32, #tpu.memory_space<vmem>> -> memref<1x32x128xf32, #tpu.memory_space<vmem>>
      %gather3A_2945 = tpu.memref_squeeze %gather3A_2944 : memref<1x32x128xf32, #tpu.memory_space<vmem>> -> memref<32x128xf32, #tpu.memory_space<vmem>>
      %gather3A_2946 = tpu.vector_load_idx %gather3A_2945[%add3A_2940, %add3A_2922] : memref<32x128xf32, #tpu.memory_space<vmem>>[vector<16xi32>, vector<16xi32>], vector<16xf32>,
      tpu.vector_store_idx %arg7[%add3A_2940, %add3A_2926], %gather3A_2946 : memref<32x128xf32, #tpu.memory_space<vmem>>[vector<16xi32>, vector<16xi32>], vector<16xf32>,
    }
    %scan3A_5 = arith.constant 8 : i32
    %mul3A_6 = arith.constant 128 : i32
    %mul3A_7 = arith.muli %add3A, %mul3A_6 : i32
    "tpu.region"() ({
      %run_scoped3A = tpu.sem_alloc : memref<!tpu.dma_semaphore, #tpu.memory_space<semaphore_mem>>
      %dma_start3A = arith.constant 0 : i32
      %dma_start3A_8 = tpu.memref_slice %arg4[%dma_start3A, %mul3A_7] : memref<32x4096xf32, #tpu.memory_space<hbm>> -> memref<32x128xf32, #tpu.memory_space<hbm>>
      %dma_start3A_9 = arith.constant 0 : i32
      %dma_start3A_10 = tpu.memref_slice %arg4[%dma_start3A_9, %mul3A_7] : memref<32x4096xf32, #tpu.memory_space<hbm>> -> memref<32x128xf32, #tpu.memory_space<hbm>>
      tpu.enqueue_dma source(%arg7 : memref<32x128xf32, #tpu.memory_space<vmem>>) target(%dma_start3A_10 : memref<32x128xf32, #tpu.memory_space<hbm>>) target_semaphore(%run_scoped3A : memref<!tpu.dma_semaphore, #tpu.memory_space<semaphore_mem>>)
      %dma_wait3A = arith.constant 0 : i32
      %dma_wait3A_11 = tpu.memref_slice %arg4[%dma_wait3A, %mul3A_7] : memref<32x4096xf32, #tpu.memory_space<hbm>> -> memref<32x128xf32, #tpu.memory_space<hbm>>
      %dma_wait3A_12 = arith.constant 0 : i32
      %dma_wait3A_13 = tpu.memref_slice %arg4[%dma_wait3A_12, %mul3A_7] : memref<32x4096xf32, #tpu.memory_space<hbm>> -> memref<32x128xf32, #tpu.memory_space<hbm>>
      tpu.wait_dma2 semaphore(%run_scoped3A : memref<!tpu.dma_semaphore, #tpu.memory_space<semaphore_mem>>) src(%arg7 : memref<32x128xf32, #tpu.memory_space<vmem>>) dst(%dma_wait3A_13 : memref<32x128xf32, #tpu.memory_space<hbm>>)
      tpu.yield
    }) : () -> ()
    return
  }
}

#map = affine_map<(d0, d1) -> (0, 0, 0, 0)>
#map1 = affine_map<(d0, d1) -> (0, 0)>
#map2 = affine_map<(d0, d1) -> (0, 0, 0)>
module attributes {stable_mosaic.version = 14 : i64} {
  func.func @k(%arg0: i32, %arg1: i32, %arg2: memref<25x32x8x128xi32, #tpu.memory_space<hbm>>, %arg3: memref<1000000x32xf32, #tpu.memory_space<hbm>>, %arg4: memref<200x32x4096xf32, #tpu.memory_space<hbm>>, %arg5: memref<25x1x8x128xi32, #tpu.memory_space<vmem>>, %arg6: memref<2x128x32xf32, #tpu.memory_space<vmem>>, %arg7: memref<2x32x129xf32, #tpu.memory_space<vmem>>, %arg8: memref<2x!tpu.dma_semaphore, #tpu.memory_space<semaphore_mem>>) attributes {dimension_semantics = [#tpu.dimension_semantics<core_parallel>, #tpu.dimension_semantics<subcore_parallel>], iteration_bounds = array<i64: 2, 16>, scalar_prefetch = 0 : i64, scratch_operands = 4 : i64, tpu.core_type = #tpu.core_type<sc_vector_subcore>, window_params = [{transform_indices = #map}, {transform_indices = #map1}, {transform_indices = #map2}]} {
    %mul3A = arith.constant 2 : i32
    %mul3A_0 = arith.muli %arg1, %mul3A : i32
    %add3A = arith.addi %mul3A_0, %arg0 : i32
    %mul3A_1 = arith.constant 128 : i32
    %mul3A_2 = arith.muli %add3A, %mul3A_1 : i32
    "tpu.region"() ({
      %run_scoped3A = tpu.sem_alloc : memref<!tpu.dma_semaphore, #tpu.memory_space<semaphore_mem>>
      %dma_start3A_24 = arith.constant 0 : i32
      %dma_start3A_25 = arith.constant 0 : i32
      %dma_start3A_26 = arith.constant 0 : i32
      %dma_start3A_27 = tpu.memref_slice %arg2[%dma_start3A_24, %add3A, %dma_start3A_25, %dma_start3A_26] : memref<25x32x8x128xi32, #tpu.memory_space<hbm>> -> memref<25x1x8x128xi32, #tpu.memory_space<hbm>>
      %dma_start3A_28 = arith.constant 0 : i32
      %dma_start3A_29 = arith.constant 0 : i32
      %dma_start3A_30 = arith.constant 0 : i32
      %dma_start3A_31 = tpu.memref_slice %arg2[%dma_start3A_28, %add3A, %dma_start3A_29, %dma_start3A_30] : memref<25x32x8x128xi32, #tpu.memory_space<hbm>> -> memref<25x1x8x128xi32, #tpu.memory_space<hbm>>
      tpu.enqueue_dma source(%dma_start3A_31 : memref<25x1x8x128xi32, #tpu.memory_space<hbm>>) target(%arg5 : memref<25x1x8x128xi32, #tpu.memory_space<vmem>>) target_semaphore(%run_scoped3A : memref<!tpu.dma_semaphore, #tpu.memory_space<semaphore_mem>>)
      %dma_wait3A = arith.constant 0 : i32
      %dma_wait3A_32 = arith.constant 0 : i32
      %dma_wait3A_33 = arith.constant 0 : i32
      %dma_wait3A_34 = tpu.memref_slice %arg2[%dma_wait3A, %add3A, %dma_wait3A_32, %dma_wait3A_33] : memref<25x32x8x128xi32, #tpu.memory_space<hbm>> -> memref<25x1x8x128xi32, #tpu.memory_space<hbm>>
      %dma_wait3A_35 = arith.constant 0 : i32
      %dma_wait3A_36 = arith.constant 0 : i32
      %dma_wait3A_37 = arith.constant 0 : i32
      %dma_wait3A_38 = tpu.memref_slice %arg2[%dma_wait3A_35, %add3A, %dma_wait3A_36, %dma_wait3A_37] : memref<25x32x8x128xi32, #tpu.memory_space<hbm>> -> memref<25x1x8x128xi32, #tpu.memory_space<hbm>>
      tpu.wait_dma2 semaphore(%run_scoped3A : memref<!tpu.dma_semaphore, #tpu.memory_space<semaphore_mem>>) src(%dma_wait3A_38 : memref<25x1x8x128xi32, #tpu.memory_space<hbm>>) dst(%arg5 : memref<25x1x8x128xi32, #tpu.memory_space<vmem>>)
      tpu.yield
    }) : () -> ()
    %dma_start3A = arith.constant 0 : i32
    %dma_start3A_3 = arith.constant 0 : i32
    %dma_start3A_4 = arith.constant 0 : i32
    %dma_start3A_5 = arith.constant 0 : i32
    %dma_start3A_6 = arith.constant 0 : i32
    %dma_start3A_7 = arith.constant 0 : i32
    %dma_start3A_8 = arith.constant 0 : i32
    %dma_start3A_9 = tpu.memref_slice %arg6[%dma_start3A_5, %dma_start3A_7, %dma_start3A_8] : memref<2x128x32xf32, #tpu.memory_space<vmem>> -> memref<1x128x32xf32, #tpu.memory_space<vmem>>
    %dma_start3A_10 = tpu.memref_squeeze %dma_start3A_9 : memref<1x128x32xf32, #tpu.memory_space<vmem>> -> memref<128x32xf32, #tpu.memory_space<vmem>>
    %dma_start3A_11 = arith.constant 0 : i32
    %dma_start3A_12 = tpu.memref_slice %arg5[%dma_start3A, %dma_start3A_3, %dma_start3A_4, %dma_start3A_11] : memref<25x1x8x128xi32, #tpu.memory_space<vmem>> -> memref<1x1x1x128xi32, #tpu.memory_space<vmem>>
    %dma_start3A_13 = tpu.memref_squeeze %dma_start3A_12 : memref<1x1x1x128xi32, #tpu.memory_space<vmem>> -> memref<128xi32, #tpu.memory_space<vmem>>
    %dma_start3A_14 = arith.constant 0 : i32
    %dma_start3A_15 = arith.constant 0 : i32
    %dma_start3A_16 = tpu.memref_slice %arg3[%dma_start3A_14, %dma_start3A_15] : memref<1000000x32xf32, #tpu.memory_space<hbm>> -> memref<1000000x32xf32, #tpu.memory_space<hbm>>
    %dma_start3A_17 = tpu.memref_slice %arg8[%dma_start3A_6] : memref<2x!tpu.dma_semaphore, #tpu.memory_space<semaphore_mem>> -> memref<1x!tpu.dma_semaphore, #tpu.memory_space<semaphore_mem>>
    %dma_start3A_18 = tpu.memref_squeeze %dma_start3A_17 : memref<1x!tpu.dma_semaphore, #tpu.memory_space<semaphore_mem>> -> memref<!tpu.dma_semaphore, #tpu.memory_space<semaphore_mem>>
    tpu.enqueue_indirect_dma source(%dma_start3A_16 : memref<1000000x32xf32, #tpu.memory_space<hbm>>) target(%dma_start3A_10 : memref<128x32xf32, #tpu.memory_space<vmem>>) offsets(%dma_start3A_13 : memref<128xi32, #tpu.memory_space<vmem>>) semaphore(%dma_start3A_18 : memref<!tpu.dma_semaphore, #tpu.memory_space<semaphore_mem>>)
    %scan3A = arith.constant 0 : i32
    %scan3A_19 = arith.constant 0 : i32
    %scan3A_20 = arith.constant 100 : i32
    %scan3A_21 = arith.addi %scan3A_19, %scan3A_20 : i32
    %scan3A_22 = arith.constant 1 : i32
    scf.for %scan3A_24 = %scan3A_19 to %scan3A_21 step %scan3A_22  : i32 {
      %mul3A_25 = arith.constant 2 : i32
      %mul3A_26 = arith.muli %scan3A_24, %mul3A_25 : i32
      %add3A_27 = arith.constant 0 : i32
      %add3A_28 = arith.addi %mul3A_26, %add3A_27 : i32
      %add3A_29 = arith.constant 1 : i32
      %add3A_30 = arith.addi %add3A_28, %add3A_29 : i32
      %lt3A = arith.constant 200 : i32
      %lt3A_31 = arith.cmpi slt, %add3A_30, %lt3A : i32
      %convert_element_type3A = arith.extui %lt3A_31 : i1 to i32
      %cond3A = arith.constant 0 : i32
      %cond3A_32 = arith.cmpi ne, %convert_element_type3A, %cond3A : i32
      scf.if %cond3A_32 {
        %add3A_157 = arith.constant 1 : i32
        %add3A_158 = arith.addi %add3A_28, %add3A_157 : i32
        %jit3A_159 = arith.constant 8 : i32
        %div3A_160 = arith.divsi %add3A_158, %jit3A_159 : i32
        %sign3A_161 = arith.constant 0 : i32
        %sign3A_162 = arith.cmpi sgt, %add3A_158, %sign3A_161 : i32
        %sign3A_163 = arith.extui %sign3A_162 : i1 to i32
        %sign3A_164 = arith.constant 0 : i32
        %sign3A_165 = arith.cmpi slt, %add3A_158, %sign3A_164 : i32
        %sign3A_166 = arith.extui %sign3A_165 : i1 to i32
        %sign3A_167 = arith.subi %sign3A_163, %sign3A_166 : i32
        %sign3A_168 = arith.constant 0 : i32
        %sign3A_169 = arith.cmpi sgt, %jit3A_159, %sign3A_168 : i32
        %sign3A_170 = arith.extui %sign3A_169 : i1 to i32
        %sign3A_171 = arith.constant 0 : i32
        %sign3A_172 = arith.cmpi slt, %jit3A_159, %sign3A_171 : i32
        %sign3A_173 = arith.extui %sign3A_172 : i1 to i32
        %sign3A_174 = arith.subi %sign3A_170, %sign3A_173 : i32
        %ne3A_175 = arith.cmpi ne, %sign3A_167, %sign3A_174 : i32
        %rem3A_176 = arith.remsi %add3A_158, %jit3A_159 : i32
        %ne3A_177 = arith.constant 0 : i32
        %ne3A_178 = arith.cmpi ne, %rem3A_176, %ne3A_177 : i32
        %and3A_179 = arith.andi %ne3A_175, %ne3A_178 : i1
        %sub3A_180 = arith.constant 1 : i32
        %sub3A_181 = arith.subi %div3A_160, %sub3A_180 : i32
        %select_n3A_182 = arith.select %and3A_179, %sub3A_181, %div3A_160 : i32
        %jit3A_183 = arith.constant 8 : i32
        %eq3A_184 = arith.constant 0 : i32
        %eq3A_185 = arith.cmpi eq, %jit3A_183, %eq3A_184 : i32
        %jit3A_186 = arith.constant 1 : i32
        %select_n3A_187 = arith.select %eq3A_185, %jit3A_186, %jit3A_183 : i32
        %rem3A_188 = arith.remsi %add3A_158, %select_n3A_187 : i32
        %ne3A_189 = arith.constant 0 : i32
        %ne3A_190 = arith.cmpi ne, %rem3A_188, %ne3A_189 : i32
        %lt3A_191 = arith.constant 0 : i32
        %lt3A_192 = arith.cmpi slt, %rem3A_188, %lt3A_191 : i32
        %lt3A_193 = arith.constant 0 : i32
        %lt3A_194 = arith.cmpi slt, %select_n3A_187, %lt3A_193 : i32
        %ne3A_195 = arith.xori %lt3A_192, %lt3A_194 : i1
        %and3A_196 = arith.andi %ne3A_195, %ne3A_190 : i1
        %add3A_197 = arith.addi %rem3A_188, %select_n3A_187 : i32
        %select_n3A_198 = arith.select %and3A_196, %add3A_197, %rem3A_188 : i32
        %dma_start3A_199 = arith.constant 0 : i32
        %dma_start3A_200 = arith.constant 1 : i32
        %dma_start3A_201 = arith.constant 1 : i32
        %dma_start3A_202 = arith.constant 0 : i32
        %dma_start3A_203 = arith.constant 0 : i32
        %dma_start3A_204 = tpu.memref_slice %arg6[%dma_start3A_200, %dma_start3A_202, %dma_start3A_203] : memref<2x128x32xf32, #tpu.memory_space<vmem>> -> memref<1x128x32xf32, #tpu.memory_space<vmem>>
        %dma_start3A_205 = tpu.memref_squeeze %dma_start3A_204 : memref<1x128x32xf32, #tpu.memory_space<vmem>> -> memref<128x32xf32, #tpu.memory_space<vmem>>
        %dma_start3A_206 = arith.constant 0 : i32
        %dma_start3A_207 = tpu.memref_slice %arg5[%select_n3A_182, %dma_start3A_199, %select_n3A_198, %dma_start3A_206] : memref<25x1x8x128xi32, #tpu.memory_space<vmem>> -> memref<1x1x1x128xi32, #tpu.memory_space<vmem>>
        %dma_start3A_208 = tpu.memref_squeeze %dma_start3A_207 : memref<1x1x1x128xi32, #tpu.memory_space<vmem>> -> memref<128xi32, #tpu.memory_space<vmem>>
        %dma_start3A_209 = arith.constant 0 : i32
        %dma_start3A_210 = arith.constant 0 : i32
        %dma_start3A_211 = tpu.memref_slice %arg3[%dma_start3A_209, %dma_start3A_210] : memref<1000000x32xf32, #tpu.memory_space<hbm>> -> memref<1000000x32xf32, #tpu.memory_space<hbm>>
        %dma_start3A_212 = tpu.memref_slice %arg8[%dma_start3A_201] : memref<2x!tpu.dma_semaphore, #tpu.memory_space<semaphore_mem>> -> memref<1x!tpu.dma_semaphore, #tpu.memory_space<semaphore_mem>>
        %dma_start3A_213 = tpu.memref_squeeze %dma_start3A_212 : memref<1x!tpu.dma_semaphore, #tpu.memory_space<semaphore_mem>> -> memref<!tpu.dma_semaphore, #tpu.memory_space<semaphore_mem>>
        tpu.enqueue_indirect_dma source(%dma_start3A_211 : memref<1000000x32xf32, #tpu.memory_space<hbm>>) target(%dma_start3A_205 : memref<128x32xf32, #tpu.memory_space<vmem>>) offsets(%dma_start3A_208 : memref<128xi32, #tpu.memory_space<vmem>>) semaphore(%dma_start3A_213 : memref<!tpu.dma_semaphore, #tpu.memory_space<semaphore_mem>>)
      } else {
      }
      %jit3A = arith.constant 8 : i32
      %div3A = arith.divsi %add3A_28, %jit3A : i32
      %sign3A = arith.constant 0 : i32
      %sign3A_33 = arith.cmpi sgt, %add3A_28, %sign3A : i32
      %sign3A_34 = arith.extui %sign3A_33 : i1 to i32
      %sign3A_35 = arith.constant 0 : i32
      %sign3A_36 = arith.cmpi slt, %add3A_28, %sign3A_35 : i32
      %sign3A_37 = arith.extui %sign3A_36 : i1 to i32
      %sign3A_38 = arith.subi %sign3A_34, %sign3A_37 : i32
      %sign3A_39 = arith.constant 0 : i32
      %sign3A_40 = arith.cmpi sgt, %jit3A, %sign3A_39 : i32
      %sign3A_41 = arith.extui %sign3A_40 : i1 to i32
      %sign3A_42 = arith.constant 0 : i32
      %sign3A_43 = arith.cmpi slt, %jit3A, %sign3A_42 : i32
      %sign3A_44 = arith.extui %sign3A_43 : i1 to i32
      %sign3A_45 = arith.subi %sign3A_41, %sign3A_44 : i32
      %ne3A = arith.cmpi ne, %sign3A_38, %sign3A_45 : i32
      %rem3A = arith.remsi %add3A_28, %jit3A : i32
      %ne3A_46 = arith.constant 0 : i32
      %ne3A_47 = arith.cmpi ne, %rem3A, %ne3A_46 : i32
      %and3A = arith.andi %ne3A, %ne3A_47 : i1
      %sub3A = arith.constant 1 : i32
      %sub3A_48 = arith.subi %div3A, %sub3A : i32
      %select_n3A = arith.select %and3A, %sub3A_48, %div3A : i32
      %jit3A_49 = arith.constant 8 : i32
      %eq3A = arith.constant 0 : i32
      %eq3A_50 = arith.cmpi eq, %jit3A_49, %eq3A : i32
      %jit3A_51 = arith.constant 1 : i32
      %select_n3A_52 = arith.select %eq3A_50, %jit3A_51, %jit3A_49 : i32
      %rem3A_53 = arith.remsi %add3A_28, %select_n3A_52 : i32
      %ne3A_54 = arith.constant 0 : i32
      %ne3A_55 = arith.cmpi ne, %rem3A_53, %ne3A_54 : i32
      %lt3A_56 = arith.constant 0 : i32
      %lt3A_57 = arith.cmpi slt, %rem3A_53, %lt3A_56 : i32
      %lt3A_58 = arith.constant 0 : i32
      %lt3A_59 = arith.cmpi slt, %select_n3A_52, %lt3A_58 : i32
      %ne3A_60 = arith.xori %lt3A_57, %lt3A_59 : i1
      %and3A_61 = arith.andi %ne3A_60, %ne3A_55 : i1
      %add3A_62 = arith.addi %rem3A_53, %select_n3A_52 : i32
      %select_n3A_63 = arith.select %and3A_61, %add3A_62, %rem3A_53 : i32
      %dma_wait3A = arith.constant 0 : i32
      %dma_wait3A_64 = arith.constant 0 : i32
      %dma_wait3A_65 = arith.constant 0 : i32
      %dma_wait3A_66 = arith.constant 0 : i32
      %dma_wait3A_67 = arith.constant 0 : i32
      %dma_wait3A_68 = tpu.memref_slice %arg6[%dma_wait3A_64, %dma_wait3A_66, %dma_wait3A_67] : memref<2x128x32xf32, #tpu.memory_space<vmem>> -> memref<1x128x32xf32, #tpu.memory_space<vmem>>
      %dma_wait3A_69 = tpu.memref_squeeze %dma_wait3A_68 : memref<1x128x32xf32, #tpu.memory_space<vmem>> -> memref<128x32xf32, #tpu.memory_space<vmem>>
      %dma_wait3A_70 = arith.constant 0 : i32
      %dma_wait3A_71 = tpu.memref_slice %arg5[%select_n3A, %dma_wait3A, %select_n3A_63, %dma_wait3A_70] : memref<25x1x8x128xi32, #tpu.memory_space<vmem>> -> memref<1x1x1x128xi32, #tpu.memory_space<vmem>>
      %dma_wait3A_72 = tpu.memref_squeeze %dma_wait3A_71 : memref<1x1x1x128xi32, #tpu.memory_space<vmem>> -> memref<128xi32, #tpu.memory_space<vmem>>
      %dma_wait3A_73 = arith.constant 0 : i32
      %dma_wait3A_74 = arith.constant 0 : i32
      %dma_wait3A_75 = tpu.memref_slice %arg3[%dma_wait3A_73, %dma_wait3A_74] : memref<1000000x32xf32, #tpu.memory_space<hbm>> -> memref<1000000x32xf32, #tpu.memory_space<hbm>>
      %dma_wait3A_76 = tpu.memref_slice %arg8[%dma_wait3A_65] : memref<2x!tpu.dma_semaphore, #tpu.memory_space<semaphore_mem>> -> memref<1x!tpu.dma_semaphore, #tpu.memory_space<semaphore_mem>>
      %dma_wait3A_77 = tpu.memref_squeeze %dma_wait3A_76 : memref<1x!tpu.dma_semaphore, #tpu.memory_space<semaphore_mem>> -> memref<!tpu.dma_semaphore, #tpu.memory_space<semaphore_mem>>
      tpu.wait_indirect_dma semaphore(%dma_wait3A_77 : memref<!tpu.dma_semaphore, #tpu.memory_space<semaphore_mem>>) src(%dma_wait3A_75 : memref<1000000x32xf32, #tpu.memory_space<hbm>>) dst(%dma_wait3A_69 : memref<128x32xf32, #tpu.memory_space<vmem>>)
      %scan3A_78 = arith.constant 0 : i32
      %scan3A_79 = arith.constant 0 : i32
      %scan3A_80 = arith.constant 32 : i32
      %scan3A_81 = arith.addi %scan3A_79, %scan3A_80 : i32
      %scan3A_82 = arith.constant 1 : i32
      scf.for %scan3A_157 = %scan3A_79 to %scan3A_81 step %scan3A_82  : i32 {
        %mul3A_158 = arith.constant 4 : i32
        %mul3A_159 = arith.muli %scan3A_157, %mul3A_158 : i32
        %add3A_160 = arith.constant 0 : i32
        %add3A_161 = arith.addi %mul3A_159, %add3A_160 : i32
        %broadcast_in_dim3A = arith.constant 0 : i32
        %broadcast_in_dim3A_162 = vector.broadcast %broadcast_in_dim3A : i32 to vector<16xi32>
        %add3A_163 = vector.broadcast %add3A_161 : i32 to vector<16xi32>
        %add3A_164 = arith.addi %broadcast_in_dim3A_162, %add3A_163 : vector<16xi32>
        %iota3A = tpu.iota {dimensions = array<i32: 0>} : vector<16xi32>
        %add3A_165 = arith.constant 0 : i32
        %add3A_166 = vector.broadcast %add3A_165 : i32 to vector<16xi32>
        %add3A_167 = arith.addi %iota3A, %add3A_166 : vector<16xi32>
        %get3A = arith.constant 0 : i32
        %get3A_168 = arith.index_cast %get3A : i32 to index
        %get3A_169 = arith.index_cast %add3A_161 : i32 to index
        %get3A_170 = arith.constant 0 : index
        %get3A_171 = tpu.vector_load %arg6[%get3A_168, %get3A_169, %get3A_170] {strides = array<i32>} : memref<2x128x32xf32, #tpu.memory_space<vmem>>, vector<16xf32>,
        %scatter3A = arith.constant 0 : i32
        %scatter3A_172 = arith.constant 0 : i32
        %scatter3A_173 = arith.constant 0 : i32
        %scatter3A_174 = tpu.memref_slice %arg7[%scatter3A, %scatter3A_172, %scatter3A_173] : memref<2x32x129xf32, #tpu.memory_space<vmem>> -> memref<1x32x129xf32, #tpu.memory_space<vmem>>
        %scatter3A_175 = tpu.memref_squeeze %scatter3A_174 : memref<1x32x129xf32, #tpu.memory_space<vmem>> -> memref<32x129xf32, #tpu.memory_space<vmem>>
        tpu.vector_store_idx %scatter3A_175[%add3A_167, %add3A_164], %get3A_171 : memref<32x129xf32, #tpu.memory_space<vmem>>[vector<16xi32>, vector<16xi32>], vector<16xf32>,
        %iota3A_176 = tpu.iota {dimensions = array<i32: 0>} : vector<16xi32>
        %add3A_177 = arith.constant 16 : i32
        %add3A_178 = vector.broadcast %add3A_177 : i32 to vector<16xi32>
        %add3A_179 = arith.addi %iota3A_176, %add3A_178 : vector<16xi32>
        %get3A_180 = arith.constant 0 : i32
        %get3A_181 = arith.index_cast %get3A_180 : i32 to index
        %get3A_182 = arith.index_cast %add3A_161 : i32 to index
        %get3A_183 = arith.constant 16 : index
        %get3A_184 = tpu.vector_load %arg6[%get3A_181, %get3A_182, %get3A_183] {strides = array<i32>} : memref<2x128x32xf32, #tpu.memory_space<vmem>>, vector<16xf32>,
        %scatter3A_185 = arith.constant 0 : i32
        %scatter3A_186 = arith.constant 0 : i32
        %scatter3A_187 = arith.constant 0 : i32
        %scatter3A_188 = tpu.memref_slice %arg7[%scatter3A_185, %scatter3A_186, %scatter3A_187] : memref<2x32x129xf32, #tpu.memory_space<vmem>> -> memref<1x32x129xf32, #tpu.memory_space<vmem>>
        %scatter3A_189 = tpu.memref_squeeze %scatter3A_188 : memref<1x32x129xf32, #tpu.memory_space<vmem>> -> memref<32x129xf32, #tpu.memory_space<vmem>>
        tpu.vector_store_idx %scatter3A_189[%add3A_179, %add3A_164], %get3A_184 : memref<32x129xf32, #tpu.memory_space<vmem>>[vector<16xi32>, vector<16xi32>], vector<16xf32>,
        %mul3A_190 = arith.constant 4 : i32
        %mul3A_191 = arith.muli %scan3A_157, %mul3A_190 : i32
        %add3A_192 = arith.constant 1 : i32
        %add3A_193 = arith.addi %mul3A_191, %add3A_192 : i32
        %broadcast_in_dim3A_194 = arith.constant 0 : i32
        %broadcast_in_dim3A_195 = vector.broadcast %broadcast_in_dim3A_194 : i32 to vector<16xi32>
        %add3A_196 = vector.broadcast %add3A_193 : i32 to vector<16xi32>
        %add3A_197 = arith.addi %broadcast_in_dim3A_195, %add3A_196 : vector<16xi32>
        %iota3A_198 = tpu.iota {dimensions = array<i32: 0>} : vector<16xi32>
        %add3A_199 = arith.constant 0 : i32
        %add3A_200 = vector.broadcast %add3A_199 : i32 to vector<16xi32>
        %add3A_201 = arith.addi %iota3A_198, %add3A_200 : vector<16xi32>
        %get3A_202 = arith.constant 0 : i32
        %get3A_203 = arith.index_cast %get3A_202 : i32 to index
        %get3A_204 = arith.index_cast %add3A_193 : i32 to index
        %get3A_205 = arith.constant 0 : index
        %get3A_206 = tpu.vector_load %arg6[%get3A_203, %get3A_204, %get3A_205] {strides = array<i32>} : memref<2x128x32xf32, #tpu.memory_space<vmem>>, vector<16xf32>,
        %scatter3A_207 = arith.constant 0 : i32
        %scatter3A_208 = arith.constant 0 : i32
        %scatter3A_209 = arith.constant 0 : i32
        %scatter3A_210 = tpu.memref_slice %arg7[%scatter3A_207, %scatter3A_208, %scatter3A_209] : memref<2x32x129xf32, #tpu.memory_space<vmem>> -> memref<1x32x129xf32, #tpu.memory_space<vmem>>
        %scatter3A_211 = tpu.memref_squeeze %scatter3A_210 : memref<1x32x129xf32, #tpu.memory_space<vmem>> -> memref<32x129xf32, #tpu.memory_space<vmem>>
        tpu.vector_store_idx %scatter3A_211[%add3A_201, %add3A_197], %get3A_206 : memref<32x129xf32, #tpu.memory_space<vmem>>[vector<16xi32>, vector<16xi32>], vector<16xf32>,
        %iota3A_212 = tpu.iota {dimensions = array<i32: 0>} : vector<16xi32>
        %add3A_213 = arith.constant 16 : i32
        %add3A_214 = vector.broadcast %add3A_213 : i32 to vector<16xi32>
        %add3A_215 = arith.addi %iota3A_212, %add3A_214 : vector<16xi32>
        %get3A_216 = arith.constant 0 : i32
        %get3A_217 = arith.index_cast %get3A_216 : i32 to index
        %get3A_218 = arith.index_cast %add3A_193 : i32 to index
        %get3A_219 = arith.constant 16 : index
        %get3A_220 = tpu.vector_load %arg6[%get3A_217, %get3A_218, %get3A_219] {strides = array<i32>} : memref<2x128x32xf32, #tpu.memory_space<vmem>>, vector<16xf32>,
        %scatter3A_221 = arith.constant 0 : i32
        %scatter3A_222 = arith.constant 0 : i32
        %scatter3A_223 = arith.constant 0 : i32
        %scatter3A_224 = tpu.memref_slice %arg7[%scatter3A_221, %scatter3A_222, %scatter3A_223] : memref<2x32x129xf32, #tpu.memory_space<vmem>> -> memref<1x32x129xf32, #tpu.memory_space<vmem>>
        %scatter3A_225 = tpu.memref_squeeze %scatter3A_224 : memref<1x32x129xf32, #tpu.memory_space<vmem>> -> memref<32x129xf32, #tpu.memory_space<vmem>>
        tpu.vector_store_idx %scatter3A_225[%add3A_215, %add3A_197], %get3A_220 : memref<32x129xf32, #tpu.memory_space<vmem>>[vector<16xi32>, vector<16xi32>], vector<16xf32>,
        %mul3A_226 = arith.constant 4 : i32
        %mul3A_227 = arith.muli %scan3A_157, %mul3A_226 : i32
        %add3A_228 = arith.constant 2 : i32
        %add3A_229 = arith.addi %mul3A_227, %add3A_228 : i32
        %broadcast_in_dim3A_230 = arith.constant 0 : i32
        %broadcast_in_dim3A_231 = vector.broadcast %broadcast_in_dim3A_230 : i32 to vector<16xi32>
        %add3A_232 = vector.broadcast %add3A_229 : i32 to vector<16xi32>
        %add3A_233 = arith.addi %broadcast_in_dim3A_231, %add3A_232 : vector<16xi32>
        %iota3A_234 = tpu.iota {dimensions = array<i32: 0>} : vector<16xi32>
        %add3A_235 = arith.constant 0 : i32
        %add3A_236 = vector.broadcast %add3A_235 : i32 to vector<16xi32>
        %add3A_237 = arith.addi %iota3A_234, %add3A_236 : vector<16xi32>
        %get3A_238 = arith.constant 0 : i32
        %get3A_239 = arith.index_cast %get3A_238 : i32 to index
        %get3A_240 = arith.index_cast %add3A_229 : i32 to index
        %get3A_241 = arith.constant 0 : index
        %get3A_242 = tpu.vector_load %arg6[%get3A_239, %get3A_240, %get3A_241] {strides = array<i32>} : memref<2x128x32xf32, #tpu.memory_space<vmem>>, vector<16xf32>,
        %scatter3A_243 = arith.constant 0 : i32
        %scatter3A_244 = arith.constant 0 : i32
        %scatter3A_245 = arith.constant 0 : i32
        %scatter3A_246 = tpu.memref_slice %arg7[%scatter3A_243, %scatter3A_244, %scatter3A_245] : memref<2x32x129xf32, #tpu.memory_space<vmem>> -> memref<1x32x129xf32, #tpu.memory_space<vmem>>
        %scatter3A_247 = tpu.memref_squeeze %scatter3A_246 : memref<1x32x129xf32, #tpu.memory_space<vmem>> -> memref<32x129xf32, #tpu.memory_space<vmem>>
        tpu.vector_store_idx %scatter3A_247[%add3A_237, %add3A_233], %get3A_242 : memref<32x129xf32, #tpu.memory_space<vmem>>[vector<16xi32>, vector<16xi32>], vector<16xf32>,
        %iota3A_248 = tpu.iota {dimensions = array<i32: 0>} : vector<16xi32>
        %add3A_249 = arith.constant 16 : i32
        %add3A_250 = vector.broadcast %add3A_249 : i32 to vector<16xi32>
        %add3A_251 = arith.addi %iota3A_248, %add3A_250 : vector<16xi32>
        %get3A_252 = arith.constant 0 : i32
        %get3A_253 = arith.index_cast %get3A_252 : i32 to index
        %get3A_254 = arith.index_cast %add3A_229 : i32 to index
        %get3A_255 = arith.constant 16 : index
        %get3A_256 = tpu.vector_load %arg6[%get3A_253, %get3A_254, %get3A_255] {strides = array<i32>} : memref<2x128x32xf32, #tpu.memory_space<vmem>>, vector<16xf32>,
        %scatter3A_257 = arith.constant 0 : i32
        %scatter3A_258 = arith.constant 0 : i32
        %scatter3A_259 = arith.constant 0 : i32
        %scatter3A_260 = tpu.memref_slice %arg7[%scatter3A_257, %scatter3A_258, %scatter3A_259] : memref<2x32x129xf32, #tpu.memory_space<vmem>> -> memref<1x32x129xf32, #tpu.memory_space<vmem>>
        %scatter3A_261 = tpu.memref_squeeze %scatter3A_260 : memref<1x32x129xf32, #tpu.memory_space<vmem>> -> memref<32x129xf32, #tpu.memory_space<vmem>>
        tpu.vector_store_idx %scatter3A_261[%add3A_251, %add3A_233], %get3A_256 : memref<32x129xf32, #tpu.memory_space<vmem>>[vector<16xi32>, vector<16xi32>], vector<16xf32>,
        %mul3A_262 = arith.constant 4 : i32
        %mul3A_263 = arith.muli %scan3A_157, %mul3A_262 : i32
        %add3A_264 = arith.constant 3 : i32
        %add3A_265 = arith.addi %mul3A_263, %add3A_264 : i32
        %broadcast_in_dim3A_266 = arith.constant 0 : i32
        %broadcast_in_dim3A_267 = vector.broadcast %broadcast_in_dim3A_266 : i32 to vector<16xi32>
        %add3A_268 = vector.broadcast %add3A_265 : i32 to vector<16xi32>
        %add3A_269 = arith.addi %broadcast_in_dim3A_267, %add3A_268 : vector<16xi32>
        %iota3A_270 = tpu.iota {dimensions = array<i32: 0>} : vector<16xi32>
        %add3A_271 = arith.constant 0 : i32
        %add3A_272 = vector.broadcast %add3A_271 : i32 to vector<16xi32>
        %add3A_273 = arith.addi %iota3A_270, %add3A_272 : vector<16xi32>
        %get3A_274 = arith.constant 0 : i32
        %get3A_275 = arith.index_cast %get3A_274 : i32 to index
        %get3A_276 = arith.index_cast %add3A_265 : i32 to index
        %get3A_277 = arith.constant 0 : index
        %get3A_278 = tpu.vector_load %arg6[%get3A_275, %get3A_276, %get3A_277] {strides = array<i32>} : memref<2x128x32xf32, #tpu.memory_space<vmem>>, vector<16xf32>,
        %scatter3A_279 = arith.constant 0 : i32
        %scatter3A_280 = arith.constant 0 : i32
        %scatter3A_281 = arith.constant 0 : i32
        %scatter3A_282 = tpu.memref_slice %arg7[%scatter3A_279, %scatter3A_280, %scatter3A_281] : memref<2x32x129xf32, #tpu.memory_space<vmem>> -> memref<1x32x129xf32, #tpu.memory_space<vmem>>
        %scatter3A_283 = tpu.memref_squeeze %scatter3A_282 : memref<1x32x129xf32, #tpu.memory_space<vmem>> -> memref<32x129xf32, #tpu.memory_space<vmem>>
        tpu.vector_store_idx %scatter3A_283[%add3A_273, %add3A_269], %get3A_278 : memref<32x129xf32, #tpu.memory_space<vmem>>[vector<16xi32>, vector<16xi32>], vector<16xf32>,
        %iota3A_284 = tpu.iota {dimensions = array<i32: 0>} : vector<16xi32>
        %add3A_285 = arith.constant 16 : i32
        %add3A_286 = vector.broadcast %add3A_285 : i32 to vector<16xi32>
        %add3A_287 = arith.addi %iota3A_284, %add3A_286 : vector<16xi32>
        %get3A_288 = arith.constant 0 : i32
        %get3A_289 = arith.index_cast %get3A_288 : i32 to index
        %get3A_290 = arith.index_cast %add3A_265 : i32 to index
        %get3A_291 = arith.constant 16 : index
        %get3A_292 = tpu.vector_load %arg6[%get3A_289, %get3A_290, %get3A_291] {strides = array<i32>} : memref<2x128x32xf32, #tpu.memory_space<vmem>>, vector<16xf32>,
        %scatter3A_293 = arith.constant 0 : i32
        %scatter3A_294 = arith.constant 0 : i32
        %scatter3A_295 = arith.constant 0 : i32
        %scatter3A_296 = tpu.memref_slice %arg7[%scatter3A_293, %scatter3A_294, %scatter3A_295] : memref<2x32x129xf32, #tpu.memory_space<vmem>> -> memref<1x32x129xf32, #tpu.memory_space<vmem>>
        %scatter3A_297 = tpu.memref_squeeze %scatter3A_296 : memref<1x32x129xf32, #tpu.memory_space<vmem>> -> memref<32x129xf32, #tpu.memory_space<vmem>>
        tpu.vector_store_idx %scatter3A_297[%add3A_287, %add3A_269], %get3A_292 : memref<32x129xf32, #tpu.memory_space<vmem>>[vector<16xi32>, vector<16xi32>], vector<16xf32>,
      }
      %scan3A_83 = arith.constant 32 : i32
      %run_scoped3A = arith.constant 0 : i32
      "tpu.region"() ({
        %run_scoped3A_157 = tpu.sem_alloc : memref<!tpu.dma_semaphore, #tpu.memory_space<semaphore_mem>>
        %dma_start3A_158 = arith.constant 0 : i32
        %dma_start3A_159 = arith.constant 0 : i32
        %dma_start3A_160 = tpu.memref_slice %arg7[%run_scoped3A, %dma_start3A_158, %dma_start3A_159] : memref<2x32x129xf32, #tpu.memory_space<vmem>> -> memref<1x32x128xf32, #tpu.memory_space<vmem>>
        %dma_start3A_161 = tpu.memref_squeeze %dma_start3A_160 : memref<1x32x128xf32, #tpu.memory_space<vmem>> -> memref<32x128xf32, #tpu.memory_space<vmem>>
        %dma_start3A_162 = arith.constant 0 : i32
        %dma_start3A_163 = tpu.memref_slice %arg4[%add3A_28, %dma_start3A_162, %mul3A_2] : memref<200x32x4096xf32, #tpu.memory_space<hbm>> -> memref<1x32x128xf32, #tpu.memory_space<hbm>>
        %dma_start3A_164 = tpu.memref_squeeze %dma_start3A_163 : memref<1x32x128xf32, #tpu.memory_space<hbm>> -> memref<32x128xf32, #tpu.memory_space<hbm>>
        %dma_start3A_165 = arith.constant 0 : i32
        %dma_start3A_166 = tpu.memref_slice %arg4[%add3A_28, %dma_start3A_165, %mul3A_2] : memref<200x32x4096xf32, #tpu.memory_space<hbm>> -> memref<1x32x128xf32, #tpu.memory_space<hbm>>
        %dma_start3A_167 = tpu.memref_squeeze %dma_start3A_166 : memref<1x32x128xf32, #tpu.memory_space<hbm>> -> memref<32x128xf32, #tpu.memory_space<hbm>>
        %dma_start3A_168 = arith.constant 0 : i32
        %dma_start3A_169 = arith.constant 0 : i32
        %dma_start3A_170 = tpu.memref_slice %arg7[%run_scoped3A, %dma_start3A_168, %dma_start3A_169] : memref<2x32x129xf32, #tpu.memory_space<vmem>> -> memref<1x32x128xf32, #tpu.memory_space<vmem>>
        %dma_start3A_171 = tpu.memref_squeeze %dma_start3A_170 : memref<1x32x128xf32, #tpu.memory_space<vmem>> -> memref<32x128xf32, #tpu.memory_space<vmem>>
        tpu.enqueue_dma source(%dma_start3A_171 : memref<32x128xf32, #tpu.memory_space<vmem>>) target(%dma_start3A_167 : memref<32x128xf32, #tpu.memory_space<hbm>>) target_semaphore(%run_scoped3A_157 : memref<!tpu.dma_semaphore, #tpu.memory_space<semaphore_mem>>)
        %dma_wait3A_172 = arith.constant 0 : i32
        %dma_wait3A_173 = arith.constant 0 : i32
        %dma_wait3A_174 = tpu.memref_slice %arg7[%run_scoped3A, %dma_wait3A_172, %dma_wait3A_173] : memref<2x32x129xf32, #tpu.memory_space<vmem>> -> memref<1x32x128xf32, #tpu.memory_space<vmem>>
        %dma_wait3A_175 = tpu.memref_squeeze %dma_wait3A_174 : memref<1x32x128xf32, #tpu.memory_space<vmem>> -> memref<32x128xf32, #tpu.memory_space<vmem>>
        %dma_wait3A_176 = arith.constant 0 : i32
        %dma_wait3A_177 = tpu.memref_slice %arg4[%add3A_28, %dma_wait3A_176, %mul3A_2] : memref<200x32x4096xf32, #tpu.memory_space<hbm>> -> memref<1x32x128xf32, #tpu.memory_space<hbm>>
        %dma_wait3A_178 = tpu.memref_squeeze %dma_wait3A_177 : memref<1x32x128xf32, #tpu.memory_space<hbm>> -> memref<32x128xf32, #tpu.memory_space<hbm>>
        %dma_wait3A_179 = arith.constant 0 : i32
        %dma_wait3A_180 = tpu.memref_slice %arg4[%add3A_28, %dma_wait3A_179, %mul3A_2] : memref<200x32x4096xf32, #tpu.memory_space<hbm>> -> memref<1x32x128xf32, #tpu.memory_space<hbm>>
        %dma_wait3A_181 = tpu.memref_squeeze %dma_wait3A_180 : memref<1x32x128xf32, #tpu.memory_space<hbm>> -> memref<32x128xf32, #tpu.memory_space<hbm>>
        %dma_wait3A_182 = arith.constant 0 : i32
        %dma_wait3A_183 = arith.constant 0 : i32
        %dma_wait3A_184 = tpu.memref_slice %arg7[%run_scoped3A, %dma_wait3A_182, %dma_wait3A_183] : memref<2x32x129xf32, #tpu.memory_space<vmem>> -> memref<1x32x128xf32, #tpu.memory_space<vmem>>
        %dma_wait3A_185 = tpu.memref_squeeze %dma_wait3A_184 : memref<1x32x128xf32, #tpu.memory_space<vmem>> -> memref<32x128xf32, #tpu.memory_space<vmem>>
        tpu.wait_dma2 semaphore(%run_scoped3A_157 : memref<!tpu.dma_semaphore, #tpu.memory_space<semaphore_mem>>) src(%dma_wait3A_185 : memref<32x128xf32, #tpu.memory_space<vmem>>) dst(%dma_wait3A_181 : memref<32x128xf32, #tpu.memory_space<hbm>>)
        tpu.yield
      }) : () -> ()
      %mul3A_84 = arith.constant 2 : i32
      %mul3A_85 = arith.muli %scan3A_24, %mul3A_84 : i32
      %add3A_86 = arith.constant 1 : i32
      %add3A_87 = arith.addi %mul3A_85, %add3A_86 : i32
      %add3A_88 = arith.constant 1 : i32
      %add3A_89 = arith.addi %add3A_87, %add3A_88 : i32
      %lt3A_90 = arith.constant 200 : i32
      %lt3A_91 = arith.cmpi slt, %add3A_89, %lt3A_90 : i32
      %convert_element_type3A_92 = arith.extui %lt3A_91 : i1 to i32
      %cond3A_93 = arith.constant 0 : i32
      %cond3A_94 = arith.cmpi ne, %convert_element_type3A_92, %cond3A_93 : i32
      scf.if %cond3A_94 {
        %add3A_157 = arith.constant 1 : i32
        %add3A_158 = arith.addi %add3A_87, %add3A_157 : i32
        %jit3A_159 = arith.constant 8 : i32
        %div3A_160 = arith.divsi %add3A_158, %jit3A_159 : i32
        %sign3A_161 = arith.constant 0 : i32
        %sign3A_162 = arith.cmpi sgt, %add3A_158, %sign3A_161 : i32
        %sign3A_163 = arith.extui %sign3A_162 : i1 to i32
        %sign3A_164 = arith.constant 0 : i32
        %sign3A_165 = arith.cmpi slt, %add3A_158, %sign3A_164 : i32
        %sign3A_166 = arith.extui %sign3A_165 : i1 to i32
        %sign3A_167 = arith.subi %sign3A_163, %sign3A_166 : i32
        %sign3A_168 = arith.constant 0 : i32
        %sign3A_169 = arith.cmpi sgt, %jit3A_159, %sign3A_168 : i32
        %sign3A_170 = arith.extui %sign3A_169 : i1 to i32
        %sign3A_171 = arith.constant 0 : i32
        %sign3A_172 = arith.cmpi slt, %jit3A_159, %sign3A_171 : i32
        %sign3A_173 = arith.extui %sign3A_172 : i1 to i32
        %sign3A_174 = arith.subi %sign3A_170, %sign3A_173 : i32
        %ne3A_175 = arith.cmpi ne, %sign3A_167, %sign3A_174 : i32
        %rem3A_176 = arith.remsi %add3A_158, %jit3A_159 : i32
        %ne3A_177 = arith.constant 0 : i32
        %ne3A_178 = arith.cmpi ne, %rem3A_176, %ne3A_177 : i32
        %and3A_179 = arith.andi %ne3A_175, %ne3A_178 : i1
        %sub3A_180 = arith.constant 1 : i32
        %sub3A_181 = arith.subi %div3A_160, %sub3A_180 : i32
        %select_n3A_182 = arith.select %and3A_179, %sub3A_181, %div3A_160 : i32
        %jit3A_183 = arith.constant 8 : i32
        %eq3A_184 = arith.constant 0 : i32
        %eq3A_185 = arith.cmpi eq, %jit3A_183, %eq3A_184 : i32
        %jit3A_186 = arith.constant 1 : i32
        %select_n3A_187 = arith.select %eq3A_185, %jit3A_186, %jit3A_183 : i32
        %rem3A_188 = arith.remsi %add3A_158, %select_n3A_187 : i32
        %ne3A_189 = arith.constant 0 : i32
        %ne3A_190 = arith.cmpi ne, %rem3A_188, %ne3A_189 : i32
        %lt3A_191 = arith.constant 0 : i32
        %lt3A_192 = arith.cmpi slt, %rem3A_188, %lt3A_191 : i32
        %lt3A_193 = arith.constant 0 : i32
        %lt3A_194 = arith.cmpi slt, %select_n3A_187, %lt3A_193 : i32
        %ne3A_195 = arith.xori %lt3A_192, %lt3A_194 : i1
        %and3A_196 = arith.andi %ne3A_195, %ne3A_190 : i1
        %add3A_197 = arith.addi %rem3A_188, %select_n3A_187 : i32
        %select_n3A_198 = arith.select %and3A_196, %add3A_197, %rem3A_188 : i32
        %dma_start3A_199 = arith.constant 0 : i32
        %dma_start3A_200 = arith.constant 0 : i32
        %dma_start3A_201 = arith.constant 0 : i32
        %dma_start3A_202 = arith.constant 0 : i32
        %dma_start3A_203 = arith.constant 0 : i32
        %dma_start3A_204 = tpu.memref_slice %arg6[%dma_start3A_200, %dma_start3A_202, %dma_start3A_203] : memref<2x128x32xf32, #tpu.memory_space<vmem>> -> memref<1x128x32xf32, #tpu.memory_space<vmem>>
        %dma_start3A_205 = tpu.memref_squeeze %dma_start3A_204 : memref<1x128x32xf32, #tpu.memory_space<vmem>> -> memref<128x32xf32, #tpu.memory_space<vmem>>
        %dma_start3A_206 = arith.constant 0 : i32
        %dma_start3A_207 = tpu.memref_slice %arg5[%select_n3A_182, %dma_start3A_199, %select_n3A_198, %dma_start3A_206] : memref<25x1x8x128xi32, #tpu.memory_space<vmem>> -> memref<1x1x1x128xi32, #tpu.memory_space<vmem>>
        %dma_start3A_208 = tpu.memref_squeeze %dma_start3A_207 : memref<1x1x1x128xi32, #tpu.memory_space<vmem>> -> memref<128xi32, #tpu.memory_space<vmem>>
        %dma_start3A_209 = arith.constant 0 : i32
        %dma_start3A_210 = arith.constant 0 : i32
        %dma_start3A_211 = tpu.memref_slice %arg3[%dma_start3A_209, %dma_start3A_210] : memref<1000000x32xf32, #tpu.memory_space<hbm>> -> memref<1000000x32xf32, #tpu.memory_space<hbm>>
        %dma_start3A_212 = tpu.memref_slice %arg8[%dma_start3A_201] : memref<2x!tpu.dma_semaphore, #tpu.memory_space<semaphore_mem>> -> memref<1x!tpu.dma_semaphore, #tpu.memory_space<semaphore_mem>>
        %dma_start3A_213 = tpu.memref_squeeze %dma_start3A_212 : memref<1x!tpu.dma_semaphore, #tpu.memory_space<semaphore_mem>> -> memref<!tpu.dma_semaphore, #tpu.memory_space<semaphore_mem>>
        tpu.enqueue_indirect_dma source(%dma_start3A_211 : memref<1000000x32xf32, #tpu.memory_space<hbm>>) target(%dma_start3A_205 : memref<128x32xf32, #tpu.memory_space<vmem>>) offsets(%dma_start3A_208 : memref<128xi32, #tpu.memory_space<vmem>>) semaphore(%dma_start3A_213 : memref<!tpu.dma_semaphore, #tpu.memory_space<semaphore_mem>>)
      } else {
      }
      %jit3A_95 = arith.constant 8 : i32
      %div3A_96 = arith.divsi %add3A_87, %jit3A_95 : i32
      %sign3A_97 = arith.constant 0 : i32
      %sign3A_98 = arith.cmpi sgt, %add3A_87, %sign3A_97 : i32
      %sign3A_99 = arith.extui %sign3A_98 : i1 to i32
      %sign3A_100 = arith.constant 0 : i32
      %sign3A_101 = arith.cmpi slt, %add3A_87, %sign3A_100 : i32
      %sign3A_102 = arith.extui %sign3A_101 : i1 to i32
      %sign3A_103 = arith.subi %sign3A_99, %sign3A_102 : i32
      %sign3A_104 = arith.constant 0 : i32
      %sign3A_105 = arith.cmpi sgt, %jit3A_95, %sign3A_104 : i32
      %sign3A_106 = arith.extui %sign3A_105 : i1 to i32
      %sign3A_107 = arith.constant 0 : i32
      %sign3A_108 = arith.cmpi slt, %jit3A_95, %sign3A_107 : i32
      %sign3A_109 = arith.extui %sign3A_108 : i1 to i32
      %sign3A_110 = arith.subi %sign3A_106, %sign3A_109 : i32
      %ne3A_111 = arith.cmpi ne, %sign3A_103, %sign3A_110 : i32
      %rem3A_112 = arith.remsi %add3A_87, %jit3A_95 : i32
      %ne3A_113 = arith.constant 0 : i32
      %ne3A_114 = arith.cmpi ne, %rem3A_112, %ne3A_113 : i32
      %and3A_115 = arith.andi %ne3A_111, %ne3A_114 : i1
      %sub3A_116 = arith.constant 1 : i32
      %sub3A_117 = arith.subi %div3A_96, %sub3A_116 : i32
      %select_n3A_118 = arith.select %and3A_115, %sub3A_117, %div3A_96 : i32
      %jit3A_119 = arith.constant 8 : i32
      %eq3A_120 = arith.constant 0 : i32
      %eq3A_121 = arith.cmpi eq, %jit3A_119, %eq3A_120 : i32
      %jit3A_122 = arith.constant 1 : i32
      %select_n3A_123 = arith.select %eq3A_121, %jit3A_122, %jit3A_119 : i32
      %rem3A_124 = arith.remsi %add3A_87, %select_n3A_123 : i32
      %ne3A_125 = arith.constant 0 : i32
      %ne3A_126 = arith.cmpi ne, %rem3A_124, %ne3A_125 : i32
      %lt3A_127 = arith.constant 0 : i32
      %lt3A_128 = arith.cmpi slt, %rem3A_124, %lt3A_127 : i32
      %lt3A_129 = arith.constant 0 : i32
      %lt3A_130 = arith.cmpi slt, %select_n3A_123, %lt3A_129 : i32
      %ne3A_131 = arith.xori %lt3A_128, %lt3A_130 : i1
      %and3A_132 = arith.andi %ne3A_131, %ne3A_126 : i1
      %add3A_133 = arith.addi %rem3A_124, %select_n3A_123 : i32
      %select_n3A_134 = arith.select %and3A_132, %add3A_133, %rem3A_124 : i32
      %dma_wait3A_135 = arith.constant 0 : i32
      %dma_wait3A_136 = arith.constant 1 : i32
      %dma_wait3A_137 = arith.constant 1 : i32
      %dma_wait3A_138 = arith.constant 0 : i32
      %dma_wait3A_139 = arith.constant 0 : i32
      %dma_wait3A_140 = tpu.memref_slice %arg6[%dma_wait3A_136, %dma_wait3A_138, %dma_wait3A_139] : memref<2x128x32xf32, #tpu.memory_space<vmem>> -> memref<1x128x32xf32, #tpu.memory_space<vmem>>
      %dma_wait3A_141 = tpu.memref_squeeze %dma_wait3A_140 : memref<1x128x32xf32, #tpu.memory_space<vmem>> -> memref<128x32xf32, #tpu.memory_space<vmem>>
      %dma_wait3A_142 = arith.constant 0 : i32
      %dma_wait3A_143 = tpu.memref_slice %arg5[%select_n3A_118, %dma_wait3A_135, %select_n3A_134, %dma_wait3A_142] : memref<25x1x8x128xi32, #tpu.memory_space<vmem>> -> memref<1x1x1x128xi32, #tpu.memory_space<vmem>>
      %dma_wait3A_144 = tpu.memref_squeeze %dma_wait3A_143 : memref<1x1x1x128xi32, #tpu.memory_space<vmem>> -> memref<128xi32, #tpu.memory_space<vmem>>
      %dma_wait3A_145 = arith.constant 0 : i32
      %dma_wait3A_146 = arith.constant 0 : i32
      %dma_wait3A_147 = tpu.memref_slice %arg3[%dma_wait3A_145, %dma_wait3A_146] : memref<1000000x32xf32, #tpu.memory_space<hbm>> -> memref<1000000x32xf32, #tpu.memory_space<hbm>>
      %dma_wait3A_148 = tpu.memref_slice %arg8[%dma_wait3A_137] : memref<2x!tpu.dma_semaphore, #tpu.memory_space<semaphore_mem>> -> memref<1x!tpu.dma_semaphore, #tpu.memory_space<semaphore_mem>>
      %dma_wait3A_149 = tpu.memref_squeeze %dma_wait3A_148 : memref<1x!tpu.dma_semaphore, #tpu.memory_space<semaphore_mem>> -> memref<!tpu.dma_semaphore, #tpu.memory_space<semaphore_mem>>
      tpu.wait_indirect_dma semaphore(%dma_wait3A_149 : memref<!tpu.dma_semaphore, #tpu.memory_space<semaphore_mem>>) src(%dma_wait3A_147 : memref<1000000x32xf32, #tpu.memory_space<hbm>>) dst(%dma_wait3A_141 : memref<128x32xf32, #tpu.memory_space<vmem>>)
      %scan3A_150 = arith.constant 0 : i32
      %scan3A_151 = arith.constant 0 : i32
      %scan3A_152 = arith.constant 32 : i32
      %scan3A_153 = arith.addi %scan3A_151, %scan3A_152 : i32
      %scan3A_154 = arith.constant 1 : i32
      scf.for %scan3A_157 = %scan3A_151 to %scan3A_153 step %scan3A_154  : i32 {
        %mul3A_158 = arith.constant 4 : i32
        %mul3A_159 = arith.muli %scan3A_157, %mul3A_158 : i32
        %add3A_160 = arith.constant 0 : i32
        %add3A_161 = arith.addi %mul3A_159, %add3A_160 : i32
        %broadcast_in_dim3A = arith.constant 0 : i32
        %broadcast_in_dim3A_162 = vector.broadcast %broadcast_in_dim3A : i32 to vector<16xi32>
        %add3A_163 = vector.broadcast %add3A_161 : i32 to vector<16xi32>
        %add3A_164 = arith.addi %broadcast_in_dim3A_162, %add3A_163 : vector<16xi32>
        %iota3A = tpu.iota {dimensions = array<i32: 0>} : vector<16xi32>
        %add3A_165 = arith.constant 0 : i32
        %add3A_166 = vector.broadcast %add3A_165 : i32 to vector<16xi32>
        %add3A_167 = arith.addi %iota3A, %add3A_166 : vector<16xi32>
        %get3A = arith.constant 1 : i32
        %get3A_168 = arith.index_cast %get3A : i32 to index
        %get3A_169 = arith.index_cast %add3A_161 : i32 to index
        %get3A_170 = arith.constant 0 : index
        %get3A_171 = tpu.vector_load %arg6[%get3A_168, %get3A_169, %get3A_170] {strides = array<i32>} : memref<2x128x32xf32, #tpu.memory_space<vmem>>, vector<16xf32>,
        %scatter3A = arith.constant 1 : i32
        %scatter3A_172 = arith.constant 0 : i32
        %scatter3A_173 = arith.constant 0 : i32
        %scatter3A_174 = tpu.memref_slice %arg7[%scatter3A, %scatter3A_172, %scatter3A_173] : memref<2x32x129xf32, #tpu.memory_space<vmem>> -> memref<1x32x129xf32, #tpu.memory_space<vmem>>
        %scatter3A_175 = tpu.memref_squeeze %scatter3A_174 : memref<1x32x129xf32, #tpu.memory_space<vmem>> -> memref<32x129xf32, #tpu.memory_space<vmem>>
        tpu.vector_store_idx %scatter3A_175[%add3A_167, %add3A_164], %get3A_171 : memref<32x129xf32, #tpu.memory_space<vmem>>[vector<16xi32>, vector<16xi32>], vector<16xf32>,
        %iota3A_176 = tpu.iota {dimensions = array<i32: 0>} : vector<16xi32>
        %add3A_177 = arith.constant 16 : i32
        %add3A_178 = vector.broadcast %add3A_177 : i32 to vector<16xi32>
        %add3A_179 = arith.addi %iota3A_176, %add3A_178 : vector<16xi32>
        %get3A_180 = arith.constant 1 : i32
        %get3A_181 = arith.index_cast %get3A_180 : i32 to index
        %get3A_182 = arith.index_cast %add3A_161 : i32 to index
        %get3A_183 = arith.constant 16 : index
        %get3A_184 = tpu.vector_load %arg6[%get3A_181, %get3A_182, %get3A_183] {strides = array<i32>} : memref<2x128x32xf32, #tpu.memory_space<vmem>>, vector<16xf32>,
        %scatter3A_185 = arith.constant 1 : i32
        %scatter3A_186 = arith.constant 0 : i32
        %scatter3A_187 = arith.constant 0 : i32
        %scatter3A_188 = tpu.memref_slice %arg7[%scatter3A_185, %scatter3A_186, %scatter3A_187] : memref<2x32x129xf32, #tpu.memory_space<vmem>> -> memref<1x32x129xf32, #tpu.memory_space<vmem>>
        %scatter3A_189 = tpu.memref_squeeze %scatter3A_188 : memref<1x32x129xf32, #tpu.memory_space<vmem>> -> memref<32x129xf32, #tpu.memory_space<vmem>>
        tpu.vector_store_idx %scatter3A_189[%add3A_179, %add3A_164], %get3A_184 : memref<32x129xf32, #tpu.memory_space<vmem>>[vector<16xi32>, vector<16xi32>], vector<16xf32>,
        %mul3A_190 = arith.constant 4 : i32
        %mul3A_191 = arith.muli %scan3A_157, %mul3A_190 : i32
        %add3A_192 = arith.constant 1 : i32
        %add3A_193 = arith.addi %mul3A_191, %add3A_192 : i32
        %broadcast_in_dim3A_194 = arith.constant 0 : i32
        %broadcast_in_dim3A_195 = vector.broadcast %broadcast_in_dim3A_194 : i32 to vector<16xi32>
        %add3A_196 = vector.broadcast %add3A_193 : i32 to vector<16xi32>
        %add3A_197 = arith.addi %broadcast_in_dim3A_195, %add3A_196 : vector<16xi32>
        %iota3A_198 = tpu.iota {dimensions = array<i32: 0>} : vector<16xi32>
        %add3A_199 = arith.constant 0 : i32
        %add3A_200 = vector.broadcast %add3A_199 : i32 to vector<16xi32>
        %add3A_201 = arith.addi %iota3A_198, %add3A_200 : vector<16xi32>
        %get3A_202 = arith.constant 1 : i32
        %get3A_203 = arith.index_cast %get3A_202 : i32 to index
        %get3A_204 = arith.index_cast %add3A_193 : i32 to index
        %get3A_205 = arith.constant 0 : index
        %get3A_206 = tpu.vector_load %arg6[%get3A_203, %get3A_204, %get3A_205] {strides = array<i32>} : memref<2x128x32xf32, #tpu.memory_space<vmem>>, vector<16xf32>,
        %scatter3A_207 = arith.constant 1 : i32
        %scatter3A_208 = arith.constant 0 : i32
        %scatter3A_209 = arith.constant 0 : i32
        %scatter3A_210 = tpu.memref_slice %arg7[%scatter3A_207, %scatter3A_208, %scatter3A_209] : memref<2x32x129xf32, #tpu.memory_space<vmem>> -> memref<1x32x129xf32, #tpu.memory_space<vmem>>
        %scatter3A_211 = tpu.memref_squeeze %scatter3A_210 : memref<1x32x129xf32, #tpu.memory_space<vmem>> -> memref<32x129xf32, #tpu.memory_space<vmem>>
        tpu.vector_store_idx %scatter3A_211[%add3A_201, %add3A_197], %get3A_206 : memref<32x129xf32, #tpu.memory_space<vmem>>[vector<16xi32>, vector<16xi32>], vector<16xf32>,
        %iota3A_212 = tpu.iota {dimensions = array<i32: 0>} : vector<16xi32>
        %add3A_213 = arith.constant 16 : i32
        %add3A_214 = vector.broadcast %add3A_213 : i32 to vector<16xi32>
        %add3A_215 = arith.addi %iota3A_212, %add3A_214 : vector<16xi32>
        %get3A_216 = arith.constant 1 : i32
        %get3A_217 = arith.index_cast %get3A_216 : i32 to index
        %get3A_218 = arith.index_cast %add3A_193 : i32 to index
        %get3A_219 = arith.constant 16 : index
        %get3A_220 = tpu.vector_load %arg6[%get3A_217, %get3A_218, %get3A_219] {strides = array<i32>} : memref<2x128x32xf32, #tpu.memory_space<vmem>>, vector<16xf32>,
        %scatter3A_221 = arith.constant 1 : i32
        %scatter3A_222 = arith.constant 0 : i32
        %scatter3A_223 = arith.constant 0 : i32
        %scatter3A_224 = tpu.memref_slice %arg7[%scatter3A_221, %scatter3A_222, %scatter3A_223] : memref<2x32x129xf32, #tpu.memory_space<vmem>> -> memref<1x32x129xf32, #tpu.memory_space<vmem>>
        %scatter3A_225 = tpu.memref_squeeze %scatter3A_224 : memref<1x32x129xf32, #tpu.memory_space<vmem>> -> memref<32x129xf32, #tpu.memory_space<vmem>>
        tpu.vector_store_idx %scatter3A_225[%add3A_215, %add3A_197], %get3A_220 : memref<32x129xf32, #tpu.memory_space<vmem>>[vector<16xi32>, vector<16xi32>], vector<16xf32>,
        %mul3A_226 = arith.constant 4 : i32
        %mul3A_227 = arith.muli %scan3A_157, %mul3A_226 : i32
        %add3A_228 = arith.constant 2 : i32
        %add3A_229 = arith.addi %mul3A_227, %add3A_228 : i32
        %broadcast_in_dim3A_230 = arith.constant 0 : i32
        %broadcast_in_dim3A_231 = vector.broadcast %broadcast_in_dim3A_230 : i32 to vector<16xi32>
        %add3A_232 = vector.broadcast %add3A_229 : i32 to vector<16xi32>
        %add3A_233 = arith.addi %broadcast_in_dim3A_231, %add3A_232 : vector<16xi32>
        %iota3A_234 = tpu.iota {dimensions = array<i32: 0>} : vector<16xi32>
        %add3A_235 = arith.constant 0 : i32
        %add3A_236 = vector.broadcast %add3A_235 : i32 to vector<16xi32>
        %add3A_237 = arith.addi %iota3A_234, %add3A_236 : vector<16xi32>
        %get3A_238 = arith.constant 1 : i32
        %get3A_239 = arith.index_cast %get3A_238 : i32 to index
        %get3A_240 = arith.index_cast %add3A_229 : i32 to index
        %get3A_241 = arith.constant 0 : index
        %get3A_242 = tpu.vector_load %arg6[%get3A_239, %get3A_240, %get3A_241] {strides = array<i32>} : memref<2x128x32xf32, #tpu.memory_space<vmem>>, vector<16xf32>,
        %scatter3A_243 = arith.constant 1 : i32
        %scatter3A_244 = arith.constant 0 : i32
        %scatter3A_245 = arith.constant 0 : i32
        %scatter3A_246 = tpu.memref_slice %arg7[%scatter3A_243, %scatter3A_244, %scatter3A_245] : memref<2x32x129xf32, #tpu.memory_space<vmem>> -> memref<1x32x129xf32, #tpu.memory_space<vmem>>
        %scatter3A_247 = tpu.memref_squeeze %scatter3A_246 : memref<1x32x129xf32, #tpu.memory_space<vmem>> -> memref<32x129xf32, #tpu.memory_space<vmem>>
        tpu.vector_store_idx %scatter3A_247[%add3A_237, %add3A_233], %get3A_242 : memref<32x129xf32, #tpu.memory_space<vmem>>[vector<16xi32>, vector<16xi32>], vector<16xf32>,
        %iota3A_248 = tpu.iota {dimensions = array<i32: 0>} : vector<16xi32>
        %add3A_249 = arith.constant 16 : i32
        %add3A_250 = vector.broadcast %add3A_249 : i32 to vector<16xi32>
        %add3A_251 = arith.addi %iota3A_248, %add3A_250 : vector<16xi32>
        %get3A_252 = arith.constant 1 : i32
        %get3A_253 = arith.index_cast %get3A_252 : i32 to index
        %get3A_254 = arith.index_cast %add3A_229 : i32 to index
        %get3A_255 = arith.constant 16 : index
        %get3A_256 = tpu.vector_load %arg6[%get3A_253, %get3A_254, %get3A_255] {strides = array<i32>} : memref<2x128x32xf32, #tpu.memory_space<vmem>>, vector<16xf32>,
        %scatter3A_257 = arith.constant 1 : i32
        %scatter3A_258 = arith.constant 0 : i32
        %scatter3A_259 = arith.constant 0 : i32
        %scatter3A_260 = tpu.memref_slice %arg7[%scatter3A_257, %scatter3A_258, %scatter3A_259] : memref<2x32x129xf32, #tpu.memory_space<vmem>> -> memref<1x32x129xf32, #tpu.memory_space<vmem>>
        %scatter3A_261 = tpu.memref_squeeze %scatter3A_260 : memref<1x32x129xf32, #tpu.memory_space<vmem>> -> memref<32x129xf32, #tpu.memory_space<vmem>>
        tpu.vector_store_idx %scatter3A_261[%add3A_251, %add3A_233], %get3A_256 : memref<32x129xf32, #tpu.memory_space<vmem>>[vector<16xi32>, vector<16xi32>], vector<16xf32>,
        %mul3A_262 = arith.constant 4 : i32
        %mul3A_263 = arith.muli %scan3A_157, %mul3A_262 : i32
        %add3A_264 = arith.constant 3 : i32
        %add3A_265 = arith.addi %mul3A_263, %add3A_264 : i32
        %broadcast_in_dim3A_266 = arith.constant 0 : i32
        %broadcast_in_dim3A_267 = vector.broadcast %broadcast_in_dim3A_266 : i32 to vector<16xi32>
        %add3A_268 = vector.broadcast %add3A_265 : i32 to vector<16xi32>
        %add3A_269 = arith.addi %broadcast_in_dim3A_267, %add3A_268 : vector<16xi32>
        %iota3A_270 = tpu.iota {dimensions = array<i32: 0>} : vector<16xi32>
        %add3A_271 = arith.constant 0 : i32
        %add3A_272 = vector.broadcast %add3A_271 : i32 to vector<16xi32>
        %add3A_273 = arith.addi %iota3A_270, %add3A_272 : vector<16xi32>
        %get3A_274 = arith.constant 1 : i32
        %get3A_275 = arith.index_cast %get3A_274 : i32 to index
        %get3A_276 = arith.index_cast %add3A_265 : i32 to index
        %get3A_277 = arith.constant 0 : index
        %get3A_278 = tpu.vector_load %arg6[%get3A_275, %get3A_276, %get3A_277] {strides = array<i32>} : memref<2x128x32xf32, #tpu.memory_space<vmem>>, vector<16xf32>,
        %scatter3A_279 = arith.constant 1 : i32
        %scatter3A_280 = arith.constant 0 : i32
        %scatter3A_281 = arith.constant 0 : i32
        %scatter3A_282 = tpu.memref_slice %arg7[%scatter3A_279, %scatter3A_280, %scatter3A_281] : memref<2x32x129xf32, #tpu.memory_space<vmem>> -> memref<1x32x129xf32, #tpu.memory_space<vmem>>
        %scatter3A_283 = tpu.memref_squeeze %scatter3A_282 : memref<1x32x129xf32, #tpu.memory_space<vmem>> -> memref<32x129xf32, #tpu.memory_space<vmem>>
        tpu.vector_store_idx %scatter3A_283[%add3A_273, %add3A_269], %get3A_278 : memref<32x129xf32, #tpu.memory_space<vmem>>[vector<16xi32>, vector<16xi32>], vector<16xf32>,
        %iota3A_284 = tpu.iota {dimensions = array<i32: 0>} : vector<16xi32>
        %add3A_285 = arith.constant 16 : i32
        %add3A_286 = vector.broadcast %add3A_285 : i32 to vector<16xi32>
        %add3A_287 = arith.addi %iota3A_284, %add3A_286 : vector<16xi32>
        %get3A_288 = arith.constant 1 : i32
        %get3A_289 = arith.index_cast %get3A_288 : i32 to index
        %get3A_290 = arith.index_cast %add3A_265 : i32 to index
        %get3A_291 = arith.constant 16 : index
        %get3A_292 = tpu.vector_load %arg6[%get3A_289, %get3A_290, %get3A_291] {strides = array<i32>} : memref<2x128x32xf32, #tpu.memory_space<vmem>>, vector<16xf32>,
        %scatter3A_293 = arith.constant 1 : i32
        %scatter3A_294 = arith.constant 0 : i32
        %scatter3A_295 = arith.constant 0 : i32
        %scatter3A_296 = tpu.memref_slice %arg7[%scatter3A_293, %scatter3A_294, %scatter3A_295] : memref<2x32x129xf32, #tpu.memory_space<vmem>> -> memref<1x32x129xf32, #tpu.memory_space<vmem>>
        %scatter3A_297 = tpu.memref_squeeze %scatter3A_296 : memref<1x32x129xf32, #tpu.memory_space<vmem>> -> memref<32x129xf32, #tpu.memory_space<vmem>>
        tpu.vector_store_idx %scatter3A_297[%add3A_287, %add3A_269], %get3A_292 : memref<32x129xf32, #tpu.memory_space<vmem>>[vector<16xi32>, vector<16xi32>], vector<16xf32>,
      }
      %scan3A_155 = arith.constant 32 : i32
      %run_scoped3A_156 = arith.constant 1 : i32
      "tpu.region"() ({
        %run_scoped3A_157 = tpu.sem_alloc : memref<!tpu.dma_semaphore, #tpu.memory_space<semaphore_mem>>
        %dma_start3A_158 = arith.constant 0 : i32
        %dma_start3A_159 = arith.constant 0 : i32
        %dma_start3A_160 = tpu.memref_slice %arg7[%run_scoped3A_156, %dma_start3A_158, %dma_start3A_159] : memref<2x32x129xf32, #tpu.memory_space<vmem>> -> memref<1x32x128xf32, #tpu.memory_space<vmem>>
        %dma_start3A_161 = tpu.memref_squeeze %dma_start3A_160 : memref<1x32x128xf32, #tpu.memory_space<vmem>> -> memref<32x128xf32, #tpu.memory_space<vmem>>
        %dma_start3A_162 = arith.constant 0 : i32
        %dma_start3A_163 = tpu.memref_slice %arg4[%add3A_87, %dma_start3A_162, %mul3A_2] : memref<200x32x4096xf32, #tpu.memory_space<hbm>> -> memref<1x32x128xf32, #tpu.memory_space<hbm>>
        %dma_start3A_164 = tpu.memref_squeeze %dma_start3A_163 : memref<1x32x128xf32, #tpu.memory_space<hbm>> -> memref<32x128xf32, #tpu.memory_space<hbm>>
        %dma_start3A_165 = arith.constant 0 : i32
        %dma_start3A_166 = tpu.memref_slice %arg4[%add3A_87, %dma_start3A_165, %mul3A_2] : memref<200x32x4096xf32, #tpu.memory_space<hbm>> -> memref<1x32x128xf32, #tpu.memory_space<hbm>>
        %dma_start3A_167 = tpu.memref_squeeze %dma_start3A_166 : memref<1x32x128xf32, #tpu.memory_space<hbm>> -> memref<32x128xf32, #tpu.memory_space<hbm>>
        %dma_start3A_168 = arith.constant 0 : i32
        %dma_start3A_169 = arith.constant 0 : i32
        %dma_start3A_170 = tpu.memref_slice %arg7[%run_scoped3A_156, %dma_start3A_168, %dma_start3A_169] : memref<2x32x129xf32, #tpu.memory_space<vmem>> -> memref<1x32x128xf32, #tpu.memory_space<vmem>>
        %dma_start3A_171 = tpu.memref_squeeze %dma_start3A_170 : memref<1x32x128xf32, #tpu.memory_space<vmem>> -> memref<32x128xf32, #tpu.memory_space<vmem>>
        tpu.enqueue_dma source(%dma_start3A_171 : memref<32x128xf32, #tpu.memory_space<vmem>>) target(%dma_start3A_167 : memref<32x128xf32, #tpu.memory_space<hbm>>) target_semaphore(%run_scoped3A_157 : memref<!tpu.dma_semaphore, #tpu.memory_space<semaphore_mem>>)
        %dma_wait3A_172 = arith.constant 0 : i32
        %dma_wait3A_173 = arith.constant 0 : i32
        %dma_wait3A_174 = tpu.memref_slice %arg7[%run_scoped3A_156, %dma_wait3A_172, %dma_wait3A_173] : memref<2x32x129xf32, #tpu.memory_space<vmem>> -> memref<1x32x128xf32, #tpu.memory_space<vmem>>
        %dma_wait3A_175 = tpu.memref_squeeze %dma_wait3A_174 : memref<1x32x128xf32, #tpu.memory_space<vmem>> -> memref<32x128xf32, #tpu.memory_space<vmem>>
        %dma_wait3A_176 = arith.constant 0 : i32
        %dma_wait3A_177 = tpu.memref_slice %arg4[%add3A_87, %dma_wait3A_176, %mul3A_2] : memref<200x32x4096xf32, #tpu.memory_space<hbm>> -> memref<1x32x128xf32, #tpu.memory_space<hbm>>
        %dma_wait3A_178 = tpu.memref_squeeze %dma_wait3A_177 : memref<1x32x128xf32, #tpu.memory_space<hbm>> -> memref<32x128xf32, #tpu.memory_space<hbm>>
        %dma_wait3A_179 = arith.constant 0 : i32
        %dma_wait3A_180 = tpu.memref_slice %arg4[%add3A_87, %dma_wait3A_179, %mul3A_2] : memref<200x32x4096xf32, #tpu.memory_space<hbm>> -> memref<1x32x128xf32, #tpu.memory_space<hbm>>
        %dma_wait3A_181 = tpu.memref_squeeze %dma_wait3A_180 : memref<1x32x128xf32, #tpu.memory_space<hbm>> -> memref<32x128xf32, #tpu.memory_space<hbm>>
        %dma_wait3A_182 = arith.constant 0 : i32
        %dma_wait3A_183 = arith.constant 0 : i32
        %dma_wait3A_184 = tpu.memref_slice %arg7[%run_scoped3A_156, %dma_wait3A_182, %dma_wait3A_183] : memref<2x32x129xf32, #tpu.memory_space<vmem>> -> memref<1x32x128xf32, #tpu.memory_space<vmem>>
        %dma_wait3A_185 = tpu.memref_squeeze %dma_wait3A_184 : memref<1x32x128xf32, #tpu.memory_space<vmem>> -> memref<32x128xf32, #tpu.memory_space<vmem>>
        tpu.wait_dma2 semaphore(%run_scoped3A_157 : memref<!tpu.dma_semaphore, #tpu.memory_space<semaphore_mem>>) src(%dma_wait3A_185 : memref<32x128xf32, #tpu.memory_space<vmem>>) dst(%dma_wait3A_181 : memref<32x128xf32, #tpu.memory_space<hbm>>)
        tpu.yield
      }) : () -> ()
    }
    %scan3A_23 = arith.constant 100 : i32
    return
  }
}

</mosaic_0001>

<sc_bundles>
// kernel: kernel.4.cloned.1.call-start
scs
__scs_entry_jumppad:
0x0: {  	(pc) =	sbr.rel $0x88, $3  }
0x1: {  	(tag) =	ssettag $0x0;
	lr =	simm.s32 $0x1  }
0x2: {  	[smem:$0x3F9D] =	sst lr;
	_ =	strace $0xD0000000  }
0x3: {  	_ = 	snop  }
0x4: {  	_ = 	snop  }
0x5: {  	_ = 	snop  }
0x6: {  	_ = 	snop  }
0x7: {  	_ = 	snop  }
__scs_overlays_trampoline_lowered:
0x8: {  	[smem:$0x3FAC] =	sst s0  }
0x9: {  	[smem:$0x3FAD] =	sst s1  }
0xa: {  	[smem:$0x3FAE] =	sst s2  }
0xb: {  	[smem:$0x3FAF] =	sst s3  }
0xc: {  	[smem:$0x3FB0] =	sst s4  }
0xd: {  	[smem:$0x3FB1] =	sst s5  }
0xe: {  	[smem:$0x3FB2] =	sst s6  }
0xf: {  	[smem:$0x3FB3] =	sst s7  }
0x10: {  	[smem:$0x3FB4] =	sst s8  }
0x11: {  	[smem:$0x3FB5] =	sst s9;
	s0 =	simm.s32 @!p0 $0x0  }
0x12: {  	s1 =	sld [smem:$0x3F9B];
	s0 =	simm.s32 @p0 $0x1  }
0x13: {  	[smem:$0x3FB6] =	sst s0;
	s0 =	simm.s32 @!p1 $0x0  }
0x14: {  	s2 =	sld [smem:$0x3F9A];
	s0 =	simm.s32 @p1 $0x1  }
0x15: {  	[smem:$0x3FB7] =	sst s0;
	s0 =	simm.s32 @!p2 $0x0  }
0x16: {  	s3 =	sld [smem:$0x3FDB];
	s0 =	simm.s32 @p2 $0x1  }
0x17: {  	s4 =	simm.s32 $0x1BF5;
	[smem:$0x3FB9] =	sst s0  }
0x18: {  	s0 =	sld [smem:$0x3F9C];
	_ =	swait.ge [sflag:s4], $0x0  }
0x19: {  	s7 =	sld [smem:$0x3F9D]  }
0x1a: {  	s8 =	sadd.s32 $0xFFFFE003, lr  }
0x1b: {  	s9 =	sadd.s32 $0xFFFFFEF7, lr;
	s5 =	simm.s32 $0xFFFFFFFF;
	p2 =	slt.u32 s8, $0xFFFFF086  }
0x1c: {  	p1 =	slt.u32 s9, $0xF7A;
	s5 =	simm.s32 @!p2 $0x0  }
0x1d: {  	s5 =	simm.s32 @p1 $0x1;
	p0 =	seq.s32 s7, s2  }
0x1e: {  	s7 =	smul.u32 @!p0 $0xF7A, s2;
	p2 =	seq.s32 @!p0 s5, $0x0  }
0x1f: {  	s9 =	smul.u32 $0xF7A, s1;
	s8 =	simm.s32 @!p0 $0x1BF5;
	p2 =	por !p2, p0  }
0x20: {  	[sflag:s8] =	ssyncset.s32 @!p0 $0xFFFFF086;
	s6 =	sadd.s32 @!p0 s3, s7;
	s7 =	simm.s32 @!p0 $0x108  }
0x21: {  	s3 =	sadd.s32 s3, s9;
	s6 =	sadd.s32 @!p0 $0x88, s6;
	s7 =	simm.s32 @p2 $0x1082  }
0x22: {  	[simem:s7], [sflag:s8] =	dma.local @!p0 [hbm:s6], $0xF7A  }
0x23: {  	s9 =	sor.u32 $0xD0000000, s2;
	s6 =	simm.s32 $0x108;
	_ =	swait.ge @!p0 [sflag:s8], $0x0  }
0x24: {  	s3 =	sadd.s32 $0x88, s3;
	s6 =	simm.s32 @!p1 $0x1082;
	[sflag:s4] =	ssyncset.s32 $0xFFFFF086  }
0x25: {  	[simem:s6], [sflag:s4] =	dma.local [hbm:s3], $0xF7A  }
0x26: {  	[smem:$0x3F9D] =	sst s1;
	(tag) =	ssettag s2;
	_ =	strace s9  }
0x27: {  	s1 =	sld [smem:$0x3FAD]  }
0x28: {  	s2 =	sld [smem:$0x3FAE]  }
0x29: {  	s4 =	sld [smem:$0x3FB0]  }
0x2a: {  	p0 =	seq.s32 s5, $0x0;
	s5 =	sld [smem:$0x3FB1]  }
0x2b: {  	s6 =	sld [smem:$0x3FB2]  }
0x2c: {  	s7 =	sld [smem:$0x3FB3]  }
0x2d: {  	s3 =	simm.s32 $0x108;
	s8 =	sld [smem:$0x3FB4]  }
0x2e: {  	s3 =	simm.s32 @!p0 $0x1082;
	s9 =	sld [smem:$0x3FB5]  }
0x2f: {  	lr =	sadd.s32 s0, s3;
	s0 =	sld [smem:$0x3FAC]  }
0x30: {  	s3 =	sld [smem:$0x3FAF]  }
0x31: {  	[smem:$0x3FB8] =	sst s10  }
0x32: {  	s10 =	sld [smem:$0x3FB6];
	_ =	sdelay $0x3  }
0x33: {  	p0 =	seq.s32 s10, $0x1;
	s10 =	sld [smem:$0x3FB8];
	_ =	sdelay $0x3  }
0x34: {  	[smem:$0x3FB8] =	sst s10  }
0x35: {  	s10 =	sld [smem:$0x3FB7];
	_ =	sdelay $0x3  }
0x36: {  	p1 =	seq.s32 s10, $0x1;
	s10 =	sld [smem:$0x3FB8];
	_ =	sdelay $0x3  }
0x37: {  	[smem:$0x3FB8] =	sst s10  }
0x38: {  	s10 =	sld [smem:$0x3FB9]  }
0x39: {  	_ = 	snop;
	(pc) =	sbr.ind lr, $3  }
0x3a: {  	_ = 	snop  }
0x3b: {  	_ = 	snop  }
0x3c: {  	p2 =	seq.s32 s10, $0x1;
	s10 =	sld [smem:$0x3FB8]  }
0x3d: {  	_ =	shalt  }
0x3e: {  	_ =	shalt  }
0x3f: {  	_ =	shalt  }
0x40: {  	_ =	shalt  }
0x41: {  	_ =	shalt  }
0x42: {  	_ =	shalt  }
0x43: {  	_ =	shalt  }
0x44: {  	_ =	shalt  }
0x45: {  	_ =	shalt  }
0x46: {  	_ =	shalt  }
0x47: {  	_ =	shalt  }
0x48: {  	_ =	shalt  }
0x49: {  	_ =	shalt  }
0x4a: {  	_ =	shalt  }
0x4b: {  	_ =	shalt  }
0x4c: {  	_ =	shalt  }
0x4d: {  	_ =	shalt  }
0x4e: {  	_ =	shalt  }
0x4f: {  	_ =	shalt  }
0x50: {  	_ =	shalt  }
0x51: {  	_ =	shalt  }
0x52: {  	_ =	shalt  }
0x53: {  	_ =	shalt  }
0x54: {  	_ =	shalt  }
0x55: {  	_ =	shalt  }
0x56: {  	_ =	shalt  }
0x57: {  	_ =	shalt  }
0x58: {  	_ =	shalt  }
0x59: {  	_ =	shalt  }
0x5a: {  	_ =	shalt  }
0x5b: {  	_ =	shalt  }
0x5c: {  	_ =	shalt  }
0x5d: {  	_ =	shalt  }
0x5e: {  	_ =	shalt  }
0x5f: {  	_ =	shalt  }
0x60: {  	_ =	shalt  }
0x61: {  	_ =	shalt  }
0x62: {  	_ =	shalt  }
0x63: {  	_ =	shalt  }
0x64: {  	_ =	shalt  }
0x65: {  	_ =	shalt  }
0x66: {  	_ =	shalt  }
0x67: {  	_ =	shalt  }
0x68: {  	_ =	shalt  }
0x69: {  	_ =	shalt  }
0x6a: {  	_ =	shalt  }
0x6b: {  	_ =	shalt  }
0x6c: {  	_ =	shalt  }
0x6d: {  	_ =	shalt  }
0x6e: {  	_ =	shalt  }
0x6f: {  	_ =	shalt  }
0x70: {  	_ =	shalt  }
0x71: {  	_ =	shalt  }
0x72: {  	_ =	shalt  }
0x73: {  	_ =	shalt  }
0x74: {  	_ =	shalt  }
0x75: {  	_ =	shalt  }
0x76: {  	_ =	shalt  }
0x77: {  	_ =	shalt  }
0x78: {  	_ =	shalt  }
0x79: {  	_ =	shalt  }
0x7a: {  	_ =	shalt  }
0x7b: {  	_ =	shalt  }
0x7c: {  	_ =	shalt  }
0x7d: {  	_ =	shalt  }
0x7e: {  	_ =	shalt  }
0x7f: {  	_ =	shalt  }
0x80: {  	_ =	shalt  }
0x81: {  	_ =	shalt  }
0x82: {  	_ =	shalt  }
0x83: {  	_ =	shalt  }
0x84: {  	_ =	shalt  }
0x85: {  	_ =	shalt  }
0x86: {  	_ =	shalt  }
0x87: {  	_ =	shalt  }
.Lfunc_end0:
.L_simem_size_0:
called_computation_lowered:
.L_overlay_start_0:
0x88: {  	s2 =	sld [smem:$0x3FD9]  }
0x89: {  	s3 =	sld [smem:$0x3FFE];
	_ =	sdelay $0x1  }
0x8a: {  	s1 =	srdreg.scid  }
0x8b: {  	s0 =	sand.u32 $0x1, s1  }
0x8c: {  	s16 =	sshll.u32 s0, $0xA;
	s2 =	sadd.s32 s3, s2  }
0x8d: {  	s2 =	sadd.s32 s2, s16  }
0x8e: {  	[smem:$0x3FC4] =	sst s2  }
0x8f: {  	_ = 	snop  }
0x90: {  	s4 =	sld [smem:$0x3FD0];
	_ =	sdelay $0x1  }
0x91: {  	s2 =	sld [smem:$0x3FC9]  }
0x92: {  	s5 =	simm.s32 $0xB;
	s6 =	simm.s32 $0x10;
	s17 =	sld [smem:$0x3FC7]  }
0x93: {  	[smem:s6], [sflag:s5] =	dma.local [hbm:s4], $0x1  }
0x94: {  	_ =	swait.eq [sflag:s5], $0x1  }
0x95: {  	[sflag:s5] =	ssyncset.done $0x0  }
0x96: {  	[sflag:s5] =	ssyncadd.s32 $0xFFFFFFFF  }
0x97: {  	s18 =	sld [smem:$0x10];
	(tm) =	ssettm $0x1  }
0x98: {  	s19 =	sld [smem:$0x3FFB];
	_ =	sdelay $0x3  }
0x99: {  	_ =	strace s19  }
0x9a: {  	s4 =	sld [smem:$0x3FFC];
	_ =	sdelay $0x3  }
0x9b: {  	_ =	strace s4  }
0x9c: {  	s4 =	sld [smem:$0x3FFD];
	_ =	sdelay $0x3  }
0x9d: {  	_ =	strace s4  }
0x9e: {  	_ =	strace $0x8FFFFFFF  }
0x9f: {  	s20 =	sld [smem:$0x3FDB];
	_ =	sdelay $0x1  }
0xa0: {  	s21 =	simm.s32 $_scs_section_size  }
0xa1: {  	s7 =	simm.s32 $_size__tile_overlayer_lowered;
	s8 =	simm.s32 $_tile_overlayer_lowered  }
0xa2: {  	s9 =	simm.s32 $0x1BFF;
	s22 =	sshll.u32 s8, $0x1;
	s6 =	sadd.s32 s21, s20  }
0xa3: {  	s23 =	simm.s32 $0x0;
	s7 =	sshll.u32 s7, $0x1;
	s8 =	sadd.s32 s22, s6  }
0xa4: {  	[timem:s23], [sflag:s9] =	dma.local [hbm:s8], s7  }
0xa5: {  	_ =	swait.ge [sflag:s9], s7  }
0xa6: {  	s7 =	ssub.s32 $0x0, s7;
	[sflag:s9] =	ssyncset.done $0x0  }
0xa7: {  	[sflag:s9] =	ssyncadd.s32 s7;
	_ =	sdelay $0x1  }
0xa8: {  	s24 =	simm.s32 $0x1B8B  }
0xa9: {  	_ =	swait.ge [sflag:s24], $0x1  }
0xaa: {  	[sflag:s24] =	ssyncset.done $0x0  }
0xab: {  	[sflag:s24] =	ssyncadd.s32 $0xFFFFFFFF  }
0xac: {  	s7 =	sld [smem:$0x0]  }
0xad: {  	s8 =	sand.u32 $0xFFFFFFFE, s1  }
0xae: {  	p0 =	sne.s32 s1, s8  }
0xaf: {  	s8 =	sshll.u32 @p0 s8, $0xE  }
0xb0: {  	s8 =	sadd.s32 @p0 $0x11B8D, s8;
	s9 =	sshll.u32 @p0 s7, $0x11  }
0xb1: {  	s8 =	sor.u32 @p0 s9, s8  }
0xb2: {  	[sflag:s8] =	ssyncadd.remote.s32 @p0 $0x1;
	_ =	sdelay $0x1  }
0xb3: {  	s8 =	simm.s32 @p0 $0x1B8D  }
0xb4: {  	_ =	swait.eq @p0 [sflag:s8], $0x1  }
0xb5: {  	[sflag:s8] =	ssyncadd.s32 @p0 $0xFFFFFFFF  }
0xb6: {  	s9 =	sshll.u32 @!p0 s1, $0xE  }
0xb7: {  	s9 =	sor.u32 @!p0 $0x4000, s9;
	s8 =	simm.s32 @!p0 $0x1B8D  }
0xb8: {  	s7 =	sshll.u32 @!p0 s7, $0x11;
	s9 =	sadd.s32 @!p0 $0x11B8D, s9;
	_ =	swait.eq @!p0 [sflag:s8], $0x1  }
0xb9: {  	s7 =	sor.u32 @!p0 s7, s9;
	[sflag:s8] =	ssyncadd.s32 @!p0 $0xFFFFFFFF  }
0xba: {  	s25 =	simm.s32 $0x1B8E;
	[sflag:s7] =	ssyncadd.remote.s32 @!p0 $0x1  }
0xbb: {  	s26 =	simm.s32 $execute0_lowered;
	[smem:$0x3FD2] =	sst s25  }
0xbc: {  	s7 =	sshll.u32 s26, $0x1;
	_ =	strace $0x80000049;
	[dreg:$0x1] =	wrdreg $0xFFFFFFFF  }
0xbd: {  	s28 =	simm.s32 $_size_execute0_lowered;
	s6 =	sadd.s32 s6, s7;
	[dreg:$0x0] =	wrdreg $0x0  }
0xbe: {  	s7 =	sshll.u32 s28, $0x1;
	[dreg:$0x2] =	wrdreg s6  }
0xbf: {  	[dreg:$0x3] =	wrdreg s7  }
0xc0: {  	[dreg:$0x4] =	wrdreg $0xC0  }
0xc1: {  	_ =	task [dreg:s23], $0x5FFFF  }
0xc2: {  	[dreg:$0x1] =	wrdreg $0xFFFFFFFF  }
0xc3: {  	[dreg:$0x0] =	wrdreg $0x60  }
0xc4: {  	[dreg:$0x2] =	wrdreg s2  }
0xc5: {  	[dreg:$0x3] =	wrdreg s17  }
0xc6: {  	[dreg:$0x4] =	wrdreg s18  }
0xc7: {  	[dreg:$0x5] =	wrdreg $0x9  }
0xc8: {  	_ =	task.clear_ibuf [dreg:s23], $0x6FFFF;
	_ =	strace $0x90000049  }
0xc9: {  	s29 =	simm.s32 $0x9;
	_ =	strace $0x8000004B  }
0xca: {  	_ =	swait.ge [sflag:s29], $0x1  }
0xcb: {  	[sflag:s29] =	ssyncadd.s32 $0xFFFFFFFF  }
0xcc: {  	_ =	strace $0x9000004B  }
0xcd: {  	_ =	sfence  }
0xce: {  	s30 =	sld [smem:$0x0];
	_ =	sdelay $0x2  }
0xcf: {  	s31 =	sshll.u32 s1, $0xD;
	s1 =	sshrl.u32 s1, $0x2  }
0xd0: {  	s3 =	sand.u32 $0x4000, s31;
	s1 =	sadd.s32 s1, s30  }
0xd1: {  	s0 =	sor.u32 s3, s0;
	s1 =	sshll.u32 s1, $0x11  }
0xd2: {  	s0 =	sor.u32 s1, s0  }
0xd3: {  	s0 =	sadd.s32 $0x8F2B, s0  }
0xd4: {  	[sflag:s0] =	ssyncadd.remote.s32 $0x1  }
0xd5: {  	_ =	sfence.sel $0xFFFF  }
0xd6: {  	[dreg:$0x0] =	wrdreg $0xFFFFFFFF;
	(pc) =	sbr.abs _section_cstart, $3  }
0xd7: {  	[dreg:$0x1] =	wrdreg $0xFFFFFFFF  }
0xd8: {  	_ =	task.clear_ibuf [dreg:s23], $0x2FFFF;
	_ =	strace $0x9FFFFFFF  }
0xd9: {  	(tm) =	ssettm $0x7FFFFFFF  }
tec
execute0_lowered:
.L_overlay_start_1:
0x0: {  	(tag) =	ssettag $0x1  }
0x1: {  	s4 =	rddreg [dreg:$0x0]  }
0x2: {  	s1 =	rddreg [dreg:$0x1]  }
0x3: {  	s5 =	rddreg [dreg:$0x2]  }
0x4: {  	s0 =	rddreg [dreg:$0x3];
	s6 =	srdreg.scid  }
0x5: {  	s3 =	simm.s32 $0x0;
	s2 =	stileid.u32;
	s10 =	simm.s32 $0x880  }
0x6: {  	s11 =	simm.s32 $0xC80;
	s12 =	simm.s32 $0x1;
	s13 =	simm.s32 $0x2080  }
0x7: {  	s14 =	simm.s32 $0x1080;
	s15 =	simm.s32 $0x1480;
	s16 =	simm.s32 $0x1880  }
0x8: {  	s17 =	simm.s32 $0x1C80;
	s18 =	simm.s32 $0x2;
	s19 =	simm.s32 $0x400  }
0x9: {  	s20 =	simm.s32 $0x8000;
	s21 =	simm.s32 $0x0;
	s6 =	sand.u32 $0x1, s6  }
0xa: {  	s8 =	sshll.u32 s2, $0x8;
	s7 =	ssub.s32 $0x2, s6;
	s6 =	sshll.u32 s6, $0x7  }
0xb: {  	v0 =	vlaneseq.u32;
	[smem:$0x7FF] =	sst s3;
	s9 =	sshrl.u32 s7, $0x1;
	s6 =	sor.u32 s6, s8  }
0xc: {  	v0 =	vmul.u32 $0x80, v0;
	_ =	strace $0x8000004A;
	s7 =	ssub.s32 s7, s9;
	s8 =	sshrl.u32 s6, $0x3  }
0xd: {  	s5 =	sadd.s32 s5, s6;
	s9 =	simm.s32 $0x480;
	s4 =	sadd.s32 s4, s8  }
0xe: {  	v1 =	vor.u32 $0x800, v0;
	s6 =	smax.u32 s7, $0x1;
	s7 =	simm.s32 $0x3;
	s8 =	simm.s32 $0x80  }
.LBB2_1:
0xf: {  	[tilespmem:s3], [sflag:$0x3] =	stream.linear.gather [hbm4b:s4+s3], $0x80, $0x38;
	[tilespmem:$0x3080] =	vst v63  }
0x10: {  	_ =	swait.ge [sflag:s7], $0x80  }
0x11: {  	[sflag:s7] =	ssyncset.done $0x0  }
0x12: {  	s22 =	simm.s32 $0xF;
	s23 =	simm.s32 $0x0;
	[sflag:s7] =	ssyncadd.s32 $0xFFFFFF80  }
.LBB2_2:
0x13: {  	v2 =	vld [tilespmem:s23+$0x0];
	_ =	sdelay $0x4  }
0x14: {  	(v2sf) =	vpush v2, $0x0;
	_ =	sdelay $0xe  }
0x15: {  	s24 =	spop (v2sf)  }
0x16: {  	s25 =	sand.u32 $0xFFFFF80, s24  }
0x17: {  	s25 =	sadd.s32 s1, s25  }
0x18: {  	[tilespmem:s8], [sflag:$0x1] =	stream.linear.gather [hbm4b:s25+s3], $0x400, $0x38;
	[tilespmem:$0x3080] =	vst v63  }
0x19: {  	s26 =	sadd.s32 $0xF4280, s25  }
0x1a: {  	[tilespmem:s9], [sflag:$0x1] =	stream.linear.gather [hbm4b:s26+s3], $0x400, $0x38;
	[tilespmem:$0x3080] =	vst v63  }
0x1b: {  	s31 =	sadd.s32 $0x1E8500, s25  }
0x1c: {  	[tilespmem:s10], [sflag:$0x1] =	stream.linear.gather [hbm4b:s31+s3], $0x400, $0x38;
	[tilespmem:$0x3080] =	vst v63  }
0x1d: {  	s25 =	sadd.s32 $0x2DC780, s25  }
0x1e: {  	[tilespmem:s11], [sflag:$0x1] =	stream.linear.gather [hbm4b:s25+s3], $0x400, $0x38;
	[tilespmem:$0x3080] =	vst v63  }
0x1f: {  	_ =	swait.ge [sflag:s12], $0x400  }
0x20: {  	[sflag:s12] =	ssyncset.done $0x0  }
0x21: {  	[sflag:s12] =	ssyncadd.s32 $0xFFFFFC00  }
0x22: {  	_ =	swait.ge [sflag:s12], $0x400  }
0x23: {  	[sflag:s12] =	ssyncset.done $0x0  }
0x24: {  	[sflag:s12] =	ssyncadd.s32 $0xFFFFFC00  }
0x25: {  	_ =	swait.ge [sflag:s12], $0x400  }
0x26: {  	[sflag:s12] =	ssyncset.done $0x0  }
0x27: {  	[sflag:s12] =	ssyncadd.s32 $0xFFFFFC00  }
0x28: {  	_ =	swait.ge [sflag:s12], $0x400  }
0x29: {  	s24 =	sand.u32 $0x7F, s24;
	(v2sf) =	vpush v2, $0x1  }
0x2a: {  	v3 =	vor.u32 s24, v0;
	s26 =	sadd.s32 $0xFFFFFFF1, s22  }
0x2b: {  	v4 =	vmov s26  }
0x2c: {  	v4 =	vand.u32 $0x70, v4  }
0x2d: {  	v4 =	vbroadcast v4, $0x0;
	[sflag:s12] =	ssyncset.done $0x0  }
0x2e: {  	[sflag:s12] =	ssyncadd.s32 $0xFFFFFC00  }
0x2f: {  	v5 =	vor.u32 v0, v4;
	v3 =	vld.idx.msk [tilespmem:v3+s8+$0x0], $0xffff  }
0x30: {  	v6 =	vor.u32 s24, v1;
	_ =	sdelay $0x3  }
0x31: {  	[tilespmem:v5+s13+$0x0] =	vst.idx.msk $0xffff, v3  }
0x32: {  	v4 =	vor.u32 v1, v4;
	v3 =	vld.idx.msk [tilespmem:v6+s8+$0x0], $0xffff;
	_ =	sdelay $0x2  }
0x33: {  	s28 =	spop (v2sf)  }
0x34: {  	s29 =	sand.u32 $0xFFFFF80, s28  }
0x35: {  	[tilespmem:v4+s13+$0x0] =	vst.idx.msk $0xffff, v3;
	s25 =	sadd.s32 s1, s29  }
0x36: {  	[tilespmem:s14], [sflag:$0x2] =	stream.linear.gather [hbm4b:s25+s3], $0x400, $0x38;
	[tilespmem:$0x3080] =	vst v63  }
0x37: {  	s30 =	sadd.s32 $0xF4280, s25  }
0x38: {  	[tilespmem:s15], [sflag:$0x2] =	stream.linear.gather [hbm4b:s30+s3], $0x400, $0x38;
	[tilespmem:$0x3080] =	vst v63  }
0x39: {  	s31 =	sadd.s32 $0x1E8500, s25  }
0x3a: {  	[tilespmem:s16], [sflag:$0x2] =	stream.linear.gather [hbm4b:s31+s3], $0x400, $0x38;
	[tilespmem:$0x3080] =	vst v63  }
0x3b: {  	s25 =	sadd.s32 $0x2DC780, s25  }
0x3c: {  	[tilespmem:s17], [sflag:$0x2] =	stream.linear.gather [hbm4b:s25+s3], $0x400, $0x38;
	[tilespmem:$0x3080] =	vst v63  }
0x3d: {  	_ =	swait.ge [sflag:s18], $0x400  }
0x3e: {  	[sflag:s18] =	ssyncset.done $0x0  }
0x3f: {  	[sflag:s18] =	ssyncadd.s32 $0xFFFFFC00  }
0x40: {  	_ =	swait.ge [sflag:s18], $0x400  }
0x41: {  	[sflag:s18] =	ssyncset.done $0x0  }
0x42: {  	[sflag:s18] =	ssyncadd.s32 $0xFFFFFC00  }
0x43: {  	_ =	swait.ge [sflag:s18], $0x400  }
0x44: {  	[sflag:s18] =	ssyncset.done $0x0  }
0x45: {  	[sflag:s18] =	ssyncadd.s32 $0xFFFFFC00  }
0x46: {  	_ =	swait.ge [sflag:s18], $0x400  }
0x47: {  	s24 =	sand.u32 $0x7F, s28;
	(v2sf) =	vpush v2, $0x2  }
0x48: {  	s26 =	sadd.s32 $0xFFFFFFF2, s22;
	v3 =	vor.u32 s24, v0  }
0x49: {  	v21 =	vmov s26  }
0x4a: {  	v4 =	vand.u32 $0x71, v21  }
0x4b: {  	v4 =	vbroadcast v4, $0x0;
	[sflag:s18] =	ssyncset.done $0x0  }
0x4c: {  	[sflag:s18] =	ssyncadd.s32 $0xFFFFFC00  }
0x4d: {  	v22 =	vor.u32 v0, v4;
	v3 =	vld.idx.msk [tilespmem:v3+s14+$0x0], $0xffff  }
0x4e: {  	v23 =	vor.u32 s24, v1;
	_ =	sdelay $0x3  }
0x4f: {  	[tilespmem:v22+s13+$0x0] =	vst.idx.msk $0xffff, v3  }
0x50: {  	v4 =	vor.u32 v1, v4;
	v3 =	vld.idx.msk [tilespmem:v23+s14+$0x0], $0xffff;
	_ =	sdelay $0x2  }
0x51: {  	s28 =	spop (v2sf)  }
0x52: {  	s29 =	sand.u32 $0xFFFFF80, s28  }
0x53: {  	[tilespmem:v4+s13+$0x0] =	vst.idx.msk $0xffff, v3;
	s25 =	sadd.s32 s1, s29  }
0x54: {  	[tilespmem:s8], [sflag:$0x1] =	stream.linear.gather [hbm4b:s25+s3], $0x400, $0x38;
	[tilespmem:$0x3080] =	vst v63  }
0x55: {  	s30 =	sadd.s32 $0xF4280, s25  }
0x56: {  	[tilespmem:s9], [sflag:$0x1] =	stream.linear.gather [hbm4b:s30+s3], $0x400, $0x38;
	[tilespmem:$0x3080] =	vst v63  }
0x57: {  	s31 =	sadd.s32 $0x1E8500, s25  }
0x58: {  	[tilespmem:s10], [sflag:$0x1] =	stream.linear.gather [hbm4b:s31+s3], $0x400, $0x38;
	[tilespmem:$0x3080] =	vst v63  }
0x59: {  	s25 =	sadd.s32 $0x2DC780, s25  }
0x5a: {  	[tilespmem:s11], [sflag:$0x1] =	stream.linear.gather [hbm4b:s25+s3], $0x400, $0x38;
	[tilespmem:$0x3080] =	vst v63  }
0x5b: {  	_ =	swait.ge [sflag:s12], $0x400  }
0x5c: {  	[sflag:s12] =	ssyncset.done $0x0  }
0x5d: {  	[sflag:s12] =	ssyncadd.s32 $0xFFFFFC00  }
0x5e: {  	_ =	swait.ge [sflag:s12], $0x400  }
0x5f: {  	[sflag:s12] =	ssyncset.done $0x0  }
0x60: {  	[sflag:s12] =	ssyncadd.s32 $0xFFFFFC00  }
0x61: {  	_ =	swait.ge [sflag:s12], $0x400  }
0x62: {  	[sflag:s12] =	ssyncset.done $0x0  }
0x63: {  	[sflag:s12] =	ssyncadd.s32 $0xFFFFFC00  }
0x64: {  	_ =	swait.ge [sflag:s12], $0x400  }
0x65: {  	s24 =	sand.u32 $0x7F, s28;
	(v2sf) =	vpush v2, $0x3  }
0x66: {  	s26 =	sadd.s32 $0xFFFFFFF3, s22;
	v3 =	vor.u32 s24, v0  }
0x67: {  	v24 =	vmov s26  }
0x68: {  	v4 =	vand.u32 $0x72, v24  }
0x69: {  	v4 =	vbroadcast v4, $0x0;
	[sflag:s12] =	ssyncset.done $0x0  }
0x6a: {  	[sflag:s12] =	ssyncadd.s32 $0xFFFFFC00  }
0x6b: {  	v25 =	vor.u32 v0, v4;
	v3 =	vld.idx.msk [tilespmem:v3+s8+$0x0], $0xffff  }
0x6c: {  	v26 =	vor.u32 s24, v1;
	_ =	sdelay $0x3  }
0x6d: {  	[tilespmem:v25+s13+$0x0] =	vst.idx.msk $0xffff, v3  }
0x6e: {  	v4 =	vor.u32 v1, v4;
	v3 =	vld.idx.msk [tilespmem:v26+s8+$0x0], $0xffff;
	_ =	sdelay $0x2  }
0x6f: {  	s28 =	spop (v2sf)  }
0x70: {  	s29 =	sand.u32 $0xFFFFF80, s28  }
0x71: {  	[tilespmem:v4+s13+$0x0] =	vst.idx.msk $0xffff, v3;
	s25 =	sadd.s32 s1, s29  }
0x72: {  	[tilespmem:s14], [sflag:$0x2] =	stream.linear.gather [hbm4b:s25+s3], $0x400, $0x38;
	[tilespmem:$0x3080] =	vst v63  }
0x73: {  	s30 =	sadd.s32 $0xF4280, s25  }
0x74: {  	[tilespmem:s15], [sflag:$0x2] =	stream.linear.gather [hbm4b:s30+s3], $0x400, $0x38;
	[tilespmem:$0x3080] =	vst v63  }
0x75: {  	s31 =	sadd.s32 $0x1E8500, s25  }
0x76: {  	[tilespmem:s16], [sflag:$0x2] =	stream.linear.gather [hbm4b:s31+s3], $0x400, $0x38;
	[tilespmem:$0x3080] =	vst v63  }
0x77: {  	s25 =	sadd.s32 $0x2DC780, s25  }
0x78: {  	[tilespmem:s17], [sflag:$0x2] =	stream.linear.gather [hbm4b:s25+s3], $0x400, $0x38;
	[tilespmem:$0x3080] =	vst v63  }
0x79: {  	_ =	swait.ge [sflag:s18], $0x400  }
0x7a: {  	[sflag:s18] =	ssyncset.done $0x0  }
0x7b: {  	[sflag:s18] =	ssyncadd.s32 $0xFFFFFC00  }
0x7c: {  	_ =	swait.ge [sflag:s18], $0x400  }
0x7d: {  	[sflag:s18] =	ssyncset.done $0x0  }
0x7e: {  	[sflag:s18] =	ssyncadd.s32 $0xFFFFFC00  }
0x7f: {  	_ =	swait.ge [sflag:s18], $0x400  }
0x80: {  	[sflag:s18] =	ssyncset.done $0x0  }
0x81: {  	[sflag:s18] =	ssyncadd.s32 $0xFFFFFC00  }
0x82: {  	_ =	swait.ge [sflag:s18], $0x400  }
0x83: {  	s24 =	sand.u32 $0x7F, s28;
	(v2sf) =	vpush v2, $0x4  }
0x84: {  	s26 =	sadd.s32 $0xFFFFFFF4, s22;
	v3 =	vor.u32 s24, v0  }
0x85: {  	v27 =	vmov s26  }
0x86: {  	v4 =	vand.u32 $0x73, v27  }
0x87: {  	v4 =	vbroadcast v4, $0x0;
	[sflag:s18] =	ssyncset.done $0x0  }
0x88: {  	[sflag:s18] =	ssyncadd.s32 $0xFFFFFC00  }
0x89: {  	v28 =	vor.u32 v0, v4;
	v3 =	vld.idx.msk [tilespmem:v3+s14+$0x0], $0xffff  }
0x8a: {  	v29 =	vor.u32 s24, v1;
	_ =	sdelay $0x3  }
0x8b: {  	[tilespmem:v28+s13+$0x0] =	vst.idx.msk $0xffff, v3  }
0x8c: {  	v4 =	vor.u32 v1, v4;
	v3 =	vld.idx.msk [tilespmem:v29+s14+$0x0], $0xffff;
	_ =	sdelay $0x2  }
0x8d: {  	s28 =	spop (v2sf)  }
0x8e: {  	s29 =	sand.u32 $0xFFFFF80, s28  }
0x8f: {  	[tilespmem:v4+s13+$0x0] =	vst.idx.msk $0xffff, v3;
	s25 =	sadd.s32 s1, s29  }
0x90: {  	[tilespmem:s8], [sflag:$0x1] =	stream.linear.gather [hbm4b:s25+s3], $0x400, $0x38;
	[tilespmem:$0x3080] =	vst v63  }
0x91: {  	s30 =	sadd.s32 $0xF4280, s25  }
0x92: {  	[tilespmem:s9], [sflag:$0x1] =	stream.linear.gather [hbm4b:s30+s3], $0x400, $0x38;
	[tilespmem:$0x3080] =	vst v63  }
0x93: {  	s31 =	sadd.s32 $0x1E8500, s25  }
0x94: {  	[tilespmem:s10], [sflag:$0x1] =	stream.linear.gather [hbm4b:s31+s3], $0x400, $0x38;
	[tilespmem:$0x3080] =	vst v63  }
0x95: {  	s25 =	sadd.s32 $0x2DC780, s25  }
0x96: {  	[tilespmem:s11], [sflag:$0x1] =	stream.linear.gather [hbm4b:s25+s3], $0x400, $0x38;
	[tilespmem:$0x3080] =	vst v63  }
0x97: {  	_ =	swait.ge [sflag:s12], $0x400  }
0x98: {  	[sflag:s12] =	ssyncset.done $0x0  }
0x99: {  	[sflag:s12] =	ssyncadd.s32 $0xFFFFFC00  }
0x9a: {  	_ =	swait.ge [sflag:s12], $0x400  }
0x9b: {  	[sflag:s12] =	ssyncset.done $0x0  }
0x9c: {  	[sflag:s12] =	ssyncadd.s32 $0xFFFFFC00  }
0x9d: {  	_ =	swait.ge [sflag:s12], $0x400  }
0x9e: {  	[sflag:s12] =	ssyncset.done $0x0  }
0x9f: {  	[sflag:s12] =	ssyncadd.s32 $0xFFFFFC00  }
0xa0: {  	_ =	swait.ge [sflag:s12], $0x400  }
0xa1: {  	s24 =	sand.u32 $0x7F, s28;
	(v2sf) =	vpush v2, $0x5  }
0xa2: {  	s26 =	sadd.s32 $0xFFFFFFF5, s22;
	v3 =	vor.u32 s24, v0  }
0xa3: {  	v30 =	vmov s26  }
0xa4: {  	v4 =	vand.u32 $0x74, v30  }
0xa5: {  	v4 =	vbroadcast v4, $0x0;
	[sflag:s12] =	ssyncset.done $0x0  }
0xa6: {  	[sflag:s12] =	ssyncadd.s32 $0xFFFFFC00  }
0xa7: {  	v31 =	vor.u32 v0, v4;
	v3 =	vld.idx.msk [tilespmem:v3+s8+$0x0], $0xffff  }
0xa8: {  	v32 =	vor.u32 s24, v1;
	_ =	sdelay $0x3  }
0xa9: {  	[tilespmem:v31+s13+$0x0] =	vst.idx.msk $0xffff, v3  }
0xaa: {  	v4 =	vor.u32 v1, v4;
	v3 =	vld.idx.msk [tilespmem:v32+s8+$0x0], $0xffff;
	_ =	sdelay $0x2  }
0xab: {  	s28 =	spop (v2sf)  }
0xac: {  	s29 =	sand.u32 $0xFFFFF80, s28  }
0xad: {  	[tilespmem:v4+s13+$0x0] =	vst.idx.msk $0xffff, v3;
	s25 =	sadd.s32 s1, s29  }
0xae: {  	[tilespmem:s14], [sflag:$0x2] =	stream.linear.gather [hbm4b:s25+s3], $0x400, $0x38;
	[tilespmem:$0x3080] =	vst v63  }
0xaf: {  	s30 =	sadd.s32 $0xF4280, s25  }
0xb0: {  	[tilespmem:s15], [sflag:$0x2] =	stream.linear.gather [hbm4b:s30+s3], $0x400, $0x38;
	[tilespmem:$0x3080] =	vst v63  }
0xb1: {  	s31 =	sadd.s32 $0x1E8500, s25  }
0xb2: {  	[tilespmem:s16], [sflag:$0x2] =	stream.linear.gather [hbm4b:s31+s3], $0x400, $0x38;
	[tilespmem:$0x3080] =	vst v63  }
0xb3: {  	s25 =	sadd.s32 $0x2DC780, s25  }
0xb4: {  	[tilespmem:s17], [sflag:$0x2] =	stream.linear.gather [hbm4b:s25+s3], $0x400, $0x38;
	[tilespmem:$0x3080] =	vst v63  }
0xb5: {  	_ =	swait.ge [sflag:s18], $0x400  }
0xb6: {  	[sflag:s18] =	ssyncset.done $0x0  }
0xb7: {  	[sflag:s18] =	ssyncadd.s32 $0xFFFFFC00  }
0xb8: {  	_ =	swait.ge [sflag:s18], $0x400  }
0xb9: {  	[sflag:s18] =	ssyncset.done $0x0  }
0xba: {  	[sflag:s18] =	ssyncadd.s32 $0xFFFFFC00  }
0xbb: {  	_ =	swait.ge [sflag:s18], $0x400  }
0xbc: {  	[sflag:s18] =	ssyncset.done $0x0  }
0xbd: {  	[sflag:s18] =	ssyncadd.s32 $0xFFFFFC00  }
0xbe: {  	_ =	swait.ge [sflag:s18], $0x400  }
0xbf: {  	s24 =	sand.u32 $0x7F, s28;
	(v2sf) =	vpush v2, $0x6  }
0xc0: {  	s26 =	sadd.s32 $0xFFFFFFF6, s22;
	v3 =	vor.u32 s24, v0  }
0xc1: {  	v33 =	vmov s26  }
0xc2: {  	v4 =	vand.u32 $0x75, v33  }
0xc3: {  	v4 =	vbroadcast v4, $0x0;
	[sflag:s18] =	ssyncset.done $0x0  }
0xc4: {  	[sflag:s18] =	ssyncadd.s32 $0xFFFFFC00  }
0xc5: {  	v34 =	vor.u32 v0, v4;
	v3 =	vld.idx.msk [tilespmem:v3+s14+$0x0], $0xffff  }
0xc6: {  	v35 =	vor.u32 s24, v1;
	_ =	sdelay $0x3  }
0xc7: {  	[tilespmem:v34+s13+$0x0] =	vst.idx.msk $0xffff, v3  }
0xc8: {  	v4 =	vor.u32 v1, v4;
	v3 =	vld.idx.msk [tilespmem:v35+s14+$0x0], $0xffff;
	_ =	sdelay $0x2  }
0xc9: {  	s28 =	spop (v2sf)  }
0xca: {  	s29 =	sand.u32 $0xFFFFF80, s28  }
0xcb: {  	[tilespmem:v4+s13+$0x0] =	vst.idx.msk $0xffff, v3;
	s25 =	sadd.s32 s1, s29  }
0xcc: {  	[tilespmem:s8], [sflag:$0x1] =	stream.linear.gather [hbm4b:s25+s3], $0x400, $0x38;
	[tilespmem:$0x3080] =	vst v63  }
0xcd: {  	s30 =	sadd.s32 $0xF4280, s25  }
0xce: {  	[tilespmem:s9], [sflag:$0x1] =	stream.linear.gather [hbm4b:s30+s3], $0x400, $0x38;
	[tilespmem:$0x3080] =	vst v63  }
0xcf: {  	s31 =	sadd.s32 $0x1E8500, s25  }
0xd0: {  	[tilespmem:s10], [sflag:$0x1] =	stream.linear.gather [hbm4b:s31+s3], $0x400, $0x38;
	[tilespmem:$0x3080] =	vst v63  }
0xd1: {  	s25 =	sadd.s32 $0x2DC780, s25  }
0xd2: {  	[tilespmem:s11], [sflag:$0x1] =	stream.linear.gather [hbm4b:s25+s3], $0x400, $0x38;
	[tilespmem:$0x3080] =	vst v63  }
0xd3: {  	_ =	swait.ge [sflag:s12], $0x400  }
0xd4: {  	[sflag:s12] =	ssyncset.done $0x0  }
0xd5: {  	[sflag:s12] =	ssyncadd.s32 $0xFFFFFC00  }
0xd6: {  	_ =	swait.ge [sflag:s12], $0x400  }
0xd7: {  	[sflag:s12] =	ssyncset.done $0x0  }
0xd8: {  	[sflag:s12] =	ssyncadd.s32 $0xFFFFFC00  }
0xd9: {  	_ =	swait.ge [sflag:s12], $0x400  }
0xda: {  	[sflag:s12] =	ssyncset.done $0x0  }
0xdb: {  	[sflag:s12] =	ssyncadd.s32 $0xFFFFFC00  }
0xdc: {  	_ =	swait.ge [sflag:s12], $0x400  }
0xdd: {  	s24 =	sand.u32 $0x7F, s28;
	(v2sf) =	vpush v2, $0x7  }
0xde: {  	s26 =	sadd.s32 $0xFFFFFFF7, s22;
	v3 =	vor.u32 s24, v0  }
0xdf: {  	v36 =	vmov s26  }
0xe0: {  	v4 =	vand.u32 $0x76, v36  }
0xe1: {  	v4 =	vbroadcast v4, $0x0;
	[sflag:s12] =	ssyncset.done $0x0  }
0xe2: {  	[sflag:s12] =	ssyncadd.s32 $0xFFFFFC00  }
0xe3: {  	v37 =	vor.u32 v0, v4;
	v3 =	vld.idx.msk [tilespmem:v3+s8+$0x0], $0xffff  }
0xe4: {  	v38 =	vor.u32 s24, v1;
	_ =	sdelay $0x3  }
0xe5: {  	[tilespmem:v37+s13+$0x0] =	vst.idx.msk $0xffff, v3  }
0xe6: {  	v4 =	vor.u32 v1, v4;
	v3 =	vld.idx.msk [tilespmem:v38+s8+$0x0], $0xffff;
	_ =	sdelay $0x2  }
0xe7: {  	s28 =	spop (v2sf)  }
0xe8: {  	s29 =	sand.u32 $0xFFFFF80, s28  }
0xe9: {  	[tilespmem:v4+s13+$0x0] =	vst.idx.msk $0xffff, v3;
	s25 =	sadd.s32 s1, s29  }
0xea: {  	[tilespmem:s14], [sflag:$0x2] =	stream.linear.gather [hbm4b:s25+s3], $0x400, $0x38;
	[tilespmem:$0x3080] =	vst v63  }
0xeb: {  	s30 =	sadd.s32 $0xF4280, s25  }
0xec: {  	[tilespmem:s15], [sflag:$0x2] =	stream.linear.gather [hbm4b:s30+s3], $0x400, $0x38;
	[tilespmem:$0x3080] =	vst v63  }
0xed: {  	s31 =	sadd.s32 $0x1E8500, s25  }
0xee: {  	[tilespmem:s16], [sflag:$0x2] =	stream.linear.gather [hbm4b:s31+s3], $0x400, $0x38;
	[tilespmem:$0x3080] =	vst v63  }
0xef: {  	s25 =	sadd.s32 $0x2DC780, s25  }
0xf0: {  	[tilespmem:s17], [sflag:$0x2] =	stream.linear.gather [hbm4b:s25+s3], $0x400, $0x38;
	[tilespmem:$0x3080] =	vst v63  }
0xf1: {  	_ =	swait.ge [sflag:s18], $0x400  }
0xf2: {  	[sflag:s18] =	ssyncset.done $0x0  }
0xf3: {  	[sflag:s18] =	ssyncadd.s32 $0xFFFFFC00  }
0xf4: {  	_ =	swait.ge [sflag:s18], $0x400  }
0xf5: {  	[sflag:s18] =	ssyncset.done $0x0  }
0xf6: {  	[sflag:s18] =	ssyncadd.s32 $0xFFFFFC00  }
0xf7: {  	_ =	swait.ge [sflag:s18], $0x400  }
0xf8: {  	[sflag:s18] =	ssyncset.done $0x0  }
0xf9: {  	[sflag:s18] =	ssyncadd.s32 $0xFFFFFC00  }
0xfa: {  	_ =	swait.ge [sflag:s18], $0x400  }
0xfb: {  	s24 =	sand.u32 $0x7F, s28;
	(v2sf) =	vpush v2, $0x8  }
0xfc: {  	s26 =	sadd.s32 $0xFFFFFFF8, s22;
	v3 =	vor.u32 s24, v0  }
0xfd: {  	v39 =	vmov s26  }
0xfe: {  	v4 =	vand.u32 $0x77, v39  }
0xff: {  	v4 =	vbroadcast v4, $0x0;
	[sflag:s18] =	ssyncset.done $0x0  }
0x100: {  	[sflag:s18] =	ssyncadd.s32 $0xFFFFFC00  }
0x101: {  	v40 =	vor.u32 v0, v4;
	v3 =	vld.idx.msk [tilespmem:v3+s14+$0x0], $0xffff  }
0x102: {  	v41 =	vor.u32 s24, v1;
	_ =	sdelay $0x3  }
0x103: {  	[tilespmem:v40+s13+$0x0] =	vst.idx.msk $0xffff, v3  }
0x104: {  	v4 =	vor.u32 v1, v4;
	v3 =	vld.idx.msk [tilespmem:v41+s14+$0x0], $0xffff;
	_ =	sdelay $0x2  }
0x105: {  	s28 =	spop (v2sf)  }
0x106: {  	s29 =	sand.u32 $0xFFFFF80, s28  }
0x107: {  	[tilespmem:v4+s13+$0x0] =	vst.idx.msk $0xffff, v3;
	s25 =	sadd.s32 s1, s29  }
0x108: {  	[tilespmem:s8], [sflag:$0x1] =	stream.linear.gather [hbm4b:s25+s3], $0x400, $0x38;
	[tilespmem:$0x3080] =	vst v63  }
0x109: {  	s30 =	sadd.s32 $0xF4280, s25  }
0x10a: {  	[tilespmem:s9], [sflag:$0x1] =	stream.linear.gather [hbm4b:s30+s3], $0x400, $0x38;
	[tilespmem:$0x3080] =	vst v63  }
0x10b: {  	s31 =	sadd.s32 $0x1E8500, s25  }
0x10c: {  	[tilespmem:s10], [sflag:$0x1] =	stream.linear.gather [hbm4b:s31+s3], $0x400, $0x38;
	[tilespmem:$0x3080] =	vst v63  }
0x10d: {  	s25 =	sadd.s32 $0x2DC780, s25  }
0x10e: {  	[tilespmem:s11], [sflag:$0x1] =	stream.linear.gather [hbm4b:s25+s3], $0x400, $0x38;
	[tilespmem:$0x3080] =	vst v63  }
0x10f: {  	_ =	swait.ge [sflag:s12], $0x400  }
0x110: {  	[sflag:s12] =	ssyncset.done $0x0  }
0x111: {  	[sflag:s12] =	ssyncadd.s32 $0xFFFFFC00  }
0x112: {  	_ =	swait.ge [sflag:s12], $0x400  }
0x113: {  	[sflag:s12] =	ssyncset.done $0x0  }
0x114: {  	[sflag:s12] =	ssyncadd.s32 $0xFFFFFC00  }
0x115: {  	_ =	swait.ge [sflag:s12], $0x400  }
0x116: {  	[sflag:s12] =	ssyncset.done $0x0  }
0x117: {  	[sflag:s12] =	ssyncadd.s32 $0xFFFFFC00  }
0x118: {  	_ =	swait.ge [sflag:s12], $0x400  }
0x119: {  	s24 =	sand.u32 $0x7F, s28;
	(v2sf) =	vpush v2, $0x9  }
0x11a: {  	s26 =	sadd.s32 $0xFFFFFFF9, s22;
	v3 =	vor.u32 s24, v0  }
0x11b: {  	v42 =	vmov s26  }
0x11c: {  	v4 =	vand.u32 $0x78, v42  }
0x11d: {  	v4 =	vbroadcast v4, $0x0;
	[sflag:s12] =	ssyncset.done $0x0  }
0x11e: {  	[sflag:s12] =	ssyncadd.s32 $0xFFFFFC00  }
0x11f: {  	v43 =	vor.u32 v0, v4;
	v3 =	vld.idx.msk [tilespmem:v3+s8+$0x0], $0xffff  }
0x120: {  	v44 =	vor.u32 s24, v1;
	_ =	sdelay $0x3  }
0x121: {  	[tilespmem:v43+s13+$0x0] =	vst.idx.msk $0xffff, v3  }
0x122: {  	v4 =	vor.u32 v1, v4;
	v3 =	vld.idx.msk [tilespmem:v44+s8+$0x0], $0xffff;
	_ =	sdelay $0x2  }
0x123: {  	s28 =	spop (v2sf)  }
0x124: {  	s29 =	sand.u32 $0xFFFFF80, s28  }
0x125: {  	[tilespmem:v4+s13+$0x0] =	vst.idx.msk $0xffff, v3;
	s25 =	sadd.s32 s1, s29  }
0x126: {  	[tilespmem:s14], [sflag:$0x2] =	stream.linear.gather [hbm4b:s25+s3], $0x400, $0x38;
	[tilespmem:$0x3080] =	vst v63  }
0x127: {  	s30 =	sadd.s32 $0xF4280, s25  }
0x128: {  	[tilespmem:s15], [sflag:$0x2] =	stream.linear.gather [hbm4b:s30+s3], $0x400, $0x38;
	[tilespmem:$0x3080] =	vst v63  }
0x129: {  	s31 =	sadd.s32 $0x1E8500, s25  }
0x12a: {  	[tilespmem:s16], [sflag:$0x2] =	stream.linear.gather [hbm4b:s31+s3], $0x400, $0x38;
	[tilespmem:$0x3080] =	vst v63  }
0x12b: {  	s25 =	sadd.s32 $0x2DC780, s25  }
0x12c: {  	[tilespmem:s17], [sflag:$0x2] =	stream.linear.gather [hbm4b:s25+s3], $0x400, $0x38;
	[tilespmem:$0x3080] =	vst v63  }
0x12d: {  	_ =	swait.ge [sflag:s18], $0x400  }
0x12e: {  	[sflag:s18] =	ssyncset.done $0x0  }
0x12f: {  	[sflag:s18] =	ssyncadd.s32 $0xFFFFFC00  }
0x130: {  	_ =	swait.ge [sflag:s18], $0x400  }
0x131: {  	[sflag:s18] =	ssyncset.done $0x0  }
0x132: {  	[sflag:s18] =	ssyncadd.s32 $0xFFFFFC00  }
0x133: {  	_ =	swait.ge [sflag:s18], $0x400  }
0x134: {  	[sflag:s18] =	ssyncset.done $0x0  }
0x135: {  	[sflag:s18] =	ssyncadd.s32 $0xFFFFFC00  }
0x136: {  	_ =	swait.ge [sflag:s18], $0x400  }
0x137: {  	s24 =	sand.u32 $0x7F, s28;
	(v2sf) =	vpush v2, $0xA  }
0x138: {  	s26 =	sadd.s32 $0xFFFFFFFA, s22;
	v3 =	vor.u32 s24, v0  }
0x139: {  	v45 =	vmov s26  }
0x13a: {  	v4 =	vand.u32 $0x79, v45  }
0x13b: {  	v4 =	vbroadcast v4, $0x0;
	[sflag:s18] =	ssyncset.done $0x0  }
0x13c: {  	[sflag:s18] =	ssyncadd.s32 $0xFFFFFC00  }
0x13d: {  	v46 =	vor.u32 v0, v4;
	v3 =	vld.idx.msk [tilespmem:v3+s14+$0x0], $0xffff  }
0x13e: {  	v47 =	vor.u32 s24, v1;
	_ =	sdelay $0x3  }
0x13f: {  	[tilespmem:v46+s13+$0x0] =	vst.idx.msk $0xffff, v3  }
0x140: {  	v4 =	vor.u32 v1, v4;
	v3 =	vld.idx.msk [tilespmem:v47+s14+$0x0], $0xffff;
	_ =	sdelay $0x2  }
0x141: {  	s28 =	spop (v2sf)  }
0x142: {  	s29 =	sand.u32 $0xFFFFF80, s28  }
0x143: {  	[tilespmem:v4+s13+$0x0] =	vst.idx.msk $0xffff, v3;
	s25 =	sadd.s32 s1, s29  }
0x144: {  	[tilespmem:s8], [sflag:$0x1] =	stream.linear.gather [hbm4b:s25+s3], $0x400, $0x38;
	[tilespmem:$0x3080] =	vst v63  }
0x145: {  	s30 =	sadd.s32 $0xF4280, s25  }
0x146: {  	[tilespmem:s9], [sflag:$0x1] =	stream.linear.gather [hbm4b:s30+s3], $0x400, $0x38;
	[tilespmem:$0x3080] =	vst v63  }
0x147: {  	s31 =	sadd.s32 $0x1E8500, s25  }
0x148: {  	[tilespmem:s10], [sflag:$0x1] =	stream.linear.gather [hbm4b:s31+s3], $0x400, $0x38;
	[tilespmem:$0x3080] =	vst v63  }
0x149: {  	s25 =	sadd.s32 $0x2DC780, s25  }
0x14a: {  	[tilespmem:s11], [sflag:$0x1] =	stream.linear.gather [hbm4b:s25+s3], $0x400, $0x38;
	[tilespmem:$0x3080] =	vst v63  }
0x14b: {  	_ =	swait.ge [sflag:s12], $0x400  }
0x14c: {  	[sflag:s12] =	ssyncset.done $0x0  }
0x14d: {  	[sflag:s12] =	ssyncadd.s32 $0xFFFFFC00  }
0x14e: {  	_ =	swait.ge [sflag:s12], $0x400  }
0x14f: {  	[sflag:s12] =	ssyncset.done $0x0  }
0x150: {  	[sflag:s12] =	ssyncadd.s32 $0xFFFFFC00  }
0x151: {  	_ =	swait.ge [sflag:s12], $0x400  }
0x152: {  	[sflag:s12] =	ssyncset.done $0x0  }
0x153: {  	[sflag:s12] =	ssyncadd.s32 $0xFFFFFC00  }
0x154: {  	_ =	swait.ge [sflag:s12], $0x400  }
0x155: {  	s24 =	sand.u32 $0x7F, s28;
	(v2sf) =	vpush v2, $0xB  }
0x156: {  	s26 =	sadd.s32 $0xFFFFFFFB, s22;
	v3 =	vor.u32 s24, v0  }
0x157: {  	v48 =	vmov s26  }
0x158: {  	v4 =	vand.u32 $0x7A, v48  }
0x159: {  	v4 =	vbroadcast v4, $0x0;
	[sflag:s12] =	ssyncset.done $0x0  }
0x15a: {  	[sflag:s12] =	ssyncadd.s32 $0xFFFFFC00  }
0x15b: {  	v49 =	vor.u32 v0, v4;
	v3 =	vld.idx.msk [tilespmem:v3+s8+$0x0], $0xffff  }
0x15c: {  	v50 =	vor.u32 s24, v1;
	_ =	sdelay $0x3  }
0x15d: {  	[tilespmem:v49+s13+$0x0] =	vst.idx.msk $0xffff, v3  }
0x15e: {  	v4 =	vor.u32 v1, v4;
	v3 =	vld.idx.msk [tilespmem:v50+s8+$0x0], $0xffff;
	_ =	sdelay $0x2  }
0x15f: {  	s28 =	spop (v2sf)  }
0x160: {  	s29 =	sand.u32 $0xFFFFF80, s28  }
0x161: {  	[tilespmem:v4+s13+$0x0] =	vst.idx.msk $0xffff, v3;
	s25 =	sadd.s32 s1, s29  }
0x162: {  	[tilespmem:s14], [sflag:$0x2] =	stream.linear.gather [hbm4b:s25+s3], $0x400, $0x38;
	[tilespmem:$0x3080] =	vst v63  }
0x163: {  	s30 =	sadd.s32 $0xF4280, s25  }
0x164: {  	[tilespmem:s15], [sflag:$0x2] =	stream.linear.gather [hbm4b:s30+s3], $0x400, $0x38;
	[tilespmem:$0x3080] =	vst v63  }
0x165: {  	s31 =	sadd.s32 $0x1E8500, s25  }
0x166: {  	[tilespmem:s16], [sflag:$0x2] =	stream.linear.gather [hbm4b:s31+s3], $0x400, $0x38;
	[tilespmem:$0x3080] =	vst v63  }
0x167: {  	s25 =	sadd.s32 $0x2DC780, s25  }
0x168: {  	[tilespmem:s17], [sflag:$0x2] =	stream.linear.gather [hbm4b:s25+s3], $0x400, $0x38;
	[tilespmem:$0x3080] =	vst v63  }
0x169: {  	_ =	swait.ge [sflag:s18], $0x400  }
0x16a: {  	[sflag:s18] =	ssyncset.done $0x0  }
0x16b: {  	[sflag:s18] =	ssyncadd.s32 $0xFFFFFC00  }
0x16c: {  	_ =	swait.ge [sflag:s18], $0x400  }
0x16d: {  	[sflag:s18] =	ssyncset.done $0x0  }
0x16e: {  	[sflag:s18] =	ssyncadd.s32 $0xFFFFFC00  }
0x16f: {  	_ =	swait.ge [sflag:s18], $0x400  }
0x170: {  	[sflag:s18] =	ssyncset.done $0x0  }
0x171: {  	[sflag:s18] =	ssyncadd.s32 $0xFFFFFC00  }
0x172: {  	_ =	swait.ge [sflag:s18], $0x400  }
0x173: {  	s24 =	sand.u32 $0x7F, s28;
	(v2sf) =	vpush v2, $0xC  }
0x174: {  	s26 =	sadd.s32 $0xFFFFFFFC, s22;
	v3 =	vor.u32 s24, v0  }
0x175: {  	v51 =	vmov s26  }
0x176: {  	v4 =	vand.u32 $0x7B, v51  }
0x177: {  	v4 =	vbroadcast v4, $0x0;
	[sflag:s18] =	ssyncset.done $0x0  }
0x178: {  	[sflag:s18] =	ssyncadd.s32 $0xFFFFFC00  }
0x179: {  	v52 =	vor.u32 v0, v4;
	v3 =	vld.idx.msk [tilespmem:v3+s14+$0x0], $0xffff  }
0x17a: {  	v53 =	vor.u32 s24, v1;
	_ =	sdelay $0x3  }
0x17b: {  	[tilespmem:v52+s13+$0x0] =	vst.idx.msk $0xffff, v3  }
0x17c: {  	v4 =	vor.u32 v1, v4;
	v3 =	vld.idx.msk [tilespmem:v53+s14+$0x0], $0xffff;
	_ =	sdelay $0x2  }
0x17d: {  	s28 =	spop (v2sf)  }
0x17e: {  	s29 =	sand.u32 $0xFFFFF80, s28  }
0x17f: {  	[tilespmem:v4+s13+$0x0] =	vst.idx.msk $0xffff, v3;
	s25 =	sadd.s32 s1, s29  }
0x180: {  	[tilespmem:s8], [sflag:$0x1] =	stream.linear.gather [hbm4b:s25+s3], $0x400, $0x38;
	[tilespmem:$0x3080] =	vst v63  }
0x181: {  	s30 =	sadd.s32 $0xF4280, s25  }
0x182: {  	[tilespmem:s9], [sflag:$0x1] =	stream.linear.gather [hbm4b:s30+s3], $0x400, $0x38;
	[tilespmem:$0x3080] =	vst v63  }
0x183: {  	s31 =	sadd.s32 $0x1E8500, s25  }
0x184: {  	[tilespmem:s10], [sflag:$0x1] =	stream.linear.gather [hbm4b:s31+s3], $0x400, $0x38;
	[tilespmem:$0x3080] =	vst v63  }
0x185: {  	s25 =	sadd.s32 $0x2DC780, s25  }
0x186: {  	[tilespmem:s11], [sflag:$0x1] =	stream.linear.gather [hbm4b:s25+s3], $0x400, $0x38;
	[tilespmem:$0x3080] =	vst v63  }
0x187: {  	_ =	swait.ge [sflag:s12], $0x400  }
0x188: {  	[sflag:s12] =	ssyncset.done $0x0  }
0x189: {  	[sflag:s12] =	ssyncadd.s32 $0xFFFFFC00  }
0x18a: {  	_ =	swait.ge [sflag:s12], $0x400  }
0x18b: {  	[sflag:s12] =	ssyncset.done $0x0  }
0x18c: {  	[sflag:s12] =	ssyncadd.s32 $0xFFFFFC00  }
0x18d: {  	_ =	swait.ge [sflag:s12], $0x400  }
0x18e: {  	[sflag:s12] =	ssyncset.done $0x0  }
0x18f: {  	[sflag:s12] =	ssyncadd.s32 $0xFFFFFC00  }
0x190: {  	_ =	swait.ge [sflag:s12], $0x400  }
0x191: {  	s24 =	sand.u32 $0x7F, s28;
	(v2sf) =	vpush v2, $0xD  }
0x192: {  	s26 =	sadd.s32 $0xFFFFFFFD, s22;
	v3 =	vor.u32 s24, v0  }
0x193: {  	v54 =	vmov s26  }
0x194: {  	v4 =	vand.u32 $0x7C, v54  }
0x195: {  	v4 =	vbroadcast v4, $0x0;
	[sflag:s12] =	ssyncset.done $0x0  }
0x196: {  	[sflag:s12] =	ssyncadd.s32 $0xFFFFFC00  }
0x197: {  	v55 =	vor.u32 v0, v4;
	v3 =	vld.idx.msk [tilespmem:v3+s8+$0x0], $0xffff  }
0x198: {  	v56 =	vor.u32 s24, v1;
	_ =	sdelay $0x3  }
0x199: {  	[tilespmem:v55+s13+$0x0] =	vst.idx.msk $0xffff, v3  }
0x19a: {  	v4 =	vor.u32 v1, v4;
	v3 =	vld.idx.msk [tilespmem:v56+s8+$0x0], $0xffff;
	_ =	sdelay $0x2  }
0x19b: {  	s28 =	spop (v2sf)  }
0x19c: {  	s29 =	sand.u32 $0xFFFFF80, s28  }
0x19d: {  	[tilespmem:v4+s13+$0x0] =	vst.idx.msk $0xffff, v3;
	s25 =	sadd.s32 s1, s29  }
0x19e: {  	[tilespmem:s14], [sflag:$0x2] =	stream.linear.gather [hbm4b:s25+s3], $0x400, $0x38;
	[tilespmem:$0x3080] =	vst v63  }
0x19f: {  	s30 =	sadd.s32 $0xF4280, s25  }
0x1a0: {  	[tilespmem:s15], [sflag:$0x2] =	stream.linear.gather [hbm4b:s30+s3], $0x400, $0x38;
	[tilespmem:$0x3080] =	vst v63  }
0x1a1: {  	s31 =	sadd.s32 $0x1E8500, s25  }
0x1a2: {  	[tilespmem:s16], [sflag:$0x2] =	stream.linear.gather [hbm4b:s31+s3], $0x400, $0x38;
	[tilespmem:$0x3080] =	vst v63  }
0x1a3: {  	s25 =	sadd.s32 $0x2DC780, s25  }
0x1a4: {  	[tilespmem:s17], [sflag:$0x2] =	stream.linear.gather [hbm4b:s25+s3], $0x400, $0x38;
	[tilespmem:$0x3080] =	vst v63  }
0x1a5: {  	_ =	swait.ge [sflag:s18], $0x400  }
0x1a6: {  	[sflag:s18] =	ssyncset.done $0x0  }
0x1a7: {  	[sflag:s18] =	ssyncadd.s32 $0xFFFFFC00  }
0x1a8: {  	_ =	swait.ge [sflag:s18], $0x400  }
0x1a9: {  	[sflag:s18] =	ssyncset.done $0x0  }
0x1aa: {  	[sflag:s18] =	ssyncadd.s32 $0xFFFFFC00  }
0x1ab: {  	_ =	swait.ge [sflag:s18], $0x400  }
0x1ac: {  	[sflag:s18] =	ssyncset.done $0x0  }
0x1ad: {  	[sflag:s18] =	ssyncadd.s32 $0xFFFFFC00  }
0x1ae: {  	_ =	swait.ge [sflag:s18], $0x400  }
0x1af: {  	s24 =	sand.u32 $0x7F, s28;
	(v2sf) =	vpush v2, $0xE  }
0x1b0: {  	s26 =	sadd.s32 $0xFFFFFFFE, s22;
	v3 =	vor.u32 s24, v0  }
0x1b1: {  	v57 =	vmov s26  }
0x1b2: {  	v4 =	vand.u32 $0x7D, v57  }
0x1b3: {  	v4 =	vbroadcast v4, $0x0;
	[sflag:s18] =	ssyncset.done $0x0  }
0x1b4: {  	[sflag:s18] =	ssyncadd.s32 $0xFFFFFC00  }
0x1b5: {  	v58 =	vor.u32 v0, v4;
	v3 =	vld.idx.msk [tilespmem:v3+s14+$0x0], $0xffff  }
0x1b6: {  	v59 =	vor.u32 s24, v1;
	_ =	sdelay $0x3  }
0x1b7: {  	[tilespmem:v58+s13+$0x0] =	vst.idx.msk $0xffff, v3  }
0x1b8: {  	v4 =	vor.u32 v1, v4;
	v3 =	vld.idx.msk [tilespmem:v59+s14+$0x0], $0xffff;
	_ =	sdelay $0x2  }
0x1b9: {  	s28 =	spop (v2sf)  }
0x1ba: {  	s29 =	sand.u32 $0xFFFFF80, s28  }
0x1bb: {  	[tilespmem:v4+s13+$0x0] =	vst.idx.msk $0xffff, v3;
	s25 =	sadd.s32 s1, s29  }
0x1bc: {  	[tilespmem:s8], [sflag:$0x1] =	stream.linear.gather [hbm4b:s25+s3], $0x400, $0x38;
	[tilespmem:$0x3080] =	vst v63  }
0x1bd: {  	s30 =	sadd.s32 $0xF4280, s25  }
0x1be: {  	[tilespmem:s9], [sflag:$0x1] =	stream.linear.gather [hbm4b:s30+s3], $0x400, $0x38;
	[tilespmem:$0x3080] =	vst v63  }
0x1bf: {  	s31 =	sadd.s32 $0x1E8500, s25  }
0x1c0: {  	[tilespmem:s10], [sflag:$0x1] =	stream.linear.gather [hbm4b:s31+s3], $0x400, $0x38;
	[tilespmem:$0x3080] =	vst v63  }
0x1c1: {  	s25 =	sadd.s32 $0x2DC780, s25  }
0x1c2: {  	[tilespmem:s11], [sflag:$0x1] =	stream.linear.gather [hbm4b:s25+s3], $0x400, $0x38;
	[tilespmem:$0x3080] =	vst v63  }
0x1c3: {  	_ =	swait.ge [sflag:s12], $0x400  }
0x1c4: {  	[sflag:s12] =	ssyncset.done $0x0  }
0x1c5: {  	[sflag:s12] =	ssyncadd.s32 $0xFFFFFC00  }
0x1c6: {  	_ =	swait.ge [sflag:s12], $0x400  }
0x1c7: {  	[sflag:s12] =	ssyncset.done $0x0  }
0x1c8: {  	[sflag:s12] =	ssyncadd.s32 $0xFFFFFC00  }
0x1c9: {  	_ =	swait.ge [sflag:s12], $0x400  }
0x1ca: {  	[sflag:s12] =	ssyncset.done $0x0  }
0x1cb: {  	[sflag:s12] =	ssyncadd.s32 $0xFFFFFC00  }
0x1cc: {  	_ =	swait.ge [sflag:s12], $0x400  }
0x1cd: {  	s24 =	sand.u32 $0x7F, s28;
	(v2sf) =	vpush v2, $0xF  }
0x1ce: {  	s26 =	sadd.s32 $0xFFFFFFFF, s22;
	v2 =	vor.u32 s24, v0  }
0x1cf: {  	v3 =	vmov s26  }
0x1d0: {  	v3 =	vand.u32 $0x7E, v3  }
0x1d1: {  	v3 =	vbroadcast v3, $0x0;
	[sflag:s12] =	ssyncset.done $0x0  }
0x1d2: {  	[sflag:s12] =	ssyncadd.s32 $0xFFFFFC00  }
0x1d3: {  	v60 =	vor.u32 v0, v3;
	v2 =	vld.idx.msk [tilespmem:v2+s8+$0x0], $0xffff  }
0x1d4: {  	v61 =	vor.u32 s24, v1;
	_ =	sdelay $0x3  }
0x1d5: {  	[tilespmem:v60+s13+$0x0] =	vst.idx.msk $0xffff, v2  }
0x1d6: {  	v3 =	vor.u32 v1, v3;
	v2 =	vld.idx.msk [tilespmem:v61+s8+$0x0], $0xffff;
	_ =	sdelay $0x2  }
0x1d7: {  	s28 =	spop (v2sf)  }
0x1d8: {  	s29 =	sand.u32 $0xFFFFF80, s28  }
0x1d9: {  	[tilespmem:v3+s13+$0x0] =	vst.idx.msk $0xffff, v2;
	s25 =	sadd.s32 s1, s29  }
0x1da: {  	[tilespmem:s14], [sflag:$0x2] =	stream.linear.gather [hbm4b:s25+s3], $0x400, $0x38;
	[tilespmem:$0x3080] =	vst v63  }
0x1db: {  	s30 =	sadd.s32 $0xF4280, s25  }
0x1dc: {  	[tilespmem:s15], [sflag:$0x2] =	stream.linear.gather [hbm4b:s30+s3], $0x400, $0x38;
	[tilespmem:$0x3080] =	vst v63  }
0x1dd: {  	s31 =	sadd.s32 $0x1E8500, s25  }
0x1de: {  	[tilespmem:s16], [sflag:$0x2] =	stream.linear.gather [hbm4b:s31+s3], $0x400, $0x38;
	[tilespmem:$0x3080] =	vst v63  }
0x1df: {  	s25 =	sadd.s32 $0x2DC780, s25  }
0x1e0: {  	[tilespmem:s17], [sflag:$0x2] =	stream.linear.gather [hbm4b:s25+s3], $0x400, $0x38;
	[tilespmem:$0x3080] =	vst v63  }
0x1e1: {  	_ =	swait.ge [sflag:s18], $0x400  }
0x1e2: {  	[sflag:s18] =	ssyncset.done $0x0  }
0x1e3: {  	[sflag:s18] =	ssyncadd.s32 $0xFFFFFC00  }
0x1e4: {  	_ =	swait.ge [sflag:s18], $0x400  }
0x1e5: {  	[sflag:s18] =	ssyncset.done $0x0  }
0x1e6: {  	[sflag:s18] =	ssyncadd.s32 $0xFFFFFC00  }
0x1e7: {  	s24 =	sand.u32 $0x7F, s28;
	_ =	swait.ge [sflag:s18], $0x400  }
0x1e8: {  	v2 =	vor.u32 s24, v0;
	[sflag:s18] =	ssyncset.done $0x0  }
0x1e9: {  	v3 =	vmov s22;
	[sflag:s18] =	ssyncadd.s32 $0xFFFFFC00  }
0x1ea: {  	v3 =	vand.u32 $0x7F, v3;
	_ =	swait.ge [sflag:s18], $0x400  }
0x1eb: {  	v3 =	vbroadcast v3, $0x0;
	[sflag:s18] =	ssyncset.done $0x0  }
0x1ec: {  	[sflag:s18] =	ssyncadd.s32 $0xFFFFFC00  }
0x1ed: {  	v62 =	vor.u32 v0, v3;
	v2 =	vld.idx.msk [tilespmem:v2+s14+$0x0], $0xffff  }
0x1ee: {  	v63 =	vor.u32 s24, v1;
	_ =	sdelay $0x3  }
0x1ef: {  	[tilespmem:v62+s13+$0x0] =	vst.idx.msk $0xffff, v2  }
0x1f0: {  	p0 =	sne.s32 s22, $0x7F;
	v3 =	vor.u32 v1, v3;
	v2 =	vld.idx.msk [tilespmem:v63+s14+$0x0], $0xffff  }
.Ltmp0:
0x1f1: {  	_ = 	snop;
	(pc) =	sbr.rel @p0 .LBB2_2-.Ltmp0, $2  }
0x1f2: {  	_ =	sdelay $0x2  }
0x1f3: {  	s23 =	sadd.s32 $0x10, s23;
	s22 =	sadd.s32 $0x10, s22;
	[tilespmem:v3+s13+$0x0] =	vst.idx.msk $0xffff, v2  }
0x1f4: {  	s21 =	sadd.s32 $0x1, s21  }
0x1f5: {  	p0 =	sne.s32 s21, s6  }
.Ltmp1:
0x1f6: {  	_ = 	snop;
	(pc) =	sbr.rel @p0 .LBB2_1-.Ltmp1, $4  }
0x1f7: {  	[hbm4b:s5+s19] =	stream.strided.scatter [tilespmem:s13], [sflag:$0x3], $0x1000, s20, s19, $0x38;
	[tilespmem:$0x3080] =	vst v63  }
0x1f8: {  	_ =	swait.ge [sflag:s7], $0x1000  }
0x1f9: {  	[sflag:s7] =	ssyncset.done $0x0  }
0x1fa: {  	[sflag:s7] =	ssyncadd.s32 $0xFFFFF000  }
0x1fb: {  	_ =	sfence.sel $0x180000  }
0x1fc: {  	[bflag:$0x0] =	sbarrier.arrive $0xFFFF  }
0x1fd: {  	p0 =	sne.s32 s2, $0x0;
	_ =	strace $0x9000004A  }
0x1fe: {  	s0 =	sadd.s32 @!p0 $0x100000, s0;
	[bflag:$0x2] =	sbarrier.arrive $0xFFFF  }
0x1ff: {  	[sflag:s0] =	ssyncadd.tile.s32 @!p0 $0x1;
	_ =	shalt  }
.Lfunc_end2:
_tile_overlayer_lowered:
.L_overlay_start_2:
0x200: {  	(tag) =	ssettag $0x2  }
0x201: {  	s0 =	rddreg [dreg:$0x0];
	s2 =	stileid.u32  }
0x202: {  	s1 =	rddreg [dreg:$0x1];
	p0 =	sne.s32 s2, $0x0  }
0x203: {  	s3 =	rddreg [dreg:$0x2];
	[bflag:$0x3] =	sbarrier.arrive $0xFFFF;
	s2 =	simm.s32 @!p0 $0x1C03  }
0x204: {  	[timem:s3], [sflag:s2] =	dma.local @!p0 [hbm:s0], s1  }
0x205: {  	s0 =	simm.s32 @!p0 $0x3  }
0x206: {  	_ =	swait.ge @!p0 [sflag:s0], s1  }
0x207: {  	s1 =	ssub.s32 @!p0 $0x0, s1;
	[sflag:s0] =	ssyncset.done @!p0 $0x0  }
0x208: {  	[sflag:s0] =	ssyncadd.s32 @!p0 s1  }
0x209: {  	[bflag:$0x3] =	sbarrier.arrive $0xFFFF  }
0x20a: {  	_ =	shalt  }

// kernel: kernel.7.cloned.1.call-start
scs
__scs_entry_jumppad:
0x0: {  	(pc) =	sbr.rel $0x88, $3  }
0x1: {  	(tag) =	ssettag $0x0;
	lr =	simm.s32 $0x1  }
0x2: {  	[smem:$0x3F9D] =	sst lr;
	_ =	strace $0xD0000000  }
0x3: {  	_ = 	snop  }
0x4: {  	_ = 	snop  }
0x5: {  	_ = 	snop  }
0x6: {  	_ = 	snop  }
0x7: {  	_ = 	snop  }
__scs_overlays_trampoline_lowered:
0x8: {  	[smem:$0x3FAC] =	sst s0  }
0x9: {  	[smem:$0x3FAD] =	sst s1  }
0xa: {  	[smem:$0x3FAE] =	sst s2  }
0xb: {  	[smem:$0x3FAF] =	sst s3  }
0xc: {  	[smem:$0x3FB0] =	sst s4  }
0xd: {  	[smem:$0x3FB1] =	sst s5  }
0xe: {  	[smem:$0x3FB2] =	sst s6  }
0xf: {  	[smem:$0x3FB3] =	sst s7  }
0x10: {  	[smem:$0x3FB4] =	sst s8  }
0x11: {  	[smem:$0x3FB5] =	sst s9;
	s0 =	simm.s32 @!p0 $0x0  }
0x12: {  	s1 =	sld [smem:$0x3F9B];
	s0 =	simm.s32 @p0 $0x1  }
0x13: {  	[smem:$0x3FB6] =	sst s0;
	s0 =	simm.s32 @!p1 $0x0  }
0x14: {  	s2 =	sld [smem:$0x3F9A];
	s0 =	simm.s32 @p1 $0x1  }
0x15: {  	[smem:$0x3FB7] =	sst s0;
	s0 =	simm.s32 @!p2 $0x0  }
0x16: {  	s3 =	sld [smem:$0x3FDB];
	s0 =	simm.s32 @p2 $0x1  }
0x17: {  	s4 =	simm.s32 $0x1BF5;
	[smem:$0x3FB9] =	sst s0  }
0x18: {  	s0 =	sld [smem:$0x3F9C];
	_ =	swait.ge [sflag:s4], $0x0  }
0x19: {  	s7 =	sld [smem:$0x3F9D]  }
0x1a: {  	s8 =	sadd.s32 $0xFFFFE003, lr  }
0x1b: {  	s9 =	sadd.s32 $0xFFFFFEF7, lr;
	s5 =	simm.s32 $0xFFFFFFFF;
	p2 =	slt.u32 s8, $0xFFFFF086  }
0x1c: {  	p1 =	slt.u32 s9, $0xF7A;
	s5 =	simm.s32 @!p2 $0x0  }
0x1d: {  	s5 =	simm.s32 @p1 $0x1;
	p0 =	seq.s32 s7, s2  }
0x1e: {  	s7 =	smul.u32 @!p0 $0xF7A, s2;
	p2 =	seq.s32 @!p0 s5, $0x0  }
0x1f: {  	s9 =	smul.u32 $0xF7A, s1;
	s8 =	simm.s32 @!p0 $0x1BF5;
	p2 =	por !p2, p0  }
0x20: {  	[sflag:s8] =	ssyncset.s32 @!p0 $0xFFFFF086;
	s6 =	sadd.s32 @!p0 s3, s7;
	s7 =	simm.s32 @!p0 $0x108  }
0x21: {  	s3 =	sadd.s32 s3, s9;
	s6 =	sadd.s32 @!p0 $0x88, s6;
	s7 =	simm.s32 @p2 $0x1082  }
0x22: {  	[simem:s7], [sflag:s8] =	dma.local @!p0 [hbm:s6], $0xF7A  }
0x23: {  	s9 =	sor.u32 $0xD0000000, s2;
	s6 =	simm.s32 $0x108;
	_ =	swait.ge @!p0 [sflag:s8], $0x0  }
0x24: {  	s3 =	sadd.s32 $0x88, s3;
	s6 =	simm.s32 @!p1 $0x1082;
	[sflag:s4] =	ssyncset.s32 $0xFFFFF086  }
0x25: {  	[simem:s6], [sflag:s4] =	dma.local [hbm:s3], $0xF7A  }
0x26: {  	[smem:$0x3F9D] =	sst s1;
	(tag) =	ssettag s2;
	_ =	strace s9  }
0x27: {  	s1 =	sld [smem:$0x3FAD]  }
0x28: {  	s2 =	sld [smem:$0x3FAE]  }
0x29: {  	s4 =	sld [smem:$0x3FB0]  }
0x2a: {  	p0 =	seq.s32 s5, $0x0;
	s5 =	sld [smem:$0x3FB1]  }
0x2b: {  	s6 =	sld [smem:$0x3FB2]  }
0x2c: {  	s7 =	sld [smem:$0x3FB3]  }
0x2d: {  	s3 =	simm.s32 $0x108;
	s8 =	sld [smem:$0x3FB4]  }
0x2e: {  	s3 =	simm.s32 @!p0 $0x1082;
	s9 =	sld [smem:$0x3FB5]  }
0x2f: {  	lr =	sadd.s32 s0, s3;
	s0 =	sld [smem:$0x3FAC]  }
0x30: {  	s3 =	sld [smem:$0x3FAF]  }
0x31: {  	[smem:$0x3FB8] =	sst s10  }
0x32: {  	s10 =	sld [smem:$0x3FB6];
	_ =	sdelay $0x3  }
0x33: {  	p0 =	seq.s32 s10, $0x1;
	s10 =	sld [smem:$0x3FB8];
	_ =	sdelay $0x3  }
0x34: {  	[smem:$0x3FB8] =	sst s10  }
0x35: {  	s10 =	sld [smem:$0x3FB7];
	_ =	sdelay $0x3  }
0x36: {  	p1 =	seq.s32 s10, $0x1;
	s10 =	sld [smem:$0x3FB8];
	_ =	sdelay $0x3  }
0x37: {  	[smem:$0x3FB8] =	sst s10  }
0x38: {  	s10 =	sld [smem:$0x3FB9]  }
0x39: {  	_ = 	snop;
	(pc) =	sbr.ind lr, $3  }
0x3a: {  	_ = 	snop  }
0x3b: {  	_ = 	snop  }
0x3c: {  	p2 =	seq.s32 s10, $0x1;
	s10 =	sld [smem:$0x3FB8]  }
0x3d: {  	_ =	shalt  }
0x3e: {  	_ =	shalt  }
0x3f: {  	_ =	shalt  }
0x40: {  	_ =	shalt  }
0x41: {  	_ =	shalt  }
0x42: {  	_ =	shalt  }
0x43: {  	_ =	shalt  }
0x44: {  	_ =	shalt  }
0x45: {  	_ =	shalt  }
0x46: {  	_ =	shalt  }
0x47: {  	_ =	shalt  }
0x48: {  	_ =	shalt  }
0x49: {  	_ =	shalt  }
0x4a: {  	_ =	shalt  }
0x4b: {  	_ =	shalt  }
0x4c: {  	_ =	shalt  }
0x4d: {  	_ =	shalt  }
0x4e: {  	_ =	shalt  }
0x4f: {  	_ =	shalt  }
0x50: {  	_ =	shalt  }
0x51: {  	_ =	shalt  }
0x52: {  	_ =	shalt  }
0x53: {  	_ =	shalt  }
0x54: {  	_ =	shalt  }
0x55: {  	_ =	shalt  }
0x56: {  	_ =	shalt  }
0x57: {  	_ =	shalt  }
0x58: {  	_ =	shalt  }
0x59: {  	_ =	shalt  }
0x5a: {  	_ =	shalt  }
0x5b: {  	_ =	shalt  }
0x5c: {  	_ =	shalt  }
0x5d: {  	_ =	shalt  }
0x5e: {  	_ =	shalt  }
0x5f: {  	_ =	shalt  }
0x60: {  	_ =	shalt  }
0x61: {  	_ =	shalt  }
0x62: {  	_ =	shalt  }
0x63: {  	_ =	shalt  }
0x64: {  	_ =	shalt  }
0x65: {  	_ =	shalt  }
0x66: {  	_ =	shalt  }
0x67: {  	_ =	shalt  }
0x68: {  	_ =	shalt  }
0x69: {  	_ =	shalt  }
0x6a: {  	_ =	shalt  }
0x6b: {  	_ =	shalt  }
0x6c: {  	_ =	shalt  }
0x6d: {  	_ =	shalt  }
0x6e: {  	_ =	shalt  }
0x6f: {  	_ =	shalt  }
0x70: {  	_ =	shalt  }
0x71: {  	_ =	shalt  }
0x72: {  	_ =	shalt  }
0x73: {  	_ =	shalt  }
0x74: {  	_ =	shalt  }
0x75: {  	_ =	shalt  }
0x76: {  	_ =	shalt  }
0x77: {  	_ =	shalt  }
0x78: {  	_ =	shalt  }
0x79: {  	_ =	shalt  }
0x7a: {  	_ =	shalt  }
0x7b: {  	_ =	shalt  }
0x7c: {  	_ =	shalt  }
0x7d: {  	_ =	shalt  }
0x7e: {  	_ =	shalt  }
0x7f: {  	_ =	shalt  }
0x80: {  	_ =	shalt  }
0x81: {  	_ =	shalt  }
0x82: {  	_ =	shalt  }
0x83: {  	_ =	shalt  }
0x84: {  	_ =	shalt  }
0x85: {  	_ =	shalt  }
0x86: {  	_ =	shalt  }
0x87: {  	_ =	shalt  }
.Lfunc_end0:
.L_simem_size_0:
called_computation.1_lowered:
.L_overlay_start_0:
0x88: {  	s2 =	sld [smem:$0x3FD9]  }
0x89: {  	s3 =	sld [smem:$0x3FFE];
	_ =	sdelay $0x1  }
0x8a: {  	s1 =	srdreg.scid  }
0x8b: {  	s0 =	sand.u32 $0x1, s1  }
0x8c: {  	s17 =	sshll.u32 s0, $0xA;
	s2 =	sadd.s32 s3, s2  }
0x8d: {  	s2 =	sadd.s32 s2, s17  }
0x8e: {  	[smem:$0x3FC4] =	sst s2  }
0x8f: {  	_ = 	snop  }
0x90: {  	s2 =	sld [smem:$0x3FC8];
	(tm) =	ssettm $0x1  }
0x91: {  	s18 =	sld [smem:$0x3FFB];
	_ =	sdelay $0x3  }
0x92: {  	_ =	strace s18  }
0x93: {  	s3 =	sld [smem:$0x3FFC];
	_ =	sdelay $0x3  }
0x94: {  	_ =	strace s3  }
0x95: {  	s3 =	sld [smem:$0x3FFD];
	_ =	sdelay $0x3  }
0x96: {  	_ =	strace s3  }
0x97: {  	_ =	strace $0x8FFFFFFF  }
0x98: {  	s19 =	sld [smem:$0x3FDB];
	_ =	sdelay $0x1  }
0x99: {  	s4 =	simm.s32 $_scs_section_size  }
0x9a: {  	s5 =	simm.s32 $_size__tile_overlayer_lowered;
	s6 =	simm.s32 $_tile_overlayer_lowered  }
0x9b: {  	s22 =	simm.s32 $0x1BFF;
	s21 =	sshll.u32 s6, $0x1;
	s3 =	sadd.s32 s4, s19  }
0x9c: {  	s7 =	simm.s32 $0x0;
	s20 =	sshll.u32 s5, $0x1;
	s5 =	sadd.s32 s21, s3  }
0x9d: {  	[timem:s7], [sflag:s22] =	dma.local [hbm:s5], s20  }
0x9e: {  	_ =	swait.ge [sflag:s22], s20  }
0x9f: {  	s4 =	ssub.s32 $0x0, s20;
	[sflag:s22] =	ssyncset.done $0x0  }
0xa0: {  	[sflag:s22] =	ssyncadd.s32 s4;
	_ =	sdelay $0x1  }
0xa1: {  	s23 =	simm.s32 $0x1B8B  }
0xa2: {  	_ =	swait.ge [sflag:s23], $0x1  }
0xa3: {  	[sflag:s23] =	ssyncset.done $0x0  }
0xa4: {  	s25 =	simm.s32 $0x1B8E;
	s24 =	sld [smem:$0x3FFE];
	[sflag:s23] =	ssyncadd.s32 $0xFFFFFFFF  }
0xa5: {  	s26 =	simm.s32 $execute0_lowered;
	[smem:$0x3FD2] =	sst s25  }
0xa6: {  	s5 =	sshll.u32 s26, $0x1;
	_ =	strace $0x80000046;
	[dreg:$0x1] =	wrdreg $0xFFFFFFFF  }
0xa7: {  	s28 =	simm.s32 $_size_execute0_lowered;
	s3 =	sadd.s32 s3, s5;
	[dreg:$0x0] =	wrdreg $0x0  }
0xa8: {  	s5 =	sshll.u32 s28, $0x1;
	[dreg:$0x2] =	wrdreg s3  }
0xa9: {  	[dreg:$0x3] =	wrdreg s5  }
0xaa: {  	[dreg:$0x4] =	wrdreg $0xC0  }
0xab: {  	_ =	task [dreg:s7], $0x5FFFF  }
0xac: {  	[dreg:$0x1] =	wrdreg $0xFFFFFFFF  }
0xad: {  	[dreg:$0x0] =	wrdreg $0x60  }
0xae: {  	[dreg:$0x2] =	wrdreg s2  }
0xaf: {  	[dreg:$0x3] =	wrdreg s24  }
0xb0: {  	[dreg:$0x4] =	wrdreg $0xA  }
0xb1: {  	_ =	task.clear_ibuf [dreg:s7], $0x5FFFF;
	_ =	strace $0x90000046  }
0xb2: {  	s29 =	simm.s32 $0xA;
	_ =	strace $0x80000048  }
0xb3: {  	_ =	swait.ge [sflag:s29], $0x1  }
0xb4: {  	[sflag:s29] =	ssyncadd.s32 $0xFFFFFFFF  }
0xb5: {  	_ =	strace $0x90000048  }
0xb6: {  	_ =	sfence  }
0xb7: {  	s30 =	sld [smem:$0x0];
	_ =	sdelay $0x2  }
0xb8: {  	s31 =	sshll.u32 s1, $0xD;
	s1 =	sshrl.u32 s1, $0x2  }
0xb9: {  	s3 =	sand.u32 $0x4000, s31;
	s1 =	sadd.s32 s1, s30  }
0xba: {  	s0 =	sor.u32 s3, s0;
	s1 =	sshll.u32 s1, $0x11  }
0xbb: {  	s0 =	sor.u32 s1, s0  }
0xbc: {  	s0 =	sadd.s32 $0x8F2B, s0  }
0xbd: {  	[sflag:s0] =	ssyncadd.remote.s32 $0x1  }
0xbe: {  	_ =	sfence.sel $0xFFFF  }
0xbf: {  	[dreg:$0x0] =	wrdreg $0xFFFFFFFF;
	(pc) =	sbr.abs _section_cstart, $3  }
0xc0: {  	[dreg:$0x1] =	wrdreg $0xFFFFFFFF  }
0xc1: {  	_ =	task.clear_ibuf [dreg:s7], $0x2FFFF;
	_ =	strace $0x9FFFFFFF  }
0xc2: {  	(tm) =	ssettm $0x7FFFFFFF  }
0xc3: {  	_ =	shalt  }
tec
execute0_lowered:
.L_overlay_start_1:
0x0: {  	(tag) =	ssettag $0x1  }
0x1: {  	s6 =	rddreg [dreg:$0x0]  }
0x2: {  	s5 =	rddreg [dreg:$0x1]  }
0x3: {  	s0 =	rddreg [dreg:$0x2]  }
0x4: {  	s2 =	simm.s32 $0x0;
	s3 =	srdreg.scid;
	s1 =	stileid.u32  }
0x5: {  	s10 =	simm.s32 $0x3;
	s11 =	simm.s32 $0x80;
	s12 =	simm.s32 $0x6400  }
0x6: {  	s13 =	simm.s32 $0x7400;
	s14 =	simm.s32 $0x1;
	s15 =	simm.s32 $0x8400  }
0x7: {  	s16 =	simm.s32 $0x2;
	s17 =	simm.s32 $0x9500;
	s18 =	simm.s32 $0x0  }
0x8: {  	[smem:$0x7FF] =	sst s2;
	s3 =	sand.u32 $0x1, s3;
	s4 =	sshll.u32 s1, $0x8  }
0x9: {  	v0 =	vlaneseq.u32;
	_ =	strace $0x80000047;
	s7 =	ssub.s32 $0x2, s3;
	s8 =	sshll.u32 s3, $0x7  }
0xa: {  	v0 =	vmul.u32 $0x88, v0;
	s3 =	sadd.s32 $0xF42C00, s5;
	s5 =	sadd.s32 $0x800, s5;
	s9 =	sshrl.u32 s7, $0x1  }
0xb: {  	s4 =	sor.u32 s8, s4;
	s8 =	simm.s32 $0x400;
	s7 =	ssub.s32 s7, s9  }
0xc: {  	v1 =	vadd.s32 $0x880, v0;
	s6 =	sadd.s32 s6, s4;
	s9 =	simm.s32 $0x8000;
	s7 =	smax.u32 s7, $0x1  }
.LBB2_1:
0xd: {  	[tilespmem:s2], [sflag:$0x3] =	stream.strided.gather [hbm4b:s6+s8], $0x6400, s9, s8, $0x38;
	[tilespmem:$0xA600] =	vst v63  }
0xe: {  	_ =	swait.ge [sflag:s10], $0x6400  }
0xf: {  	[sflag:s10] =	ssyncset.done $0x0  }
0x10: {  	s19 =	simm.s32 $0x0;
	[sflag:s10] =	ssyncadd.s32 $0xFFFF9C00  }
0x11: {  	[tilespmem:s12], [sflag:$0x1] =	stream.indirect.gather [hbm4b:s3+s11], $0x20, s2, s11, $0xb8;
	[tilespmem:$0xA600] =	vst v63  }
.LBB2_2:
0x12: {  	s20 =	sshllo.u32 s19, $0x1  }
0x13: {  	s22 =	sshll.u32 s19, $0x8;
	s21 =	sshll.u32 s20, $0x7  }
0x14: {  	s22 =	sand.u32 $0x7C00, s22;
	s21 =	sand.u32 $0x380, s21  }
0x15: {  	s21 =	sor.u32 s21, s22  }
0x16: {  	[tilespmem:s13], [sflag:$0x2] =	stream.indirect.gather [hbm4b:s3+s11], $0x20, s21, s11, $0xb8;
	[tilespmem:$0xA600] =	vst v63  }
0x17: {  	s28 =	simm.s32 $0x0;
	_ =	swait.ge [sflag:s14], $0x1000  }
0x18: {  	v2 =	vmov s28;
	[sflag:s14] =	ssyncset.done $0x0  }
0x19: {  	v2 =	vand.u32 $0x7C, v2;
	s22 =	simm.s32 $0x6440;
	[sflag:s14] =	ssyncadd.s32 $0xFFFFF000  }
0x1a: {  	v4 =	vadd.s32 v0, v2;
	v3 =	vld [tilespmem:s22+$0xFFFFFFC0];
	_ =	sdelay $0x4  }
0x1b: {  	[tilespmem:v4+s15+$0x0] =	vst.idx.msk $0xffff, v3  }
0x1c: {  	v2 =	vadd.s32 v1, v2;
	v3 =	vld [tilespmem:s22+$0xFFFFFFD0];
	_ =	sdelay $0x2  }
0x1d: {  	s29 =	simm.s32 $0x1  }
0x1e: {  	v4 =	vmov s29  }
0x1f: {  	[tilespmem:v2+s15+$0x0] =	vst.idx.msk $0xffff, v3;
	v2 =	vand.u32 $0x7D, v4  }
0x20: {  	v3 =	vld [tilespmem:s22+$0xFFFFFFE0];
	v4 =	vadd.s32 v0, v2;
	_ =	sdelay $0x4  }
0x21: {  	[tilespmem:v4+s15+$0x0] =	vst.idx.msk $0xffff, v3  }
0x22: {  	v2 =	vadd.s32 v1, v2;
	v3 =	vld [tilespmem:s22+$0xFFFFFFF0];
	_ =	sdelay $0x2  }
0x23: {  	s30 =	simm.s32 $0x2  }
0x24: {  	v4 =	vmov s30  }
0x25: {  	[tilespmem:v2+s15+$0x0] =	vst.idx.msk $0xffff, v3;
	v2 =	vand.u32 $0x7E, v4  }
0x26: {  	v3 =	vld [tilespmem:s22+$0x0];
	v4 =	vadd.s32 v0, v2;
	_ =	sdelay $0x4  }
0x27: {  	[tilespmem:v4+s15+$0x0] =	vst.idx.msk $0xffff, v3  }
0x28: {  	v2 =	vadd.s32 v1, v2;
	v3 =	vld [tilespmem:s22+$0x10];
	_ =	sdelay $0x2  }
0x29: {  	s31 =	simm.s32 $0x3  }
0x2a: {  	v4 =	vmov s31  }
0x2b: {  	[tilespmem:v2+s15+$0x0] =	vst.idx.msk $0xffff, v3;
	v3 =	vand.u32 $0x7F, v4  }
0x2c: {  	v2 =	vld [tilespmem:s22+$0x20];
	v4 =	vadd.s32 v0, v3;
	_ =	sdelay $0x4  }
0x2d: {  	[tilespmem:v4+s15+$0x0] =	vst.idx.msk $0xffff, v2  }
0x2e: {  	v3 =	vadd.s32 v1, v3;
	v2 =	vld [tilespmem:s22+$0x30];
	_ =	sdelay $0x2  }
0x2f: {  	s23 =	simm.s32 $0x4  }
0x30: {  	s24 =	simm.s32 $0x8;
	s21 =	sshll.u32 s19, $0x1;
	v4 =	vmov s23  }
.LBB2_3:
0x31: {  	p0 =	sne.s32 s24, $0x7C;
	v4 =	vand.u32 $0x7C, v4;
	[tilespmem:v3+s15+$0x0] =	vst.idx.msk $0xffff, v2;
	s22 =	sadd.s32 $0x80, s22  }
0x32: {  	v2 =	vld [tilespmem:s22+$0xFFFFFFC0];
	v3 =	vadd.s32 v0, v4;
	_ =	sdelay $0x4  }
0x33: {  	[tilespmem:v3+s15+$0x0] =	vst.idx.msk $0xffff, v2  }
0x34: {  	v3 =	vadd.s32 v1, v4;
	v2 =	vld [tilespmem:s22+$0xFFFFFFD0];
	_ =	sdelay $0x2  }
0x35: {  	s25 =	sadd.s32 $0x1, s23  }
0x36: {  	v4 =	vmov s25  }
0x37: {  	[tilespmem:v3+s15+$0x0] =	vst.idx.msk $0xffff, v2;
	v2 =	vand.u32 $0x7D, v4  }
0x38: {  	v3 =	vld [tilespmem:s22+$0xFFFFFFE0];
	v4 =	vadd.s32 v0, v2;
	_ =	sdelay $0x4  }
0x39: {  	[tilespmem:v4+s15+$0x0] =	vst.idx.msk $0xffff, v3  }
0x3a: {  	v2 =	vadd.s32 v1, v2;
	v3 =	vld [tilespmem:s22+$0xFFFFFFF0];
	_ =	sdelay $0x2  }
0x3b: {  	s25 =	sadd.s32 $0x2, s23  }
0x3c: {  	v4 =	vmov s25  }
0x3d: {  	[tilespmem:v2+s15+$0x0] =	vst.idx.msk $0xffff, v3;
	v2 =	vand.u32 $0x7E, v4  }
0x3e: {  	v3 =	vld [tilespmem:s22+$0x0];
	v4 =	vadd.s32 v0, v2;
	_ =	sdelay $0x4  }
0x3f: {  	[tilespmem:v4+s15+$0x0] =	vst.idx.msk $0xffff, v3  }
0x40: {  	v2 =	vadd.s32 v1, v2;
	v3 =	vld [tilespmem:s22+$0x10];
	_ =	sdelay $0x2  }
0x41: {  	s25 =	sadd.s32 $0x3, s23;
	s23 =	smov.u32 s24  }
0x42: {  	v4 =	vmov s25  }
0x43: {  	[tilespmem:v2+s15+$0x0] =	vst.idx.msk $0xffff, v3;
	v3 =	vand.u32 $0x7F, v4  }
0x44: {  	v2 =	vld [tilespmem:s22+$0x20];
	v4 =	vadd.s32 v0, v3;
	_ =	sdelay $0x4  }
0x45: {  	[tilespmem:v4+s15+$0x0] =	vst.idx.msk $0xffff, v2  }
.Ltmp0:
0x46: {  	v3 =	vadd.s32 v1, v3;
	v2 =	vld [tilespmem:s22+$0x30];
	(pc) =	sbr.rel @p0 .LBB2_3-.Ltmp0, $2  }
0x47: {  	_ =	sdelay $0x2  }
0x48: {  	s24 =	sadd.s32 $0x4, s24;
	v4 =	vmov s23  }
0x49: {  	_ =	sdelay $0x3  }
0x4a: {  	v4 =	vand.u32 $0x7C, v4;
	[tilespmem:v3+s15+$0x0] =	vst.idx.msk $0xffff, v2;
	s22 =	sadd.s32 $0x80, s22  }
0x4b: {  	v2 =	vld [tilespmem:s22+$0xFFFFFFC0];
	v3 =	vadd.s32 v0, v4;
	_ =	sdelay $0x4  }
0x4c: {  	[tilespmem:v3+s15+$0x0] =	vst.idx.msk $0xffff, v2  }
0x4d: {  	v3 =	vadd.s32 v1, v4;
	v2 =	vld [tilespmem:s22+$0xFFFFFFD0];
	_ =	sdelay $0x2  }
0x4e: {  	s24 =	sadd.s32 $0x1, s23  }
0x4f: {  	v61 =	vmov s24  }
0x50: {  	[tilespmem:v3+s15+$0x0] =	vst.idx.msk $0xffff, v2;
	v2 =	vand.u32 $0x7D, v61  }
0x51: {  	v3 =	vld [tilespmem:s22+$0xFFFFFFE0];
	v4 =	vadd.s32 v0, v2;
	_ =	sdelay $0x4  }
0x52: {  	[tilespmem:v4+s15+$0x0] =	vst.idx.msk $0xffff, v3  }
0x53: {  	v2 =	vadd.s32 v1, v2;
	v3 =	vld [tilespmem:s22+$0xFFFFFFF0];
	_ =	sdelay $0x2  }
0x54: {  	s29 =	sadd.s32 $0x2, s23  }
0x55: {  	v62 =	vmov s29  }
0x56: {  	[tilespmem:v2+s15+$0x0] =	vst.idx.msk $0xffff, v3;
	v2 =	vand.u32 $0x7E, v62  }
0x57: {  	v3 =	vld [tilespmem:s22+$0x0];
	v4 =	vadd.s32 v0, v2;
	_ =	sdelay $0x4  }
0x58: {  	[tilespmem:v4+s15+$0x0] =	vst.idx.msk $0xffff, v3  }
0x59: {  	v2 =	vadd.s32 v1, v2;
	v3 =	vld [tilespmem:s22+$0x10];
	_ =	sdelay $0x2  }
0x5a: {  	s30 =	sadd.s32 $0x3, s23  }
0x5b: {  	v63 =	vmov s30  }
0x5c: {  	[tilespmem:v2+s15+$0x0] =	vst.idx.msk $0xffff, v3;
	v2 =	vand.u32 $0x7F, v63  }
0x5d: {  	v3 =	vld [tilespmem:s22+$0x20];
	v4 =	vadd.s32 v0, v2;
	_ =	sdelay $0x4  }
0x5e: {  	[tilespmem:v4+s15+$0x0] =	vst.idx.msk $0xffff, v3  }
0x5f: {  	v2 =	vadd.s32 v1, v2;
	v3 =	vld [tilespmem:s22+$0x30]  }
0x60: {  	s31 =	sshll.u32 s19, $0x12  }
0x61: {  	s22 =	sor.u32 s4, s31  }
0x62: {  	s22 =	sshrl.u32 s22, $0x3  }
0x63: {  	s23 =	simm.s32 $0x8400;
	s22 =	sadd.s32 s5, s22  }
0x64: {  	s25 =	simm.s32 $0x8488;
	s24 =	simm.s32 $0x200;
	s26 =	sadd.s32 $0x0, s22;
	[tilespmem:v2+s15+$0x0] =	vst.idx.msk $0xffff, v3  }
.LBB2_5:
0x65: {  	[hbm4b:s26+s2] =	stream.linear.scatter [tilespmem:s23], [sflag:$0x3], $0x80, $0x38;
	[tilespmem:$0xA600] =	vst v63  }
0x66: {  	s26 =	smov.u32 s24;
	s23 =	smov.u32 s25;
	p0 =	sne.s32 s24, $0x3E00  }
.Ltmp1:
0x67: {  	s24 =	sadd.s32 $0x200, s24;
	(pc) =	sbr.rel @p0 .LBB2_5-.Ltmp1, $2  }
0x68: {  	_ =	sdelay $0x2  }
0x69: {  	s25 =	sadd.s32 $0x88, s25;
	s26 =	sadd.s32 s26, s22  }
0x6a: {  	[hbm4b:s26+s2] =	stream.linear.scatter [tilespmem:s23], [sflag:$0x3], $0x80, $0x38;
	[tilespmem:$0xA600] =	vst v63  }
0x6b: {  	p0 =	seq.s32 s19, $0x63  }
0x6c: {  	_ =	swait.ge [sflag:s10], $0x1000;
	s21 =	sshll.u32 @!p0 s21, $0x7  }
0x6d: {  	s22 =	simm.s32 @!p0 $0x80;
	[sflag:s10] =	ssyncset.done $0x0;
	s21 =	sadd.s32 @!p0 $0x100, s21  }
0x6e: {  	s23 =	simm.s32 @!p0 $0x6400;
	[sflag:s10] =	ssyncadd.s32 $0xFFFFF000;
	s21 =	sand.u32 @!p0 $0xFF00, s21  }
0x6f: {  	[tilespmem:s23], [sflag:$0x1] =	stream.indirect.gather @!p0 [hbm4b:s3+s22], $0x20, s21, s22, $0xb8;
	[tilespmem:$0xA600] =	vst v63  }
0x70: {  	s28 =	simm.s32 $0x0;
	_ =	swait.ge [sflag:s16], $0x1000  }
0x71: {  	v2 =	vmov s28;
	[sflag:s16] =	ssyncset.done $0x0  }
0x72: {  	v2 =	vand.u32 $0x7C, v2;
	s21 =	simm.s32 $0x7470;
	[sflag:s16] =	ssyncadd.s32 $0xFFFFF000  }
0x73: {  	v4 =	vadd.s32 v0, v2;
	v3 =	vld [tilespmem:s21+$0xFFFFFF90];
	_ =	sdelay $0x4  }
0x74: {  	[tilespmem:v4+s17+$0x0] =	vst.idx.msk $0xffff, v3  }
0x75: {  	v2 =	vadd.s32 v1, v2;
	v3 =	vld [tilespmem:s21+$0xFFFFFFA0];
	_ =	sdelay $0x2  }
0x76: {  	s29 =	simm.s32 $0x1  }
0x77: {  	v4 =	vmov s29  }
0x78: {  	[tilespmem:v2+s17+$0x0] =	vst.idx.msk $0xffff, v3;
	v2 =	vand.u32 $0x7D, v4  }
0x79: {  	v3 =	vld [tilespmem:s21+$0xFFFFFFB0];
	v4 =	vadd.s32 v0, v2;
	_ =	sdelay $0x4  }
0x7a: {  	[tilespmem:v4+s17+$0x0] =	vst.idx.msk $0xffff, v3  }
0x7b: {  	v2 =	vadd.s32 v1, v2;
	v3 =	vld [tilespmem:s21+$0xFFFFFFC0];
	_ =	sdelay $0x2  }
0x7c: {  	s30 =	simm.s32 $0x2  }
0x7d: {  	v4 =	vmov s30  }
0x7e: {  	[tilespmem:v2+s17+$0x0] =	vst.idx.msk $0xffff, v3;
	v2 =	vand.u32 $0x7E, v4  }
0x7f: {  	v3 =	vld [tilespmem:s21+$0xFFFFFFD0];
	v4 =	vadd.s32 v0, v2;
	_ =	sdelay $0x4  }
0x80: {  	[tilespmem:v4+s17+$0x0] =	vst.idx.msk $0xffff, v3  }
0x81: {  	v2 =	vadd.s32 v1, v2;
	v3 =	vld [tilespmem:s21+$0xFFFFFFE0];
	_ =	sdelay $0x2  }
0x82: {  	s31 =	simm.s32 $0x3  }
0x83: {  	v4 =	vmov s31  }
0x84: {  	[tilespmem:v2+s17+$0x0] =	vst.idx.msk $0xffff, v3;
	v3 =	vand.u32 $0x7F, v4  }
0x85: {  	v2 =	vld [tilespmem:s21+$0xFFFFFFF0];
	v4 =	vadd.s32 v0, v3;
	_ =	sdelay $0x4  }
0x86: {  	[tilespmem:v4+s17+$0x0] =	vst.idx.msk $0xffff, v2  }
0x87: {  	v3 =	vadd.s32 v1, v3;
	v2 =	vld [tilespmem:s21+$0x0];
	_ =	sdelay $0x2  }
0x88: {  	s22 =	simm.s32 $0x4  }
0x89: {  	s23 =	simm.s32 $0x8;
	v4 =	vmov s22  }
.LBB2_7:
0x8a: {  	p0 =	sne.s32 s23, $0x7C;
	v4 =	vand.u32 $0x7C, v4;
	[tilespmem:v3+s17+$0x0] =	vst.idx.msk $0xffff, v2;
	s21 =	sadd.s32 $0x80, s21  }
0x8b: {  	v2 =	vld [tilespmem:s21+$0xFFFFFF90];
	v3 =	vadd.s32 v0, v4;
	_ =	sdelay $0x4  }
0x8c: {  	[tilespmem:v3+s17+$0x0] =	vst.idx.msk $0xffff, v2  }
0x8d: {  	v3 =	vadd.s32 v1, v4;
	v2 =	vld [tilespmem:s21+$0xFFFFFFA0];
	_ =	sdelay $0x2  }
0x8e: {  	s24 =	sadd.s32 $0x1, s22  }
0x8f: {  	v4 =	vmov s24  }
0x90: {  	[tilespmem:v3+s17+$0x0] =	vst.idx.msk $0xffff, v2;
	v2 =	vand.u32 $0x7D, v4  }
0x91: {  	v3 =	vld [tilespmem:s21+$0xFFFFFFB0];
	v4 =	vadd.s32 v0, v2;
	_ =	sdelay $0x4  }
0x92: {  	[tilespmem:v4+s17+$0x0] =	vst.idx.msk $0xffff, v3  }
0x93: {  	v2 =	vadd.s32 v1, v2;
	v3 =	vld [tilespmem:s21+$0xFFFFFFC0];
	_ =	sdelay $0x2  }
0x94: {  	s24 =	sadd.s32 $0x2, s22  }
0x95: {  	v4 =	vmov s24  }
0x96: {  	[tilespmem:v2+s17+$0x0] =	vst.idx.msk $0xffff, v3;
	v2 =	vand.u32 $0x7E, v4  }
0x97: {  	v3 =	vld [tilespmem:s21+$0xFFFFFFD0];
	v4 =	vadd.s32 v0, v2;
	_ =	sdelay $0x4  }
0x98: {  	[tilespmem:v4+s17+$0x0] =	vst.idx.msk $0xffff, v3  }
0x99: {  	v2 =	vadd.s32 v1, v2;
	v3 =	vld [tilespmem:s21+$0xFFFFFFE0];
	_ =	sdelay $0x2  }
0x9a: {  	s24 =	sadd.s32 $0x3, s22;
	s22 =	smov.u32 s23  }
0x9b: {  	v4 =	vmov s24  }
0x9c: {  	[tilespmem:v2+s17+$0x0] =	vst.idx.msk $0xffff, v3;
	v3 =	vand.u32 $0x7F, v4  }
0x9d: {  	v2 =	vld [tilespmem:s21+$0xFFFFFFF0];
	v4 =	vadd.s32 v0, v3;
	_ =	sdelay $0x4  }
0x9e: {  	[tilespmem:v4+s17+$0x0] =	vst.idx.msk $0xffff, v2  }
.Ltmp2:
0x9f: {  	v3 =	vadd.s32 v1, v3;
	v2 =	vld [tilespmem:s21+$0x0];
	(pc) =	sbr.rel @p0 .LBB2_7-.Ltmp2, $2  }
0xa0: {  	_ =	sdelay $0x2  }
0xa1: {  	s23 =	sadd.s32 $0x4, s23;
	v4 =	vmov s22  }
0xa2: {  	_ =	sdelay $0x3  }
0xa3: {  	v4 =	vand.u32 $0x7C, v4;
	[tilespmem:v3+s17+$0x0] =	vst.idx.msk $0xffff, v2;
	s21 =	sadd.s32 $0x80, s21  }
0xa4: {  	v2 =	vld [tilespmem:s21+$0xFFFFFF90];
	v3 =	vadd.s32 v0, v4;
	_ =	sdelay $0x4  }
0xa5: {  	[tilespmem:v3+s17+$0x0] =	vst.idx.msk $0xffff, v2  }
0xa6: {  	v3 =	vadd.s32 v1, v4;
	v2 =	vld [tilespmem:s21+$0xFFFFFFA0];
	_ =	sdelay $0x2  }
0xa7: {  	s23 =	sadd.s32 $0x1, s22  }
0xa8: {  	v61 =	vmov s23  }
0xa9: {  	[tilespmem:v3+s17+$0x0] =	vst.idx.msk $0xffff, v2;
	v2 =	vand.u32 $0x7D, v61  }
0xaa: {  	v3 =	vld [tilespmem:s21+$0xFFFFFFB0];
	v4 =	vadd.s32 v0, v2;
	_ =	sdelay $0x4  }
0xab: {  	[tilespmem:v4+s17+$0x0] =	vst.idx.msk $0xffff, v3  }
0xac: {  	v2 =	vadd.s32 v1, v2;
	v3 =	vld [tilespmem:s21+$0xFFFFFFC0];
	_ =	sdelay $0x2  }
0xad: {  	s30 =	sadd.s32 $0x2, s22  }
0xae: {  	v62 =	vmov s30  }
0xaf: {  	[tilespmem:v2+s17+$0x0] =	vst.idx.msk $0xffff, v3;
	v2 =	vand.u32 $0x7E, v62  }
0xb0: {  	v3 =	vld [tilespmem:s21+$0xFFFFFFD0];
	v4 =	vadd.s32 v0, v2;
	_ =	sdelay $0x4  }
0xb1: {  	[tilespmem:v4+s17+$0x0] =	vst.idx.msk $0xffff, v3  }
0xb2: {  	v2 =	vadd.s32 v1, v2;
	v3 =	vld [tilespmem:s21+$0xFFFFFFE0];
	_ =	sdelay $0x2  }
0xb3: {  	s31 =	sadd.s32 $0x3, s22  }
0xb4: {  	v63 =	vmov s31  }
0xb5: {  	[tilespmem:v2+s17+$0x0] =	vst.idx.msk $0xffff, v3;
	v2 =	vand.u32 $0x7F, v63  }
0xb6: {  	v3 =	vld [tilespmem:s21+$0xFFFFFFF0];
	v4 =	vadd.s32 v0, v2;
	_ =	sdelay $0x4  }
0xb7: {  	[tilespmem:v4+s17+$0x0] =	vst.idx.msk $0xffff, v3  }
0xb8: {  	v2 =	vadd.s32 v1, v2;
	v3 =	vld [tilespmem:s21+$0x0]  }
0xb9: {  	s20 =	sshll.u32 s20, $0x11  }
0xba: {  	s20 =	sor.u32 s4, s20  }
0xbb: {  	s20 =	sshrl.u32 s20, $0x3  }
0xbc: {  	s22 =	simm.s32 $0x200;
	s20 =	sadd.s32 s5, s20  }
0xbd: {  	s23 =	simm.s32 $0x9588;
	s24 =	sadd.s32 $0x0, s20;
	s21 =	simm.s32 $0x9500;
	[tilespmem:v2+s17+$0x0] =	vst.idx.msk $0xffff, v3  }
.LBB2_9:
0xbe: {  	[hbm4b:s24+s2] =	stream.linear.scatter [tilespmem:s21], [sflag:$0x3], $0x80, $0x38;
	[tilespmem:$0xA600] =	vst v63  }
0xbf: {  	s24 =	smov.u32 s22;
	s21 =	smov.u32 s23;
	p0 =	sne.s32 s22, $0x3E00  }
.Ltmp3:
0xc0: {  	s22 =	sadd.s32 $0x200, s22;
	(pc) =	sbr.rel @p0 .LBB2_9-.Ltmp3, $2  }
0xc1: {  	_ =	sdelay $0x2  }
0xc2: {  	s23 =	sadd.s32 $0x88, s23;
	s24 =	sadd.s32 s24, s20  }
0xc3: {  	s19 =	sadd.s32 $0x1, s19  }
0xc4: {  	p0 =	sne.s32 s19, $0x64  }
.Ltmp4:
0xc5: {  	_ = 	snop;
	(pc) =	sbr.rel @p0 .LBB2_2-.Ltmp4, $4  }
0xc6: {  	[hbm4b:s24+s2] =	stream.linear.scatter [tilespmem:s21], [sflag:$0x3], $0x80, $0x38;
	[tilespmem:$0xA600] =	vst v63  }
0xc7: {  	_ =	swait.ge [sflag:s10], $0x1000  }
0xc8: {  	[sflag:s10] =	ssyncset.done $0x0  }
0xc9: {  	[sflag:s10] =	ssyncadd.s32 $0xFFFFF000  }
0xca: {  	s18 =	sadd.s32 $0x1, s18  }
0xcb: {  	p0 =	sne.s32 s18, s7  }
.Ltmp5:
0xcc: {  	_ = 	snop;
	(pc) =	sbr.rel @p0 .LBB2_1-.Ltmp5, $1  }
0xcd: {  	_ =	sdelay $0x3  }
0xce: {  	_ =	sfence.sel $0x180000  }
0xcf: {  	[bflag:$0x0] =	sbarrier.arrive $0xFFFF  }
0xd0: {  	p0 =	sne.s32 s1, $0x0;
	_ =	strace $0x90000047  }
0xd1: {  	s0 =	sadd.s32 @!p0 $0x100000, s0;
	[bflag:$0x2] =	sbarrier.arrive $0xFFFF  }
0xd2: {  	[sflag:s0] =	ssyncadd.tile.s32 @!p0 $0x1;
	_ =	shalt  }
.Lfunc_end2:
_tile_overlayer_lowered:
.L_overlay_start_2:
0xd3: {  	(tag) =	ssettag $0x2  }
0xd4: {  	s0 =	rddreg [dreg:$0x0];
	s2 =	stileid.u32  }
0xd5: {  	s1 =	rddreg [dreg:$0x1];
	p0 =	sne.s32 s2, $0x0  }
0xd6: {  	s3 =	rddreg [dreg:$0x2];
	[bflag:$0x3] =	sbarrier.arrive $0xFFFF;
	s2 =	simm.s32 @!p0 $0x1C03  }
0xd7: {  	[timem:s3], [sflag:s2] =	dma.local @!p0 [hbm:s0], s1  }
0xd8: {  	s0 =	simm.s32 @!p0 $0x3  }
0xd9: {  	_ =	swait.ge @!p0 [sflag:s0], s1  }
0xda: {  	s1 =	ssub.s32 @!p0 $0x0, s1;
	[sflag:s0] =	ssyncset.done @!p0 $0x0  }
0xdb: {  	[sflag:s0] =	ssyncadd.s32 @!p0 s1  }
0xdc: {  	[bflag:$0x3] =	sbarrier.arrive $0xFFFF  }
0xdd: {  	_ =	shalt  }

</sc_bundles>
